<compile_context>
chip_gen: v7x
topology: tpu7x:2x2x1
jax: 0.10.2.dev20260603
libtpu: 0.0.44.dev20260713+nightly
codegen_flags: <defaults>
</compile_context>

<pallas_src>
import functools

import jax
import jax.numpy as jnp
from jax import lax
from jax.experimental import pallas as pl
from jax.experimental.pallas import tpu as pltpu
from jax.experimental.pallas import tpu_sc as plsc

VOCAB = 1_000_000
DIM = 64
DIMP = 128
BATCH = 4096
CTX = 20
NEG = 10

NPOS = CTX
NPOSP = 24
NNEG = CTX * NEG
ROWS_B = NPOSP + NNEG
LANES = 16
GROUPS_B = ROWS_B // LANES

NWORKERS = 32
B_PER_W = BATCH // NWORKERS
NBUF = 4
CHUNK_ROWS = ROWS_B
N_CHUNKS = B_PER_W
GATHERS = 2
GLEN = CHUNK_ROWS // GATHERS
TOTAL_ROWS = BATCH * ROWS_B
TC_COLS = 128
TC_ROWS = TOTAL_ROWS // TC_COLS
TC_GRID = 8
TC_BLK = TC_ROWS // TC_GRID


def _sc_body(inword_hbm, owp_hbm, nw_hbm, win_hbm, wout_hbm, out_hbm,
             inidx_v, inrows_v, cidx_v, rows_v, sc_v, *sems):
    nc = 2
    wid = lax.axis_index("s") * nc + lax.axis_index("c")
    sem_row = sems[0:NBUF]
    sem_idx = sems[NBUF:2 * NBUF]
    sem_sc = sems[2 * NBUF:3 * NBUF]

    pltpu.sync_copy(inword_hbm.at[pl.ds(wid * B_PER_W, B_PER_W)], inidx_v)
    pltpu.async_copy(win_hbm.at[inidx_v], inrows_v, sem_row[0]).wait()

    iota = lax.iota(jnp.int32, LANES)
    base_b = wid * B_PER_W

    def fire_idx(chunk, buf):
        b = base_b + chunk
        pltpu.async_copy(
            owp_hbm.at[b], cidx_v.at[buf, pl.ds(0, NPOSP)], sem_idx[buf])
        pltpu.async_copy(
            nw_hbm.at[b], cidx_v.at[buf, pl.ds(NPOSP, NNEG)], sem_idx[buf])

    def drain_idx(buf):
        pltpu.make_async_copy(
            owp_hbm.at[0], cidx_v.at[buf, pl.ds(0, NPOSP)],
            sem_idx[buf]).wait()
        pltpu.make_async_copy(
            nw_hbm.at[0], cidx_v.at[buf, pl.ds(NPOSP, NNEG)],
            sem_idx[buf]).wait()

    def fire_rows(buf):
        for j in range(GATHERS):
            pltpu.async_copy(
                wout_hbm.at[cidx_v.at[buf, pl.ds(j * GLEN, GLEN)]],
                rows_v.at[buf, pl.ds(j * GLEN, GLEN)],
                sem_row[buf])

    def drain_rows(buf):
        for j in range(GATHERS):
            pltpu.make_async_copy(
                wout_hbm.at[pl.ds(0, GLEN)],
                rows_v.at[buf, pl.ds(j * GLEN, GLEN)],
                sem_row[buf]).wait()

    for b in range(NBUF):
        fire_idx(b, b)
    for b in range(NBUF - 1):
        drain_idx(b)
        fire_rows(b)

    def quad_body(cc, carry):
        for par in range(NBUF):
            chunk = cc * NBUF + par
            buf = par

            drain_rows(buf)

            @pl.when(chunk + NBUF - 1 < N_CHUNKS)
            def _fire():
                drain_idx((buf + NBUF - 1) % NBUF)
                fire_rows((buf + NBUF - 1) % NBUF)

            @pl.when(chunk + NBUF < N_CHUNKS)
            def _pref():
                fire_idx(chunk + NBUF, buf)

            @pl.when(chunk >= NBUF)
            def _drain_sc():
                pltpu.make_async_copy(
                    out_hbm.at[pl.ds(0, CHUNK_ROWS)], sc_v.at[buf],
                    sem_sc[buf]).wait()

            b_idx = chunk
            wv = [inrows_v[b_idx, pl.ds(q * LANES, LANES)]
                  for q in range(DIM // LANES)]

            def group_body(g, gc, wv=wv, buf=buf):
                base_row = g * LANES
                res = jnp.zeros((LANES,), jnp.float32)
                for r in range(LANES):
                    row = base_row + r
                    p = ((rows_v[buf, row, pl.ds(0, LANES)] * wv[0]
                          + rows_v[buf, row, pl.ds(LANES, LANES)] * wv[1])
                         + (rows_v[buf, row, pl.ds(2 * LANES, LANES)] * wv[2]
                            + rows_v[buf, row, pl.ds(3 * LANES, LANES)]
                            * wv[3]))
                    s = jnp.sum(p)
                    res = jnp.where(iota == r, s, res)
                sc_v[buf, pl.ds(base_row, LANES)] = res
                return gc

            lax.fori_loop(0, GROUPS_B, group_body, 0)

            gchunk = wid * N_CHUNKS + chunk
            pltpu.async_copy(
                sc_v.at[buf],
                out_hbm.at[pl.ds(gchunk * CHUNK_ROWS, CHUNK_ROWS)],
                sem_sc[buf])
        return carry

    lax.fori_loop(0, N_CHUNKS // NBUF, quad_body, 0)
    for b in range(NBUF):
        pltpu.make_async_copy(
            out_hbm.at[pl.ds(0, CHUNK_ROWS)], sc_v.at[b],
            sem_sc[b]).wait()


def _sc_scores(inword, owp, negword, W_in_p, W_out):
    mesh = plsc.VectorSubcoreMesh(core_axis_name="c", subcore_axis_name="s")
    k = functools.partial(
        pl.kernel,
        mesh=mesh,
        out_type=jax.ShapeDtypeStruct((TOTAL_ROWS,), jnp.float32),
        compiler_params=pltpu.CompilerParams(
            needs_layout_passes=False, use_tc_tiling_on_sc=False),
        scratch_types=[
            pltpu.VMEM((B_PER_W,), jnp.int32),
            pltpu.VMEM((B_PER_W, DIMP), jnp.float32),
            pltpu.VMEM((NBUF, CHUNK_ROWS), jnp.int32),
            pltpu.VMEM((NBUF, CHUNK_ROWS, DIM), jnp.float32),
            pltpu.VMEM((NBUF, CHUNK_ROWS), jnp.float32),
        ] + [pltpu.SemaphoreType.DMA] * (3 * NBUF),
    )(_sc_body)
    return k(inword, owp, negword, W_in_p, W_out)


def _tc_loss_body(s_ref, o_ref):
    pid = pl.program_id(0)
    x = s_ref[...]
    r = lax.broadcasted_iota(jnp.int32, (TC_BLK, TC_COLS), 0)
    c = lax.broadcasted_iota(jnp.int32, (TC_BLK, TC_COLS), 1)
    flat = (pid * TC_BLK + r) * TC_COLS + c
    j = flat % ROWS_B
    z = jnp.where(j < NPOS, x, -x)
    ls = jnp.minimum(z, 0.0) - jnp.log(1.0 + jnp.exp(-jnp.abs(z)))
    pad = jnp.logical_and(j >= NPOS, j < NPOSP)
    val = jnp.where(pad, 0.0, ls)

    @pl.when(pid == 0)
    def _init():
        o_ref[0, 0] = 0.0

    o_ref[0, 0] += jnp.sum(val)

    @pl.when(pid == TC_GRID - 1)
    def _fini():
        o_ref[0, 0] = o_ref[0, 0] * (-1.0 / (BATCH * CTX))


def kernel(inword, outword, negword, W_in, W_out):
    owp = jnp.concatenate(
        [outword, jnp.zeros((BATCH, NPOSP - NPOS), jnp.int32)], axis=1)
    W_in_p = jnp.pad(W_in, ((0, 0), (0, DIMP - DIM)))
    scores = _sc_scores(inword, owp, negword, W_in_p, W_out)
    loss2d = pl.pallas_call(
        _tc_loss_body,
        grid=(TC_GRID,),
        in_specs=[pl.BlockSpec((TC_BLK, TC_COLS), lambda i: (i, 0))],
        out_specs=pl.BlockSpec(
            (1, 1), lambda i: (0, 0), memory_space=pltpu.SMEM),
        out_shape=jax.ShapeDtypeStruct((1, 1), jnp.float32),
    )(scores.reshape(TC_ROWS, TC_COLS))
    return loss2d[0, 0]

# --- scband reference (transcript-rebuilt; emitter-appended) ---
"""Pipeline reference for scband-skip-gram-model-77549929496585 (READ-ONLY COPY).

The authoritative reference and input builder live on the scoring server;
editing this copy changes nothing except your own understanding.
"""

import jax, jax.numpy as jnp
import numpy as np

VOCAB = 1000000
DIM = 64
BATCH = 4096
CTX = 20
NEG = 10

def setup_inputs(seed: int = 0) -> dict:
    key = jax.random.key(seed)
    k1, k2, k3, k4, k5 = jax.random.split(key, 5)
    inword = jax.random.randint(k1, (BATCH,), 0, VOCAB, dtype=jnp.int64 if jax.config.jax_enable_x64 else jnp.int32).astype(jnp.int32)
    outword = jax.random.randint(k2, (BATCH, CTX), 0, VOCAB).astype(jnp.int32)
    # negword: torch does uniform_(0, vocab-1).long() -> equivalent to random ints in [0, vocab)
    negword = jax.random.randint(k3, (BATCH, CTX * NEG), 0, VOCAB).astype(jnp.int32)
    W_in = jax.random.normal(k4, (VOCAB, DIM), dtype=jnp.float32) * 0.1
    W_out = jax.random.normal(k5, (VOCAB, DIM), dtype=jnp.float32) * 0.1
    return {"inword": inword, "outword": outword, "negword": negword, "W_in": W_in, "W_out": W_out}

def reference(inword, outword, negword, W_in, W_out):
    # in_vectors = embedding.forward_input(inword).unsqueeze(2) -> [B, d, 1]
    in_vec = jnp.take(W_in, inword, axis=0)            # [B, d]
    # neg_vectors = embedding.forward_output(negword).neg() -> [B, C*neg, d]
    neg_vec = -jnp.take(W_out, negword, axis=0)        # [B, C*neg, d]
    # out_vectors = embedding.forward_output(outword) -> [B, C, d]
    out_vec = jnp.take(W_out, outword, axis=0)         # [B, C, d]
    # torch.bmm(out_vectors, in_vectors).squeeze() -> [B, C]
    out_scores = jnp.einsum('bcd,bd->bc', out_vec, in_vec)
    outword_loss = jnp.mean(jnp.log(jax.nn.sigmoid(out_scores)), axis=1)   # [B]
    # torch.bmm(neg_vectors, in_vectors).squeeze() -> [B, C*neg]
    neg_scores = jnp.einsum('bnd,bd->bn', neg_vec, in_vec)
    negword_loss = jnp.mean(
        jnp.sum(jnp.log(jax.nn.sigmoid(neg_scores)).reshape(-1, CTX, NEG), axis=2),
        axis=1,
    )  # [B]
    loss = -jnp.mean(outword_loss + negword_loss)
    return loss

if __name__ == "__main__":
    import jax
    _d = setup_inputs()
    print(jax.jit(kernel)(*tuple(_d.values())))

</pallas_src>

<mosaic_0001>
#map = affine_map<(d0, d1) -> (0)>
#map1 = affine_map<(d0, d1) -> (0, 0)>
module attributes {stable_mosaic.version = 14 : i64} {
  func.func @_sc_body(%arg0: i32, %arg1: i32, %arg2: memref<4096xi32, #tpu.memory_space<hbm>>, %arg3: memref<4096x24xi32, #tpu.memory_space<hbm>>, %arg4: memref<4096x200xi32, #tpu.memory_space<hbm>>, %arg5: memref<1000000x128xf32, #tpu.memory_space<hbm>>, %arg6: memref<1000000x64xf32, #tpu.memory_space<hbm>>, %arg7: memref<917504xf32, #tpu.memory_space<hbm>>, %arg8: memref<128xi32, #tpu.memory_space<vmem>>, %arg9: memref<128x128xf32, #tpu.memory_space<vmem>>, %arg10: memref<4x224xi32, #tpu.memory_space<vmem>>, %arg11: memref<4x224x64xf32, #tpu.memory_space<vmem>>, %arg12: memref<4x224xf32, #tpu.memory_space<vmem>>, %arg13: memref<!tpu.dma_semaphore, #tpu.memory_space<semaphore_mem>>, %arg14: memref<!tpu.dma_semaphore, #tpu.memory_space<semaphore_mem>>, %arg15: memref<!tpu.dma_semaphore, #tpu.memory_space<semaphore_mem>>, %arg16: memref<!tpu.dma_semaphore, #tpu.memory_space<semaphore_mem>>, %arg17: memref<!tpu.dma_semaphore, #tpu.memory_space<semaphore_mem>>, %arg18: memref<!tpu.dma_semaphore, #tpu.memory_space<semaphore_mem>>, %arg19: memref<!tpu.dma_semaphore, #tpu.memory_space<semaphore_mem>>, %arg20: memref<!tpu.dma_semaphore, #tpu.memory_space<semaphore_mem>>, %arg21: memref<!tpu.dma_semaphore, #tpu.memory_space<semaphore_mem>>, %arg22: memref<!tpu.dma_semaphore, #tpu.memory_space<semaphore_mem>>, %arg23: memref<!tpu.dma_semaphore, #tpu.memory_space<semaphore_mem>>, %arg24: memref<!tpu.dma_semaphore, #tpu.memory_space<semaphore_mem>>) attributes {dimension_semantics = [#tpu.dimension_semantics<core_parallel>, #tpu.dimension_semantics<subcore_parallel>], iteration_bounds = array<i64: 2, 16>, scalar_prefetch = 0 : i64, scratch_operands = 17 : i64, tpu.core_type = #tpu.core_type<sc_vector_subcore>, window_params = [{transform_indices = #map}, {transform_indices = #map1}, {transform_indices = #map1}, {transform_indices = #map1}, {transform_indices = #map1}, {transform_indices = #map}]} {
    %mul3A = arith.constant 2 : i32
    %mul3A_0 = arith.muli %arg1, %mul3A : i32
    %add3A = arith.addi %mul3A_0, %arg0 : i32
    %mul3A_1 = arith.constant 128 : i32
    %mul3A_2 = arith.muli %add3A, %mul3A_1 : i32
    "tpu.region"() ({
      %run_scoped3A = tpu.sem_alloc : memref<!tpu.dma_semaphore, #tpu.memory_space<semaphore_mem>>
      %dma_start3A_326 = tpu.memref_slice %arg2[%mul3A_2] : memref<4096xi32, #tpu.memory_space<hbm>> -> memref<128xi32, #tpu.memory_space<hbm>>
      %dma_start3A_327 = tpu.memref_slice %arg2[%mul3A_2] : memref<4096xi32, #tpu.memory_space<hbm>> -> memref<128xi32, #tpu.memory_space<hbm>>
      tpu.enqueue_dma source(%dma_start3A_327 : memref<128xi32, #tpu.memory_space<hbm>>) target(%arg8 : memref<128xi32, #tpu.memory_space<vmem>>) target_semaphore(%run_scoped3A : memref<!tpu.dma_semaphore, #tpu.memory_space<semaphore_mem>>)
      %dma_wait3A_328 = tpu.memref_slice %arg2[%mul3A_2] : memref<4096xi32, #tpu.memory_space<hbm>> -> memref<128xi32, #tpu.memory_space<hbm>>
      %dma_wait3A_329 = tpu.memref_slice %arg2[%mul3A_2] : memref<4096xi32, #tpu.memory_space<hbm>> -> memref<128xi32, #tpu.memory_space<hbm>>
      tpu.wait_dma2 semaphore(%run_scoped3A : memref<!tpu.dma_semaphore, #tpu.memory_space<semaphore_mem>>) src(%dma_wait3A_329 : memref<128xi32, #tpu.memory_space<hbm>>) dst(%arg8 : memref<128xi32, #tpu.memory_space<vmem>>)
      tpu.yield
    }) : () -> ()
    %dma_start3A = arith.constant 0 : i32
    %dma_start3A_3 = arith.constant 0 : i32
    %dma_start3A_4 = tpu.memref_slice %arg5[%dma_start3A, %dma_start3A_3] : memref<1000000x128xf32, #tpu.memory_space<hbm>> -> memref<1000000x128xf32, #tpu.memory_space<hbm>>
    tpu.enqueue_indirect_dma source(%dma_start3A_4 : memref<1000000x128xf32, #tpu.memory_space<hbm>>) target(%arg9 : memref<128x128xf32, #tpu.memory_space<vmem>>) offsets(%arg8 : memref<128xi32, #tpu.memory_space<vmem>>) semaphore(%arg13 : memref<!tpu.dma_semaphore, #tpu.memory_space<semaphore_mem>>)
    %dma_wait3A = arith.constant 0 : i32
    %dma_wait3A_5 = arith.constant 0 : i32
    %dma_wait3A_6 = tpu.memref_slice %arg5[%dma_wait3A, %dma_wait3A_5] : memref<1000000x128xf32, #tpu.memory_space<hbm>> -> memref<1000000x128xf32, #tpu.memory_space<hbm>>
    tpu.wait_indirect_dma semaphore(%arg13 : memref<!tpu.dma_semaphore, #tpu.memory_space<semaphore_mem>>) src(%dma_wait3A_6 : memref<1000000x128xf32, #tpu.memory_space<hbm>>) dst(%arg9 : memref<128x128xf32, #tpu.memory_space<vmem>>)
    %iota3A = tpu.iota {dimensions = array<i32: 0>} : vector<16xi32>
    %mul3A_7 = arith.constant 128 : i32
    %mul3A_8 = arith.muli %add3A, %mul3A_7 : i32
    %add3A_9 = arith.constant 0 : i32
    %add3A_10 = arith.addi %mul3A_8, %add3A_9 : i32
    %dma_start3A_11 = arith.constant 0 : i32
    %dma_start3A_12 = arith.constant 0 : i32
    %dma_start3A_13 = tpu.memref_slice %arg10[%dma_start3A_11, %dma_start3A_12] : memref<4x224xi32, #tpu.memory_space<vmem>> -> memref<1x24xi32, #tpu.memory_space<vmem>>
    %dma_start3A_14 = tpu.memref_squeeze %dma_start3A_13 : memref<1x24xi32, #tpu.memory_space<vmem>> -> memref<24xi32, #tpu.memory_space<vmem>>
    %dma_start3A_15 = arith.constant 0 : i32
    %dma_start3A_16 = tpu.memref_slice %arg3[%add3A_10, %dma_start3A_15] : memref<4096x24xi32, #tpu.memory_space<hbm>> -> memref<1x24xi32, #tpu.memory_space<hbm>>
    %dma_start3A_17 = tpu.memref_squeeze %dma_start3A_16 : memref<1x24xi32, #tpu.memory_space<hbm>> -> memref<24xi32, #tpu.memory_space<hbm>>
    %dma_start3A_18 = arith.constant 0 : i32
    %dma_start3A_19 = tpu.memref_slice %arg10[%dma_start3A_11, %dma_start3A_18] : memref<4x224xi32, #tpu.memory_space<vmem>> -> memref<1x24xi32, #tpu.memory_space<vmem>>
    %dma_start3A_20 = tpu.memref_squeeze %dma_start3A_19 : memref<1x24xi32, #tpu.memory_space<vmem>> -> memref<24xi32, #tpu.memory_space<vmem>>
    %dma_start3A_21 = arith.constant 0 : i32
    %dma_start3A_22 = tpu.memref_slice %arg3[%add3A_10, %dma_start3A_21] : memref<4096x24xi32, #tpu.memory_space<hbm>> -> memref<1x24xi32, #tpu.memory_space<hbm>>
    %dma_start3A_23 = tpu.memref_squeeze %dma_start3A_22 : memref<1x24xi32, #tpu.memory_space<hbm>> -> memref<24xi32, #tpu.memory_space<hbm>>
    tpu.enqueue_dma source(%dma_start3A_23 : memref<24xi32, #tpu.memory_space<hbm>>) target(%dma_start3A_20 : memref<24xi32, #tpu.memory_space<vmem>>) target_semaphore(%arg17 : memref<!tpu.dma_semaphore, #tpu.memory_space<semaphore_mem>>)
    %dma_start3A_24 = arith.constant 0 : i32
    %dma_start3A_25 = arith.constant 24 : i32
    %dma_start3A_26 = tpu.memref_slice %arg10[%dma_start3A_24, %dma_start3A_25] : memref<4x224xi32, #tpu.memory_space<vmem>> -> memref<1x200xi32, #tpu.memory_space<vmem>>
    %dma_start3A_27 = tpu.memref_squeeze %dma_start3A_26 : memref<1x200xi32, #tpu.memory_space<vmem>> -> memref<200xi32, #tpu.memory_space<vmem>>
    %dma_start3A_28 = arith.constant 0 : i32
    %dma_start3A_29 = tpu.memref_slice %arg4[%add3A_10, %dma_start3A_28] : memref<4096x200xi32, #tpu.memory_space<hbm>> -> memref<1x200xi32, #tpu.memory_space<hbm>>
    %dma_start3A_30 = tpu.memref_squeeze %dma_start3A_29 : memref<1x200xi32, #tpu.memory_space<hbm>> -> memref<200xi32, #tpu.memory_space<hbm>>
    %dma_start3A_31 = arith.constant 24 : i32
    %dma_start3A_32 = tpu.memref_slice %arg10[%dma_start3A_24, %dma_start3A_31] : memref<4x224xi32, #tpu.memory_space<vmem>> -> memref<1x200xi32, #tpu.memory_space<vmem>>
    %dma_start3A_33 = tpu.memref_squeeze %dma_start3A_32 : memref<1x200xi32, #tpu.memory_space<vmem>> -> memref<200xi32, #tpu.memory_space<vmem>>
    %dma_start3A_34 = arith.constant 0 : i32
    %dma_start3A_35 = tpu.memref_slice %arg4[%add3A_10, %dma_start3A_34] : memref<4096x200xi32, #tpu.memory_space<hbm>> -> memref<1x200xi32, #tpu.memory_space<hbm>>
    %dma_start3A_36 = tpu.memref_squeeze %dma_start3A_35 : memref<1x200xi32, #tpu.memory_space<hbm>> -> memref<200xi32, #tpu.memory_space<hbm>>
    tpu.enqueue_dma source(%dma_start3A_36 : memref<200xi32, #tpu.memory_space<hbm>>) target(%dma_start3A_33 : memref<200xi32, #tpu.memory_space<vmem>>) target_semaphore(%arg17 : memref<!tpu.dma_semaphore, #tpu.memory_space<semaphore_mem>>)
    %add3A_37 = arith.constant 1 : i32
    %add3A_38 = arith.addi %mul3A_8, %add3A_37 : i32
    %dma_start3A_39 = arith.constant 1 : i32
    %dma_start3A_40 = arith.constant 0 : i32
    %dma_start3A_41 = tpu.memref_slice %arg10[%dma_start3A_39, %dma_start3A_40] : memref<4x224xi32, #tpu.memory_space<vmem>> -> memref<1x24xi32, #tpu.memory_space<vmem>>
    %dma_start3A_42 = tpu.memref_squeeze %dma_start3A_41 : memref<1x24xi32, #tpu.memory_space<vmem>> -> memref<24xi32, #tpu.memory_space<vmem>>
    %dma_start3A_43 = arith.constant 0 : i32
    %dma_start3A_44 = tpu.memref_slice %arg3[%add3A_38, %dma_start3A_43] : memref<4096x24xi32, #tpu.memory_space<hbm>> -> memref<1x24xi32, #tpu.memory_space<hbm>>
    %dma_start3A_45 = tpu.memref_squeeze %dma_start3A_44 : memref<1x24xi32, #tpu.memory_space<hbm>> -> memref<24xi32, #tpu.memory_space<hbm>>
    %dma_start3A_46 = arith.constant 0 : i32
    %dma_start3A_47 = tpu.memref_slice %arg10[%dma_start3A_39, %dma_start3A_46] : memref<4x224xi32, #tpu.memory_space<vmem>> -> memref<1x24xi32, #tpu.memory_space<vmem>>
    %dma_start3A_48 = tpu.memref_squeeze %dma_start3A_47 : memref<1x24xi32, #tpu.memory_space<vmem>> -> memref<24xi32, #tpu.memory_space<vmem>>
    %dma_start3A_49 = arith.constant 0 : i32
    %dma_start3A_50 = tpu.memref_slice %arg3[%add3A_38, %dma_start3A_49] : memref<4096x24xi32, #tpu.memory_space<hbm>> -> memref<1x24xi32, #tpu.memory_space<hbm>>
    %dma_start3A_51 = tpu.memref_squeeze %dma_start3A_50 : memref<1x24xi32, #tpu.memory_space<hbm>> -> memref<24xi32, #tpu.memory_space<hbm>>
    tpu.enqueue_dma source(%dma_start3A_51 : memref<24xi32, #tpu.memory_space<hbm>>) target(%dma_start3A_48 : memref<24xi32, #tpu.memory_space<vmem>>) target_semaphore(%arg18 : memref<!tpu.dma_semaphore, #tpu.memory_space<semaphore_mem>>)
    %dma_start3A_52 = arith.constant 1 : i32
    %dma_start3A_53 = arith.constant 24 : i32
    %dma_start3A_54 = tpu.memref_slice %arg10[%dma_start3A_52, %dma_start3A_53] : memref<4x224xi32, #tpu.memory_space<vmem>> -> memref<1x200xi32, #tpu.memory_space<vmem>>
    %dma_start3A_55 = tpu.memref_squeeze %dma_start3A_54 : memref<1x200xi32, #tpu.memory_space<vmem>> -> memref<200xi32, #tpu.memory_space<vmem>>
    %dma_start3A_56 = arith.constant 0 : i32
    %dma_start3A_57 = tpu.memref_slice %arg4[%add3A_38, %dma_start3A_56] : memref<4096x200xi32, #tpu.memory_space<hbm>> -> memref<1x200xi32, #tpu.memory_space<hbm>>
    %dma_start3A_58 = tpu.memref_squeeze %dma_start3A_57 : memref<1x200xi32, #tpu.memory_space<hbm>> -> memref<200xi32, #tpu.memory_space<hbm>>
    %dma_start3A_59 = arith.constant 24 : i32
    %dma_start3A_60 = tpu.memref_slice %arg10[%dma_start3A_52, %dma_start3A_59] : memref<4x224xi32, #tpu.memory_space<vmem>> -> memref<1x200xi32, #tpu.memory_space<vmem>>
    %dma_start3A_61 = tpu.memref_squeeze %dma_start3A_60 : memref<1x200xi32, #tpu.memory_space<vmem>> -> memref<200xi32, #tpu.memory_space<vmem>>
    %dma_start3A_62 = arith.constant 0 : i32
    %dma_start3A_63 = tpu.memref_slice %arg4[%add3A_38, %dma_start3A_62] : memref<4096x200xi32, #tpu.memory_space<hbm>> -> memref<1x200xi32, #tpu.memory_space<hbm>>
    %dma_start3A_64 = tpu.memref_squeeze %dma_start3A_63 : memref<1x200xi32, #tpu.memory_space<hbm>> -> memref<200xi32, #tpu.memory_space<hbm>>
    tpu.enqueue_dma source(%dma_start3A_64 : memref<200xi32, #tpu.memory_space<hbm>>) target(%dma_start3A_61 : memref<200xi32, #tpu.memory_space<vmem>>) target_semaphore(%arg18 : memref<!tpu.dma_semaphore, #tpu.memory_space<semaphore_mem>>)
    %add3A_65 = arith.constant 2 : i32
    %add3A_66 = arith.addi %mul3A_8, %add3A_65 : i32
    %dma_start3A_67 = arith.constant 2 : i32
    %dma_start3A_68 = arith.constant 0 : i32
    %dma_start3A_69 = tpu.memref_slice %arg10[%dma_start3A_67, %dma_start3A_68] : memref<4x224xi32, #tpu.memory_space<vmem>> -> memref<1x24xi32, #tpu.memory_space<vmem>>
    %dma_start3A_70 = tpu.memref_squeeze %dma_start3A_69 : memref<1x24xi32, #tpu.memory_space<vmem>> -> memref<24xi32, #tpu.memory_space<vmem>>
    %dma_start3A_71 = arith.constant 0 : i32
    %dma_start3A_72 = tpu.memref_slice %arg3[%add3A_66, %dma_start3A_71] : memref<4096x24xi32, #tpu.memory_space<hbm>> -> memref<1x24xi32, #tpu.memory_space<hbm>>
    %dma_start3A_73 = tpu.memref_squeeze %dma_start3A_72 : memref<1x24xi32, #tpu.memory_space<hbm>> -> memref<24xi32, #tpu.memory_space<hbm>>
    %dma_start3A_74 = arith.constant 0 : i32
    %dma_start3A_75 = tpu.memref_slice %arg10[%dma_start3A_67, %dma_start3A_74] : memref<4x224xi32, #tpu.memory_space<vmem>> -> memref<1x24xi32, #tpu.memory_space<vmem>>
    %dma_start3A_76 = tpu.memref_squeeze %dma_start3A_75 : memref<1x24xi32, #tpu.memory_space<vmem>> -> memref<24xi32, #tpu.memory_space<vmem>>
    %dma_start3A_77 = arith.constant 0 : i32
    %dma_start3A_78 = tpu.memref_slice %arg3[%add3A_66, %dma_start3A_77] : memref<4096x24xi32, #tpu.memory_space<hbm>> -> memref<1x24xi32, #tpu.memory_space<hbm>>
    %dma_start3A_79 = tpu.memref_squeeze %dma_start3A_78 : memref<1x24xi32, #tpu.memory_space<hbm>> -> memref<24xi32, #tpu.memory_space<hbm>>
    tpu.enqueue_dma source(%dma_start3A_79 : memref<24xi32, #tpu.memory_space<hbm>>) target(%dma_start3A_76 : memref<24xi32, #tpu.memory_space<vmem>>) target_semaphore(%arg19 : memref<!tpu.dma_semaphore, #tpu.memory_space<semaphore_mem>>)
    %dma_start3A_80 = arith.constant 2 : i32
    %dma_start3A_81 = arith.constant 24 : i32
    %dma_start3A_82 = tpu.memref_slice %arg10[%dma_start3A_80, %dma_start3A_81] : memref<4x224xi32, #tpu.memory_space<vmem>> -> memref<1x200xi32, #tpu.memory_space<vmem>>
    %dma_start3A_83 = tpu.memref_squeeze %dma_start3A_82 : memref<1x200xi32, #tpu.memory_space<vmem>> -> memref<200xi32, #tpu.memory_space<vmem>>
    %dma_start3A_84 = arith.constant 0 : i32
    %dma_start3A_85 = tpu.memref_slice %arg4[%add3A_66, %dma_start3A_84] : memref<4096x200xi32, #tpu.memory_space<hbm>> -> memref<1x200xi32, #tpu.memory_space<hbm>>
    %dma_start3A_86 = tpu.memref_squeeze %dma_start3A_85 : memref<1x200xi32, #tpu.memory_space<hbm>> -> memref<200xi32, #tpu.memory_space<hbm>>
    %dma_start3A_87 = arith.constant 24 : i32
    %dma_start3A_88 = tpu.memref_slice %arg10[%dma_start3A_80, %dma_start3A_87] : memref<4x224xi32, #tpu.memory_space<vmem>> -> memref<1x200xi32, #tpu.memory_space<vmem>>
    %dma_start3A_89 = tpu.memref_squeeze %dma_start3A_88 : memref<1x200xi32, #tpu.memory_space<vmem>> -> memref<200xi32, #tpu.memory_space<vmem>>
    %dma_start3A_90 = arith.constant 0 : i32
    %dma_start3A_91 = tpu.memref_slice %arg4[%add3A_66, %dma_start3A_90] : memref<4096x200xi32, #tpu.memory_space<hbm>> -> memref<1x200xi32, #tpu.memory_space<hbm>>
    %dma_start3A_92 = tpu.memref_squeeze %dma_start3A_91 : memref<1x200xi32, #tpu.memory_space<hbm>> -> memref<200xi32, #tpu.memory_space<hbm>>
    tpu.enqueue_dma source(%dma_start3A_92 : memref<200xi32, #tpu.memory_space<hbm>>) target(%dma_start3A_89 : memref<200xi32, #tpu.memory_space<vmem>>) target_semaphore(%arg19 : memref<!tpu.dma_semaphore, #tpu.memory_space<semaphore_mem>>)
    %add3A_93 = arith.constant 3 : i32
    %add3A_94 = arith.addi %mul3A_8, %add3A_93 : i32
    %dma_start3A_95 = arith.constant 3 : i32
    %dma_start3A_96 = arith.constant 0 : i32
    %dma_start3A_97 = tpu.memref_slice %arg10[%dma_start3A_95, %dma_start3A_96] : memref<4x224xi32, #tpu.memory_space<vmem>> -> memref<1x24xi32, #tpu.memory_space<vmem>>
    %dma_start3A_98 = tpu.memref_squeeze %dma_start3A_97 : memref<1x24xi32, #tpu.memory_space<vmem>> -> memref<24xi32, #tpu.memory_space<vmem>>
    %dma_start3A_99 = arith.constant 0 : i32
    %dma_start3A_100 = tpu.memref_slice %arg3[%add3A_94, %dma_start3A_99] : memref<4096x24xi32, #tpu.memory_space<hbm>> -> memref<1x24xi32, #tpu.memory_space<hbm>>
    %dma_start3A_101 = tpu.memref_squeeze %dma_start3A_100 : memref<1x24xi32, #tpu.memory_space<hbm>> -> memref<24xi32, #tpu.memory_space<hbm>>
    %dma_start3A_102 = arith.constant 0 : i32
    %dma_start3A_103 = tpu.memref_slice %arg10[%dma_start3A_95, %dma_start3A_102] : memref<4x224xi32, #tpu.memory_space<vmem>> -> memref<1x24xi32, #tpu.memory_space<vmem>>
    %dma_start3A_104 = tpu.memref_squeeze %dma_start3A_103 : memref<1x24xi32, #tpu.memory_space<vmem>> -> memref<24xi32, #tpu.memory_space<vmem>>
    %dma_start3A_105 = arith.constant 0 : i32
    %dma_start3A_106 = tpu.memref_slice %arg3[%add3A_94, %dma_start3A_105] : memref<4096x24xi32, #tpu.memory_space<hbm>> -> memref<1x24xi32, #tpu.memory_space<hbm>>
    %dma_start3A_107 = tpu.memref_squeeze %dma_start3A_106 : memref<1x24xi32, #tpu.memory_space<hbm>> -> memref<24xi32, #tpu.memory_space<hbm>>
    tpu.enqueue_dma source(%dma_start3A_107 : memref<24xi32, #tpu.memory_space<hbm>>) target(%dma_start3A_104 : memref<24xi32, #tpu.memory_space<vmem>>) target_semaphore(%arg20 : memref<!tpu.dma_semaphore, #tpu.memory_space<semaphore_mem>>)
    %dma_start3A_108 = arith.constant 3 : i32
    %dma_start3A_109 = arith.constant 24 : i32
    %dma_start3A_110 = tpu.memref_slice %arg10[%dma_start3A_108, %dma_start3A_109] : memref<4x224xi32, #tpu.memory_space<vmem>> -> memref<1x200xi32, #tpu.memory_space<vmem>>
    %dma_start3A_111 = tpu.memref_squeeze %dma_start3A_110 : memref<1x200xi32, #tpu.memory_space<vmem>> -> memref<200xi32, #tpu.memory_space<vmem>>
    %dma_start3A_112 = arith.constant 0 : i32
    %dma_start3A_113 = tpu.memref_slice %arg4[%add3A_94, %dma_start3A_112] : memref<4096x200xi32, #tpu.memory_space<hbm>> -> memref<1x200xi32, #tpu.memory_space<hbm>>
    %dma_start3A_114 = tpu.memref_squeeze %dma_start3A_113 : memref<1x200xi32, #tpu.memory_space<hbm>> -> memref<200xi32, #tpu.memory_space<hbm>>
    %dma_start3A_115 = arith.constant 24 : i32
    %dma_start3A_116 = tpu.memref_slice %arg10[%dma_start3A_108, %dma_start3A_115] : memref<4x224xi32, #tpu.memory_space<vmem>> -> memref<1x200xi32, #tpu.memory_space<vmem>>
    %dma_start3A_117 = tpu.memref_squeeze %dma_start3A_116 : memref<1x200xi32, #tpu.memory_space<vmem>> -> memref<200xi32, #tpu.memory_space<vmem>>
    %dma_start3A_118 = arith.constant 0 : i32
    %dma_start3A_119 = tpu.memref_slice %arg4[%add3A_94, %dma_start3A_118] : memref<4096x200xi32, #tpu.memory_space<hbm>> -> memref<1x200xi32, #tpu.memory_space<hbm>>
    %dma_start3A_120 = tpu.memref_squeeze %dma_start3A_119 : memref<1x200xi32, #tpu.memory_space<hbm>> -> memref<200xi32, #tpu.memory_space<hbm>>
    tpu.enqueue_dma source(%dma_start3A_120 : memref<200xi32, #tpu.memory_space<hbm>>) target(%dma_start3A_117 : memref<200xi32, #tpu.memory_space<vmem>>) target_semaphore(%arg20 : memref<!tpu.dma_semaphore, #tpu.memory_space<semaphore_mem>>)
    %dma_wait3A_121 = arith.constant 0 : i32
    %dma_wait3A_122 = arith.constant 0 : i32
    %dma_wait3A_123 = arith.constant 0 : i32
    %dma_wait3A_124 = tpu.memref_slice %arg10[%dma_wait3A_122, %dma_wait3A_123] : memref<4x224xi32, #tpu.memory_space<vmem>> -> memref<1x24xi32, #tpu.memory_space<vmem>>
    %dma_wait3A_125 = tpu.memref_squeeze %dma_wait3A_124 : memref<1x24xi32, #tpu.memory_space<vmem>> -> memref<24xi32, #tpu.memory_space<vmem>>
    %dma_wait3A_126 = arith.constant 0 : i32
    %dma_wait3A_127 = tpu.memref_slice %arg3[%dma_wait3A_121, %dma_wait3A_126] : memref<4096x24xi32, #tpu.memory_space<hbm>> -> memref<1x24xi32, #tpu.memory_space<hbm>>
    %dma_wait3A_128 = tpu.memref_squeeze %dma_wait3A_127 : memref<1x24xi32, #tpu.memory_space<hbm>> -> memref<24xi32, #tpu.memory_space<hbm>>
    %dma_wait3A_129 = arith.constant 0 : i32
    %dma_wait3A_130 = tpu.memref_slice %arg10[%dma_wait3A_122, %dma_wait3A_129] : memref<4x224xi32, #tpu.memory_space<vmem>> -> memref<1x24xi32, #tpu.memory_space<vmem>>
    %dma_wait3A_131 = tpu.memref_squeeze %dma_wait3A_130 : memref<1x24xi32, #tpu.memory_space<vmem>> -> memref<24xi32, #tpu.memory_space<vmem>>
    %dma_wait3A_132 = arith.constant 0 : i32
    %dma_wait3A_133 = tpu.memref_slice %arg3[%dma_wait3A_121, %dma_wait3A_132] : memref<4096x24xi32, #tpu.memory_space<hbm>> -> memref<1x24xi32, #tpu.memory_space<hbm>>
    %dma_wait3A_134 = tpu.memref_squeeze %dma_wait3A_133 : memref<1x24xi32, #tpu.memory_space<hbm>> -> memref<24xi32, #tpu.memory_space<hbm>>
    tpu.wait_dma2 semaphore(%arg17 : memref<!tpu.dma_semaphore, #tpu.memory_space<semaphore_mem>>) src(%dma_wait3A_134 : memref<24xi32, #tpu.memory_space<hbm>>) dst(%dma_wait3A_131 : memref<24xi32, #tpu.memory_space<vmem>>)
    %dma_wait3A_135 = arith.constant 0 : i32
    %dma_wait3A_136 = arith.constant 0 : i32
    %dma_wait3A_137 = arith.constant 24 : i32
    %dma_wait3A_138 = tpu.memref_slice %arg10[%dma_wait3A_136, %dma_wait3A_137] : memref<4x224xi32, #tpu.memory_space<vmem>> -> memref<1x200xi32, #tpu.memory_space<vmem>>
    %dma_wait3A_139 = tpu.memref_squeeze %dma_wait3A_138 : memref<1x200xi32, #tpu.memory_space<vmem>> -> memref<200xi32, #tpu.memory_space<vmem>>
    %dma_wait3A_140 = arith.constant 0 : i32
    %dma_wait3A_141 = tpu.memref_slice %arg4[%dma_wait3A_135, %dma_wait3A_140] : memref<4096x200xi32, #tpu.memory_space<hbm>> -> memref<1x200xi32, #tpu.memory_space<hbm>>
    %dma_wait3A_142 = tpu.memref_squeeze %dma_wait3A_141 : memref<1x200xi32, #tpu.memory_space<hbm>> -> memref<200xi32, #tpu.memory_space<hbm>>
    %dma_wait3A_143 = arith.constant 24 : i32
    %dma_wait3A_144 = tpu.memref_slice %arg10[%dma_wait3A_136, %dma_wait3A_143] : memref<4x224xi32, #tpu.memory_space<vmem>> -> memref<1x200xi32, #tpu.memory_space<vmem>>
    %dma_wait3A_145 = tpu.memref_squeeze %dma_wait3A_144 : memref<1x200xi32, #tpu.memory_space<vmem>> -> memref<200xi32, #tpu.memory_space<vmem>>
    %dma_wait3A_146 = arith.constant 0 : i32
    %dma_wait3A_147 = tpu.memref_slice %arg4[%dma_wait3A_135, %dma_wait3A_146] : memref<4096x200xi32, #tpu.memory_space<hbm>> -> memref<1x200xi32, #tpu.memory_space<hbm>>
    %dma_wait3A_148 = tpu.memref_squeeze %dma_wait3A_147 : memref<1x200xi32, #tpu.memory_space<hbm>> -> memref<200xi32, #tpu.memory_space<hbm>>
    tpu.wait_dma2 semaphore(%arg17 : memref<!tpu.dma_semaphore, #tpu.memory_space<semaphore_mem>>) src(%dma_wait3A_148 : memref<200xi32, #tpu.memory_space<hbm>>) dst(%dma_wait3A_145 : memref<200xi32, #tpu.memory_space<vmem>>)
    %dma_start3A_149 = arith.constant 0 : i32
    %dma_start3A_150 = arith.constant 0 : i32
    %dma_start3A_151 = arith.constant 0 : i32
    %dma_start3A_152 = arith.constant 0 : i32
    %dma_start3A_153 = tpu.memref_slice %arg11[%dma_start3A_150, %dma_start3A_151, %dma_start3A_152] : memref<4x224x64xf32, #tpu.memory_space<vmem>> -> memref<1x112x64xf32, #tpu.memory_space<vmem>>
    %dma_start3A_154 = tpu.memref_squeeze %dma_start3A_153 : memref<1x112x64xf32, #tpu.memory_space<vmem>> -> memref<112x64xf32, #tpu.memory_space<vmem>>
    %dma_start3A_155 = arith.constant 0 : i32
    %dma_start3A_156 = tpu.memref_slice %arg10[%dma_start3A_149, %dma_start3A_155] : memref<4x224xi32, #tpu.memory_space<vmem>> -> memref<1x112xi32, #tpu.memory_space<vmem>>
    %dma_start3A_157 = tpu.memref_squeeze %dma_start3A_156 : memref<1x112xi32, #tpu.memory_space<vmem>> -> memref<112xi32, #tpu.memory_space<vmem>>
    %dma_start3A_158 = arith.constant 0 : i32
    %dma_start3A_159 = arith.constant 0 : i32
    %dma_start3A_160 = tpu.memref_slice %arg6[%dma_start3A_158, %dma_start3A_159] : memref<1000000x64xf32, #tpu.memory_space<hbm>> -> memref<1000000x64xf32, #tpu.memory_space<hbm>>
    tpu.enqueue_indirect_dma source(%dma_start3A_160 : memref<1000000x64xf32, #tpu.memory_space<hbm>>) target(%dma_start3A_154 : memref<112x64xf32, #tpu.memory_space<vmem>>) offsets(%dma_start3A_157 : memref<112xi32, #tpu.memory_space<vmem>>) semaphore(%arg13 : memref<!tpu.dma_semaphore, #tpu.memory_space<semaphore_mem>>)
    %dma_start3A_161 = arith.constant 0 : i32
    %dma_start3A_162 = arith.constant 0 : i32
    %dma_start3A_163 = arith.constant 112 : i32
    %dma_start3A_164 = arith.constant 0 : i32
    %dma_start3A_165 = tpu.memref_slice %arg11[%dma_start3A_162, %dma_start3A_163, %dma_start3A_164] : memref<4x224x64xf32, #tpu.memory_space<vmem>> -> memref<1x112x64xf32, #tpu.memory_space<vmem>>
    %dma_start3A_166 = tpu.memref_squeeze %dma_start3A_165 : memref<1x112x64xf32, #tpu.memory_space<vmem>> -> memref<112x64xf32, #tpu.memory_space<vmem>>
    %dma_start3A_167 = arith.constant 112 : i32
    %dma_start3A_168 = tpu.memref_slice %arg10[%dma_start3A_161, %dma_start3A_167] : memref<4x224xi32, #tpu.memory_space<vmem>> -> memref<1x112xi32, #tpu.memory_space<vmem>>
    %dma_start3A_169 = tpu.memref_squeeze %dma_start3A_168 : memref<1x112xi32, #tpu.memory_space<vmem>> -> memref<112xi32, #tpu.memory_space<vmem>>
    %dma_start3A_170 = arith.constant 0 : i32
    %dma_start3A_171 = arith.constant 0 : i32
    %dma_start3A_172 = tpu.memref_slice %arg6[%dma_start3A_170, %dma_start3A_171] : memref<1000000x64xf32, #tpu.memory_space<hbm>> -> memref<1000000x64xf32, #tpu.memory_space<hbm>>
    tpu.enqueue_indirect_dma source(%dma_start3A_172 : memref<1000000x64xf32, #tpu.memory_space<hbm>>) target(%dma_start3A_166 : memref<112x64xf32, #tpu.memory_space<vmem>>) offsets(%dma_start3A_169 : memref<112xi32, #tpu.memory_space<vmem>>) semaphore(%arg13 : memref<!tpu.dma_semaphore, #tpu.memory_space<semaphore_mem>>)
    %dma_wait3A_173 = arith.constant 0 : i32
    %dma_wait3A_174 = arith.constant 1 : i32
    %dma_wait3A_175 = arith.constant 0 : i32
    %dma_wait3A_176 = tpu.memref_slice %arg10[%dma_wait3A_174, %dma_wait3A_175] : memref<4x224xi32, #tpu.memory_space<vmem>> -> memref<1x24xi32, #tpu.memory_space<vmem>>
    %dma_wait3A_177 = tpu.memref_squeeze %dma_wait3A_176 : memref<1x24xi32, #tpu.memory_space<vmem>> -> memref<24xi32, #tpu.memory_space<vmem>>
    %dma_wait3A_178 = arith.constant 0 : i32
    %dma_wait3A_179 = tpu.memref_slice %arg3[%dma_wait3A_173, %dma_wait3A_178] : memref<4096x24xi32, #tpu.memory_space<hbm>> -> memref<1x24xi32, #tpu.memory_space<hbm>>
    %dma_wait3A_180 = tpu.memref_squeeze %dma_wait3A_179 : memref<1x24xi32, #tpu.memory_space<hbm>> -> memref<24xi32, #tpu.memory_space<hbm>>
    %dma_wait3A_181 = arith.constant 0 : i32
    %dma_wait3A_182 = tpu.memref_slice %arg10[%dma_wait3A_174, %dma_wait3A_181] : memref<4x224xi32, #tpu.memory_space<vmem>> -> memref<1x24xi32, #tpu.memory_space<vmem>>
    %dma_wait3A_183 = tpu.memref_squeeze %dma_wait3A_182 : memref<1x24xi32, #tpu.memory_space<vmem>> -> memref<24xi32, #tpu.memory_space<vmem>>
    %dma_wait3A_184 = arith.constant 0 : i32
    %dma_wait3A_185 = tpu.memref_slice %arg3[%dma_wait3A_173, %dma_wait3A_184] : memref<4096x24xi32, #tpu.memory_space<hbm>> -> memref<1x24xi32, #tpu.memory_space<hbm>>
    %dma_wait3A_186 = tpu.memref_squeeze %dma_wait3A_185 : memref<1x24xi32, #tpu.memory_space<hbm>> -> memref<24xi32, #tpu.memory_space<hbm>>
    tpu.wait_dma2 semaphore(%arg18 : memref<!tpu.dma_semaphore, #tpu.memory_space<semaphore_mem>>) src(%dma_wait3A_186 : memref<24xi32, #tpu.memory_space<hbm>>) dst(%dma_wait3A_183 : memref<24xi32, #tpu.memory_space<vmem>>)
    %dma_wait3A_187 = arith.constant 0 : i32
    %dma_wait3A_188 = arith.constant 1 : i32
    %dma_wait3A_189 = arith.constant 24 : i32
    %dma_wait3A_190 = tpu.memref_slice %arg10[%dma_wait3A_188, %dma_wait3A_189] : memref<4x224xi32, #tpu.memory_space<vmem>> -> memref<1x200xi32, #tpu.memory_space<vmem>>
    %dma_wait3A_191 = tpu.memref_squeeze %dma_wait3A_190 : memref<1x200xi32, #tpu.memory_space<vmem>> -> memref<200xi32, #tpu.memory_space<vmem>>
    %dma_wait3A_192 = arith.constant 0 : i32
    %dma_wait3A_193 = tpu.memref_slice %arg4[%dma_wait3A_187, %dma_wait3A_192] : memref<4096x200xi32, #tpu.memory_space<hbm>> -> memref<1x200xi32, #tpu.memory_space<hbm>>
    %dma_wait3A_194 = tpu.memref_squeeze %dma_wait3A_193 : memref<1x200xi32, #tpu.memory_space<hbm>> -> memref<200xi32, #tpu.memory_space<hbm>>
    %dma_wait3A_195 = arith.constant 24 : i32
    %dma_wait3A_196 = tpu.memref_slice %arg10[%dma_wait3A_188, %dma_wait3A_195] : memref<4x224xi32, #tpu.memory_space<vmem>> -> memref<1x200xi32, #tpu.memory_space<vmem>>
    %dma_wait3A_197 = tpu.memref_squeeze %dma_wait3A_196 : memref<1x200xi32, #tpu.memory_space<vmem>> -> memref<200xi32, #tpu.memory_space<vmem>>
    %dma_wait3A_198 = arith.constant 0 : i32
    %dma_wait3A_199 = tpu.memref_slice %arg4[%dma_wait3A_187, %dma_wait3A_198] : memref<4096x200xi32, #tpu.memory_space<hbm>> -> memref<1x200xi32, #tpu.memory_space<hbm>>
    %dma_wait3A_200 = tpu.memref_squeeze %dma_wait3A_199 : memref<1x200xi32, #tpu.memory_space<hbm>> -> memref<200xi32, #tpu.memory_space<hbm>>
    tpu.wait_dma2 semaphore(%arg18 : memref<!tpu.dma_semaphore, #tpu.memory_space<semaphore_mem>>) src(%dma_wait3A_200 : memref<200xi32, #tpu.memory_space<hbm>>) dst(%dma_wait3A_197 : memref<200xi32, #tpu.memory_space<vmem>>)
    %dma_start3A_201 = arith.constant 1 : i32
    %dma_start3A_202 = arith.constant 1 : i32
    %dma_start3A_203 = arith.constant 0 : i32
    %dma_start3A_204 = arith.constant 0 : i32
    %dma_start3A_205 = tpu.memref_slice %arg11[%dma_start3A_202, %dma_start3A_203, %dma_start3A_204] : memref<4x224x64xf32, #tpu.memory_space<vmem>> -> memref<1x112x64xf32, #tpu.memory_space<vmem>>
    %dma_start3A_206 = tpu.memref_squeeze %dma_start3A_205 : memref<1x112x64xf32, #tpu.memory_space<vmem>> -> memref<112x64xf32, #tpu.memory_space<vmem>>
    %dma_start3A_207 = arith.constant 0 : i32
    %dma_start3A_208 = tpu.memref_slice %arg10[%dma_start3A_201, %dma_start3A_207] : memref<4x224xi32, #tpu.memory_space<vmem>> -> memref<1x112xi32, #tpu.memory_space<vmem>>
    %dma_start3A_209 = tpu.memref_squeeze %dma_start3A_208 : memref<1x112xi32, #tpu.memory_space<vmem>> -> memref<112xi32, #tpu.memory_space<vmem>>
    %dma_start3A_210 = arith.constant 0 : i32
    %dma_start3A_211 = arith.constant 0 : i32
    %dma_start3A_212 = tpu.memref_slice %arg6[%dma_start3A_210, %dma_start3A_211] : memref<1000000x64xf32, #tpu.memory_space<hbm>> -> memref<1000000x64xf32, #tpu.memory_space<hbm>>
    tpu.enqueue_indirect_dma source(%dma_start3A_212 : memref<1000000x64xf32, #tpu.memory_space<hbm>>) target(%dma_start3A_206 : memref<112x64xf32, #tpu.memory_space<vmem>>) offsets(%dma_start3A_209 : memref<112xi32, #tpu.memory_space<vmem>>) semaphore(%arg14 : memref<!tpu.dma_semaphore, #tpu.memory_space<semaphore_mem>>)
    %dma_start3A_213 = arith.constant 1 : i32
    %dma_start3A_214 = arith.constant 1 : i32
    %dma_start3A_215 = arith.constant 112 : i32
    %dma_start3A_216 = arith.constant 0 : i32
    %dma_start3A_217 = tpu.memref_slice %arg11[%dma_start3A_214, %dma_start3A_215, %dma_start3A_216] : memref<4x224x64xf32, #tpu.memory_space<vmem>> -> memref<1x112x64xf32, #tpu.memory_space<vmem>>
    %dma_start3A_218 = tpu.memref_squeeze %dma_start3A_217 : memref<1x112x64xf32, #tpu.memory_space<vmem>> -> memref<112x64xf32, #tpu.memory_space<vmem>>
    %dma_start3A_219 = arith.constant 112 : i32
    %dma_start3A_220 = tpu.memref_slice %arg10[%dma_start3A_213, %dma_start3A_219] : memref<4x224xi32, #tpu.memory_space<vmem>> -> memref<1x112xi32, #tpu.memory_space<vmem>>
    %dma_start3A_221 = tpu.memref_squeeze %dma_start3A_220 : memref<1x112xi32, #tpu.memory_space<vmem>> -> memref<112xi32, #tpu.memory_space<vmem>>
    %dma_start3A_222 = arith.constant 0 : i32
    %dma_start3A_223 = arith.constant 0 : i32
    %dma_start3A_224 = tpu.memref_slice %arg6[%dma_start3A_222, %dma_start3A_223] : memref<1000000x64xf32, #tpu.memory_space<hbm>> -> memref<1000000x64xf32, #tpu.memory_space<hbm>>
    tpu.enqueue_indirect_dma source(%dma_start3A_224 : memref<1000000x64xf32, #tpu.memory_space<hbm>>) target(%dma_start3A_218 : memref<112x64xf32, #tpu.memory_space<vmem>>) offsets(%dma_start3A_221 : memref<112xi32, #tpu.memory_space<vmem>>) semaphore(%arg14 : memref<!tpu.dma_semaphore, #tpu.memory_space<semaphore_mem>>)
    %dma_wait3A_225 = arith.constant 0 : i32
    %dma_wait3A_226 = arith.constant 2 : i32
    %dma_wait3A_227 = arith.constant 0 : i32
    %dma_wait3A_228 = tpu.memref_slice %arg10[%dma_wait3A_226, %dma_wait3A_227] : memref<4x224xi32, #tpu.memory_space<vmem>> -> memref<1x24xi32, #tpu.memory_space<vmem>>
    %dma_wait3A_229 = tpu.memref_squeeze %dma_wait3A_228 : memref<1x24xi32, #tpu.memory_space<vmem>> -> memref<24xi32, #tpu.memory_space<vmem>>
    %dma_wait3A_230 = arith.constant 0 : i32
    %dma_wait3A_231 = tpu.memref_slice %arg3[%dma_wait3A_225, %dma_wait3A_230] : memref<4096x24xi32, #tpu.memory_space<hbm>> -> memref<1x24xi32, #tpu.memory_space<hbm>>
    %dma_wait3A_232 = tpu.memref_squeeze %dma_wait3A_231 : memref<1x24xi32, #tpu.memory_space<hbm>> -> memref<24xi32, #tpu.memory_space<hbm>>
    %dma_wait3A_233 = arith.constant 0 : i32
    %dma_wait3A_234 = tpu.memref_slice %arg10[%dma_wait3A_226, %dma_wait3A_233] : memref<4x224xi32, #tpu.memory_space<vmem>> -> memref<1x24xi32, #tpu.memory_space<vmem>>
    %dma_wait3A_235 = tpu.memref_squeeze %dma_wait3A_234 : memref<1x24xi32, #tpu.memory_space<vmem>> -> memref<24xi32, #tpu.memory_space<vmem>>
    %dma_wait3A_236 = arith.constant 0 : i32
    %dma_wait3A_237 = tpu.memref_slice %arg3[%dma_wait3A_225, %dma_wait3A_236] : memref<4096x24xi32, #tpu.memory_space<hbm>> -> memref<1x24xi32, #tpu.memory_space<hbm>>
    %dma_wait3A_238 = tpu.memref_squeeze %dma_wait3A_237 : memref<1x24xi32, #tpu.memory_space<hbm>> -> memref<24xi32, #tpu.memory_space<hbm>>
    tpu.wait_dma2 semaphore(%arg19 : memref<!tpu.dma_semaphore, #tpu.memory_space<semaphore_mem>>) src(%dma_wait3A_238 : memref<24xi32, #tpu.memory_space<hbm>>) dst(%dma_wait3A_235 : memref<24xi32, #tpu.memory_space<vmem>>)
    %dma_wait3A_239 = arith.constant 0 : i32
    %dma_wait3A_240 = arith.constant 2 : i32
    %dma_wait3A_241 = arith.constant 24 : i32
    %dma_wait3A_242 = tpu.memref_slice %arg10[%dma_wait3A_240, %dma_wait3A_241] : memref<4x224xi32, #tpu.memory_space<vmem>> -> memref<1x200xi32, #tpu.memory_space<vmem>>
    %dma_wait3A_243 = tpu.memref_squeeze %dma_wait3A_242 : memref<1x200xi32, #tpu.memory_space<vmem>> -> memref<200xi32, #tpu.memory_space<vmem>>
    %dma_wait3A_244 = arith.constant 0 : i32
    %dma_wait3A_245 = tpu.memref_slice %arg4[%dma_wait3A_239, %dma_wait3A_244] : memref<4096x200xi32, #tpu.memory_space<hbm>> -> memref<1x200xi32, #tpu.memory_space<hbm>>
    %dma_wait3A_246 = tpu.memref_squeeze %dma_wait3A_245 : memref<1x200xi32, #tpu.memory_space<hbm>> -> memref<200xi32, #tpu.memory_space<hbm>>
    %dma_wait3A_247 = arith.constant 24 : i32
    %dma_wait3A_248 = tpu.memref_slice %arg10[%dma_wait3A_240, %dma_wait3A_247] : memref<4x224xi32, #tpu.memory_space<vmem>> -> memref<1x200xi32, #tpu.memory_space<vmem>>
    %dma_wait3A_249 = tpu.memref_squeeze %dma_wait3A_248 : memref<1x200xi32, #tpu.memory_space<vmem>> -> memref<200xi32, #tpu.memory_space<vmem>>
    %dma_wait3A_250 = arith.constant 0 : i32
    %dma_wait3A_251 = tpu.memref_slice %arg4[%dma_wait3A_239, %dma_wait3A_250] : memref<4096x200xi32, #tpu.memory_space<hbm>> -> memref<1x200xi32, #tpu.memory_space<hbm>>
    %dma_wait3A_252 = tpu.memref_squeeze %dma_wait3A_251 : memref<1x200xi32, #tpu.memory_space<hbm>> -> memref<200xi32, #tpu.memory_space<hbm>>
    tpu.wait_dma2 semaphore(%arg19 : memref<!tpu.dma_semaphore, #tpu.memory_space<semaphore_mem>>) src(%dma_wait3A_252 : memref<200xi32, #tpu.memory_space<hbm>>) dst(%dma_wait3A_249 : memref<200xi32, #tpu.memory_space<vmem>>)
    %dma_start3A_253 = arith.constant 2 : i32
    %dma_start3A_254 = arith.constant 2 : i32
    %dma_start3A_255 = arith.constant 0 : i32
    %dma_start3A_256 = arith.constant 0 : i32
    %dma_start3A_257 = tpu.memref_slice %arg11[%dma_start3A_254, %dma_start3A_255, %dma_start3A_256] : memref<4x224x64xf32, #tpu.memory_space<vmem>> -> memref<1x112x64xf32, #tpu.memory_space<vmem>>
    %dma_start3A_258 = tpu.memref_squeeze %dma_start3A_257 : memref<1x112x64xf32, #tpu.memory_space<vmem>> -> memref<112x64xf32, #tpu.memory_space<vmem>>
    %dma_start3A_259 = arith.constant 0 : i32
    %dma_start3A_260 = tpu.memref_slice %arg10[%dma_start3A_253, %dma_start3A_259] : memref<4x224xi32, #tpu.memory_space<vmem>> -> memref<1x112xi32, #tpu.memory_space<vmem>>
    %dma_start3A_261 = tpu.memref_squeeze %dma_start3A_260 : memref<1x112xi32, #tpu.memory_space<vmem>> -> memref<112xi32, #tpu.memory_space<vmem>>
    %dma_start3A_262 = arith.constant 0 : i32
    %dma_start3A_263 = arith.constant 0 : i32
    %dma_start3A_264 = tpu.memref_slice %arg6[%dma_start3A_262, %dma_start3A_263] : memref<1000000x64xf32, #tpu.memory_space<hbm>> -> memref<1000000x64xf32, #tpu.memory_space<hbm>>
    tpu.enqueue_indirect_dma source(%dma_start3A_264 : memref<1000000x64xf32, #tpu.memory_space<hbm>>) target(%dma_start3A_258 : memref<112x64xf32, #tpu.memory_space<vmem>>) offsets(%dma_start3A_261 : memref<112xi32, #tpu.memory_space<vmem>>) semaphore(%arg15 : memref<!tpu.dma_semaphore, #tpu.memory_space<semaphore_mem>>)
    %dma_start3A_265 = arith.constant 2 : i32
    %dma_start3A_266 = arith.constant 2 : i32
    %dma_start3A_267 = arith.constant 112 : i32
    %dma_start3A_268 = arith.constant 0 : i32
    %dma_start3A_269 = tpu.memref_slice %arg11[%dma_start3A_266, %dma_start3A_267, %dma_start3A_268] : memref<4x224x64xf32, #tpu.memory_space<vmem>> -> memref<1x112x64xf32, #tpu.memory_space<vmem>>
    %dma_start3A_270 = tpu.memref_squeeze %dma_start3A_269 : memref<1x112x64xf32, #tpu.memory_space<vmem>> -> memref<112x64xf32, #tpu.memory_space<vmem>>
    %dma_start3A_271 = arith.constant 112 : i32
    %dma_start3A_272 = tpu.memref_slice %arg10[%dma_start3A_265, %dma_start3A_271] : memref<4x224xi32, #tpu.memory_space<vmem>> -> memref<1x112xi32, #tpu.memory_space<vmem>>
    %dma_start3A_273 = tpu.memref_squeeze %dma_start3A_272 : memref<1x112xi32, #tpu.memory_space<vmem>> -> memref<112xi32, #tpu.memory_space<vmem>>
    %dma_start3A_274 = arith.constant 0 : i32
    %dma_start3A_275 = arith.constant 0 : i32
    %dma_start3A_276 = tpu.memref_slice %arg6[%dma_start3A_274, %dma_start3A_275] : memref<1000000x64xf32, #tpu.memory_space<hbm>> -> memref<1000000x64xf32, #tpu.memory_space<hbm>>
    tpu.enqueue_indirect_dma source(%dma_start3A_276 : memref<1000000x64xf32, #tpu.memory_space<hbm>>) target(%dma_start3A_270 : memref<112x64xf32, #tpu.memory_space<vmem>>) offsets(%dma_start3A_273 : memref<112xi32, #tpu.memory_space<vmem>>) semaphore(%arg15 : memref<!tpu.dma_semaphore, #tpu.memory_space<semaphore_mem>>)
    %scan3A = arith.constant 0 : i32
    %scan3A_277 = arith.constant 0 : i32
    %scan3A_278 = arith.constant 32 : i32
    %scan3A_279 = arith.addi %scan3A_277, %scan3A_278 : i32
    %scan3A_280 = arith.constant 1 : i32
    scf.for %scan3A_326 = %scan3A_277 to %scan3A_279 step %scan3A_280  : i32 {
      %mul3A_327 = arith.constant 4 : i32
      %mul3A_328 = arith.muli %scan3A_326, %mul3A_327 : i32
      %add3A_329 = arith.constant 0 : i32
      %add3A_330 = arith.addi %mul3A_328, %add3A_329 : i32
      %dma_wait3A_331 = arith.constant 0 : i32
      %dma_wait3A_332 = arith.constant 0 : i32
      %dma_wait3A_333 = arith.constant 0 : i32
      %dma_wait3A_334 = tpu.memref_slice %arg11[%dma_wait3A_331, %dma_wait3A_332, %dma_wait3A_333] : memref<4x224x64xf32, #tpu.memory_space<vmem>> -> memref<1x112x64xf32, #tpu.memory_space<vmem>>
      %dma_wait3A_335 = tpu.memref_squeeze %dma_wait3A_334 : memref<1x112x64xf32, #tpu.memory_space<vmem>> -> memref<112x64xf32, #tpu.memory_space<vmem>>
      %dma_wait3A_336 = arith.constant 0 : i32
      %dma_wait3A_337 = arith.constant 0 : i32
      %dma_wait3A_338 = tpu.memref_slice %arg6[%dma_wait3A_336, %dma_wait3A_337] : memref<1000000x64xf32, #tpu.memory_space<hbm>> -> memref<112x64xf32, #tpu.memory_space<hbm>>
      %dma_wait3A_339 = arith.constant 0 : i32
      %dma_wait3A_340 = arith.constant 0 : i32
      %dma_wait3A_341 = tpu.memref_slice %arg11[%dma_wait3A_331, %dma_wait3A_339, %dma_wait3A_340] : memref<4x224x64xf32, #tpu.memory_space<vmem>> -> memref<1x112x64xf32, #tpu.memory_space<vmem>>
      %dma_wait3A_342 = tpu.memref_squeeze %dma_wait3A_341 : memref<1x112x64xf32, #tpu.memory_space<vmem>> -> memref<112x64xf32, #tpu.memory_space<vmem>>
      %dma_wait3A_343 = arith.constant 0 : i32
      %dma_wait3A_344 = arith.constant 0 : i32
      %dma_wait3A_345 = tpu.memref_slice %arg6[%dma_wait3A_343, %dma_wait3A_344] : memref<1000000x64xf32, #tpu.memory_space<hbm>> -> memref<112x64xf32, #tpu.memory_space<hbm>>
      tpu.wait_dma2 semaphore(%arg13 : memref<!tpu.dma_semaphore, #tpu.memory_space<semaphore_mem>>) src(%dma_wait3A_345 : memref<112x64xf32, #tpu.memory_space<hbm>>) dst(%dma_wait3A_342 : memref<112x64xf32, #tpu.memory_space<vmem>>)
      %dma_wait3A_346 = arith.constant 0 : i32
      %dma_wait3A_347 = arith.constant 112 : i32
      %dma_wait3A_348 = arith.constant 0 : i32
      %dma_wait3A_349 = tpu.memref_slice %arg11[%dma_wait3A_346, %dma_wait3A_347, %dma_wait3A_348] : memref<4x224x64xf32, #tpu.memory_space<vmem>> -> memref<1x112x64xf32, #tpu.memory_space<vmem>>
      %dma_wait3A_350 = tpu.memref_squeeze %dma_wait3A_349 : memref<1x112x64xf32, #tpu.memory_space<vmem>> -> memref<112x64xf32, #tpu.memory_space<vmem>>
      %dma_wait3A_351 = arith.constant 0 : i32
      %dma_wait3A_352 = arith.constant 0 : i32
      %dma_wait3A_353 = tpu.memref_slice %arg6[%dma_wait3A_351, %dma_wait3A_352] : memref<1000000x64xf32, #tpu.memory_space<hbm>> -> memref<112x64xf32, #tpu.memory_space<hbm>>
      %dma_wait3A_354 = arith.constant 112 : i32
      %dma_wait3A_355 = arith.constant 0 : i32
      %dma_wait3A_356 = tpu.memref_slice %arg11[%dma_wait3A_346, %dma_wait3A_354, %dma_wait3A_355] : memref<4x224x64xf32, #tpu.memory_space<vmem>> -> memref<1x112x64xf32, #tpu.memory_space<vmem>>
      %dma_wait3A_357 = tpu.memref_squeeze %dma_wait3A_356 : memref<1x112x64xf32, #tpu.memory_space<vmem>> -> memref<112x64xf32, #tpu.memory_space<vmem>>
      %dma_wait3A_358 = arith.constant 0 : i32
      %dma_wait3A_359 = arith.constant 0 : i32
      %dma_wait3A_360 = tpu.memref_slice %arg6[%dma_wait3A_358, %dma_wait3A_359] : memref<1000000x64xf32, #tpu.memory_space<hbm>> -> memref<112x64xf32, #tpu.memory_space<hbm>>
      tpu.wait_dma2 semaphore(%arg13 : memref<!tpu.dma_semaphore, #tpu.memory_space<semaphore_mem>>) src(%dma_wait3A_360 : memref<112x64xf32, #tpu.memory_space<hbm>>) dst(%dma_wait3A_357 : memref<112x64xf32, #tpu.memory_space<vmem>>)
      %add3A_361 = arith.constant 4 : i32
      %add3A_362 = arith.addi %add3A_330, %add3A_361 : i32
      %sub3A = arith.constant 1 : i32
      %sub3A_363 = arith.subi %add3A_362, %sub3A : i32
      %lt3A = arith.constant 128 : i32
      %lt3A_364 = arith.cmpi slt, %sub3A_363, %lt3A : i32
      %convert_element_type3A = arith.extui %lt3A_364 : i1 to i32
      %cond3A = arith.constant 0 : i32
      %cond3A_365 = arith.cmpi ne, %convert_element_type3A, %cond3A : i32
      scf.if %cond3A_365 {
        %dma_wait3A_669 = arith.constant 0 : i32
        %dma_wait3A_670 = arith.constant 3 : i32
        %dma_wait3A_671 = arith.constant 0 : i32
        %dma_wait3A_672 = tpu.memref_slice %arg10[%dma_wait3A_670, %dma_wait3A_671] : memref<4x224xi32, #tpu.memory_space<vmem>> -> memref<1x24xi32, #tpu.memory_space<vmem>>
        %dma_wait3A_673 = tpu.memref_squeeze %dma_wait3A_672 : memref<1x24xi32, #tpu.memory_space<vmem>> -> memref<24xi32, #tpu.memory_space<vmem>>
        %dma_wait3A_674 = arith.constant 0 : i32
        %dma_wait3A_675 = tpu.memref_slice %arg3[%dma_wait3A_669, %dma_wait3A_674] : memref<4096x24xi32, #tpu.memory_space<hbm>> -> memref<1x24xi32, #tpu.memory_space<hbm>>
        %dma_wait3A_676 = tpu.memref_squeeze %dma_wait3A_675 : memref<1x24xi32, #tpu.memory_space<hbm>> -> memref<24xi32, #tpu.memory_space<hbm>>
        %dma_wait3A_677 = arith.constant 0 : i32
        %dma_wait3A_678 = tpu.memref_slice %arg10[%dma_wait3A_670, %dma_wait3A_677] : memref<4x224xi32, #tpu.memory_space<vmem>> -> memref<1x24xi32, #tpu.memory_space<vmem>>
        %dma_wait3A_679 = tpu.memref_squeeze %dma_wait3A_678 : memref<1x24xi32, #tpu.memory_space<vmem>> -> memref<24xi32, #tpu.memory_space<vmem>>
        %dma_wait3A_680 = arith.constant 0 : i32
        %dma_wait3A_681 = tpu.memref_slice %arg3[%dma_wait3A_669, %dma_wait3A_680] : memref<4096x24xi32, #tpu.memory_space<hbm>> -> memref<1x24xi32, #tpu.memory_space<hbm>>
        %dma_wait3A_682 = tpu.memref_squeeze %dma_wait3A_681 : memref<1x24xi32, #tpu.memory_space<hbm>> -> memref<24xi32, #tpu.memory_space<hbm>>
        tpu.wait_dma2 semaphore(%arg20 : memref<!tpu.dma_semaphore, #tpu.memory_space<semaphore_mem>>) src(%dma_wait3A_682 : memref<24xi32, #tpu.memory_space<hbm>>) dst(%dma_wait3A_679 : memref<24xi32, #tpu.memory_space<vmem>>)
        %dma_wait3A_683 = arith.constant 0 : i32
        %dma_wait3A_684 = arith.constant 3 : i32
        %dma_wait3A_685 = arith.constant 24 : i32
        %dma_wait3A_686 = tpu.memref_slice %arg10[%dma_wait3A_684, %dma_wait3A_685] : memref<4x224xi32, #tpu.memory_space<vmem>> -> memref<1x200xi32, #tpu.memory_space<vmem>>
        %dma_wait3A_687 = tpu.memref_squeeze %dma_wait3A_686 : memref<1x200xi32, #tpu.memory_space<vmem>> -> memref<200xi32, #tpu.memory_space<vmem>>
        %dma_wait3A_688 = arith.constant 0 : i32
        %dma_wait3A_689 = tpu.memref_slice %arg4[%dma_wait3A_683, %dma_wait3A_688] : memref<4096x200xi32, #tpu.memory_space<hbm>> -> memref<1x200xi32, #tpu.memory_space<hbm>>
        %dma_wait3A_690 = tpu.memref_squeeze %dma_wait3A_689 : memref<1x200xi32, #tpu.memory_space<hbm>> -> memref<200xi32, #tpu.memory_space<hbm>>
        %dma_wait3A_691 = arith.constant 24 : i32
        %dma_wait3A_692 = tpu.memref_slice %arg10[%dma_wait3A_684, %dma_wait3A_691] : memref<4x224xi32, #tpu.memory_space<vmem>> -> memref<1x200xi32, #tpu.memory_space<vmem>>
        %dma_wait3A_693 = tpu.memref_squeeze %dma_wait3A_692 : memref<1x200xi32, #tpu.memory_space<vmem>> -> memref<200xi32, #tpu.memory_space<vmem>>
        %dma_wait3A_694 = arith.constant 0 : i32
        %dma_wait3A_695 = tpu.memref_slice %arg4[%dma_wait3A_683, %dma_wait3A_694] : memref<4096x200xi32, #tpu.memory_space<hbm>> -> memref<1x200xi32, #tpu.memory_space<hbm>>
        %dma_wait3A_696 = tpu.memref_squeeze %dma_wait3A_695 : memref<1x200xi32, #tpu.memory_space<hbm>> -> memref<200xi32, #tpu.memory_space<hbm>>
        tpu.wait_dma2 semaphore(%arg20 : memref<!tpu.dma_semaphore, #tpu.memory_space<semaphore_mem>>) src(%dma_wait3A_696 : memref<200xi32, #tpu.memory_space<hbm>>) dst(%dma_wait3A_693 : memref<200xi32, #tpu.memory_space<vmem>>)
        %dma_start3A_697 = arith.constant 3 : i32
        %dma_start3A_698 = arith.constant 3 : i32
        %dma_start3A_699 = arith.constant 0 : i32
        %dma_start3A_700 = arith.constant 0 : i32
        %dma_start3A_701 = tpu.memref_slice %arg11[%dma_start3A_698, %dma_start3A_699, %dma_start3A_700] : memref<4x224x64xf32, #tpu.memory_space<vmem>> -> memref<1x112x64xf32, #tpu.memory_space<vmem>>
        %dma_start3A_702 = tpu.memref_squeeze %dma_start3A_701 : memref<1x112x64xf32, #tpu.memory_space<vmem>> -> memref<112x64xf32, #tpu.memory_space<vmem>>
        %dma_start3A_703 = arith.constant 0 : i32
        %dma_start3A_704 = tpu.memref_slice %arg10[%dma_start3A_697, %dma_start3A_703] : memref<4x224xi32, #tpu.memory_space<vmem>> -> memref<1x112xi32, #tpu.memory_space<vmem>>
        %dma_start3A_705 = tpu.memref_squeeze %dma_start3A_704 : memref<1x112xi32, #tpu.memory_space<vmem>> -> memref<112xi32, #tpu.memory_space<vmem>>
        %dma_start3A_706 = arith.constant 0 : i32
        %dma_start3A_707 = arith.constant 0 : i32
        %dma_start3A_708 = tpu.memref_slice %arg6[%dma_start3A_706, %dma_start3A_707] : memref<1000000x64xf32, #tpu.memory_space<hbm>> -> memref<1000000x64xf32, #tpu.memory_space<hbm>>
        tpu.enqueue_indirect_dma source(%dma_start3A_708 : memref<1000000x64xf32, #tpu.memory_space<hbm>>) target(%dma_start3A_702 : memref<112x64xf32, #tpu.memory_space<vmem>>) offsets(%dma_start3A_705 : memref<112xi32, #tpu.memory_space<vmem>>) semaphore(%arg16 : memref<!tpu.dma_semaphore, #tpu.memory_space<semaphore_mem>>)
        %dma_start3A_709 = arith.constant 3 : i32
        %dma_start3A_710 = arith.constant 3 : i32
        %dma_start3A_711 = arith.constant 112 : i32
        %dma_start3A_712 = arith.constant 0 : i32
        %dma_start3A_713 = tpu.memref_slice %arg11[%dma_start3A_710, %dma_start3A_711, %dma_start3A_712] : memref<4x224x64xf32, #tpu.memory_space<vmem>> -> memref<1x112x64xf32, #tpu.memory_space<vmem>>
        %dma_start3A_714 = tpu.memref_squeeze %dma_start3A_713 : memref<1x112x64xf32, #tpu.memory_space<vmem>> -> memref<112x64xf32, #tpu.memory_space<vmem>>
        %dma_start3A_715 = arith.constant 112 : i32
        %dma_start3A_716 = tpu.memref_slice %arg10[%dma_start3A_709, %dma_start3A_715] : memref<4x224xi32, #tpu.memory_space<vmem>> -> memref<1x112xi32, #tpu.memory_space<vmem>>
        %dma_start3A_717 = tpu.memref_squeeze %dma_start3A_716 : memref<1x112xi32, #tpu.memory_space<vmem>> -> memref<112xi32, #tpu.memory_space<vmem>>
        %dma_start3A_718 = arith.constant 0 : i32
        %dma_start3A_719 = arith.constant 0 : i32
        %dma_start3A_720 = tpu.memref_slice %arg6[%dma_start3A_718, %dma_start3A_719] : memref<1000000x64xf32, #tpu.memory_space<hbm>> -> memref<1000000x64xf32, #tpu.memory_space<hbm>>
        tpu.enqueue_indirect_dma source(%dma_start3A_720 : memref<1000000x64xf32, #tpu.memory_space<hbm>>) target(%dma_start3A_714 : memref<112x64xf32, #tpu.memory_space<vmem>>) offsets(%dma_start3A_717 : memref<112xi32, #tpu.memory_space<vmem>>) semaphore(%arg16 : memref<!tpu.dma_semaphore, #tpu.memory_space<semaphore_mem>>)
      } else {
      }
      %add3A_366 = arith.constant 4 : i32
      %add3A_367 = arith.addi %add3A_330, %add3A_366 : i32
      %lt3A_368 = arith.constant 128 : i32
      %lt3A_369 = arith.cmpi slt, %add3A_367, %lt3A_368 : i32
      %convert_element_type3A_370 = arith.extui %lt3A_369 : i1 to i32
      %cond3A_371 = arith.constant 0 : i32
      %cond3A_372 = arith.cmpi ne, %convert_element_type3A_370, %cond3A_371 : i32
      scf.if %cond3A_372 {
        %add3A_669 = arith.constant 4 : i32
        %add3A_670 = arith.addi %add3A_330, %add3A_669 : i32
        %add3A_671 = arith.addi %mul3A_8, %add3A_670 : i32
        %dma_start3A_672 = arith.constant 0 : i32
        %dma_start3A_673 = arith.constant 0 : i32
        %dma_start3A_674 = tpu.memref_slice %arg10[%dma_start3A_672, %dma_start3A_673] : memref<4x224xi32, #tpu.memory_space<vmem>> -> memref<1x24xi32, #tpu.memory_space<vmem>>
        %dma_start3A_675 = tpu.memref_squeeze %dma_start3A_674 : memref<1x24xi32, #tpu.memory_space<vmem>> -> memref<24xi32, #tpu.memory_space<vmem>>
        %dma_start3A_676 = arith.constant 0 : i32
        %dma_start3A_677 = tpu.memref_slice %arg3[%add3A_671, %dma_start3A_676] : memref<4096x24xi32, #tpu.memory_space<hbm>> -> memref<1x24xi32, #tpu.memory_space<hbm>>
        %dma_start3A_678 = tpu.memref_squeeze %dma_start3A_677 : memref<1x24xi32, #tpu.memory_space<hbm>> -> memref<24xi32, #tpu.memory_space<hbm>>
        %dma_start3A_679 = arith.constant 0 : i32
        %dma_start3A_680 = tpu.memref_slice %arg10[%dma_start3A_672, %dma_start3A_679] : memref<4x224xi32, #tpu.memory_space<vmem>> -> memref<1x24xi32, #tpu.memory_space<vmem>>
        %dma_start3A_681 = tpu.memref_squeeze %dma_start3A_680 : memref<1x24xi32, #tpu.memory_space<vmem>> -> memref<24xi32, #tpu.memory_space<vmem>>
        %dma_start3A_682 = arith.constant 0 : i32
        %dma_start3A_683 = tpu.memref_slice %arg3[%add3A_671, %dma_start3A_682] : memref<4096x24xi32, #tpu.memory_space<hbm>> -> memref<1x24xi32, #tpu.memory_space<hbm>>
        %dma_start3A_684 = tpu.memref_squeeze %dma_start3A_683 : memref<1x24xi32, #tpu.memory_space<hbm>> -> memref<24xi32, #tpu.memory_space<hbm>>
        tpu.enqueue_dma source(%dma_start3A_684 : memref<24xi32, #tpu.memory_space<hbm>>) target(%dma_start3A_681 : memref<24xi32, #tpu.memory_space<vmem>>) target_semaphore(%arg17 : memref<!tpu.dma_semaphore, #tpu.memory_space<semaphore_mem>>)
        %dma_start3A_685 = arith.constant 0 : i32
        %dma_start3A_686 = arith.constant 24 : i32
        %dma_start3A_687 = tpu.memref_slice %arg10[%dma_start3A_685, %dma_start3A_686] : memref<4x224xi32, #tpu.memory_space<vmem>> -> memref<1x200xi32, #tpu.memory_space<vmem>>
        %dma_start3A_688 = tpu.memref_squeeze %dma_start3A_687 : memref<1x200xi32, #tpu.memory_space<vmem>> -> memref<200xi32, #tpu.memory_space<vmem>>
        %dma_start3A_689 = arith.constant 0 : i32
        %dma_start3A_690 = tpu.memref_slice %arg4[%add3A_671, %dma_start3A_689] : memref<4096x200xi32, #tpu.memory_space<hbm>> -> memref<1x200xi32, #tpu.memory_space<hbm>>
        %dma_start3A_691 = tpu.memref_squeeze %dma_start3A_690 : memref<1x200xi32, #tpu.memory_space<hbm>> -> memref<200xi32, #tpu.memory_space<hbm>>
        %dma_start3A_692 = arith.constant 24 : i32
        %dma_start3A_693 = tpu.memref_slice %arg10[%dma_start3A_685, %dma_start3A_692] : memref<4x224xi32, #tpu.memory_space<vmem>> -> memref<1x200xi32, #tpu.memory_space<vmem>>
        %dma_start3A_694 = tpu.memref_squeeze %dma_start3A_693 : memref<1x200xi32, #tpu.memory_space<vmem>> -> memref<200xi32, #tpu.memory_space<vmem>>
        %dma_start3A_695 = arith.constant 0 : i32
        %dma_start3A_696 = tpu.memref_slice %arg4[%add3A_671, %dma_start3A_695] : memref<4096x200xi32, #tpu.memory_space<hbm>> -> memref<1x200xi32, #tpu.memory_space<hbm>>
        %dma_start3A_697 = tpu.memref_squeeze %dma_start3A_696 : memref<1x200xi32, #tpu.memory_space<hbm>> -> memref<200xi32, #tpu.memory_space<hbm>>
        tpu.enqueue_dma source(%dma_start3A_697 : memref<200xi32, #tpu.memory_space<hbm>>) target(%dma_start3A_694 : memref<200xi32, #tpu.memory_space<vmem>>) target_semaphore(%arg17 : memref<!tpu.dma_semaphore, #tpu.memory_space<semaphore_mem>>)
      } else {
      }
      %ge3A = arith.constant 4 : i32
      %ge3A_373 = arith.cmpi sge, %add3A_330, %ge3A : i32
      %convert_element_type3A_374 = arith.extui %ge3A_373 : i1 to i32
      %cond3A_375 = arith.constant 0 : i32
      %cond3A_376 = arith.cmpi ne, %convert_element_type3A_374, %cond3A_375 : i32
      scf.if %cond3A_376 {
        %dma_wait3A_669 = arith.constant 0 : i32
        %dma_wait3A_670 = arith.constant 0 : i32
        %dma_wait3A_671 = tpu.memref_slice %arg12[%dma_wait3A_669, %dma_wait3A_670] : memref<4x224xf32, #tpu.memory_space<vmem>> -> memref<1x224xf32, #tpu.memory_space<vmem>>
        %dma_wait3A_672 = tpu.memref_squeeze %dma_wait3A_671 : memref<1x224xf32, #tpu.memory_space<vmem>> -> memref<224xf32, #tpu.memory_space<vmem>>
        %dma_wait3A_673 = arith.constant 0 : i32
        %dma_wait3A_674 = tpu.memref_slice %arg7[%dma_wait3A_673] : memref<917504xf32, #tpu.memory_space<hbm>> -> memref<224xf32, #tpu.memory_space<hbm>>
        %dma_wait3A_675 = arith.constant 0 : i32
        %dma_wait3A_676 = tpu.memref_slice %arg12[%dma_wait3A_669, %dma_wait3A_675] : memref<4x224xf32, #tpu.memory_space<vmem>> -> memref<1x224xf32, #tpu.memory_space<vmem>>
        %dma_wait3A_677 = tpu.memref_squeeze %dma_wait3A_676 : memref<1x224xf32, #tpu.memory_space<vmem>> -> memref<224xf32, #tpu.memory_space<vmem>>
        %dma_wait3A_678 = arith.constant 0 : i32
        %dma_wait3A_679 = tpu.memref_slice %arg7[%dma_wait3A_678] : memref<917504xf32, #tpu.memory_space<hbm>> -> memref<224xf32, #tpu.memory_space<hbm>>
        tpu.wait_dma2 semaphore(%arg21 : memref<!tpu.dma_semaphore, #tpu.memory_space<semaphore_mem>>) src(%dma_wait3A_679 : memref<224xf32, #tpu.memory_space<hbm>>) dst(%dma_wait3A_677 : memref<224xf32, #tpu.memory_space<vmem>>)
      } else {
      }
      %get3A = arith.index_cast %add3A_330 : i32 to index
      %get3A_377 = arith.constant 0 : index
      %get3A_378 = tpu.vector_load %arg9[%get3A, %get3A_377] {strides = array<i32>} : memref<128x128xf32, #tpu.memory_space<vmem>>, vector<16xf32>,
      %get3A_379 = arith.index_cast %add3A_330 : i32 to index
      %get3A_380 = arith.constant 16 : index
      %get3A_381 = tpu.vector_load %arg9[%get3A_379, %get3A_380] {strides = array<i32>} : memref<128x128xf32, #tpu.memory_space<vmem>>, vector<16xf32>,
      %get3A_382 = arith.index_cast %add3A_330 : i32 to index
      %get3A_383 = arith.constant 32 : index
      %get3A_384 = tpu.vector_load %arg9[%get3A_382, %get3A_383] {strides = array<i32>} : memref<128x128xf32, #tpu.memory_space<vmem>>, vector<16xf32>,
      %get3A_385 = arith.index_cast %add3A_330 : i32 to index
      %get3A_386 = arith.constant 48 : index
      %get3A_387 = tpu.vector_load %arg9[%get3A_385, %get3A_386] {strides = array<i32>} : memref<128x128xf32, #tpu.memory_space<vmem>>, vector<16xf32>,
      %scan3A_388 = arith.constant 0 : i32
      %scan3A_389 = arith.constant 0 : i32
      %scan3A_390 = arith.constant 14 : i32
      %scan3A_391 = arith.addi %scan3A_389, %scan3A_390 : i32
      %scan3A_392 = arith.constant 1 : i32
      scf.for %scan3A_669 = %scan3A_389 to %scan3A_391 step %scan3A_392  : i32 {
        %mul3A_670 = arith.constant 16 : i32
        %mul3A_671 = arith.muli %scan3A_669, %mul3A_670 : i32
        %broadcast_in_dim3A = arith.constant 0.000000e+00 : f32
        %broadcast_in_dim3A_672 = vector.broadcast %broadcast_in_dim3A : f32 to vector<16xf32>
        %add3A_673 = arith.constant 0 : i32
        %add3A_674 = arith.addi %mul3A_671, %add3A_673 : i32
        %get3A_675 = arith.constant 0 : i32
        %get3A_676 = arith.index_cast %get3A_675 : i32 to index
        %get3A_677 = arith.index_cast %add3A_674 : i32 to index
        %get3A_678 = arith.constant 0 : index
        %get3A_679 = tpu.vector_load %arg11[%get3A_676, %get3A_677, %get3A_678] {strides = array<i32>} : memref<4x224x64xf32, #tpu.memory_space<vmem>>, vector<16xf32>,
        %mul3A_680 = arith.mulf %get3A_679, %get3A_378 : vector<16xf32>
        %get3A_681 = arith.constant 0 : i32
        %get3A_682 = arith.index_cast %get3A_681 : i32 to index
        %get3A_683 = arith.index_cast %add3A_674 : i32 to index
        %get3A_684 = arith.constant 16 : index
        %get3A_685 = tpu.vector_load %arg11[%get3A_682, %get3A_683, %get3A_684] {strides = array<i32>} : memref<4x224x64xf32, #tpu.memory_space<vmem>>, vector<16xf32>,
        %mul3A_686 = arith.mulf %get3A_685, %get3A_381 : vector<16xf32>
        %add3A_687 = arith.addf %mul3A_680, %mul3A_686 : vector<16xf32>
        %get3A_688 = arith.constant 0 : i32
        %get3A_689 = arith.index_cast %get3A_688 : i32 to index
        %get3A_690 = arith.index_cast %add3A_674 : i32 to index
        %get3A_691 = arith.constant 32 : index
        %get3A_692 = tpu.vector_load %arg11[%get3A_689, %get3A_690, %get3A_691] {strides = array<i32>} : memref<4x224x64xf32, #tpu.memory_space<vmem>>, vector<16xf32>,
        %mul3A_693 = arith.mulf %get3A_692, %get3A_384 : vector<16xf32>
        %get3A_694 = arith.constant 0 : i32
        %get3A_695 = arith.index_cast %get3A_694 : i32 to index
        %get3A_696 = arith.index_cast %add3A_674 : i32 to index
        %get3A_697 = arith.constant 48 : index
        %get3A_698 = tpu.vector_load %arg11[%get3A_695, %get3A_696, %get3A_697] {strides = array<i32>} : memref<4x224x64xf32, #tpu.memory_space<vmem>>, vector<16xf32>,
        %mul3A_699 = arith.mulf %get3A_698, %get3A_387 : vector<16xf32>
        %add3A_700 = arith.addf %mul3A_693, %mul3A_699 : vector<16xf32>
        %add3A_701 = arith.addf %add3A_687, %add3A_700 : vector<16xf32>
        %reduce_sum3A = arith.constant true
        %reduce_sum3A_702 = vector.broadcast %reduce_sum3A : i1 to vector<16xi1>
        %reduce_sum3A_703 = tpu.scan <sum>, %add3A_701 masked %reduce_sum3A_702 : vector<16xf32>, vector<16xi1> -> vector<16xf32>
        %reduce_sum3A_704 = vector.extract %reduce_sum3A_703[15] : f32 from vector<16xf32>
        %eq3A = arith.constant 0 : i32
        %eq3A_705 = vector.broadcast %eq3A : i32 to vector<16xi32>
        %eq3A_706 = arith.cmpi eq, %iota3A, %eq3A_705 : vector<16xi32>
        %broadcast_in_dim3A_707 = vector.broadcast %reduce_sum3A_704 : f32 to vector<16xf32>
        %select_n3A = arith.select %eq3A_706, %broadcast_in_dim3A_707, %broadcast_in_dim3A_672 : vector<16xi1>, vector<16xf32>
        %add3A_708 = arith.constant 1 : i32
        %add3A_709 = arith.addi %mul3A_671, %add3A_708 : i32
        %get3A_710 = arith.constant 0 : i32
        %get3A_711 = arith.index_cast %get3A_710 : i32 to index
        %get3A_712 = arith.index_cast %add3A_709 : i32 to index
        %get3A_713 = arith.constant 0 : index
        %get3A_714 = tpu.vector_load %arg11[%get3A_711, %get3A_712, %get3A_713] {strides = array<i32>} : memref<4x224x64xf32, #tpu.memory_space<vmem>>, vector<16xf32>,
        %mul3A_715 = arith.mulf %get3A_714, %get3A_378 : vector<16xf32>
        %get3A_716 = arith.constant 0 : i32
        %get3A_717 = arith.index_cast %get3A_716 : i32 to index
        %get3A_718 = arith.index_cast %add3A_709 : i32 to index
        %get3A_719 = arith.constant 16 : index
        %get3A_720 = tpu.vector_load %arg11[%get3A_717, %get3A_718, %get3A_719] {strides = array<i32>} : memref<4x224x64xf32, #tpu.memory_space<vmem>>, vector<16xf32>,
        %mul3A_721 = arith.mulf %get3A_720, %get3A_381 : vector<16xf32>
        %add3A_722 = arith.addf %mul3A_715, %mul3A_721 : vector<16xf32>
        %get3A_723 = arith.constant 0 : i32
        %get3A_724 = arith.index_cast %get3A_723 : i32 to index
        %get3A_725 = arith.index_cast %add3A_709 : i32 to index
        %get3A_726 = arith.constant 32 : index
        %get3A_727 = tpu.vector_load %arg11[%get3A_724, %get3A_725, %get3A_726] {strides = array<i32>} : memref<4x224x64xf32, #tpu.memory_space<vmem>>, vector<16xf32>,
        %mul3A_728 = arith.mulf %get3A_727, %get3A_384 : vector<16xf32>
        %get3A_729 = arith.constant 0 : i32
        %get3A_730 = arith.index_cast %get3A_729 : i32 to index
        %get3A_731 = arith.index_cast %add3A_709 : i32 to index
        %get3A_732 = arith.constant 48 : index
        %get3A_733 = tpu.vector_load %arg11[%get3A_730, %get3A_731, %get3A_732] {strides = array<i32>} : memref<4x224x64xf32, #tpu.memory_space<vmem>>, vector<16xf32>,
        %mul3A_734 = arith.mulf %get3A_733, %get3A_387 : vector<16xf32>
        %add3A_735 = arith.addf %mul3A_728, %mul3A_734 : vector<16xf32>
        %add3A_736 = arith.addf %add3A_722, %add3A_735 : vector<16xf32>
        %reduce_sum3A_737 = arith.constant true
        %reduce_sum3A_738 = vector.broadcast %reduce_sum3A_737 : i1 to vector<16xi1>
        %reduce_sum3A_739 = tpu.scan <sum>, %add3A_736 masked %reduce_sum3A_738 : vector<16xf32>, vector<16xi1> -> vector<16xf32>
        %reduce_sum3A_740 = vector.extract %reduce_sum3A_739[15] : f32 from vector<16xf32>
        %eq3A_741 = arith.constant 1 : i32
        %eq3A_742 = vector.broadcast %eq3A_741 : i32 to vector<16xi32>
        %eq3A_743 = arith.cmpi eq, %iota3A, %eq3A_742 : vector<16xi32>
        %broadcast_in_dim3A_744 = vector.broadcast %reduce_sum3A_740 : f32 to vector<16xf32>
        %select_n3A_745 = arith.select %eq3A_743, %broadcast_in_dim3A_744, %select_n3A : vector<16xi1>, vector<16xf32>
        %add3A_746 = arith.constant 2 : i32
        %add3A_747 = arith.addi %mul3A_671, %add3A_746 : i32
        %get3A_748 = arith.constant 0 : i32
        %get3A_749 = arith.index_cast %get3A_748 : i32 to index
        %get3A_750 = arith.index_cast %add3A_747 : i32 to index
        %get3A_751 = arith.constant 0 : index
        %get3A_752 = tpu.vector_load %arg11[%get3A_749, %get3A_750, %get3A_751] {strides = array<i32>} : memref<4x224x64xf32, #tpu.memory_space<vmem>>, vector<16xf32>,
        %mul3A_753 = arith.mulf %get3A_752, %get3A_378 : vector<16xf32>
        %get3A_754 = arith.constant 0 : i32
        %get3A_755 = arith.index_cast %get3A_754 : i32 to index
        %get3A_756 = arith.index_cast %add3A_747 : i32 to index
        %get3A_757 = arith.constant 16 : index
        %get3A_758 = tpu.vector_load %arg11[%get3A_755, %get3A_756, %get3A_757] {strides = array<i32>} : memref<4x224x64xf32, #tpu.memory_space<vmem>>, vector<16xf32>,
        %mul3A_759 = arith.mulf %get3A_758, %get3A_381 : vector<16xf32>
        %add3A_760 = arith.addf %mul3A_753, %mul3A_759 : vector<16xf32>
        %get3A_761 = arith.constant 0 : i32
        %get3A_762 = arith.index_cast %get3A_761 : i32 to index
        %get3A_763 = arith.index_cast %add3A_747 : i32 to index
        %get3A_764 = arith.constant 32 : index
        %get3A_765 = tpu.vector_load %arg11[%get3A_762, %get3A_763, %get3A_764] {strides = array<i32>} : memref<4x224x64xf32, #tpu.memory_space<vmem>>, vector<16xf32>,
        %mul3A_766 = arith.mulf %get3A_765, %get3A_384 : vector<16xf32>
        %get3A_767 = arith.constant 0 : i32
        %get3A_768 = arith.index_cast %get3A_767 : i32 to index
        %get3A_769 = arith.index_cast %add3A_747 : i32 to index
        %get3A_770 = arith.constant 48 : index
        %get3A_771 = tpu.vector_load %arg11[%get3A_768, %get3A_769, %get3A_770] {strides = array<i32>} : memref<4x224x64xf32, #tpu.memory_space<vmem>>, vector<16xf32>,
        %mul3A_772 = arith.mulf %get3A_771, %get3A_387 : vector<16xf32>
        %add3A_773 = arith.addf %mul3A_766, %mul3A_772 : vector<16xf32>
        %add3A_774 = arith.addf %add3A_760, %add3A_773 : vector<16xf32>
        %reduce_sum3A_775 = arith.constant true
        %reduce_sum3A_776 = vector.broadcast %reduce_sum3A_775 : i1 to vector<16xi1>
        %reduce_sum3A_777 = tpu.scan <sum>, %add3A_774 masked %reduce_sum3A_776 : vector<16xf32>, vector<16xi1> -> vector<16xf32>
        %reduce_sum3A_778 = vector.extract %reduce_sum3A_777[15] : f32 from vector<16xf32>
        %eq3A_779 = arith.constant 2 : i32
        %eq3A_780 = vector.broadcast %eq3A_779 : i32 to vector<16xi32>
        %eq3A_781 = arith.cmpi eq, %iota3A, %eq3A_780 : vector<16xi32>
        %broadcast_in_dim3A_782 = vector.broadcast %reduce_sum3A_778 : f32 to vector<16xf32>
        %select_n3A_783 = arith.select %eq3A_781, %broadcast_in_dim3A_782, %select_n3A_745 : vector<16xi1>, vector<16xf32>
        %add3A_784 = arith.constant 3 : i32
        %add3A_785 = arith.addi %mul3A_671, %add3A_784 : i32
        %get3A_786 = arith.constant 0 : i32
        %get3A_787 = arith.index_cast %get3A_786 : i32 to index
        %get3A_788 = arith.index_cast %add3A_785 : i32 to index
        %get3A_789 = arith.constant 0 : index
        %get3A_790 = tpu.vector_load %arg11[%get3A_787, %get3A_788, %get3A_789] {strides = array<i32>} : memref<4x224x64xf32, #tpu.memory_space<vmem>>, vector<16xf32>,
        %mul3A_791 = arith.mulf %get3A_790, %get3A_378 : vector<16xf32>
        %get3A_792 = arith.constant 0 : i32
        %get3A_793 = arith.index_cast %get3A_792 : i32 to index
        %get3A_794 = arith.index_cast %add3A_785 : i32 to index
        %get3A_795 = arith.constant 16 : index
        %get3A_796 = tpu.vector_load %arg11[%get3A_793, %get3A_794, %get3A_795] {strides = array<i32>} : memref<4x224x64xf32, #tpu.memory_space<vmem>>, vector<16xf32>,
        %mul3A_797 = arith.mulf %get3A_796, %get3A_381 : vector<16xf32>
        %add3A_798 = arith.addf %mul3A_791, %mul3A_797 : vector<16xf32>
        %get3A_799 = arith.constant 0 : i32
        %get3A_800 = arith.index_cast %get3A_799 : i32 to index
        %get3A_801 = arith.index_cast %add3A_785 : i32 to index
        %get3A_802 = arith.constant 32 : index
        %get3A_803 = tpu.vector_load %arg11[%get3A_800, %get3A_801, %get3A_802] {strides = array<i32>} : memref<4x224x64xf32, #tpu.memory_space<vmem>>, vector<16xf32>,
        %mul3A_804 = arith.mulf %get3A_803, %get3A_384 : vector<16xf32>
        %get3A_805 = arith.constant 0 : i32
        %get3A_806 = arith.index_cast %get3A_805 : i32 to index
        %get3A_807 = arith.index_cast %add3A_785 : i32 to index
        %get3A_808 = arith.constant 48 : index
        %get3A_809 = tpu.vector_load %arg11[%get3A_806, %get3A_807, %get3A_808] {strides = array<i32>} : memref<4x224x64xf32, #tpu.memory_space<vmem>>, vector<16xf32>,
        %mul3A_810 = arith.mulf %get3A_809, %get3A_387 : vector<16xf32>
        %add3A_811 = arith.addf %mul3A_804, %mul3A_810 : vector<16xf32>
        %add3A_812 = arith.addf %add3A_798, %add3A_811 : vector<16xf32>
        %reduce_sum3A_813 = arith.constant true
        %reduce_sum3A_814 = vector.broadcast %reduce_sum3A_813 : i1 to vector<16xi1>
        %reduce_sum3A_815 = tpu.scan <sum>, %add3A_812 masked %reduce_sum3A_814 : vector<16xf32>, vector<16xi1> -> vector<16xf32>
        %reduce_sum3A_816 = vector.extract %reduce_sum3A_815[15] : f32 from vector<16xf32>
        %eq3A_817 = arith.constant 3 : i32
        %eq3A_818 = vector.broadcast %eq3A_817 : i32 to vector<16xi32>
        %eq3A_819 = arith.cmpi eq, %iota3A, %eq3A_818 : vector<16xi32>
        %broadcast_in_dim3A_820 = vector.broadcast %reduce_sum3A_816 : f32 to vector<16xf32>
        %select_n3A_821 = arith.select %eq3A_819, %broadcast_in_dim3A_820, %select_n3A_783 : vector<16xi1>, vector<16xf32>
        %add3A_822 = arith.constant 4 : i32
        %add3A_823 = arith.addi %mul3A_671, %add3A_822 : i32
        %get3A_824 = arith.constant 0 : i32
        %get3A_825 = arith.index_cast %get3A_824 : i32 to index
        %get3A_826 = arith.index_cast %add3A_823 : i32 to index
        %get3A_827 = arith.constant 0 : index
        %get3A_828 = tpu.vector_load %arg11[%get3A_825, %get3A_826, %get3A_827] {strides = array<i32>} : memref<4x224x64xf32, #tpu.memory_space<vmem>>, vector<16xf32>,
        %mul3A_829 = arith.mulf %get3A_828, %get3A_378 : vector<16xf32>
        %get3A_830 = arith.constant 0 : i32
        %get3A_831 = arith.index_cast %get3A_830 : i32 to index
        %get3A_832 = arith.index_cast %add3A_823 : i32 to index
        %get3A_833 = arith.constant 16 : index
        %get3A_834 = tpu.vector_load %arg11[%get3A_831, %get3A_832, %get3A_833] {strides = array<i32>} : memref<4x224x64xf32, #tpu.memory_space<vmem>>, vector<16xf32>,
        %mul3A_835 = arith.mulf %get3A_834, %get3A_381 : vector<16xf32>
        %add3A_836 = arith.addf %mul3A_829, %mul3A_835 : vector<16xf32>
        %get3A_837 = arith.constant 0 : i32
        %get3A_838 = arith.index_cast %get3A_837 : i32 to index
        %get3A_839 = arith.index_cast %add3A_823 : i32 to index
        %get3A_840 = arith.constant 32 : index
        %get3A_841 = tpu.vector_load %arg11[%get3A_838, %get3A_839, %get3A_840] {strides = array<i32>} : memref<4x224x64xf32, #tpu.memory_space<vmem>>, vector<16xf32>,
        %mul3A_842 = arith.mulf %get3A_841, %get3A_384 : vector<16xf32>
        %get3A_843 = arith.constant 0 : i32
        %get3A_844 = arith.index_cast %get3A_843 : i32 to index
        %get3A_845 = arith.index_cast %add3A_823 : i32 to index
        %get3A_846 = arith.constant 48 : index
        %get3A_847 = tpu.vector_load %arg11[%get3A_844, %get3A_845, %get3A_846] {strides = array<i32>} : memref<4x224x64xf32, #tpu.memory_space<vmem>>, vector<16xf32>,
        %mul3A_848 = arith.mulf %get3A_847, %get3A_387 : vector<16xf32>
        %add3A_849 = arith.addf %mul3A_842, %mul3A_848 : vector<16xf32>
        %add3A_850 = arith.addf %add3A_836, %add3A_849 : vector<16xf32>
        %reduce_sum3A_851 = arith.constant true
        %reduce_sum3A_852 = vector.broadcast %reduce_sum3A_851 : i1 to vector<16xi1>
        %reduce_sum3A_853 = tpu.scan <sum>, %add3A_850 masked %reduce_sum3A_852 : vector<16xf32>, vector<16xi1> -> vector<16xf32>
        %reduce_sum3A_854 = vector.extract %reduce_sum3A_853[15] : f32 from vector<16xf32>
        %eq3A_855 = arith.constant 4 : i32
        %eq3A_856 = vector.broadcast %eq3A_855 : i32 to vector<16xi32>
        %eq3A_857 = arith.cmpi eq, %iota3A, %eq3A_856 : vector<16xi32>
        %broadcast_in_dim3A_858 = vector.broadcast %reduce_sum3A_854 : f32 to vector<16xf32>
        %select_n3A_859 = arith.select %eq3A_857, %broadcast_in_dim3A_858, %select_n3A_821 : vector<16xi1>, vector<16xf32>
        %add3A_860 = arith.constant 5 : i32
        %add3A_861 = arith.addi %mul3A_671, %add3A_860 : i32
        %get3A_862 = arith.constant 0 : i32
        %get3A_863 = arith.index_cast %get3A_862 : i32 to index
        %get3A_864 = arith.index_cast %add3A_861 : i32 to index
        %get3A_865 = arith.constant 0 : index
        %get3A_866 = tpu.vector_load %arg11[%get3A_863, %get3A_864, %get3A_865] {strides = array<i32>} : memref<4x224x64xf32, #tpu.memory_space<vmem>>, vector<16xf32>,
        %mul3A_867 = arith.mulf %get3A_866, %get3A_378 : vector<16xf32>
        %get3A_868 = arith.constant 0 : i32
        %get3A_869 = arith.index_cast %get3A_868 : i32 to index
        %get3A_870 = arith.index_cast %add3A_861 : i32 to index
        %get3A_871 = arith.constant 16 : index
        %get3A_872 = tpu.vector_load %arg11[%get3A_869, %get3A_870, %get3A_871] {strides = array<i32>} : memref<4x224x64xf32, #tpu.memory_space<vmem>>, vector<16xf32>,
        %mul3A_873 = arith.mulf %get3A_872, %get3A_381 : vector<16xf32>
        %add3A_874 = arith.addf %mul3A_867, %mul3A_873 : vector<16xf32>
        %get3A_875 = arith.constant 0 : i32
        %get3A_876 = arith.index_cast %get3A_875 : i32 to index
        %get3A_877 = arith.index_cast %add3A_861 : i32 to index
        %get3A_878 = arith.constant 32 : index
        %get3A_879 = tpu.vector_load %arg11[%get3A_876, %get3A_877, %get3A_878] {strides = array<i32>} : memref<4x224x64xf32, #tpu.memory_space<vmem>>, vector<16xf32>,
        %mul3A_880 = arith.mulf %get3A_879, %get3A_384 : vector<16xf32>
        %get3A_881 = arith.constant 0 : i32
        %get3A_882 = arith.index_cast %get3A_881 : i32 to index
        %get3A_883 = arith.index_cast %add3A_861 : i32 to index
        %get3A_884 = arith.constant 48 : index
        %get3A_885 = tpu.vector_load %arg11[%get3A_882, %get3A_883, %get3A_884] {strides = array<i32>} : memref<4x224x64xf32, #tpu.memory_space<vmem>>, vector<16xf32>,
        %mul3A_886 = arith.mulf %get3A_885, %get3A_387 : vector<16xf32>
        %add3A_887 = arith.addf %mul3A_880, %mul3A_886 : vector<16xf32>
        %add3A_888 = arith.addf %add3A_874, %add3A_887 : vector<16xf32>
        %reduce_sum3A_889 = arith.constant true
        %reduce_sum3A_890 = vector.broadcast %reduce_sum3A_889 : i1 to vector<16xi1>
        %reduce_sum3A_891 = tpu.scan <sum>, %add3A_888 masked %reduce_sum3A_890 : vector<16xf32>, vector<16xi1> -> vector<16xf32>
        %reduce_sum3A_892 = vector.extract %reduce_sum3A_891[15] : f32 from vector<16xf32>
        %eq3A_893 = arith.constant 5 : i32
        %eq3A_894 = vector.broadcast %eq3A_893 : i32 to vector<16xi32>
        %eq3A_895 = arith.cmpi eq, %iota3A, %eq3A_894 : vector<16xi32>
        %broadcast_in_dim3A_896 = vector.broadcast %reduce_sum3A_892 : f32 to vector<16xf32>
        %select_n3A_897 = arith.select %eq3A_895, %broadcast_in_dim3A_896, %select_n3A_859 : vector<16xi1>, vector<16xf32>
        %add3A_898 = arith.constant 6 : i32
        %add3A_899 = arith.addi %mul3A_671, %add3A_898 : i32
        %get3A_900 = arith.constant 0 : i32
        %get3A_901 = arith.index_cast %get3A_900 : i32 to index
        %get3A_902 = arith.index_cast %add3A_899 : i32 to index
        %get3A_903 = arith.constant 0 : index
        %get3A_904 = tpu.vector_load %arg11[%get3A_901, %get3A_902, %get3A_903] {strides = array<i32>} : memref<4x224x64xf32, #tpu.memory_space<vmem>>, vector<16xf32>,
        %mul3A_905 = arith.mulf %get3A_904, %get3A_378 : vector<16xf32>
        %get3A_906 = arith.constant 0 : i32
        %get3A_907 = arith.index_cast %get3A_906 : i32 to index
        %get3A_908 = arith.index_cast %add3A_899 : i32 to index
        %get3A_909 = arith.constant 16 : index
        %get3A_910 = tpu.vector_load %arg11[%get3A_907, %get3A_908, %get3A_909] {strides = array<i32>} : memref<4x224x64xf32, #tpu.memory_space<vmem>>, vector<16xf32>,
        %mul3A_911 = arith.mulf %get3A_910, %get3A_381 : vector<16xf32>
        %add3A_912 = arith.addf %mul3A_905, %mul3A_911 : vector<16xf32>
        %get3A_913 = arith.constant 0 : i32
        %get3A_914 = arith.index_cast %get3A_913 : i32 to index
        %get3A_915 = arith.index_cast %add3A_899 : i32 to index
        %get3A_916 = arith.constant 32 : index
        %get3A_917 = tpu.vector_load %arg11[%get3A_914, %get3A_915, %get3A_916] {strides = array<i32>} : memref<4x224x64xf32, #tpu.memory_space<vmem>>, vector<16xf32>,
        %mul3A_918 = arith.mulf %get3A_917, %get3A_384 : vector<16xf32>
        %get3A_919 = arith.constant 0 : i32
        %get3A_920 = arith.index_cast %get3A_919 : i32 to index
        %get3A_921 = arith.index_cast %add3A_899 : i32 to index
        %get3A_922 = arith.constant 48 : index
        %get3A_923 = tpu.vector_load %arg11[%get3A_920, %get3A_921, %get3A_922] {strides = array<i32>} : memref<4x224x64xf32, #tpu.memory_space<vmem>>, vector<16xf32>,
        %mul3A_924 = arith.mulf %get3A_923, %get3A_387 : vector<16xf32>
        %add3A_925 = arith.addf %mul3A_918, %mul3A_924 : vector<16xf32>
        %add3A_926 = arith.addf %add3A_912, %add3A_925 : vector<16xf32>
        %reduce_sum3A_927 = arith.constant true
        %reduce_sum3A_928 = vector.broadcast %reduce_sum3A_927 : i1 to vector<16xi1>
        %reduce_sum3A_929 = tpu.scan <sum>, %add3A_926 masked %reduce_sum3A_928 : vector<16xf32>, vector<16xi1> -> vector<16xf32>
        %reduce_sum3A_930 = vector.extract %reduce_sum3A_929[15] : f32 from vector<16xf32>
        %eq3A_931 = arith.constant 6 : i32
        %eq3A_932 = vector.broadcast %eq3A_931 : i32 to vector<16xi32>
        %eq3A_933 = arith.cmpi eq, %iota3A, %eq3A_932 : vector<16xi32>
        %broadcast_in_dim3A_934 = vector.broadcast %reduce_sum3A_930 : f32 to vector<16xf32>
        %select_n3A_935 = arith.select %eq3A_933, %broadcast_in_dim3A_934, %select_n3A_897 : vector<16xi1>, vector<16xf32>
        %add3A_936 = arith.constant 7 : i32
        %add3A_937 = arith.addi %mul3A_671, %add3A_936 : i32
        %get3A_938 = arith.constant 0 : i32
        %get3A_939 = arith.index_cast %get3A_938 : i32 to index
        %get3A_940 = arith.index_cast %add3A_937 : i32 to index
        %get3A_941 = arith.constant 0 : index
        %get3A_942 = tpu.vector_load %arg11[%get3A_939, %get3A_940, %get3A_941] {strides = array<i32>} : memref<4x224x64xf32, #tpu.memory_space<vmem>>, vector<16xf32>,
        %mul3A_943 = arith.mulf %get3A_942, %get3A_378 : vector<16xf32>
        %get3A_944 = arith.constant 0 : i32
        %get3A_945 = arith.index_cast %get3A_944 : i32 to index
        %get3A_946 = arith.index_cast %add3A_937 : i32 to index
        %get3A_947 = arith.constant 16 : index
        %get3A_948 = tpu.vector_load %arg11[%get3A_945, %get3A_946, %get3A_947] {strides = array<i32>} : memref<4x224x64xf32, #tpu.memory_space<vmem>>, vector<16xf32>,
        %mul3A_949 = arith.mulf %get3A_948, %get3A_381 : vector<16xf32>
        %add3A_950 = arith.addf %mul3A_943, %mul3A_949 : vector<16xf32>
        %get3A_951 = arith.constant 0 : i32
        %get3A_952 = arith.index_cast %get3A_951 : i32 to index
        %get3A_953 = arith.index_cast %add3A_937 : i32 to index
        %get3A_954 = arith.constant 32 : index
        %get3A_955 = tpu.vector_load %arg11[%get3A_952, %get3A_953, %get3A_954] {strides = array<i32>} : memref<4x224x64xf32, #tpu.memory_space<vmem>>, vector<16xf32>,
        %mul3A_956 = arith.mulf %get3A_955, %get3A_384 : vector<16xf32>
        %get3A_957 = arith.constant 0 : i32
        %get3A_958 = arith.index_cast %get3A_957 : i32 to index
        %get3A_959 = arith.index_cast %add3A_937 : i32 to index
        %get3A_960 = arith.constant 48 : index
        %get3A_961 = tpu.vector_load %arg11[%get3A_958, %get3A_959, %get3A_960] {strides = array<i32>} : memref<4x224x64xf32, #tpu.memory_space<vmem>>, vector<16xf32>,
        %mul3A_962 = arith.mulf %get3A_961, %get3A_387 : vector<16xf32>
        %add3A_963 = arith.addf %mul3A_956, %mul3A_962 : vector<16xf32>
        %add3A_964 = arith.addf %add3A_950, %add3A_963 : vector<16xf32>
        %reduce_sum3A_965 = arith.constant true
        %reduce_sum3A_966 = vector.broadcast %reduce_sum3A_965 : i1 to vector<16xi1>
        %reduce_sum3A_967 = tpu.scan <sum>, %add3A_964 masked %reduce_sum3A_966 : vector<16xf32>, vector<16xi1> -> vector<16xf32>
        %reduce_sum3A_968 = vector.extract %reduce_sum3A_967[15] : f32 from vector<16xf32>
        %eq3A_969 = arith.constant 7 : i32
        %eq3A_970 = vector.broadcast %eq3A_969 : i32 to vector<16xi32>
        %eq3A_971 = arith.cmpi eq, %iota3A, %eq3A_970 : vector<16xi32>
        %broadcast_in_dim3A_972 = vector.broadcast %reduce_sum3A_968 : f32 to vector<16xf32>
        %select_n3A_973 = arith.select %eq3A_971, %broadcast_in_dim3A_972, %select_n3A_935 : vector<16xi1>, vector<16xf32>
        %add3A_974 = arith.constant 8 : i32
        %add3A_975 = arith.addi %mul3A_671, %add3A_974 : i32
        %get3A_976 = arith.constant 0 : i32
        %get3A_977 = arith.index_cast %get3A_976 : i32 to index
        %get3A_978 = arith.index_cast %add3A_975 : i32 to index
        %get3A_979 = arith.constant 0 : index
        %get3A_980 = tpu.vector_load %arg11[%get3A_977, %get3A_978, %get3A_979] {strides = array<i32>} : memref<4x224x64xf32, #tpu.memory_space<vmem>>, vector<16xf32>,
        %mul3A_981 = arith.mulf %get3A_980, %get3A_378 : vector<16xf32>
        %get3A_982 = arith.constant 0 : i32
        %get3A_983 = arith.index_cast %get3A_982 : i32 to index
        %get3A_984 = arith.index_cast %add3A_975 : i32 to index
        %get3A_985 = arith.constant 16 : index
        %get3A_986 = tpu.vector_load %arg11[%get3A_983, %get3A_984, %get3A_985] {strides = array<i32>} : memref<4x224x64xf32, #tpu.memory_space<vmem>>, vector<16xf32>,
        %mul3A_987 = arith.mulf %get3A_986, %get3A_381 : vector<16xf32>
        %add3A_988 = arith.addf %mul3A_981, %mul3A_987 : vector<16xf32>
        %get3A_989 = arith.constant 0 : i32
        %get3A_990 = arith.index_cast %get3A_989 : i32 to index
        %get3A_991 = arith.index_cast %add3A_975 : i32 to index
        %get3A_992 = arith.constant 32 : index
        %get3A_993 = tpu.vector_load %arg11[%get3A_990, %get3A_991, %get3A_992] {strides = array<i32>} : memref<4x224x64xf32, #tpu.memory_space<vmem>>, vector<16xf32>,
        %mul3A_994 = arith.mulf %get3A_993, %get3A_384 : vector<16xf32>
        %get3A_995 = arith.constant 0 : i32
        %get3A_996 = arith.index_cast %get3A_995 : i32 to index
        %get3A_997 = arith.index_cast %add3A_975 : i32 to index
        %get3A_998 = arith.constant 48 : index
        %get3A_999 = tpu.vector_load %arg11[%get3A_996, %get3A_997, %get3A_998] {strides = array<i32>} : memref<4x224x64xf32, #tpu.memory_space<vmem>>, vector<16xf32>,
        %mul3A_1000 = arith.mulf %get3A_999, %get3A_387 : vector<16xf32>
        %add3A_1001 = arith.addf %mul3A_994, %mul3A_1000 : vector<16xf32>
        %add3A_1002 = arith.addf %add3A_988, %add3A_1001 : vector<16xf32>
        %reduce_sum3A_1003 = arith.constant true
        %reduce_sum3A_1004 = vector.broadcast %reduce_sum3A_1003 : i1 to vector<16xi1>
        %reduce_sum3A_1005 = tpu.scan <sum>, %add3A_1002 masked %reduce_sum3A_1004 : vector<16xf32>, vector<16xi1> -> vector<16xf32>
        %reduce_sum3A_1006 = vector.extract %reduce_sum3A_1005[15] : f32 from vector<16xf32>
        %eq3A_1007 = arith.constant 8 : i32
        %eq3A_1008 = vector.broadcast %eq3A_1007 : i32 to vector<16xi32>
        %eq3A_1009 = arith.cmpi eq, %iota3A, %eq3A_1008 : vector<16xi32>
        %broadcast_in_dim3A_1010 = vector.broadcast %reduce_sum3A_1006 : f32 to vector<16xf32>
        %select_n3A_1011 = arith.select %eq3A_1009, %broadcast_in_dim3A_1010, %select_n3A_973 : vector<16xi1>, vector<16xf32>
        %add3A_1012 = arith.constant 9 : i32
        %add3A_1013 = arith.addi %mul3A_671, %add3A_1012 : i32
        %get3A_1014 = arith.constant 0 : i32
        %get3A_1015 = arith.index_cast %get3A_1014 : i32 to index
        %get3A_1016 = arith.index_cast %add3A_1013 : i32 to index
        %get3A_1017 = arith.constant 0 : index
        %get3A_1018 = tpu.vector_load %arg11[%get3A_1015, %get3A_1016, %get3A_1017] {strides = array<i32>} : memref<4x224x64xf32, #tpu.memory_space<vmem>>, vector<16xf32>,
        %mul3A_1019 = arith.mulf %get3A_1018, %get3A_378 : vector<16xf32>
        %get3A_1020 = arith.constant 0 : i32
        %get3A_1021 = arith.index_cast %get3A_1020 : i32 to index
        %get3A_1022 = arith.index_cast %add3A_1013 : i32 to index
        %get3A_1023 = arith.constant 16 : index
        %get3A_1024 = tpu.vector_load %arg11[%get3A_1021, %get3A_1022, %get3A_1023] {strides = array<i32>} : memref<4x224x64xf32, #tpu.memory_space<vmem>>, vector<16xf32>,
        %mul3A_1025 = arith.mulf %get3A_1024, %get3A_381 : vector<16xf32>
        %add3A_1026 = arith.addf %mul3A_1019, %mul3A_1025 : vector<16xf32>
        %get3A_1027 = arith.constant 0 : i32
        %get3A_1028 = arith.index_cast %get3A_1027 : i32 to index
        %get3A_1029 = arith.index_cast %add3A_1013 : i32 to index
        %get3A_1030 = arith.constant 32 : index
        %get3A_1031 = tpu.vector_load %arg11[%get3A_1028, %get3A_1029, %get3A_1030] {strides = array<i32>} : memref<4x224x64xf32, #tpu.memory_space<vmem>>, vector<16xf32>,
        %mul3A_1032 = arith.mulf %get3A_1031, %get3A_384 : vector<16xf32>
        %get3A_1033 = arith.constant 0 : i32
        %get3A_1034 = arith.index_cast %get3A_1033 : i32 to index
        %get3A_1035 = arith.index_cast %add3A_1013 : i32 to index
        %get3A_1036 = arith.constant 48 : index
        %get3A_1037 = tpu.vector_load %arg11[%get3A_1034, %get3A_1035, %get3A_1036] {strides = array<i32>} : memref<4x224x64xf32, #tpu.memory_space<vmem>>, vector<16xf32>,
        %mul3A_1038 = arith.mulf %get3A_1037, %get3A_387 : vector<16xf32>
        %add3A_1039 = arith.addf %mul3A_1032, %mul3A_1038 : vector<16xf32>
        %add3A_1040 = arith.addf %add3A_1026, %add3A_1039 : vector<16xf32>
        %reduce_sum3A_1041 = arith.constant true
        %reduce_sum3A_1042 = vector.broadcast %reduce_sum3A_1041 : i1 to vector<16xi1>
        %reduce_sum3A_1043 = tpu.scan <sum>, %add3A_1040 masked %reduce_sum3A_1042 : vector<16xf32>, vector<16xi1> -> vector<16xf32>
        %reduce_sum3A_1044 = vector.extract %reduce_sum3A_1043[15] : f32 from vector<16xf32>
        %eq3A_1045 = arith.constant 9 : i32
        %eq3A_1046 = vector.broadcast %eq3A_1045 : i32 to vector<16xi32>
        %eq3A_1047 = arith.cmpi eq, %iota3A, %eq3A_1046 : vector<16xi32>
        %broadcast_in_dim3A_1048 = vector.broadcast %reduce_sum3A_1044 : f32 to vector<16xf32>
        %select_n3A_1049 = arith.select %eq3A_1047, %broadcast_in_dim3A_1048, %select_n3A_1011 : vector<16xi1>, vector<16xf32>
        %add3A_1050 = arith.constant 10 : i32
        %add3A_1051 = arith.addi %mul3A_671, %add3A_1050 : i32
        %get3A_1052 = arith.constant 0 : i32
        %get3A_1053 = arith.index_cast %get3A_1052 : i32 to index
        %get3A_1054 = arith.index_cast %add3A_1051 : i32 to index
        %get3A_1055 = arith.constant 0 : index
        %get3A_1056 = tpu.vector_load %arg11[%get3A_1053, %get3A_1054, %get3A_1055] {strides = array<i32>} : memref<4x224x64xf32, #tpu.memory_space<vmem>>, vector<16xf32>,
        %mul3A_1057 = arith.mulf %get3A_1056, %get3A_378 : vector<16xf32>
        %get3A_1058 = arith.constant 0 : i32
        %get3A_1059 = arith.index_cast %get3A_1058 : i32 to index
        %get3A_1060 = arith.index_cast %add3A_1051 : i32 to index
        %get3A_1061 = arith.constant 16 : index
        %get3A_1062 = tpu.vector_load %arg11[%get3A_1059, %get3A_1060, %get3A_1061] {strides = array<i32>} : memref<4x224x64xf32, #tpu.memory_space<vmem>>, vector<16xf32>,
        %mul3A_1063 = arith.mulf %get3A_1062, %get3A_381 : vector<16xf32>
        %add3A_1064 = arith.addf %mul3A_1057, %mul3A_1063 : vector<16xf32>
        %get3A_1065 = arith.constant 0 : i32
        %get3A_1066 = arith.index_cast %get3A_1065 : i32 to index
        %get3A_1067 = arith.index_cast %add3A_1051 : i32 to index
        %get3A_1068 = arith.constant 32 : index
        %get3A_1069 = tpu.vector_load %arg11[%get3A_1066, %get3A_1067, %get3A_1068] {strides = array<i32>} : memref<4x224x64xf32, #tpu.memory_space<vmem>>, vector<16xf32>,
        %mul3A_1070 = arith.mulf %get3A_1069, %get3A_384 : vector<16xf32>
        %get3A_1071 = arith.constant 0 : i32
        %get3A_1072 = arith.index_cast %get3A_1071 : i32 to index
        %get3A_1073 = arith.index_cast %add3A_1051 : i32 to index
        %get3A_1074 = arith.constant 48 : index
        %get3A_1075 = tpu.vector_load %arg11[%get3A_1072, %get3A_1073, %get3A_1074] {strides = array<i32>} : memref<4x224x64xf32, #tpu.memory_space<vmem>>, vector<16xf32>,
        %mul3A_1076 = arith.mulf %get3A_1075, %get3A_387 : vector<16xf32>
        %add3A_1077 = arith.addf %mul3A_1070, %mul3A_1076 : vector<16xf32>
        %add3A_1078 = arith.addf %add3A_1064, %add3A_1077 : vector<16xf32>
        %reduce_sum3A_1079 = arith.constant true
        %reduce_sum3A_1080 = vector.broadcast %reduce_sum3A_1079 : i1 to vector<16xi1>
        %reduce_sum3A_1081 = tpu.scan <sum>, %add3A_1078 masked %reduce_sum3A_1080 : vector<16xf32>, vector<16xi1> -> vector<16xf32>
        %reduce_sum3A_1082 = vector.extract %reduce_sum3A_1081[15] : f32 from vector<16xf32>
        %eq3A_1083 = arith.constant 10 : i32
        %eq3A_1084 = vector.broadcast %eq3A_1083 : i32 to vector<16xi32>
        %eq3A_1085 = arith.cmpi eq, %iota3A, %eq3A_1084 : vector<16xi32>
        %broadcast_in_dim3A_1086 = vector.broadcast %reduce_sum3A_1082 : f32 to vector<16xf32>
        %select_n3A_1087 = arith.select %eq3A_1085, %broadcast_in_dim3A_1086, %select_n3A_1049 : vector<16xi1>, vector<16xf32>
        %add3A_1088 = arith.constant 11 : i32
        %add3A_1089 = arith.addi %mul3A_671, %add3A_1088 : i32
        %get3A_1090 = arith.constant 0 : i32
        %get3A_1091 = arith.index_cast %get3A_1090 : i32 to index
        %get3A_1092 = arith.index_cast %add3A_1089 : i32 to index
        %get3A_1093 = arith.constant 0 : index
        %get3A_1094 = tpu.vector_load %arg11[%get3A_1091, %get3A_1092, %get3A_1093] {strides = array<i32>} : memref<4x224x64xf32, #tpu.memory_space<vmem>>, vector<16xf32>,
        %mul3A_1095 = arith.mulf %get3A_1094, %get3A_378 : vector<16xf32>
        %get3A_1096 = arith.constant 0 : i32
        %get3A_1097 = arith.index_cast %get3A_1096 : i32 to index
        %get3A_1098 = arith.index_cast %add3A_1089 : i32 to index
        %get3A_1099 = arith.constant 16 : index
        %get3A_1100 = tpu.vector_load %arg11[%get3A_1097, %get3A_1098, %get3A_1099] {strides = array<i32>} : memref<4x224x64xf32, #tpu.memory_space<vmem>>, vector<16xf32>,
        %mul3A_1101 = arith.mulf %get3A_1100, %get3A_381 : vector<16xf32>
        %add3A_1102 = arith.addf %mul3A_1095, %mul3A_1101 : vector<16xf32>
        %get3A_1103 = arith.constant 0 : i32
        %get3A_1104 = arith.index_cast %get3A_1103 : i32 to index
        %get3A_1105 = arith.index_cast %add3A_1089 : i32 to index
        %get3A_1106 = arith.constant 32 : index
        %get3A_1107 = tpu.vector_load %arg11[%get3A_1104, %get3A_1105, %get3A_1106] {strides = array<i32>} : memref<4x224x64xf32, #tpu.memory_space<vmem>>, vector<16xf32>,
        %mul3A_1108 = arith.mulf %get3A_1107, %get3A_384 : vector<16xf32>
        %get3A_1109 = arith.constant 0 : i32
        %get3A_1110 = arith.index_cast %get3A_1109 : i32 to index
        %get3A_1111 = arith.index_cast %add3A_1089 : i32 to index
        %get3A_1112 = arith.constant 48 : index
        %get3A_1113 = tpu.vector_load %arg11[%get3A_1110, %get3A_1111, %get3A_1112] {strides = array<i32>} : memref<4x224x64xf32, #tpu.memory_space<vmem>>, vector<16xf32>,
        %mul3A_1114 = arith.mulf %get3A_1113, %get3A_387 : vector<16xf32>
        %add3A_1115 = arith.addf %mul3A_1108, %mul3A_1114 : vector<16xf32>
        %add3A_1116 = arith.addf %add3A_1102, %add3A_1115 : vector<16xf32>
        %reduce_sum3A_1117 = arith.constant true
        %reduce_sum3A_1118 = vector.broadcast %reduce_sum3A_1117 : i1 to vector<16xi1>
        %reduce_sum3A_1119 = tpu.scan <sum>, %add3A_1116 masked %reduce_sum3A_1118 : vector<16xf32>, vector<16xi1> -> vector<16xf32>
        %reduce_sum3A_1120 = vector.extract %reduce_sum3A_1119[15] : f32 from vector<16xf32>
        %eq3A_1121 = arith.constant 11 : i32
        %eq3A_1122 = vector.broadcast %eq3A_1121 : i32 to vector<16xi32>
        %eq3A_1123 = arith.cmpi eq, %iota3A, %eq3A_1122 : vector<16xi32>
        %broadcast_in_dim3A_1124 = vector.broadcast %reduce_sum3A_1120 : f32 to vector<16xf32>
        %select_n3A_1125 = arith.select %eq3A_1123, %broadcast_in_dim3A_1124, %select_n3A_1087 : vector<16xi1>, vector<16xf32>
        %add3A_1126 = arith.constant 12 : i32
        %add3A_1127 = arith.addi %mul3A_671, %add3A_1126 : i32
        %get3A_1128 = arith.constant 0 : i32
        %get3A_1129 = arith.index_cast %get3A_1128 : i32 to index
        %get3A_1130 = arith.index_cast %add3A_1127 : i32 to index
        %get3A_1131 = arith.constant 0 : index
        %get3A_1132 = tpu.vector_load %arg11[%get3A_1129, %get3A_1130, %get3A_1131] {strides = array<i32>} : memref<4x224x64xf32, #tpu.memory_space<vmem>>, vector<16xf32>,
        %mul3A_1133 = arith.mulf %get3A_1132, %get3A_378 : vector<16xf32>
        %get3A_1134 = arith.constant 0 : i32
        %get3A_1135 = arith.index_cast %get3A_1134 : i32 to index
        %get3A_1136 = arith.index_cast %add3A_1127 : i32 to index
        %get3A_1137 = arith.constant 16 : index
        %get3A_1138 = tpu.vector_load %arg11[%get3A_1135, %get3A_1136, %get3A_1137] {strides = array<i32>} : memref<4x224x64xf32, #tpu.memory_space<vmem>>, vector<16xf32>,
        %mul3A_1139 = arith.mulf %get3A_1138, %get3A_381 : vector<16xf32>
        %add3A_1140 = arith.addf %mul3A_1133, %mul3A_1139 : vector<16xf32>
        %get3A_1141 = arith.constant 0 : i32
        %get3A_1142 = arith.index_cast %get3A_1141 : i32 to index
        %get3A_1143 = arith.index_cast %add3A_1127 : i32 to index
        %get3A_1144 = arith.constant 32 : index
        %get3A_1145 = tpu.vector_load %arg11[%get3A_1142, %get3A_1143, %get3A_1144] {strides = array<i32>} : memref<4x224x64xf32, #tpu.memory_space<vmem>>, vector<16xf32>,
        %mul3A_1146 = arith.mulf %get3A_1145, %get3A_384 : vector<16xf32>
        %get3A_1147 = arith.constant 0 : i32
        %get3A_1148 = arith.index_cast %get3A_1147 : i32 to index
        %get3A_1149 = arith.index_cast %add3A_1127 : i32 to index
        %get3A_1150 = arith.constant 48 : index
        %get3A_1151 = tpu.vector_load %arg11[%get3A_1148, %get3A_1149, %get3A_1150] {strides = array<i32>} : memref<4x224x64xf32, #tpu.memory_space<vmem>>, vector<16xf32>,
        %mul3A_1152 = arith.mulf %get3A_1151, %get3A_387 : vector<16xf32>
        %add3A_1153 = arith.addf %mul3A_1146, %mul3A_1152 : vector<16xf32>
        %add3A_1154 = arith.addf %add3A_1140, %add3A_1153 : vector<16xf32>
        %reduce_sum3A_1155 = arith.constant true
        %reduce_sum3A_1156 = vector.broadcast %reduce_sum3A_1155 : i1 to vector<16xi1>
        %reduce_sum3A_1157 = tpu.scan <sum>, %add3A_1154 masked %reduce_sum3A_1156 : vector<16xf32>, vector<16xi1> -> vector<16xf32>
        %reduce_sum3A_1158 = vector.extract %reduce_sum3A_1157[15] : f32 from vector<16xf32>
        %eq3A_1159 = arith.constant 12 : i32
        %eq3A_1160 = vector.broadcast %eq3A_1159 : i32 to vector<16xi32>
        %eq3A_1161 = arith.cmpi eq, %iota3A, %eq3A_1160 : vector<16xi32>
        %broadcast_in_dim3A_1162 = vector.broadcast %reduce_sum3A_1158 : f32 to vector<16xf32>
        %select_n3A_1163 = arith.select %eq3A_1161, %broadcast_in_dim3A_1162, %select_n3A_1125 : vector<16xi1>, vector<16xf32>
        %add3A_1164 = arith.constant 13 : i32
        %add3A_1165 = arith.addi %mul3A_671, %add3A_1164 : i32
        %get3A_1166 = arith.constant 0 : i32
        %get3A_1167 = arith.index_cast %get3A_1166 : i32 to index
        %get3A_1168 = arith.index_cast %add3A_1165 : i32 to index
        %get3A_1169 = arith.constant 0 : index
        %get3A_1170 = tpu.vector_load %arg11[%get3A_1167, %get3A_1168, %get3A_1169] {strides = array<i32>} : memref<4x224x64xf32, #tpu.memory_space<vmem>>, vector<16xf32>,
        %mul3A_1171 = arith.mulf %get3A_1170, %get3A_378 : vector<16xf32>
        %get3A_1172 = arith.constant 0 : i32
        %get3A_1173 = arith.index_cast %get3A_1172 : i32 to index
        %get3A_1174 = arith.index_cast %add3A_1165 : i32 to index
        %get3A_1175 = arith.constant 16 : index
        %get3A_1176 = tpu.vector_load %arg11[%get3A_1173, %get3A_1174, %get3A_1175] {strides = array<i32>} : memref<4x224x64xf32, #tpu.memory_space<vmem>>, vector<16xf32>,
        %mul3A_1177 = arith.mulf %get3A_1176, %get3A_381 : vector<16xf32>
        %add3A_1178 = arith.addf %mul3A_1171, %mul3A_1177 : vector<16xf32>
        %get3A_1179 = arith.constant 0 : i32
        %get3A_1180 = arith.index_cast %get3A_1179 : i32 to index
        %get3A_1181 = arith.index_cast %add3A_1165 : i32 to index
        %get3A_1182 = arith.constant 32 : index
        %get3A_1183 = tpu.vector_load %arg11[%get3A_1180, %get3A_1181, %get3A_1182] {strides = array<i32>} : memref<4x224x64xf32, #tpu.memory_space<vmem>>, vector<16xf32>,
        %mul3A_1184 = arith.mulf %get3A_1183, %get3A_384 : vector<16xf32>
        %get3A_1185 = arith.constant 0 : i32
        %get3A_1186 = arith.index_cast %get3A_1185 : i32 to index
        %get3A_1187 = arith.index_cast %add3A_1165 : i32 to index
        %get3A_1188 = arith.constant 48 : index
        %get3A_1189 = tpu.vector_load %arg11[%get3A_1186, %get3A_1187, %get3A_1188] {strides = array<i32>} : memref<4x224x64xf32, #tpu.memory_space<vmem>>, vector<16xf32>,
        %mul3A_1190 = arith.mulf %get3A_1189, %get3A_387 : vector<16xf32>
        %add3A_1191 = arith.addf %mul3A_1184, %mul3A_1190 : vector<16xf32>
        %add3A_1192 = arith.addf %add3A_1178, %add3A_1191 : vector<16xf32>
        %reduce_sum3A_1193 = arith.constant true
        %reduce_sum3A_1194 = vector.broadcast %reduce_sum3A_1193 : i1 to vector<16xi1>
        %reduce_sum3A_1195 = tpu.scan <sum>, %add3A_1192 masked %reduce_sum3A_1194 : vector<16xf32>, vector<16xi1> -> vector<16xf32>
        %reduce_sum3A_1196 = vector.extract %reduce_sum3A_1195[15] : f32 from vector<16xf32>
        %eq3A_1197 = arith.constant 13 : i32
        %eq3A_1198 = vector.broadcast %eq3A_1197 : i32 to vector<16xi32>
        %eq3A_1199 = arith.cmpi eq, %iota3A, %eq3A_1198 : vector<16xi32>
        %broadcast_in_dim3A_1200 = vector.broadcast %reduce_sum3A_1196 : f32 to vector<16xf32>
        %select_n3A_1201 = arith.select %eq3A_1199, %broadcast_in_dim3A_1200, %select_n3A_1163 : vector<16xi1>, vector<16xf32>
        %add3A_1202 = arith.constant 14 : i32
        %add3A_1203 = arith.addi %mul3A_671, %add3A_1202 : i32
        %get3A_1204 = arith.constant 0 : i32
        %get3A_1205 = arith.index_cast %get3A_1204 : i32 to index
        %get3A_1206 = arith.index_cast %add3A_1203 : i32 to index
        %get3A_1207 = arith.constant 0 : index
        %get3A_1208 = tpu.vector_load %arg11[%get3A_1205, %get3A_1206, %get3A_1207] {strides = array<i32>} : memref<4x224x64xf32, #tpu.memory_space<vmem>>, vector<16xf32>,
        %mul3A_1209 = arith.mulf %get3A_1208, %get3A_378 : vector<16xf32>
        %get3A_1210 = arith.constant 0 : i32
        %get3A_1211 = arith.index_cast %get3A_1210 : i32 to index
        %get3A_1212 = arith.index_cast %add3A_1203 : i32 to index
        %get3A_1213 = arith.constant 16 : index
        %get3A_1214 = tpu.vector_load %arg11[%get3A_1211, %get3A_1212, %get3A_1213] {strides = array<i32>} : memref<4x224x64xf32, #tpu.memory_space<vmem>>, vector<16xf32>,
        %mul3A_1215 = arith.mulf %get3A_1214, %get3A_381 : vector<16xf32>
        %add3A_1216 = arith.addf %mul3A_1209, %mul3A_1215 : vector<16xf32>
        %get3A_1217 = arith.constant 0 : i32
        %get3A_1218 = arith.index_cast %get3A_1217 : i32 to index
        %get3A_1219 = arith.index_cast %add3A_1203 : i32 to index
        %get3A_1220 = arith.constant 32 : index
        %get3A_1221 = tpu.vector_load %arg11[%get3A_1218, %get3A_1219, %get3A_1220] {strides = array<i32>} : memref<4x224x64xf32, #tpu.memory_space<vmem>>, vector<16xf32>,
        %mul3A_1222 = arith.mulf %get3A_1221, %get3A_384 : vector<16xf32>
        %get3A_1223 = arith.constant 0 : i32
        %get3A_1224 = arith.index_cast %get3A_1223 : i32 to index
        %get3A_1225 = arith.index_cast %add3A_1203 : i32 to index
        %get3A_1226 = arith.constant 48 : index
        %get3A_1227 = tpu.vector_load %arg11[%get3A_1224, %get3A_1225, %get3A_1226] {strides = array<i32>} : memref<4x224x64xf32, #tpu.memory_space<vmem>>, vector<16xf32>,
        %mul3A_1228 = arith.mulf %get3A_1227, %get3A_387 : vector<16xf32>
        %add3A_1229 = arith.addf %mul3A_1222, %mul3A_1228 : vector<16xf32>
        %add3A_1230 = arith.addf %add3A_1216, %add3A_1229 : vector<16xf32>
        %reduce_sum3A_1231 = arith.constant true
        %reduce_sum3A_1232 = vector.broadcast %reduce_sum3A_1231 : i1 to vector<16xi1>
        %reduce_sum3A_1233 = tpu.scan <sum>, %add3A_1230 masked %reduce_sum3A_1232 : vector<16xf32>, vector<16xi1> -> vector<16xf32>
        %reduce_sum3A_1234 = vector.extract %reduce_sum3A_1233[15] : f32 from vector<16xf32>
        %eq3A_1235 = arith.constant 14 : i32
        %eq3A_1236 = vector.broadcast %eq3A_1235 : i32 to vector<16xi32>
        %eq3A_1237 = arith.cmpi eq, %iota3A, %eq3A_1236 : vector<16xi32>
        %broadcast_in_dim3A_1238 = vector.broadcast %reduce_sum3A_1234 : f32 to vector<16xf32>
        %select_n3A_1239 = arith.select %eq3A_1237, %broadcast_in_dim3A_1238, %select_n3A_1201 : vector<16xi1>, vector<16xf32>
        %add3A_1240 = arith.constant 15 : i32
        %add3A_1241 = arith.addi %mul3A_671, %add3A_1240 : i32
        %get3A_1242 = arith.constant 0 : i32
        %get3A_1243 = arith.index_cast %get3A_1242 : i32 to index
        %get3A_1244 = arith.index_cast %add3A_1241 : i32 to index
        %get3A_1245 = arith.constant 0 : index
        %get3A_1246 = tpu.vector_load %arg11[%get3A_1243, %get3A_1244, %get3A_1245] {strides = array<i32>} : memref<4x224x64xf32, #tpu.memory_space<vmem>>, vector<16xf32>,
        %mul3A_1247 = arith.mulf %get3A_1246, %get3A_378 : vector<16xf32>
        %get3A_1248 = arith.constant 0 : i32
        %get3A_1249 = arith.index_cast %get3A_1248 : i32 to index
        %get3A_1250 = arith.index_cast %add3A_1241 : i32 to index
        %get3A_1251 = arith.constant 16 : index
        %get3A_1252 = tpu.vector_load %arg11[%get3A_1249, %get3A_1250, %get3A_1251] {strides = array<i32>} : memref<4x224x64xf32, #tpu.memory_space<vmem>>, vector<16xf32>,
        %mul3A_1253 = arith.mulf %get3A_1252, %get3A_381 : vector<16xf32>
        %add3A_1254 = arith.addf %mul3A_1247, %mul3A_1253 : vector<16xf32>
        %get3A_1255 = arith.constant 0 : i32
        %get3A_1256 = arith.index_cast %get3A_1255 : i32 to index
        %get3A_1257 = arith.index_cast %add3A_1241 : i32 to index
        %get3A_1258 = arith.constant 32 : index
        %get3A_1259 = tpu.vector_load %arg11[%get3A_1256, %get3A_1257, %get3A_1258] {strides = array<i32>} : memref<4x224x64xf32, #tpu.memory_space<vmem>>, vector<16xf32>,
        %mul3A_1260 = arith.mulf %get3A_1259, %get3A_384 : vector<16xf32>
        %get3A_1261 = arith.constant 0 : i32
        %get3A_1262 = arith.index_cast %get3A_1261 : i32 to index
        %get3A_1263 = arith.index_cast %add3A_1241 : i32 to index
        %get3A_1264 = arith.constant 48 : index
        %get3A_1265 = tpu.vector_load %arg11[%get3A_1262, %get3A_1263, %get3A_1264] {strides = array<i32>} : memref<4x224x64xf32, #tpu.memory_space<vmem>>, vector<16xf32>,
        %mul3A_1266 = arith.mulf %get3A_1265, %get3A_387 : vector<16xf32>
        %add3A_1267 = arith.addf %mul3A_1260, %mul3A_1266 : vector<16xf32>
        %add3A_1268 = arith.addf %add3A_1254, %add3A_1267 : vector<16xf32>
        %reduce_sum3A_1269 = arith.constant true
        %reduce_sum3A_1270 = vector.broadcast %reduce_sum3A_1269 : i1 to vector<16xi1>
        %reduce_sum3A_1271 = tpu.scan <sum>, %add3A_1268 masked %reduce_sum3A_1270 : vector<16xf32>, vector<16xi1> -> vector<16xf32>
        %reduce_sum3A_1272 = vector.extract %reduce_sum3A_1271[15] : f32 from vector<16xf32>
        %eq3A_1273 = arith.constant 15 : i32
        %eq3A_1274 = vector.broadcast %eq3A_1273 : i32 to vector<16xi32>
        %eq3A_1275 = arith.cmpi eq, %iota3A, %eq3A_1274 : vector<16xi32>
        %broadcast_in_dim3A_1276 = vector.broadcast %reduce_sum3A_1272 : f32 to vector<16xf32>
        %select_n3A_1277 = arith.select %eq3A_1275, %broadcast_in_dim3A_1276, %select_n3A_1239 : vector<16xi1>, vector<16xf32>
        %swap3A = arith.constant 0 : i32
        %swap3A_1278 = arith.index_cast %swap3A : i32 to index
        %swap3A_1279 = arith.index_cast %mul3A_671 : i32 to index
        %swap3A_1280 = tpu.vector_load %arg12[%swap3A_1278, %swap3A_1279] {strides = array<i32>} : memref<4x224xf32, #tpu.memory_space<vmem>>, vector<16xf32>,
        tpu.vector_store %arg12[%swap3A_1278, %swap3A_1279], %select_n3A_1277 {strides = array<i32>} : memref<4x224xf32, #tpu.memory_space<vmem>>, vector<16xf32>,
      }
      %scan3A_393 = arith.constant 14 : i32
      %mul3A_394 = arith.constant 128 : i32
      %mul3A_395 = arith.muli %add3A, %mul3A_394 : i32
      %add3A_396 = arith.addi %mul3A_395, %add3A_330 : i32
      %mul3A_397 = arith.constant 224 : i32
      %mul3A_398 = arith.muli %add3A_396, %mul3A_397 : i32
      %dma_start3A_399 = arith.constant 0 : i32
      %dma_start3A_400 = arith.constant 0 : i32
      %dma_start3A_401 = tpu.memref_slice %arg12[%dma_start3A_399, %dma_start3A_400] : memref<4x224xf32, #tpu.memory_space<vmem>> -> memref<1x224xf32, #tpu.memory_space<vmem>>
      %dma_start3A_402 = tpu.memref_squeeze %dma_start3A_401 : memref<1x224xf32, #tpu.memory_space<vmem>> -> memref<224xf32, #tpu.memory_space<vmem>>
      %dma_start3A_403 = tpu.memref_slice %arg7[%mul3A_398] : memref<917504xf32, #tpu.memory_space<hbm>> -> memref<224xf32, #tpu.memory_space<hbm>>
      %dma_start3A_404 = tpu.memref_slice %arg7[%mul3A_398] : memref<917504xf32, #tpu.memory_space<hbm>> -> memref<224xf32, #tpu.memory_space<hbm>>
      %dma_start3A_405 = arith.constant 0 : i32
      %dma_start3A_406 = tpu.memref_slice %arg12[%dma_start3A_399, %dma_start3A_405] : memref<4x224xf32, #tpu.memory_space<vmem>> -> memref<1x224xf32, #tpu.memory_space<vmem>>
      %dma_start3A_407 = tpu.memref_squeeze %dma_start3A_406 : memref<1x224xf32, #tpu.memory_space<vmem>> -> memref<224xf32, #tpu.memory_space<vmem>>
      tpu.enqueue_dma source(%dma_start3A_407 : memref<224xf32, #tpu.memory_space<vmem>>) target(%dma_start3A_404 : memref<224xf32, #tpu.memory_space<hbm>>) target_semaphore(%arg21 : memref<!tpu.dma_semaphore, #tpu.memory_space<semaphore_mem>>)
      %mul3A_408 = arith.constant 4 : i32
      %mul3A_409 = arith.muli %scan3A_326, %mul3A_408 : i32
      %add3A_410 = arith.constant 1 : i32
      %add3A_411 = arith.addi %mul3A_409, %add3A_410 : i32
      %dma_wait3A_412 = arith.constant 1 : i32
      %dma_wait3A_413 = arith.constant 0 : i32
      %dma_wait3A_414 = arith.constant 0 : i32
      %dma_wait3A_415 = tpu.memref_slice %arg11[%dma_wait3A_412, %dma_wait3A_413, %dma_wait3A_414] : memref<4x224x64xf32, #tpu.memory_space<vmem>> -> memref<1x112x64xf32, #tpu.memory_space<vmem>>
      %dma_wait3A_416 = tpu.memref_squeeze %dma_wait3A_415 : memref<1x112x64xf32, #tpu.memory_space<vmem>> -> memref<112x64xf32, #tpu.memory_space<vmem>>
      %dma_wait3A_417 = arith.constant 0 : i32
      %dma_wait3A_418 = arith.constant 0 : i32
      %dma_wait3A_419 = tpu.memref_slice %arg6[%dma_wait3A_417, %dma_wait3A_418] : memref<1000000x64xf32, #tpu.memory_space<hbm>> -> memref<112x64xf32, #tpu.memory_space<hbm>>
      %dma_wait3A_420 = arith.constant 0 : i32
      %dma_wait3A_421 = arith.constant 0 : i32
      %dma_wait3A_422 = tpu.memref_slice %arg11[%dma_wait3A_412, %dma_wait3A_420, %dma_wait3A_421] : memref<4x224x64xf32, #tpu.memory_space<vmem>> -> memref<1x112x64xf32, #tpu.memory_space<vmem>>
      %dma_wait3A_423 = tpu.memref_squeeze %dma_wait3A_422 : memref<1x112x64xf32, #tpu.memory_space<vmem>> -> memref<112x64xf32, #tpu.memory_space<vmem>>
      %dma_wait3A_424 = arith.constant 0 : i32
      %dma_wait3A_425 = arith.constant 0 : i32
      %dma_wait3A_426 = tpu.memref_slice %arg6[%dma_wait3A_424, %dma_wait3A_425] : memref<1000000x64xf32, #tpu.memory_space<hbm>> -> memref<112x64xf32, #tpu.memory_space<hbm>>
      tpu.wait_dma2 semaphore(%arg14 : memref<!tpu.dma_semaphore, #tpu.memory_space<semaphore_mem>>) src(%dma_wait3A_426 : memref<112x64xf32, #tpu.memory_space<hbm>>) dst(%dma_wait3A_423 : memref<112x64xf32, #tpu.memory_space<vmem>>)
      %dma_wait3A_427 = arith.constant 1 : i32
      %dma_wait3A_428 = arith.constant 112 : i32
      %dma_wait3A_429 = arith.constant 0 : i32
      %dma_wait3A_430 = tpu.memref_slice %arg11[%dma_wait3A_427, %dma_wait3A_428, %dma_wait3A_429] : memref<4x224x64xf32, #tpu.memory_space<vmem>> -> memref<1x112x64xf32, #tpu.memory_space<vmem>>
      %dma_wait3A_431 = tpu.memref_squeeze %dma_wait3A_430 : memref<1x112x64xf32, #tpu.memory_space<vmem>> -> memref<112x64xf32, #tpu.memory_space<vmem>>
      %dma_wait3A_432 = arith.constant 0 : i32
      %dma_wait3A_433 = arith.constant 0 : i32
      %dma_wait3A_434 = tpu.memref_slice %arg6[%dma_wait3A_432, %dma_wait3A_433] : memref<1000000x64xf32, #tpu.memory_space<hbm>> -> memref<112x64xf32, #tpu.memory_space<hbm>>
      %dma_wait3A_435 = arith.constant 112 : i32
      %dma_wait3A_436 = arith.constant 0 : i32
      %dma_wait3A_437 = tpu.memref_slice %arg11[%dma_wait3A_427, %dma_wait3A_435, %dma_wait3A_436] : memref<4x224x64xf32, #tpu.memory_space<vmem>> -> memref<1x112x64xf32, #tpu.memory_space<vmem>>
      %dma_wait3A_438 = tpu.memref_squeeze %dma_wait3A_437 : memref<1x112x64xf32, #tpu.memory_space<vmem>> -> memref<112x64xf32, #tpu.memory_space<vmem>>
      %dma_wait3A_439 = arith.constant 0 : i32
      %dma_wait3A_440 = arith.constant 0 : i32
      %dma_wait3A_441 = tpu.memref_slice %arg6[%dma_wait3A_439, %dma_wait3A_440] : memref<1000000x64xf32, #tpu.memory_space<hbm>> -> memref<112x64xf32, #tpu.memory_space<hbm>>
      tpu.wait_dma2 semaphore(%arg14 : memref<!tpu.dma_semaphore, #tpu.memory_space<semaphore_mem>>) src(%dma_wait3A_441 : memref<112x64xf32, #tpu.memory_space<hbm>>) dst(%dma_wait3A_438 : memref<112x64xf32, #tpu.memory_space<vmem>>)
      %add3A_442 = arith.constant 4 : i32
      %add3A_443 = arith.addi %add3A_411, %add3A_442 : i32
      %sub3A_444 = arith.constant 1 : i32
      %sub3A_445 = arith.subi %add3A_443, %sub3A_444 : i32
      %lt3A_446 = arith.constant 128 : i32
      %lt3A_447 = arith.cmpi slt, %sub3A_445, %lt3A_446 : i32
      %convert_element_type3A_448 = arith.extui %lt3A_447 : i1 to i32
      %cond3A_449 = arith.constant 0 : i32
      %cond3A_450 = arith.cmpi ne, %convert_element_type3A_448, %cond3A_449 : i32
      scf.if %cond3A_450 {
        %dma_wait3A_669 = arith.constant 0 : i32
        %dma_wait3A_670 = arith.constant 0 : i32
        %dma_wait3A_671 = arith.constant 0 : i32
        %dma_wait3A_672 = tpu.memref_slice %arg10[%dma_wait3A_670, %dma_wait3A_671] : memref<4x224xi32, #tpu.memory_space<vmem>> -> memref<1x24xi32, #tpu.memory_space<vmem>>
        %dma_wait3A_673 = tpu.memref_squeeze %dma_wait3A_672 : memref<1x24xi32, #tpu.memory_space<vmem>> -> memref<24xi32, #tpu.memory_space<vmem>>
        %dma_wait3A_674 = arith.constant 0 : i32
        %dma_wait3A_675 = tpu.memref_slice %arg3[%dma_wait3A_669, %dma_wait3A_674] : memref<4096x24xi32, #tpu.memory_space<hbm>> -> memref<1x24xi32, #tpu.memory_space<hbm>>
        %dma_wait3A_676 = tpu.memref_squeeze %dma_wait3A_675 : memref<1x24xi32, #tpu.memory_space<hbm>> -> memref<24xi32, #tpu.memory_space<hbm>>
        %dma_wait3A_677 = arith.constant 0 : i32
        %dma_wait3A_678 = tpu.memref_slice %arg10[%dma_wait3A_670, %dma_wait3A_677] : memref<4x224xi32, #tpu.memory_space<vmem>> -> memref<1x24xi32, #tpu.memory_space<vmem>>
        %dma_wait3A_679 = tpu.memref_squeeze %dma_wait3A_678 : memref<1x24xi32, #tpu.memory_space<vmem>> -> memref<24xi32, #tpu.memory_space<vmem>>
        %dma_wait3A_680 = arith.constant 0 : i32
        %dma_wait3A_681 = tpu.memref_slice %arg3[%dma_wait3A_669, %dma_wait3A_680] : memref<4096x24xi32, #tpu.memory_space<hbm>> -> memref<1x24xi32, #tpu.memory_space<hbm>>
        %dma_wait3A_682 = tpu.memref_squeeze %dma_wait3A_681 : memref<1x24xi32, #tpu.memory_space<hbm>> -> memref<24xi32, #tpu.memory_space<hbm>>
        tpu.wait_dma2 semaphore(%arg17 : memref<!tpu.dma_semaphore, #tpu.memory_space<semaphore_mem>>) src(%dma_wait3A_682 : memref<24xi32, #tpu.memory_space<hbm>>) dst(%dma_wait3A_679 : memref<24xi32, #tpu.memory_space<vmem>>)
        %dma_wait3A_683 = arith.constant 0 : i32
        %dma_wait3A_684 = arith.constant 0 : i32
        %dma_wait3A_685 = arith.constant 24 : i32
        %dma_wait3A_686 = tpu.memref_slice %arg10[%dma_wait3A_684, %dma_wait3A_685] : memref<4x224xi32, #tpu.memory_space<vmem>> -> memref<1x200xi32, #tpu.memory_space<vmem>>
        %dma_wait3A_687 = tpu.memref_squeeze %dma_wait3A_686 : memref<1x200xi32, #tpu.memory_space<vmem>> -> memref<200xi32, #tpu.memory_space<vmem>>
        %dma_wait3A_688 = arith.constant 0 : i32
        %dma_wait3A_689 = tpu.memref_slice %arg4[%dma_wait3A_683, %dma_wait3A_688] : memref<4096x200xi32, #tpu.memory_space<hbm>> -> memref<1x200xi32, #tpu.memory_space<hbm>>
        %dma_wait3A_690 = tpu.memref_squeeze %dma_wait3A_689 : memref<1x200xi32, #tpu.memory_space<hbm>> -> memref<200xi32, #tpu.memory_space<hbm>>
        %dma_wait3A_691 = arith.constant 24 : i32
        %dma_wait3A_692 = tpu.memref_slice %arg10[%dma_wait3A_684, %dma_wait3A_691] : memref<4x224xi32, #tpu.memory_space<vmem>> -> memref<1x200xi32, #tpu.memory_space<vmem>>
        %dma_wait3A_693 = tpu.memref_squeeze %dma_wait3A_692 : memref<1x200xi32, #tpu.memory_space<vmem>> -> memref<200xi32, #tpu.memory_space<vmem>>
        %dma_wait3A_694 = arith.constant 0 : i32
        %dma_wait3A_695 = tpu.memref_slice %arg4[%dma_wait3A_683, %dma_wait3A_694] : memref<4096x200xi32, #tpu.memory_space<hbm>> -> memref<1x200xi32, #tpu.memory_space<hbm>>
        %dma_wait3A_696 = tpu.memref_squeeze %dma_wait3A_695 : memref<1x200xi32, #tpu.memory_space<hbm>> -> memref<200xi32, #tpu.memory_space<hbm>>
        tpu.wait_dma2 semaphore(%arg17 : memref<!tpu.dma_semaphore, #tpu.memory_space<semaphore_mem>>) src(%dma_wait3A_696 : memref<200xi32, #tpu.memory_space<hbm>>) dst(%dma_wait3A_693 : memref<200xi32, #tpu.memory_space<vmem>>)
        %dma_start3A_697 = arith.constant 0 : i32
        %dma_start3A_698 = arith.constant 0 : i32
        %dma_start3A_699 = arith.constant 0 : i32
        %dma_start3A_700 = arith.constant 0 : i32
        %dma_start3A_701 = tpu.memref_slice %arg11[%dma_start3A_698, %dma_start3A_699, %dma_start3A_700] : memref<4x224x64xf32, #tpu.memory_space<vmem>> -> memref<1x112x64xf32, #tpu.memory_space<vmem>>
        %dma_start3A_702 = tpu.memref_squeeze %dma_start3A_701 : memref<1x112x64xf32, #tpu.memory_space<vmem>> -> memref<112x64xf32, #tpu.memory_space<vmem>>
        %dma_start3A_703 = arith.constant 0 : i32
        %dma_start3A_704 = tpu.memref_slice %arg10[%dma_start3A_697, %dma_start3A_703] : memref<4x224xi32, #tpu.memory_space<vmem>> -> memref<1x112xi32, #tpu.memory_space<vmem>>
        %dma_start3A_705 = tpu.memref_squeeze %dma_start3A_704 : memref<1x112xi32, #tpu.memory_space<vmem>> -> memref<112xi32, #tpu.memory_space<vmem>>
        %dma_start3A_706 = arith.constant 0 : i32
        %dma_start3A_707 = arith.constant 0 : i32
        %dma_start3A_708 = tpu.memref_slice %arg6[%dma_start3A_706, %dma_start3A_707] : memref<1000000x64xf32, #tpu.memory_space<hbm>> -> memref<1000000x64xf32, #tpu.memory_space<hbm>>
        tpu.enqueue_indirect_dma source(%dma_start3A_708 : memref<1000000x64xf32, #tpu.memory_space<hbm>>) target(%dma_start3A_702 : memref<112x64xf32, #tpu.memory_space<vmem>>) offsets(%dma_start3A_705 : memref<112xi32, #tpu.memory_space<vmem>>) semaphore(%arg13 : memref<!tpu.dma_semaphore, #tpu.memory_space<semaphore_mem>>)
        %dma_start3A_709 = arith.constant 0 : i32
        %dma_start3A_710 = arith.constant 0 : i32
        %dma_start3A_711 = arith.constant 112 : i32
        %dma_start3A_712 = arith.constant 0 : i32
        %dma_start3A_713 = tpu.memref_slice %arg11[%dma_start3A_710, %dma_start3A_711, %dma_start3A_712] : memref<4x224x64xf32, #tpu.memory_space<vmem>> -> memref<1x112x64xf32, #tpu.memory_space<vmem>>
        %dma_start3A_714 = tpu.memref_squeeze %dma_start3A_713 : memref<1x112x64xf32, #tpu.memory_space<vmem>> -> memref<112x64xf32, #tpu.memory_space<vmem>>
        %dma_start3A_715 = arith.constant 112 : i32
        %dma_start3A_716 = tpu.memref_slice %arg10[%dma_start3A_709, %dma_start3A_715] : memref<4x224xi32, #tpu.memory_space<vmem>> -> memref<1x112xi32, #tpu.memory_space<vmem>>
        %dma_start3A_717 = tpu.memref_squeeze %dma_start3A_716 : memref<1x112xi32, #tpu.memory_space<vmem>> -> memref<112xi32, #tpu.memory_space<vmem>>
        %dma_start3A_718 = arith.constant 0 : i32
        %dma_start3A_719 = arith.constant 0 : i32
        %dma_start3A_720 = tpu.memref_slice %arg6[%dma_start3A_718, %dma_start3A_719] : memref<1000000x64xf32, #tpu.memory_space<hbm>> -> memref<1000000x64xf32, #tpu.memory_space<hbm>>
        tpu.enqueue_indirect_dma source(%dma_start3A_720 : memref<1000000x64xf32, #tpu.memory_space<hbm>>) target(%dma_start3A_714 : memref<112x64xf32, #tpu.memory_space<vmem>>) offsets(%dma_start3A_717 : memref<112xi32, #tpu.memory_space<vmem>>) semaphore(%arg13 : memref<!tpu.dma_semaphore, #tpu.memory_space<semaphore_mem>>)
      } else {
      }
      %add3A_451 = arith.constant 4 : i32
      %add3A_452 = arith.addi %add3A_411, %add3A_451 : i32
      %lt3A_453 = arith.constant 128 : i32
      %lt3A_454 = arith.cmpi slt, %add3A_452, %lt3A_453 : i32
      %convert_element_type3A_455 = arith.extui %lt3A_454 : i1 to i32
      %cond3A_456 = arith.constant 0 : i32
      %cond3A_457 = arith.cmpi ne, %convert_element_type3A_455, %cond3A_456 : i32
      scf.if %cond3A_457 {
        %add3A_669 = arith.constant 4 : i32
        %add3A_670 = arith.addi %add3A_411, %add3A_669 : i32
        %add3A_671 = arith.addi %mul3A_8, %add3A_670 : i32
        %dma_start3A_672 = arith.constant 1 : i32
        %dma_start3A_673 = arith.constant 0 : i32
        %dma_start3A_674 = tpu.memref_slice %arg10[%dma_start3A_672, %dma_start3A_673] : memref<4x224xi32, #tpu.memory_space<vmem>> -> memref<1x24xi32, #tpu.memory_space<vmem>>
        %dma_start3A_675 = tpu.memref_squeeze %dma_start3A_674 : memref<1x24xi32, #tpu.memory_space<vmem>> -> memref<24xi32, #tpu.memory_space<vmem>>
        %dma_start3A_676 = arith.constant 0 : i32
        %dma_start3A_677 = tpu.memref_slice %arg3[%add3A_671, %dma_start3A_676] : memref<4096x24xi32, #tpu.memory_space<hbm>> -> memref<1x24xi32, #tpu.memory_space<hbm>>
        %dma_start3A_678 = tpu.memref_squeeze %dma_start3A_677 : memref<1x24xi32, #tpu.memory_space<hbm>> -> memref<24xi32, #tpu.memory_space<hbm>>
        %dma_start3A_679 = arith.constant 0 : i32
        %dma_start3A_680 = tpu.memref_slice %arg10[%dma_start3A_672, %dma_start3A_679] : memref<4x224xi32, #tpu.memory_space<vmem>> -> memref<1x24xi32, #tpu.memory_space<vmem>>
        %dma_start3A_681 = tpu.memref_squeeze %dma_start3A_680 : memref<1x24xi32, #tpu.memory_space<vmem>> -> memref<24xi32, #tpu.memory_space<vmem>>
        %dma_start3A_682 = arith.constant 0 : i32
        %dma_start3A_683 = tpu.memref_slice %arg3[%add3A_671, %dma_start3A_682] : memref<4096x24xi32, #tpu.memory_space<hbm>> -> memref<1x24xi32, #tpu.memory_space<hbm>>
        %dma_start3A_684 = tpu.memref_squeeze %dma_start3A_683 : memref<1x24xi32, #tpu.memory_space<hbm>> -> memref<24xi32, #tpu.memory_space<hbm>>
        tpu.enqueue_dma source(%dma_start3A_684 : memref<24xi32, #tpu.memory_space<hbm>>) target(%dma_start3A_681 : memref<24xi32, #tpu.memory_space<vmem>>) target_semaphore(%arg18 : memref<!tpu.dma_semaphore, #tpu.memory_space<semaphore_mem>>)
        %dma_start3A_685 = arith.constant 1 : i32
        %dma_start3A_686 = arith.constant 24 : i32
        %dma_start3A_687 = tpu.memref_slice %arg10[%dma_start3A_685, %dma_start3A_686] : memref<4x224xi32, #tpu.memory_space<vmem>> -> memref<1x200xi32, #tpu.memory_space<vmem>>
        %dma_start3A_688 = tpu.memref_squeeze %dma_start3A_687 : memref<1x200xi32, #tpu.memory_space<vmem>> -> memref<200xi32, #tpu.memory_space<vmem>>
        %dma_start3A_689 = arith.constant 0 : i32
        %dma_start3A_690 = tpu.memref_slice %arg4[%add3A_671, %dma_start3A_689] : memref<4096x200xi32, #tpu.memory_space<hbm>> -> memref<1x200xi32, #tpu.memory_space<hbm>>
        %dma_start3A_691 = tpu.memref_squeeze %dma_start3A_690 : memref<1x200xi32, #tpu.memory_space<hbm>> -> memref<200xi32, #tpu.memory_space<hbm>>
        %dma_start3A_692 = arith.constant 24 : i32
        %dma_start3A_693 = tpu.memref_slice %arg10[%dma_start3A_685, %dma_start3A_692] : memref<4x224xi32, #tpu.memory_space<vmem>> -> memref<1x200xi32, #tpu.memory_space<vmem>>
        %dma_start3A_694 = tpu.memref_squeeze %dma_start3A_693 : memref<1x200xi32, #tpu.memory_space<vmem>> -> memref<200xi32, #tpu.memory_space<vmem>>
        %dma_start3A_695 = arith.constant 0 : i32
        %dma_start3A_696 = tpu.memref_slice %arg4[%add3A_671, %dma_start3A_695] : memref<4096x200xi32, #tpu.memory_space<hbm>> -> memref<1x200xi32, #tpu.memory_space<hbm>>
        %dma_start3A_697 = tpu.memref_squeeze %dma_start3A_696 : memref<1x200xi32, #tpu.memory_space<hbm>> -> memref<200xi32, #tpu.memory_space<hbm>>
        tpu.enqueue_dma source(%dma_start3A_697 : memref<200xi32, #tpu.memory_space<hbm>>) target(%dma_start3A_694 : memref<200xi32, #tpu.memory_space<vmem>>) target_semaphore(%arg18 : memref<!tpu.dma_semaphore, #tpu.memory_space<semaphore_mem>>)
      } else {
      }
      %ge3A_458 = arith.constant 4 : i32
      %ge3A_459 = arith.cmpi sge, %add3A_411, %ge3A_458 : i32
      %convert_element_type3A_460 = arith.extui %ge3A_459 : i1 to i32
      %cond3A_461 = arith.constant 0 : i32
      %cond3A_462 = arith.cmpi ne, %convert_element_type3A_460, %cond3A_461 : i32
      scf.if %cond3A_462 {
        %dma_wait3A_669 = arith.constant 1 : i32
        %dma_wait3A_670 = arith.constant 0 : i32
        %dma_wait3A_671 = tpu.memref_slice %arg12[%dma_wait3A_669, %dma_wait3A_670] : memref<4x224xf32, #tpu.memory_space<vmem>> -> memref<1x224xf32, #tpu.memory_space<vmem>>
        %dma_wait3A_672 = tpu.memref_squeeze %dma_wait3A_671 : memref<1x224xf32, #tpu.memory_space<vmem>> -> memref<224xf32, #tpu.memory_space<vmem>>
        %dma_wait3A_673 = arith.constant 0 : i32
        %dma_wait3A_674 = tpu.memref_slice %arg7[%dma_wait3A_673] : memref<917504xf32, #tpu.memory_space<hbm>> -> memref<224xf32, #tpu.memory_space<hbm>>
        %dma_wait3A_675 = arith.constant 0 : i32
        %dma_wait3A_676 = tpu.memref_slice %arg12[%dma_wait3A_669, %dma_wait3A_675] : memref<4x224xf32, #tpu.memory_space<vmem>> -> memref<1x224xf32, #tpu.memory_space<vmem>>
        %dma_wait3A_677 = tpu.memref_squeeze %dma_wait3A_676 : memref<1x224xf32, #tpu.memory_space<vmem>> -> memref<224xf32, #tpu.memory_space<vmem>>
        %dma_wait3A_678 = arith.constant 0 : i32
        %dma_wait3A_679 = tpu.memref_slice %arg7[%dma_wait3A_678] : memref<917504xf32, #tpu.memory_space<hbm>> -> memref<224xf32, #tpu.memory_space<hbm>>
        tpu.wait_dma2 semaphore(%arg22 : memref<!tpu.dma_semaphore, #tpu.memory_space<semaphore_mem>>) src(%dma_wait3A_679 : memref<224xf32, #tpu.memory_space<hbm>>) dst(%dma_wait3A_677 : memref<224xf32, #tpu.memory_space<vmem>>)
      } else {
      }
      %get3A_463 = arith.index_cast %add3A_411 : i32 to index
      %get3A_464 = arith.constant 0 : index
      %get3A_465 = tpu.vector_load %arg9[%get3A_463, %get3A_464] {strides = array<i32>} : memref<128x128xf32, #tpu.memory_space<vmem>>, vector<16xf32>,
      %get3A_466 = arith.index_cast %add3A_411 : i32 to index
      %get3A_467 = arith.constant 16 : index
      %get3A_468 = tpu.vector_load %arg9[%get3A_466, %get3A_467] {strides = array<i32>} : memref<128x128xf32, #tpu.memory_space<vmem>>, vector<16xf32>,
      %get3A_469 = arith.index_cast %add3A_411 : i32 to index
      %get3A_470 = arith.constant 32 : index
      %get3A_471 = tpu.vector_load %arg9[%get3A_469, %get3A_470] {strides = array<i32>} : memref<128x128xf32, #tpu.memory_space<vmem>>, vector<16xf32>,
      %get3A_472 = arith.index_cast %add3A_411 : i32 to index
      %get3A_473 = arith.constant 48 : index
      %get3A_474 = tpu.vector_load %arg9[%get3A_472, %get3A_473] {strides = array<i32>} : memref<128x128xf32, #tpu.memory_space<vmem>>, vector<16xf32>,
      %scan3A_475 = arith.constant 0 : i32
      %scan3A_476 = arith.constant 0 : i32
      %scan3A_477 = arith.constant 14 : i32
      %scan3A_478 = arith.addi %scan3A_476, %scan3A_477 : i32
      %scan3A_479 = arith.constant 1 : i32
      scf.for %scan3A_669 = %scan3A_476 to %scan3A_478 step %scan3A_479  : i32 {
        %mul3A_670 = arith.constant 16 : i32
        %mul3A_671 = arith.muli %scan3A_669, %mul3A_670 : i32
        %broadcast_in_dim3A = arith.constant 0.000000e+00 : f32
        %broadcast_in_dim3A_672 = vector.broadcast %broadcast_in_dim3A : f32 to vector<16xf32>
        %add3A_673 = arith.constant 0 : i32
        %add3A_674 = arith.addi %mul3A_671, %add3A_673 : i32
        %get3A_675 = arith.constant 1 : i32
        %get3A_676 = arith.index_cast %get3A_675 : i32 to index
        %get3A_677 = arith.index_cast %add3A_674 : i32 to index
        %get3A_678 = arith.constant 0 : index
        %get3A_679 = tpu.vector_load %arg11[%get3A_676, %get3A_677, %get3A_678] {strides = array<i32>} : memref<4x224x64xf32, #tpu.memory_space<vmem>>, vector<16xf32>,
        %mul3A_680 = arith.mulf %get3A_679, %get3A_465 : vector<16xf32>
        %get3A_681 = arith.constant 1 : i32
        %get3A_682 = arith.index_cast %get3A_681 : i32 to index
        %get3A_683 = arith.index_cast %add3A_674 : i32 to index
        %get3A_684 = arith.constant 16 : index
        %get3A_685 = tpu.vector_load %arg11[%get3A_682, %get3A_683, %get3A_684] {strides = array<i32>} : memref<4x224x64xf32, #tpu.memory_space<vmem>>, vector<16xf32>,
        %mul3A_686 = arith.mulf %get3A_685, %get3A_468 : vector<16xf32>
        %add3A_687 = arith.addf %mul3A_680, %mul3A_686 : vector<16xf32>
        %get3A_688 = arith.constant 1 : i32
        %get3A_689 = arith.index_cast %get3A_688 : i32 to index
        %get3A_690 = arith.index_cast %add3A_674 : i32 to index
        %get3A_691 = arith.constant 32 : index
        %get3A_692 = tpu.vector_load %arg11[%get3A_689, %get3A_690, %get3A_691] {strides = array<i32>} : memref<4x224x64xf32, #tpu.memory_space<vmem>>, vector<16xf32>,
        %mul3A_693 = arith.mulf %get3A_692, %get3A_471 : vector<16xf32>
        %get3A_694 = arith.constant 1 : i32
        %get3A_695 = arith.index_cast %get3A_694 : i32 to index
        %get3A_696 = arith.index_cast %add3A_674 : i32 to index
        %get3A_697 = arith.constant 48 : index
        %get3A_698 = tpu.vector_load %arg11[%get3A_695, %get3A_696, %get3A_697] {strides = array<i32>} : memref<4x224x64xf32, #tpu.memory_space<vmem>>, vector<16xf32>,
        %mul3A_699 = arith.mulf %get3A_698, %get3A_474 : vector<16xf32>
        %add3A_700 = arith.addf %mul3A_693, %mul3A_699 : vector<16xf32>
        %add3A_701 = arith.addf %add3A_687, %add3A_700 : vector<16xf32>
        %reduce_sum3A = arith.constant true
        %reduce_sum3A_702 = vector.broadcast %reduce_sum3A : i1 to vector<16xi1>
        %reduce_sum3A_703 = tpu.scan <sum>, %add3A_701 masked %reduce_sum3A_702 : vector<16xf32>, vector<16xi1> -> vector<16xf32>
        %reduce_sum3A_704 = vector.extract %reduce_sum3A_703[15] : f32 from vector<16xf32>
        %eq3A = arith.constant 0 : i32
        %eq3A_705 = vector.broadcast %eq3A : i32 to vector<16xi32>
        %eq3A_706 = arith.cmpi eq, %iota3A, %eq3A_705 : vector<16xi32>
        %broadcast_in_dim3A_707 = vector.broadcast %reduce_sum3A_704 : f32 to vector<16xf32>
        %select_n3A = arith.select %eq3A_706, %broadcast_in_dim3A_707, %broadcast_in_dim3A_672 : vector<16xi1>, vector<16xf32>
        %add3A_708 = arith.constant 1 : i32
        %add3A_709 = arith.addi %mul3A_671, %add3A_708 : i32
        %get3A_710 = arith.constant 1 : i32
        %get3A_711 = arith.index_cast %get3A_710 : i32 to index
        %get3A_712 = arith.index_cast %add3A_709 : i32 to index
        %get3A_713 = arith.constant 0 : index
        %get3A_714 = tpu.vector_load %arg11[%get3A_711, %get3A_712, %get3A_713] {strides = array<i32>} : memref<4x224x64xf32, #tpu.memory_space<vmem>>, vector<16xf32>,
        %mul3A_715 = arith.mulf %get3A_714, %get3A_465 : vector<16xf32>
        %get3A_716 = arith.constant 1 : i32
        %get3A_717 = arith.index_cast %get3A_716 : i32 to index
        %get3A_718 = arith.index_cast %add3A_709 : i32 to index
        %get3A_719 = arith.constant 16 : index
        %get3A_720 = tpu.vector_load %arg11[%get3A_717, %get3A_718, %get3A_719] {strides = array<i32>} : memref<4x224x64xf32, #tpu.memory_space<vmem>>, vector<16xf32>,
        %mul3A_721 = arith.mulf %get3A_720, %get3A_468 : vector<16xf32>
        %add3A_722 = arith.addf %mul3A_715, %mul3A_721 : vector<16xf32>
        %get3A_723 = arith.constant 1 : i32
        %get3A_724 = arith.index_cast %get3A_723 : i32 to index
        %get3A_725 = arith.index_cast %add3A_709 : i32 to index
        %get3A_726 = arith.constant 32 : index
        %get3A_727 = tpu.vector_load %arg11[%get3A_724, %get3A_725, %get3A_726] {strides = array<i32>} : memref<4x224x64xf32, #tpu.memory_space<vmem>>, vector<16xf32>,
        %mul3A_728 = arith.mulf %get3A_727, %get3A_471 : vector<16xf32>
        %get3A_729 = arith.constant 1 : i32
        %get3A_730 = arith.index_cast %get3A_729 : i32 to index
        %get3A_731 = arith.index_cast %add3A_709 : i32 to index
        %get3A_732 = arith.constant 48 : index
        %get3A_733 = tpu.vector_load %arg11[%get3A_730, %get3A_731, %get3A_732] {strides = array<i32>} : memref<4x224x64xf32, #tpu.memory_space<vmem>>, vector<16xf32>,
        %mul3A_734 = arith.mulf %get3A_733, %get3A_474 : vector<16xf32>
        %add3A_735 = arith.addf %mul3A_728, %mul3A_734 : vector<16xf32>
        %add3A_736 = arith.addf %add3A_722, %add3A_735 : vector<16xf32>
        %reduce_sum3A_737 = arith.constant true
        %reduce_sum3A_738 = vector.broadcast %reduce_sum3A_737 : i1 to vector<16xi1>
        %reduce_sum3A_739 = tpu.scan <sum>, %add3A_736 masked %reduce_sum3A_738 : vector<16xf32>, vector<16xi1> -> vector<16xf32>
        %reduce_sum3A_740 = vector.extract %reduce_sum3A_739[15] : f32 from vector<16xf32>
        %eq3A_741 = arith.constant 1 : i32
        %eq3A_742 = vector.broadcast %eq3A_741 : i32 to vector<16xi32>
        %eq3A_743 = arith.cmpi eq, %iota3A, %eq3A_742 : vector<16xi32>
        %broadcast_in_dim3A_744 = vector.broadcast %reduce_sum3A_740 : f32 to vector<16xf32>
        %select_n3A_745 = arith.select %eq3A_743, %broadcast_in_dim3A_744, %select_n3A : vector<16xi1>, vector<16xf32>
        %add3A_746 = arith.constant 2 : i32
        %add3A_747 = arith.addi %mul3A_671, %add3A_746 : i32
        %get3A_748 = arith.constant 1 : i32
        %get3A_749 = arith.index_cast %get3A_748 : i32 to index
        %get3A_750 = arith.index_cast %add3A_747 : i32 to index
        %get3A_751 = arith.constant 0 : index
        %get3A_752 = tpu.vector_load %arg11[%get3A_749, %get3A_750, %get3A_751] {strides = array<i32>} : memref<4x224x64xf32, #tpu.memory_space<vmem>>, vector<16xf32>,
        %mul3A_753 = arith.mulf %get3A_752, %get3A_465 : vector<16xf32>
        %get3A_754 = arith.constant 1 : i32
        %get3A_755 = arith.index_cast %get3A_754 : i32 to index
        %get3A_756 = arith.index_cast %add3A_747 : i32 to index
        %get3A_757 = arith.constant 16 : index
        %get3A_758 = tpu.vector_load %arg11[%get3A_755, %get3A_756, %get3A_757] {strides = array<i32>} : memref<4x224x64xf32, #tpu.memory_space<vmem>>, vector<16xf32>,
        %mul3A_759 = arith.mulf %get3A_758, %get3A_468 : vector<16xf32>
        %add3A_760 = arith.addf %mul3A_753, %mul3A_759 : vector<16xf32>
        %get3A_761 = arith.constant 1 : i32
        %get3A_762 = arith.index_cast %get3A_761 : i32 to index
        %get3A_763 = arith.index_cast %add3A_747 : i32 to index
        %get3A_764 = arith.constant 32 : index
        %get3A_765 = tpu.vector_load %arg11[%get3A_762, %get3A_763, %get3A_764] {strides = array<i32>} : memref<4x224x64xf32, #tpu.memory_space<vmem>>, vector<16xf32>,
        %mul3A_766 = arith.mulf %get3A_765, %get3A_471 : vector<16xf32>
        %get3A_767 = arith.constant 1 : i32
        %get3A_768 = arith.index_cast %get3A_767 : i32 to index
        %get3A_769 = arith.index_cast %add3A_747 : i32 to index
        %get3A_770 = arith.constant 48 : index
        %get3A_771 = tpu.vector_load %arg11[%get3A_768, %get3A_769, %get3A_770] {strides = array<i32>} : memref<4x224x64xf32, #tpu.memory_space<vmem>>, vector<16xf32>,
        %mul3A_772 = arith.mulf %get3A_771, %get3A_474 : vector<16xf32>
        %add3A_773 = arith.addf %mul3A_766, %mul3A_772 : vector<16xf32>
        %add3A_774 = arith.addf %add3A_760, %add3A_773 : vector<16xf32>
        %reduce_sum3A_775 = arith.constant true
        %reduce_sum3A_776 = vector.broadcast %reduce_sum3A_775 : i1 to vector<16xi1>
        %reduce_sum3A_777 = tpu.scan <sum>, %add3A_774 masked %reduce_sum3A_776 : vector<16xf32>, vector<16xi1> -> vector<16xf32>
        %reduce_sum3A_778 = vector.extract %reduce_sum3A_777[15] : f32 from vector<16xf32>
        %eq3A_779 = arith.constant 2 : i32
        %eq3A_780 = vector.broadcast %eq3A_779 : i32 to vector<16xi32>
        %eq3A_781 = arith.cmpi eq, %iota3A, %eq3A_780 : vector<16xi32>
        %broadcast_in_dim3A_782 = vector.broadcast %reduce_sum3A_778 : f32 to vector<16xf32>
        %select_n3A_783 = arith.select %eq3A_781, %broadcast_in_dim3A_782, %select_n3A_745 : vector<16xi1>, vector<16xf32>
        %add3A_784 = arith.constant 3 : i32
        %add3A_785 = arith.addi %mul3A_671, %add3A_784 : i32
        %get3A_786 = arith.constant 1 : i32
        %get3A_787 = arith.index_cast %get3A_786 : i32 to index
        %get3A_788 = arith.index_cast %add3A_785 : i32 to index
        %get3A_789 = arith.constant 0 : index
        %get3A_790 = tpu.vector_load %arg11[%get3A_787, %get3A_788, %get3A_789] {strides = array<i32>} : memref<4x224x64xf32, #tpu.memory_space<vmem>>, vector<16xf32>,
        %mul3A_791 = arith.mulf %get3A_790, %get3A_465 : vector<16xf32>
        %get3A_792 = arith.constant 1 : i32
        %get3A_793 = arith.index_cast %get3A_792 : i32 to index
        %get3A_794 = arith.index_cast %add3A_785 : i32 to index
        %get3A_795 = arith.constant 16 : index
        %get3A_796 = tpu.vector_load %arg11[%get3A_793, %get3A_794, %get3A_795] {strides = array<i32>} : memref<4x224x64xf32, #tpu.memory_space<vmem>>, vector<16xf32>,
        %mul3A_797 = arith.mulf %get3A_796, %get3A_468 : vector<16xf32>
        %add3A_798 = arith.addf %mul3A_791, %mul3A_797 : vector<16xf32>
        %get3A_799 = arith.constant 1 : i32
        %get3A_800 = arith.index_cast %get3A_799 : i32 to index
        %get3A_801 = arith.index_cast %add3A_785 : i32 to index
        %get3A_802 = arith.constant 32 : index
        %get3A_803 = tpu.vector_load %arg11[%get3A_800, %get3A_801, %get3A_802] {strides = array<i32>} : memref<4x224x64xf32, #tpu.memory_space<vmem>>, vector<16xf32>,
        %mul3A_804 = arith.mulf %get3A_803, %get3A_471 : vector<16xf32>
        %get3A_805 = arith.constant 1 : i32
        %get3A_806 = arith.index_cast %get3A_805 : i32 to index
        %get3A_807 = arith.index_cast %add3A_785 : i32 to index
        %get3A_808 = arith.constant 48 : index
        %get3A_809 = tpu.vector_load %arg11[%get3A_806, %get3A_807, %get3A_808] {strides = array<i32>} : memref<4x224x64xf32, #tpu.memory_space<vmem>>, vector<16xf32>,
        %mul3A_810 = arith.mulf %get3A_809, %get3A_474 : vector<16xf32>
        %add3A_811 = arith.addf %mul3A_804, %mul3A_810 : vector<16xf32>
        %add3A_812 = arith.addf %add3A_798, %add3A_811 : vector<16xf32>
        %reduce_sum3A_813 = arith.constant true
        %reduce_sum3A_814 = vector.broadcast %reduce_sum3A_813 : i1 to vector<16xi1>
        %reduce_sum3A_815 = tpu.scan <sum>, %add3A_812 masked %reduce_sum3A_814 : vector<16xf32>, vector<16xi1> -> vector<16xf32>
        %reduce_sum3A_816 = vector.extract %reduce_sum3A_815[15] : f32 from vector<16xf32>
        %eq3A_817 = arith.constant 3 : i32
        %eq3A_818 = vector.broadcast %eq3A_817 : i32 to vector<16xi32>
        %eq3A_819 = arith.cmpi eq, %iota3A, %eq3A_818 : vector<16xi32>
        %broadcast_in_dim3A_820 = vector.broadcast %reduce_sum3A_816 : f32 to vector<16xf32>
        %select_n3A_821 = arith.select %eq3A_819, %broadcast_in_dim3A_820, %select_n3A_783 : vector<16xi1>, vector<16xf32>
        %add3A_822 = arith.constant 4 : i32
        %add3A_823 = arith.addi %mul3A_671, %add3A_822 : i32
        %get3A_824 = arith.constant 1 : i32
        %get3A_825 = arith.index_cast %get3A_824 : i32 to index
        %get3A_826 = arith.index_cast %add3A_823 : i32 to index
        %get3A_827 = arith.constant 0 : index
        %get3A_828 = tpu.vector_load %arg11[%get3A_825, %get3A_826, %get3A_827] {strides = array<i32>} : memref<4x224x64xf32, #tpu.memory_space<vmem>>, vector<16xf32>,
        %mul3A_829 = arith.mulf %get3A_828, %get3A_465 : vector<16xf32>
        %get3A_830 = arith.constant 1 : i32
        %get3A_831 = arith.index_cast %get3A_830 : i32 to index
        %get3A_832 = arith.index_cast %add3A_823 : i32 to index
        %get3A_833 = arith.constant 16 : index
        %get3A_834 = tpu.vector_load %arg11[%get3A_831, %get3A_832, %get3A_833] {strides = array<i32>} : memref<4x224x64xf32, #tpu.memory_space<vmem>>, vector<16xf32>,
        %mul3A_835 = arith.mulf %get3A_834, %get3A_468 : vector<16xf32>
        %add3A_836 = arith.addf %mul3A_829, %mul3A_835 : vector<16xf32>
        %get3A_837 = arith.constant 1 : i32
        %get3A_838 = arith.index_cast %get3A_837 : i32 to index
        %get3A_839 = arith.index_cast %add3A_823 : i32 to index
        %get3A_840 = arith.constant 32 : index
        %get3A_841 = tpu.vector_load %arg11[%get3A_838, %get3A_839, %get3A_840] {strides = array<i32>} : memref<4x224x64xf32, #tpu.memory_space<vmem>>, vector<16xf32>,
        %mul3A_842 = arith.mulf %get3A_841, %get3A_471 : vector<16xf32>
        %get3A_843 = arith.constant 1 : i32
        %get3A_844 = arith.index_cast %get3A_843 : i32 to index
        %get3A_845 = arith.index_cast %add3A_823 : i32 to index
        %get3A_846 = arith.constant 48 : index
        %get3A_847 = tpu.vector_load %arg11[%get3A_844, %get3A_845, %get3A_846] {strides = array<i32>} : memref<4x224x64xf32, #tpu.memory_space<vmem>>, vector<16xf32>,
        %mul3A_848 = arith.mulf %get3A_847, %get3A_474 : vector<16xf32>
        %add3A_849 = arith.addf %mul3A_842, %mul3A_848 : vector<16xf32>
        %add3A_850 = arith.addf %add3A_836, %add3A_849 : vector<16xf32>
        %reduce_sum3A_851 = arith.constant true
        %reduce_sum3A_852 = vector.broadcast %reduce_sum3A_851 : i1 to vector<16xi1>
        %reduce_sum3A_853 = tpu.scan <sum>, %add3A_850 masked %reduce_sum3A_852 : vector<16xf32>, vector<16xi1> -> vector<16xf32>
        %reduce_sum3A_854 = vector.extract %reduce_sum3A_853[15] : f32 from vector<16xf32>
        %eq3A_855 = arith.constant 4 : i32
        %eq3A_856 = vector.broadcast %eq3A_855 : i32 to vector<16xi32>
        %eq3A_857 = arith.cmpi eq, %iota3A, %eq3A_856 : vector<16xi32>
        %broadcast_in_dim3A_858 = vector.broadcast %reduce_sum3A_854 : f32 to vector<16xf32>
        %select_n3A_859 = arith.select %eq3A_857, %broadcast_in_dim3A_858, %select_n3A_821 : vector<16xi1>, vector<16xf32>
        %add3A_860 = arith.constant 5 : i32
        %add3A_861 = arith.addi %mul3A_671, %add3A_860 : i32
        %get3A_862 = arith.constant 1 : i32
        %get3A_863 = arith.index_cast %get3A_862 : i32 to index
        %get3A_864 = arith.index_cast %add3A_861 : i32 to index
        %get3A_865 = arith.constant 0 : index
        %get3A_866 = tpu.vector_load %arg11[%get3A_863, %get3A_864, %get3A_865] {strides = array<i32>} : memref<4x224x64xf32, #tpu.memory_space<vmem>>, vector<16xf32>,
        %mul3A_867 = arith.mulf %get3A_866, %get3A_465 : vector<16xf32>
        %get3A_868 = arith.constant 1 : i32
        %get3A_869 = arith.index_cast %get3A_868 : i32 to index
        %get3A_870 = arith.index_cast %add3A_861 : i32 to index
        %get3A_871 = arith.constant 16 : index
        %get3A_872 = tpu.vector_load %arg11[%get3A_869, %get3A_870, %get3A_871] {strides = array<i32>} : memref<4x224x64xf32, #tpu.memory_space<vmem>>, vector<16xf32>,
        %mul3A_873 = arith.mulf %get3A_872, %get3A_468 : vector<16xf32>
        %add3A_874 = arith.addf %mul3A_867, %mul3A_873 : vector<16xf32>
        %get3A_875 = arith.constant 1 : i32
        %get3A_876 = arith.index_cast %get3A_875 : i32 to index
        %get3A_877 = arith.index_cast %add3A_861 : i32 to index
        %get3A_878 = arith.constant 32 : index
        %get3A_879 = tpu.vector_load %arg11[%get3A_876, %get3A_877, %get3A_878] {strides = array<i32>} : memref<4x224x64xf32, #tpu.memory_space<vmem>>, vector<16xf32>,
        %mul3A_880 = arith.mulf %get3A_879, %get3A_471 : vector<16xf32>
        %get3A_881 = arith.constant 1 : i32
        %get3A_882 = arith.index_cast %get3A_881 : i32 to index
        %get3A_883 = arith.index_cast %add3A_861 : i32 to index
        %get3A_884 = arith.constant 48 : index
        %get3A_885 = tpu.vector_load %arg11[%get3A_882, %get3A_883, %get3A_884] {strides = array<i32>} : memref<4x224x64xf32, #tpu.memory_space<vmem>>, vector<16xf32>,
        %mul3A_886 = arith.mulf %get3A_885, %get3A_474 : vector<16xf32>
        %add3A_887 = arith.addf %mul3A_880, %mul3A_886 : vector<16xf32>
        %add3A_888 = arith.addf %add3A_874, %add3A_887 : vector<16xf32>
        %reduce_sum3A_889 = arith.constant true
        %reduce_sum3A_890 = vector.broadcast %reduce_sum3A_889 : i1 to vector<16xi1>
        %reduce_sum3A_891 = tpu.scan <sum>, %add3A_888 masked %reduce_sum3A_890 : vector<16xf32>, vector<16xi1> -> vector<16xf32>
        %reduce_sum3A_892 = vector.extract %reduce_sum3A_891[15] : f32 from vector<16xf32>
        %eq3A_893 = arith.constant 5 : i32
        %eq3A_894 = vector.broadcast %eq3A_893 : i32 to vector<16xi32>
        %eq3A_895 = arith.cmpi eq, %iota3A, %eq3A_894 : vector<16xi32>
        %broadcast_in_dim3A_896 = vector.broadcast %reduce_sum3A_892 : f32 to vector<16xf32>
        %select_n3A_897 = arith.select %eq3A_895, %broadcast_in_dim3A_896, %select_n3A_859 : vector<16xi1>, vector<16xf32>
        %add3A_898 = arith.constant 6 : i32
        %add3A_899 = arith.addi %mul3A_671, %add3A_898 : i32
        %get3A_900 = arith.constant 1 : i32
        %get3A_901 = arith.index_cast %get3A_900 : i32 to index
        %get3A_902 = arith.index_cast %add3A_899 : i32 to index
        %get3A_903 = arith.constant 0 : index
        %get3A_904 = tpu.vector_load %arg11[%get3A_901, %get3A_902, %get3A_903] {strides = array<i32>} : memref<4x224x64xf32, #tpu.memory_space<vmem>>, vector<16xf32>,
        %mul3A_905 = arith.mulf %get3A_904, %get3A_465 : vector<16xf32>
        %get3A_906 = arith.constant 1 : i32
        %get3A_907 = arith.index_cast %get3A_906 : i32 to index
        %get3A_908 = arith.index_cast %add3A_899 : i32 to index
        %get3A_909 = arith.constant 16 : index
        %get3A_910 = tpu.vector_load %arg11[%get3A_907, %get3A_908, %get3A_909] {strides = array<i32>} : memref<4x224x64xf32, #tpu.memory_space<vmem>>, vector<16xf32>,
        %mul3A_911 = arith.mulf %get3A_910, %get3A_468 : vector<16xf32>
        %add3A_912 = arith.addf %mul3A_905, %mul3A_911 : vector<16xf32>
        %get3A_913 = arith.constant 1 : i32
        %get3A_914 = arith.index_cast %get3A_913 : i32 to index
        %get3A_915 = arith.index_cast %add3A_899 : i32 to index
        %get3A_916 = arith.constant 32 : index
        %get3A_917 = tpu.vector_load %arg11[%get3A_914, %get3A_915, %get3A_916] {strides = array<i32>} : memref<4x224x64xf32, #tpu.memory_space<vmem>>, vector<16xf32>,
        %mul3A_918 = arith.mulf %get3A_917, %get3A_471 : vector<16xf32>
        %get3A_919 = arith.constant 1 : i32
        %get3A_920 = arith.index_cast %get3A_919 : i32 to index
        %get3A_921 = arith.index_cast %add3A_899 : i32 to index
        %get3A_922 = arith.constant 48 : index
        %get3A_923 = tpu.vector_load %arg11[%get3A_920, %get3A_921, %get3A_922] {strides = array<i32>} : memref<4x224x64xf32, #tpu.memory_space<vmem>>, vector<16xf32>,
        %mul3A_924 = arith.mulf %get3A_923, %get3A_474 : vector<16xf32>
        %add3A_925 = arith.addf %mul3A_918, %mul3A_924 : vector<16xf32>
        %add3A_926 = arith.addf %add3A_912, %add3A_925 : vector<16xf32>
        %reduce_sum3A_927 = arith.constant true
        %reduce_sum3A_928 = vector.broadcast %reduce_sum3A_927 : i1 to vector<16xi1>
        %reduce_sum3A_929 = tpu.scan <sum>, %add3A_926 masked %reduce_sum3A_928 : vector<16xf32>, vector<16xi1> -> vector<16xf32>
        %reduce_sum3A_930 = vector.extract %reduce_sum3A_929[15] : f32 from vector<16xf32>
        %eq3A_931 = arith.constant 6 : i32
        %eq3A_932 = vector.broadcast %eq3A_931 : i32 to vector<16xi32>
        %eq3A_933 = arith.cmpi eq, %iota3A, %eq3A_932 : vector<16xi32>
        %broadcast_in_dim3A_934 = vector.broadcast %reduce_sum3A_930 : f32 to vector<16xf32>
        %select_n3A_935 = arith.select %eq3A_933, %broadcast_in_dim3A_934, %select_n3A_897 : vector<16xi1>, vector<16xf32>
        %add3A_936 = arith.constant 7 : i32
        %add3A_937 = arith.addi %mul3A_671, %add3A_936 : i32
        %get3A_938 = arith.constant 1 : i32
        %get3A_939 = arith.index_cast %get3A_938 : i32 to index
        %get3A_940 = arith.index_cast %add3A_937 : i32 to index
        %get3A_941 = arith.constant 0 : index
        %get3A_942 = tpu.vector_load %arg11[%get3A_939, %get3A_940, %get3A_941] {strides = array<i32>} : memref<4x224x64xf32, #tpu.memory_space<vmem>>, vector<16xf32>,
        %mul3A_943 = arith.mulf %get3A_942, %get3A_465 : vector<16xf32>
        %get3A_944 = arith.constant 1 : i32
        %get3A_945 = arith.index_cast %get3A_944 : i32 to index
        %get3A_946 = arith.index_cast %add3A_937 : i32 to index
        %get3A_947 = arith.constant 16 : index
        %get3A_948 = tpu.vector_load %arg11[%get3A_945, %get3A_946, %get3A_947] {strides = array<i32>} : memref<4x224x64xf32, #tpu.memory_space<vmem>>, vector<16xf32>,
        %mul3A_949 = arith.mulf %get3A_948, %get3A_468 : vector<16xf32>
        %add3A_950 = arith.addf %mul3A_943, %mul3A_949 : vector<16xf32>
        %get3A_951 = arith.constant 1 : i32
        %get3A_952 = arith.index_cast %get3A_951 : i32 to index
        %get3A_953 = arith.index_cast %add3A_937 : i32 to index
        %get3A_954 = arith.constant 32 : index
        %get3A_955 = tpu.vector_load %arg11[%get3A_952, %get3A_953, %get3A_954] {strides = array<i32>} : memref<4x224x64xf32, #tpu.memory_space<vmem>>, vector<16xf32>,
        %mul3A_956 = arith.mulf %get3A_955, %get3A_471 : vector<16xf32>
        %get3A_957 = arith.constant 1 : i32
        %get3A_958 = arith.index_cast %get3A_957 : i32 to index
        %get3A_959 = arith.index_cast %add3A_937 : i32 to index
        %get3A_960 = arith.constant 48 : index
        %get3A_961 = tpu.vector_load %arg11[%get3A_958, %get3A_959, %get3A_960] {strides = array<i32>} : memref<4x224x64xf32, #tpu.memory_space<vmem>>, vector<16xf32>,
        %mul3A_962 = arith.mulf %get3A_961, %get3A_474 : vector<16xf32>
        %add3A_963 = arith.addf %mul3A_956, %mul3A_962 : vector<16xf32>
        %add3A_964 = arith.addf %add3A_950, %add3A_963 : vector<16xf32>
        %reduce_sum3A_965 = arith.constant true
        %reduce_sum3A_966 = vector.broadcast %reduce_sum3A_965 : i1 to vector<16xi1>
        %reduce_sum3A_967 = tpu.scan <sum>, %add3A_964 masked %reduce_sum3A_966 : vector<16xf32>, vector<16xi1> -> vector<16xf32>
        %reduce_sum3A_968 = vector.extract %reduce_sum3A_967[15] : f32 from vector<16xf32>
        %eq3A_969 = arith.constant 7 : i32
        %eq3A_970 = vector.broadcast %eq3A_969 : i32 to vector<16xi32>
        %eq3A_971 = arith.cmpi eq, %iota3A, %eq3A_970 : vector<16xi32>
        %broadcast_in_dim3A_972 = vector.broadcast %reduce_sum3A_968 : f32 to vector<16xf32>
        %select_n3A_973 = arith.select %eq3A_971, %broadcast_in_dim3A_972, %select_n3A_935 : vector<16xi1>, vector<16xf32>
        %add3A_974 = arith.constant 8 : i32
        %add3A_975 = arith.addi %mul3A_671, %add3A_974 : i32
        %get3A_976 = arith.constant 1 : i32
        %get3A_977 = arith.index_cast %get3A_976 : i32 to index
        %get3A_978 = arith.index_cast %add3A_975 : i32 to index
        %get3A_979 = arith.constant 0 : index
        %get3A_980 = tpu.vector_load %arg11[%get3A_977, %get3A_978, %get3A_979] {strides = array<i32>} : memref<4x224x64xf32, #tpu.memory_space<vmem>>, vector<16xf32>,
        %mul3A_981 = arith.mulf %get3A_980, %get3A_465 : vector<16xf32>
        %get3A_982 = arith.constant 1 : i32
        %get3A_983 = arith.index_cast %get3A_982 : i32 to index
        %get3A_984 = arith.index_cast %add3A_975 : i32 to index
        %get3A_985 = arith.constant 16 : index
        %get3A_986 = tpu.vector_load %arg11[%get3A_983, %get3A_984, %get3A_985] {strides = array<i32>} : memref<4x224x64xf32, #tpu.memory_space<vmem>>, vector<16xf32>,
        %mul3A_987 = arith.mulf %get3A_986, %get3A_468 : vector<16xf32>
        %add3A_988 = arith.addf %mul3A_981, %mul3A_987 : vector<16xf32>
        %get3A_989 = arith.constant 1 : i32
        %get3A_990 = arith.index_cast %get3A_989 : i32 to index
        %get3A_991 = arith.index_cast %add3A_975 : i32 to index
        %get3A_992 = arith.constant 32 : index
        %get3A_993 = tpu.vector_load %arg11[%get3A_990, %get3A_991, %get3A_992] {strides = array<i32>} : memref<4x224x64xf32, #tpu.memory_space<vmem>>, vector<16xf32>,
        %mul3A_994 = arith.mulf %get3A_993, %get3A_471 : vector<16xf32>
        %get3A_995 = arith.constant 1 : i32
        %get3A_996 = arith.index_cast %get3A_995 : i32 to index
        %get3A_997 = arith.index_cast %add3A_975 : i32 to index
        %get3A_998 = arith.constant 48 : index
        %get3A_999 = tpu.vector_load %arg11[%get3A_996, %get3A_997, %get3A_998] {strides = array<i32>} : memref<4x224x64xf32, #tpu.memory_space<vmem>>, vector<16xf32>,
        %mul3A_1000 = arith.mulf %get3A_999, %get3A_474 : vector<16xf32>
        %add3A_1001 = arith.addf %mul3A_994, %mul3A_1000 : vector<16xf32>
        %add3A_1002 = arith.addf %add3A_988, %add3A_1001 : vector<16xf32>
        %reduce_sum3A_1003 = arith.constant true
        %reduce_sum3A_1004 = vector.broadcast %reduce_sum3A_1003 : i1 to vector<16xi1>
        %reduce_sum3A_1005 = tpu.scan <sum>, %add3A_1002 masked %reduce_sum3A_1004 : vector<16xf32>, vector<16xi1> -> vector<16xf32>
        %reduce_sum3A_1006 = vector.extract %reduce_sum3A_1005[15] : f32 from vector<16xf32>
        %eq3A_1007 = arith.constant 8 : i32
        %eq3A_1008 = vector.broadcast %eq3A_1007 : i32 to vector<16xi32>
        %eq3A_1009 = arith.cmpi eq, %iota3A, %eq3A_1008 : vector<16xi32>
        %broadcast_in_dim3A_1010 = vector.broadcast %reduce_sum3A_1006 : f32 to vector<16xf32>
        %select_n3A_1011 = arith.select %eq3A_1009, %broadcast_in_dim3A_1010, %select_n3A_973 : vector<16xi1>, vector<16xf32>
        %add3A_1012 = arith.constant 9 : i32
        %add3A_1013 = arith.addi %mul3A_671, %add3A_1012 : i32
        %get3A_1014 = arith.constant 1 : i32
        %get3A_1015 = arith.index_cast %get3A_1014 : i32 to index
        %get3A_1016 = arith.index_cast %add3A_1013 : i32 to index
        %get3A_1017 = arith.constant 0 : index
        %get3A_1018 = tpu.vector_load %arg11[%get3A_1015, %get3A_1016, %get3A_1017] {strides = array<i32>} : memref<4x224x64xf32, #tpu.memory_space<vmem>>, vector<16xf32>,
        %mul3A_1019 = arith.mulf %get3A_1018, %get3A_465 : vector<16xf32>
        %get3A_1020 = arith.constant 1 : i32
        %get3A_1021 = arith.index_cast %get3A_1020 : i32 to index
        %get3A_1022 = arith.index_cast %add3A_1013 : i32 to index
        %get3A_1023 = arith.constant 16 : index
        %get3A_1024 = tpu.vector_load %arg11[%get3A_1021, %get3A_1022, %get3A_1023] {strides = array<i32>} : memref<4x224x64xf32, #tpu.memory_space<vmem>>, vector<16xf32>,
        %mul3A_1025 = arith.mulf %get3A_1024, %get3A_468 : vector<16xf32>
        %add3A_1026 = arith.addf %mul3A_1019, %mul3A_1025 : vector<16xf32>
        %get3A_1027 = arith.constant 1 : i32
        %get3A_1028 = arith.index_cast %get3A_1027 : i32 to index
        %get3A_1029 = arith.index_cast %add3A_1013 : i32 to index
        %get3A_1030 = arith.constant 32 : index
        %get3A_1031 = tpu.vector_load %arg11[%get3A_1028, %get3A_1029, %get3A_1030] {strides = array<i32>} : memref<4x224x64xf32, #tpu.memory_space<vmem>>, vector<16xf32>,
        %mul3A_1032 = arith.mulf %get3A_1031, %get3A_471 : vector<16xf32>
        %get3A_1033 = arith.constant 1 : i32
        %get3A_1034 = arith.index_cast %get3A_1033 : i32 to index
        %get3A_1035 = arith.index_cast %add3A_1013 : i32 to index
        %get3A_1036 = arith.constant 48 : index
        %get3A_1037 = tpu.vector_load %arg11[%get3A_1034, %get3A_1035, %get3A_1036] {strides = array<i32>} : memref<4x224x64xf32, #tpu.memory_space<vmem>>, vector<16xf32>,
        %mul3A_1038 = arith.mulf %get3A_1037, %get3A_474 : vector<16xf32>
        %add3A_1039 = arith.addf %mul3A_1032, %mul3A_1038 : vector<16xf32>
        %add3A_1040 = arith.addf %add3A_1026, %add3A_1039 : vector<16xf32>
        %reduce_sum3A_1041 = arith.constant true
        %reduce_sum3A_1042 = vector.broadcast %reduce_sum3A_1041 : i1 to vector<16xi1>
        %reduce_sum3A_1043 = tpu.scan <sum>, %add3A_1040 masked %reduce_sum3A_1042 : vector<16xf32>, vector<16xi1> -> vector<16xf32>
        %reduce_sum3A_1044 = vector.extract %reduce_sum3A_1043[15] : f32 from vector<16xf32>
        %eq3A_1045 = arith.constant 9 : i32
        %eq3A_1046 = vector.broadcast %eq3A_1045 : i32 to vector<16xi32>
        %eq3A_1047 = arith.cmpi eq, %iota3A, %eq3A_1046 : vector<16xi32>
        %broadcast_in_dim3A_1048 = vector.broadcast %reduce_sum3A_1044 : f32 to vector<16xf32>
        %select_n3A_1049 = arith.select %eq3A_1047, %broadcast_in_dim3A_1048, %select_n3A_1011 : vector<16xi1>, vector<16xf32>
        %add3A_1050 = arith.constant 10 : i32
        %add3A_1051 = arith.addi %mul3A_671, %add3A_1050 : i32
        %get3A_1052 = arith.constant 1 : i32
        %get3A_1053 = arith.index_cast %get3A_1052 : i32 to index
        %get3A_1054 = arith.index_cast %add3A_1051 : i32 to index
        %get3A_1055 = arith.constant 0 : index
        %get3A_1056 = tpu.vector_load %arg11[%get3A_1053, %get3A_1054, %get3A_1055] {strides = array<i32>} : memref<4x224x64xf32, #tpu.memory_space<vmem>>, vector<16xf32>,
        %mul3A_1057 = arith.mulf %get3A_1056, %get3A_465 : vector<16xf32>
        %get3A_1058 = arith.constant 1 : i32
        %get3A_1059 = arith.index_cast %get3A_1058 : i32 to index
        %get3A_1060 = arith.index_cast %add3A_1051 : i32 to index
        %get3A_1061 = arith.constant 16 : index
        %get3A_1062 = tpu.vector_load %arg11[%get3A_1059, %get3A_1060, %get3A_1061] {strides = array<i32>} : memref<4x224x64xf32, #tpu.memory_space<vmem>>, vector<16xf32>,
        %mul3A_1063 = arith.mulf %get3A_1062, %get3A_468 : vector<16xf32>
        %add3A_1064 = arith.addf %mul3A_1057, %mul3A_1063 : vector<16xf32>
        %get3A_1065 = arith.constant 1 : i32
        %get3A_1066 = arith.index_cast %get3A_1065 : i32 to index
        %get3A_1067 = arith.index_cast %add3A_1051 : i32 to index
        %get3A_1068 = arith.constant 32 : index
        %get3A_1069 = tpu.vector_load %arg11[%get3A_1066, %get3A_1067, %get3A_1068] {strides = array<i32>} : memref<4x224x64xf32, #tpu.memory_space<vmem>>, vector<16xf32>,
        %mul3A_1070 = arith.mulf %get3A_1069, %get3A_471 : vector<16xf32>
        %get3A_1071 = arith.constant 1 : i32
        %get3A_1072 = arith.index_cast %get3A_1071 : i32 to index
        %get3A_1073 = arith.index_cast %add3A_1051 : i32 to index
        %get3A_1074 = arith.constant 48 : index
        %get3A_1075 = tpu.vector_load %arg11[%get3A_1072, %get3A_1073, %get3A_1074] {strides = array<i32>} : memref<4x224x64xf32, #tpu.memory_space<vmem>>, vector<16xf32>,
        %mul3A_1076 = arith.mulf %get3A_1075, %get3A_474 : vector<16xf32>
        %add3A_1077 = arith.addf %mul3A_1070, %mul3A_1076 : vector<16xf32>
        %add3A_1078 = arith.addf %add3A_1064, %add3A_1077 : vector<16xf32>
        %reduce_sum3A_1079 = arith.constant true
        %reduce_sum3A_1080 = vector.broadcast %reduce_sum3A_1079 : i1 to vector<16xi1>
        %reduce_sum3A_1081 = tpu.scan <sum>, %add3A_1078 masked %reduce_sum3A_1080 : vector<16xf32>, vector<16xi1> -> vector<16xf32>
        %reduce_sum3A_1082 = vector.extract %reduce_sum3A_1081[15] : f32 from vector<16xf32>
        %eq3A_1083 = arith.constant 10 : i32
        %eq3A_1084 = vector.broadcast %eq3A_1083 : i32 to vector<16xi32>
        %eq3A_1085 = arith.cmpi eq, %iota3A, %eq3A_1084 : vector<16xi32>
        %broadcast_in_dim3A_1086 = vector.broadcast %reduce_sum3A_1082 : f32 to vector<16xf32>
        %select_n3A_1087 = arith.select %eq3A_1085, %broadcast_in_dim3A_1086, %select_n3A_1049 : vector<16xi1>, vector<16xf32>
        %add3A_1088 = arith.constant 11 : i32
        %add3A_1089 = arith.addi %mul3A_671, %add3A_1088 : i32
        %get3A_1090 = arith.constant 1 : i32
        %get3A_1091 = arith.index_cast %get3A_1090 : i32 to index
        %get3A_1092 = arith.index_cast %add3A_1089 : i32 to index
        %get3A_1093 = arith.constant 0 : index
        %get3A_1094 = tpu.vector_load %arg11[%get3A_1091, %get3A_1092, %get3A_1093] {strides = array<i32>} : memref<4x224x64xf32, #tpu.memory_space<vmem>>, vector<16xf32>,
        %mul3A_1095 = arith.mulf %get3A_1094, %get3A_465 : vector<16xf32>
        %get3A_1096 = arith.constant 1 : i32
        %get3A_1097 = arith.index_cast %get3A_1096 : i32 to index
        %get3A_1098 = arith.index_cast %add3A_1089 : i32 to index
        %get3A_1099 = arith.constant 16 : index
        %get3A_1100 = tpu.vector_load %arg11[%get3A_1097, %get3A_1098, %get3A_1099] {strides = array<i32>} : memref<4x224x64xf32, #tpu.memory_space<vmem>>, vector<16xf32>,
        %mul3A_1101 = arith.mulf %get3A_1100, %get3A_468 : vector<16xf32>
        %add3A_1102 = arith.addf %mul3A_1095, %mul3A_1101 : vector<16xf32>
        %get3A_1103 = arith.constant 1 : i32
        %get3A_1104 = arith.index_cast %get3A_1103 : i32 to index
        %get3A_1105 = arith.index_cast %add3A_1089 : i32 to index
        %get3A_1106 = arith.constant 32 : index
        %get3A_1107 = tpu.vector_load %arg11[%get3A_1104, %get3A_1105, %get3A_1106] {strides = array<i32>} : memref<4x224x64xf32, #tpu.memory_space<vmem>>, vector<16xf32>,
        %mul3A_1108 = arith.mulf %get3A_1107, %get3A_471 : vector<16xf32>
        %get3A_1109 = arith.constant 1 : i32
        %get3A_1110 = arith.index_cast %get3A_1109 : i32 to index
        %get3A_1111 = arith.index_cast %add3A_1089 : i32 to index
        %get3A_1112 = arith.constant 48 : index
        %get3A_1113 = tpu.vector_load %arg11[%get3A_1110, %get3A_1111, %get3A_1112] {strides = array<i32>} : memref<4x224x64xf32, #tpu.memory_space<vmem>>, vector<16xf32>,
        %mul3A_1114 = arith.mulf %get3A_1113, %get3A_474 : vector<16xf32>
        %add3A_1115 = arith.addf %mul3A_1108, %mul3A_1114 : vector<16xf32>
        %add3A_1116 = arith.addf %add3A_1102, %add3A_1115 : vector<16xf32>
        %reduce_sum3A_1117 = arith.constant true
        %reduce_sum3A_1118 = vector.broadcast %reduce_sum3A_1117 : i1 to vector<16xi1>
        %reduce_sum3A_1119 = tpu.scan <sum>, %add3A_1116 masked %reduce_sum3A_1118 : vector<16xf32>, vector<16xi1> -> vector<16xf32>
        %reduce_sum3A_1120 = vector.extract %reduce_sum3A_1119[15] : f32 from vector<16xf32>
        %eq3A_1121 = arith.constant 11 : i32
        %eq3A_1122 = vector.broadcast %eq3A_1121 : i32 to vector<16xi32>
        %eq3A_1123 = arith.cmpi eq, %iota3A, %eq3A_1122 : vector<16xi32>
        %broadcast_in_dim3A_1124 = vector.broadcast %reduce_sum3A_1120 : f32 to vector<16xf32>
        %select_n3A_1125 = arith.select %eq3A_1123, %broadcast_in_dim3A_1124, %select_n3A_1087 : vector<16xi1>, vector<16xf32>
        %add3A_1126 = arith.constant 12 : i32
        %add3A_1127 = arith.addi %mul3A_671, %add3A_1126 : i32
        %get3A_1128 = arith.constant 1 : i32
        %get3A_1129 = arith.index_cast %get3A_1128 : i32 to index
        %get3A_1130 = arith.index_cast %add3A_1127 : i32 to index
        %get3A_1131 = arith.constant 0 : index
        %get3A_1132 = tpu.vector_load %arg11[%get3A_1129, %get3A_1130, %get3A_1131] {strides = array<i32>} : memref<4x224x64xf32, #tpu.memory_space<vmem>>, vector<16xf32>,
        %mul3A_1133 = arith.mulf %get3A_1132, %get3A_465 : vector<16xf32>
        %get3A_1134 = arith.constant 1 : i32
        %get3A_1135 = arith.index_cast %get3A_1134 : i32 to index
        %get3A_1136 = arith.index_cast %add3A_1127 : i32 to index
        %get3A_1137 = arith.constant 16 : index
        %get3A_1138 = tpu.vector_load %arg11[%get3A_1135, %get3A_1136, %get3A_1137] {strides = array<i32>} : memref<4x224x64xf32, #tpu.memory_space<vmem>>, vector<16xf32>,
        %mul3A_1139 = arith.mulf %get3A_1138, %get3A_468 : vector<16xf32>
        %add3A_1140 = arith.addf %mul3A_1133, %mul3A_1139 : vector<16xf32>
        %get3A_1141 = arith.constant 1 : i32
        %get3A_1142 = arith.index_cast %get3A_1141 : i32 to index
        %get3A_1143 = arith.index_cast %add3A_1127 : i32 to index
        %get3A_1144 = arith.constant 32 : index
        %get3A_1145 = tpu.vector_load %arg11[%get3A_1142, %get3A_1143, %get3A_1144] {strides = array<i32>} : memref<4x224x64xf32, #tpu.memory_space<vmem>>, vector<16xf32>,
        %mul3A_1146 = arith.mulf %get3A_1145, %get3A_471 : vector<16xf32>
        %get3A_1147 = arith.constant 1 : i32
        %get3A_1148 = arith.index_cast %get3A_1147 : i32 to index
        %get3A_1149 = arith.index_cast %add3A_1127 : i32 to index
        %get3A_1150 = arith.constant 48 : index
        %get3A_1151 = tpu.vector_load %arg11[%get3A_1148, %get3A_1149, %get3A_1150] {strides = array<i32>} : memref<4x224x64xf32, #tpu.memory_space<vmem>>, vector<16xf32>,
        %mul3A_1152 = arith.mulf %get3A_1151, %get3A_474 : vector<16xf32>
        %add3A_1153 = arith.addf %mul3A_1146, %mul3A_1152 : vector<16xf32>
        %add3A_1154 = arith.addf %add3A_1140, %add3A_1153 : vector<16xf32>
        %reduce_sum3A_1155 = arith.constant true
        %reduce_sum3A_1156 = vector.broadcast %reduce_sum3A_1155 : i1 to vector<16xi1>
        %reduce_sum3A_1157 = tpu.scan <sum>, %add3A_1154 masked %reduce_sum3A_1156 : vector<16xf32>, vector<16xi1> -> vector<16xf32>
        %reduce_sum3A_1158 = vector.extract %reduce_sum3A_1157[15] : f32 from vector<16xf32>
        %eq3A_1159 = arith.constant 12 : i32
        %eq3A_1160 = vector.broadcast %eq3A_1159 : i32 to vector<16xi32>
        %eq3A_1161 = arith.cmpi eq, %iota3A, %eq3A_1160 : vector<16xi32>
        %broadcast_in_dim3A_1162 = vector.broadcast %reduce_sum3A_1158 : f32 to vector<16xf32>
        %select_n3A_1163 = arith.select %eq3A_1161, %broadcast_in_dim3A_1162, %select_n3A_1125 : vector<16xi1>, vector<16xf32>
        %add3A_1164 = arith.constant 13 : i32
        %add3A_1165 = arith.addi %mul3A_671, %add3A_1164 : i32
        %get3A_1166 = arith.constant 1 : i32
        %get3A_1167 = arith.index_cast %get3A_1166 : i32 to index
        %get3A_1168 = arith.index_cast %add3A_1165 : i32 to index
        %get3A_1169 = arith.constant 0 : index
        %get3A_1170 = tpu.vector_load %arg11[%get3A_1167, %get3A_1168, %get3A_1169] {strides = array<i32>} : memref<4x224x64xf32, #tpu.memory_space<vmem>>, vector<16xf32>,
        %mul3A_1171 = arith.mulf %get3A_1170, %get3A_465 : vector<16xf32>
        %get3A_1172 = arith.constant 1 : i32
        %get3A_1173 = arith.index_cast %get3A_1172 : i32 to index
        %get3A_1174 = arith.index_cast %add3A_1165 : i32 to index
        %get3A_1175 = arith.constant 16 : index
        %get3A_1176 = tpu.vector_load %arg11[%get3A_1173, %get3A_1174, %get3A_1175] {strides = array<i32>} : memref<4x224x64xf32, #tpu.memory_space<vmem>>, vector<16xf32>,
        %mul3A_1177 = arith.mulf %get3A_1176, %get3A_468 : vector<16xf32>
        %add3A_1178 = arith.addf %mul3A_1171, %mul3A_1177 : vector<16xf32>
        %get3A_1179 = arith.constant 1 : i32
        %get3A_1180 = arith.index_cast %get3A_1179 : i32 to index
        %get3A_1181 = arith.index_cast %add3A_1165 : i32 to index
        %get3A_1182 = arith.constant 32 : index
        %get3A_1183 = tpu.vector_load %arg11[%get3A_1180, %get3A_1181, %get3A_1182] {strides = array<i32>} : memref<4x224x64xf32, #tpu.memory_space<vmem>>, vector<16xf32>,
        %mul3A_1184 = arith.mulf %get3A_1183, %get3A_471 : vector<16xf32>
        %get3A_1185 = arith.constant 1 : i32
        %get3A_1186 = arith.index_cast %get3A_1185 : i32 to index
        %get3A_1187 = arith.index_cast %add3A_1165 : i32 to index
        %get3A_1188 = arith.constant 48 : index
        %get3A_1189 = tpu.vector_load %arg11[%get3A_1186, %get3A_1187, %get3A_1188] {strides = array<i32>} : memref<4x224x64xf32, #tpu.memory_space<vmem>>, vector<16xf32>,
        %mul3A_1190 = arith.mulf %get3A_1189, %get3A_474 : vector<16xf32>
        %add3A_1191 = arith.addf %mul3A_1184, %mul3A_1190 : vector<16xf32>
        %add3A_1192 = arith.addf %add3A_1178, %add3A_1191 : vector<16xf32>
        %reduce_sum3A_1193 = arith.constant true
        %reduce_sum3A_1194 = vector.broadcast %reduce_sum3A_1193 : i1 to vector<16xi1>
        %reduce_sum3A_1195 = tpu.scan <sum>, %add3A_1192 masked %reduce_sum3A_1194 : vector<16xf32>, vector<16xi1> -> vector<16xf32>
        %reduce_sum3A_1196 = vector.extract %reduce_sum3A_1195[15] : f32 from vector<16xf32>
        %eq3A_1197 = arith.constant 13 : i32
        %eq3A_1198 = vector.broadcast %eq3A_1197 : i32 to vector<16xi32>
        %eq3A_1199 = arith.cmpi eq, %iota3A, %eq3A_1198 : vector<16xi32>
        %broadcast_in_dim3A_1200 = vector.broadcast %reduce_sum3A_1196 : f32 to vector<16xf32>
        %select_n3A_1201 = arith.select %eq3A_1199, %broadcast_in_dim3A_1200, %select_n3A_1163 : vector<16xi1>, vector<16xf32>
        %add3A_1202 = arith.constant 14 : i32
        %add3A_1203 = arith.addi %mul3A_671, %add3A_1202 : i32
        %get3A_1204 = arith.constant 1 : i32
        %get3A_1205 = arith.index_cast %get3A_1204 : i32 to index
        %get3A_1206 = arith.index_cast %add3A_1203 : i32 to index
        %get3A_1207 = arith.constant 0 : index
        %get3A_1208 = tpu.vector_load %arg11[%get3A_1205, %get3A_1206, %get3A_1207] {strides = array<i32>} : memref<4x224x64xf32, #tpu.memory_space<vmem>>, vector<16xf32>,
        %mul3A_1209 = arith.mulf %get3A_1208, %get3A_465 : vector<16xf32>
        %get3A_1210 = arith.constant 1 : i32
        %get3A_1211 = arith.index_cast %get3A_1210 : i32 to index
        %get3A_1212 = arith.index_cast %add3A_1203 : i32 to index
        %get3A_1213 = arith.constant 16 : index
        %get3A_1214 = tpu.vector_load %arg11[%get3A_1211, %get3A_1212, %get3A_1213] {strides = array<i32>} : memref<4x224x64xf32, #tpu.memory_space<vmem>>, vector<16xf32>,
        %mul3A_1215 = arith.mulf %get3A_1214, %get3A_468 : vector<16xf32>
        %add3A_1216 = arith.addf %mul3A_1209, %mul3A_1215 : vector<16xf32>
        %get3A_1217 = arith.constant 1 : i32
        %get3A_1218 = arith.index_cast %get3A_1217 : i32 to index
        %get3A_1219 = arith.index_cast %add3A_1203 : i32 to index
        %get3A_1220 = arith.constant 32 : index
        %get3A_1221 = tpu.vector_load %arg11[%get3A_1218, %get3A_1219, %get3A_1220] {strides = array<i32>} : memref<4x224x64xf32, #tpu.memory_space<vmem>>, vector<16xf32>,
        %mul3A_1222 = arith.mulf %get3A_1221, %get3A_471 : vector<16xf32>
        %get3A_1223 = arith.constant 1 : i32
        %get3A_1224 = arith.index_cast %get3A_1223 : i32 to index
        %get3A_1225 = arith.index_cast %add3A_1203 : i32 to index
        %get3A_1226 = arith.constant 48 : index
        %get3A_1227 = tpu.vector_load %arg11[%get3A_1224, %get3A_1225, %get3A_1226] {strides = array<i32>} : memref<4x224x64xf32, #tpu.memory_space<vmem>>, vector<16xf32>,
        %mul3A_1228 = arith.mulf %get3A_1227, %get3A_474 : vector<16xf32>
        %add3A_1229 = arith.addf %mul3A_1222, %mul3A_1228 : vector<16xf32>
        %add3A_1230 = arith.addf %add3A_1216, %add3A_1229 : vector<16xf32>
        %reduce_sum3A_1231 = arith.constant true
        %reduce_sum3A_1232 = vector.broadcast %reduce_sum3A_1231 : i1 to vector<16xi1>
        %reduce_sum3A_1233 = tpu.scan <sum>, %add3A_1230 masked %reduce_sum3A_1232 : vector<16xf32>, vector<16xi1> -> vector<16xf32>
        %reduce_sum3A_1234 = vector.extract %reduce_sum3A_1233[15] : f32 from vector<16xf32>
        %eq3A_1235 = arith.constant 14 : i32
        %eq3A_1236 = vector.broadcast %eq3A_1235 : i32 to vector<16xi32>
        %eq3A_1237 = arith.cmpi eq, %iota3A, %eq3A_1236 : vector<16xi32>
        %broadcast_in_dim3A_1238 = vector.broadcast %reduce_sum3A_1234 : f32 to vector<16xf32>
        %select_n3A_1239 = arith.select %eq3A_1237, %broadcast_in_dim3A_1238, %select_n3A_1201 : vector<16xi1>, vector<16xf32>
        %add3A_1240 = arith.constant 15 : i32
        %add3A_1241 = arith.addi %mul3A_671, %add3A_1240 : i32
        %get3A_1242 = arith.constant 1 : i32
        %get3A_1243 = arith.index_cast %get3A_1242 : i32 to index
        %get3A_1244 = arith.index_cast %add3A_1241 : i32 to index
        %get3A_1245 = arith.constant 0 : index
        %get3A_1246 = tpu.vector_load %arg11[%get3A_1243, %get3A_1244, %get3A_1245] {strides = array<i32>} : memref<4x224x64xf32, #tpu.memory_space<vmem>>, vector<16xf32>,
        %mul3A_1247 = arith.mulf %get3A_1246, %get3A_465 : vector<16xf32>
        %get3A_1248 = arith.constant 1 : i32
        %get3A_1249 = arith.index_cast %get3A_1248 : i32 to index
        %get3A_1250 = arith.index_cast %add3A_1241 : i32 to index
        %get3A_1251 = arith.constant 16 : index
        %get3A_1252 = tpu.vector_load %arg11[%get3A_1249, %get3A_1250, %get3A_1251] {strides = array<i32>} : memref<4x224x64xf32, #tpu.memory_space<vmem>>, vector<16xf32>,
        %mul3A_1253 = arith.mulf %get3A_1252, %get3A_468 : vector<16xf32>
        %add3A_1254 = arith.addf %mul3A_1247, %mul3A_1253 : vector<16xf32>
        %get3A_1255 = arith.constant 1 : i32
        %get3A_1256 = arith.index_cast %get3A_1255 : i32 to index
        %get3A_1257 = arith.index_cast %add3A_1241 : i32 to index
        %get3A_1258 = arith.constant 32 : index
        %get3A_1259 = tpu.vector_load %arg11[%get3A_1256, %get3A_1257, %get3A_1258] {strides = array<i32>} : memref<4x224x64xf32, #tpu.memory_space<vmem>>, vector<16xf32>,
        %mul3A_1260 = arith.mulf %get3A_1259, %get3A_471 : vector<16xf32>
        %get3A_1261 = arith.constant 1 : i32
        %get3A_1262 = arith.index_cast %get3A_1261 : i32 to index
        %get3A_1263 = arith.index_cast %add3A_1241 : i32 to index
        %get3A_1264 = arith.constant 48 : index
        %get3A_1265 = tpu.vector_load %arg11[%get3A_1262, %get3A_1263, %get3A_1264] {strides = array<i32>} : memref<4x224x64xf32, #tpu.memory_space<vmem>>, vector<16xf32>,
        %mul3A_1266 = arith.mulf %get3A_1265, %get3A_474 : vector<16xf32>
        %add3A_1267 = arith.addf %mul3A_1260, %mul3A_1266 : vector<16xf32>
        %add3A_1268 = arith.addf %add3A_1254, %add3A_1267 : vector<16xf32>
        %reduce_sum3A_1269 = arith.constant true
        %reduce_sum3A_1270 = vector.broadcast %reduce_sum3A_1269 : i1 to vector<16xi1>
        %reduce_sum3A_1271 = tpu.scan <sum>, %add3A_1268 masked %reduce_sum3A_1270 : vector<16xf32>, vector<16xi1> -> vector<16xf32>
        %reduce_sum3A_1272 = vector.extract %reduce_sum3A_1271[15] : f32 from vector<16xf32>
        %eq3A_1273 = arith.constant 15 : i32
        %eq3A_1274 = vector.broadcast %eq3A_1273 : i32 to vector<16xi32>
        %eq3A_1275 = arith.cmpi eq, %iota3A, %eq3A_1274 : vector<16xi32>
        %broadcast_in_dim3A_1276 = vector.broadcast %reduce_sum3A_1272 : f32 to vector<16xf32>
        %select_n3A_1277 = arith.select %eq3A_1275, %broadcast_in_dim3A_1276, %select_n3A_1239 : vector<16xi1>, vector<16xf32>
        %swap3A = arith.constant 1 : i32
        %swap3A_1278 = arith.index_cast %swap3A : i32 to index
        %swap3A_1279 = arith.index_cast %mul3A_671 : i32 to index
        %swap3A_1280 = tpu.vector_load %arg12[%swap3A_1278, %swap3A_1279] {strides = array<i32>} : memref<4x224xf32, #tpu.memory_space<vmem>>, vector<16xf32>,
        tpu.vector_store %arg12[%swap3A_1278, %swap3A_1279], %select_n3A_1277 {strides = array<i32>} : memref<4x224xf32, #tpu.memory_space<vmem>>, vector<16xf32>,
      }
      %scan3A_480 = arith.constant 14 : i32
      %mul3A_481 = arith.constant 128 : i32
      %mul3A_482 = arith.muli %add3A, %mul3A_481 : i32
      %add3A_483 = arith.addi %mul3A_482, %add3A_411 : i32
      %mul3A_484 = arith.constant 224 : i32
      %mul3A_485 = arith.muli %add3A_483, %mul3A_484 : i32
      %dma_start3A_486 = arith.constant 1 : i32
      %dma_start3A_487 = arith.constant 0 : i32
      %dma_start3A_488 = tpu.memref_slice %arg12[%dma_start3A_486, %dma_start3A_487] : memref<4x224xf32, #tpu.memory_space<vmem>> -> memref<1x224xf32, #tpu.memory_space<vmem>>
      %dma_start3A_489 = tpu.memref_squeeze %dma_start3A_488 : memref<1x224xf32, #tpu.memory_space<vmem>> -> memref<224xf32, #tpu.memory_space<vmem>>
      %dma_start3A_490 = tpu.memref_slice %arg7[%mul3A_485] : memref<917504xf32, #tpu.memory_space<hbm>> -> memref<224xf32, #tpu.memory_space<hbm>>
      %dma_start3A_491 = tpu.memref_slice %arg7[%mul3A_485] : memref<917504xf32, #tpu.memory_space<hbm>> -> memref<224xf32, #tpu.memory_space<hbm>>
      %dma_start3A_492 = arith.constant 0 : i32
      %dma_start3A_493 = tpu.memref_slice %arg12[%dma_start3A_486, %dma_start3A_492] : memref<4x224xf32, #tpu.memory_space<vmem>> -> memref<1x224xf32, #tpu.memory_space<vmem>>
      %dma_start3A_494 = tpu.memref_squeeze %dma_start3A_493 : memref<1x224xf32, #tpu.memory_space<vmem>> -> memref<224xf32, #tpu.memory_space<vmem>>
      tpu.enqueue_dma source(%dma_start3A_494 : memref<224xf32, #tpu.memory_space<vmem>>) target(%dma_start3A_491 : memref<224xf32, #tpu.memory_space<hbm>>) target_semaphore(%arg22 : memref<!tpu.dma_semaphore, #tpu.memory_space<semaphore_mem>>)
      %mul3A_495 = arith.constant 4 : i32
      %mul3A_496 = arith.muli %scan3A_326, %mul3A_495 : i32
      %add3A_497 = arith.constant 2 : i32
      %add3A_498 = arith.addi %mul3A_496, %add3A_497 : i32
      %dma_wait3A_499 = arith.constant 2 : i32
      %dma_wait3A_500 = arith.constant 0 : i32
      %dma_wait3A_501 = arith.constant 0 : i32
      %dma_wait3A_502 = tpu.memref_slice %arg11[%dma_wait3A_499, %dma_wait3A_500, %dma_wait3A_501] : memref<4x224x64xf32, #tpu.memory_space<vmem>> -> memref<1x112x64xf32, #tpu.memory_space<vmem>>
      %dma_wait3A_503 = tpu.memref_squeeze %dma_wait3A_502 : memref<1x112x64xf32, #tpu.memory_space<vmem>> -> memref<112x64xf32, #tpu.memory_space<vmem>>
      %dma_wait3A_504 = arith.constant 0 : i32
      %dma_wait3A_505 = arith.constant 0 : i32
      %dma_wait3A_506 = tpu.memref_slice %arg6[%dma_wait3A_504, %dma_wait3A_505] : memref<1000000x64xf32, #tpu.memory_space<hbm>> -> memref<112x64xf32, #tpu.memory_space<hbm>>
      %dma_wait3A_507 = arith.constant 0 : i32
      %dma_wait3A_508 = arith.constant 0 : i32
      %dma_wait3A_509 = tpu.memref_slice %arg11[%dma_wait3A_499, %dma_wait3A_507, %dma_wait3A_508] : memref<4x224x64xf32, #tpu.memory_space<vmem>> -> memref<1x112x64xf32, #tpu.memory_space<vmem>>
      %dma_wait3A_510 = tpu.memref_squeeze %dma_wait3A_509 : memref<1x112x64xf32, #tpu.memory_space<vmem>> -> memref<112x64xf32, #tpu.memory_space<vmem>>
      %dma_wait3A_511 = arith.constant 0 : i32
      %dma_wait3A_512 = arith.constant 0 : i32
      %dma_wait3A_513 = tpu.memref_slice %arg6[%dma_wait3A_511, %dma_wait3A_512] : memref<1000000x64xf32, #tpu.memory_space<hbm>> -> memref<112x64xf32, #tpu.memory_space<hbm>>
      tpu.wait_dma2 semaphore(%arg15 : memref<!tpu.dma_semaphore, #tpu.memory_space<semaphore_mem>>) src(%dma_wait3A_513 : memref<112x64xf32, #tpu.memory_space<hbm>>) dst(%dma_wait3A_510 : memref<112x64xf32, #tpu.memory_space<vmem>>)
      %dma_wait3A_514 = arith.constant 2 : i32
      %dma_wait3A_515 = arith.constant 112 : i32
      %dma_wait3A_516 = arith.constant 0 : i32
      %dma_wait3A_517 = tpu.memref_slice %arg11[%dma_wait3A_514, %dma_wait3A_515, %dma_wait3A_516] : memref<4x224x64xf32, #tpu.memory_space<vmem>> -> memref<1x112x64xf32, #tpu.memory_space<vmem>>
      %dma_wait3A_518 = tpu.memref_squeeze %dma_wait3A_517 : memref<1x112x64xf32, #tpu.memory_space<vmem>> -> memref<112x64xf32, #tpu.memory_space<vmem>>
      %dma_wait3A_519 = arith.constant 0 : i32
      %dma_wait3A_520 = arith.constant 0 : i32
      %dma_wait3A_521 = tpu.memref_slice %arg6[%dma_wait3A_519, %dma_wait3A_520] : memref<1000000x64xf32, #tpu.memory_space<hbm>> -> memref<112x64xf32, #tpu.memory_space<hbm>>
      %dma_wait3A_522 = arith.constant 112 : i32
      %dma_wait3A_523 = arith.constant 0 : i32
      %dma_wait3A_524 = tpu.memref_slice %arg11[%dma_wait3A_514, %dma_wait3A_522, %dma_wait3A_523] : memref<4x224x64xf32, #tpu.memory_space<vmem>> -> memref<1x112x64xf32, #tpu.memory_space<vmem>>
      %dma_wait3A_525 = tpu.memref_squeeze %dma_wait3A_524 : memref<1x112x64xf32, #tpu.memory_space<vmem>> -> memref<112x64xf32, #tpu.memory_space<vmem>>
      %dma_wait3A_526 = arith.constant 0 : i32
      %dma_wait3A_527 = arith.constant 0 : i32
      %dma_wait3A_528 = tpu.memref_slice %arg6[%dma_wait3A_526, %dma_wait3A_527] : memref<1000000x64xf32, #tpu.memory_space<hbm>> -> memref<112x64xf32, #tpu.memory_space<hbm>>
      tpu.wait_dma2 semaphore(%arg15 : memref<!tpu.dma_semaphore, #tpu.memory_space<semaphore_mem>>) src(%dma_wait3A_528 : memref<112x64xf32, #tpu.memory_space<hbm>>) dst(%dma_wait3A_525 : memref<112x64xf32, #tpu.memory_space<vmem>>)
      %add3A_529 = arith.constant 4 : i32
      %add3A_530 = arith.addi %add3A_498, %add3A_529 : i32
      %sub3A_531 = arith.constant 1 : i32
      %sub3A_532 = arith.subi %add3A_530, %sub3A_531 : i32
      %lt3A_533 = arith.constant 128 : i32
      %lt3A_534 = arith.cmpi slt, %sub3A_532, %lt3A_533 : i32
      %convert_element_type3A_535 = arith.extui %lt3A_534 : i1 to i32
      %cond3A_536 = arith.constant 0 : i32
      %cond3A_537 = arith.cmpi ne, %convert_element_type3A_535, %cond3A_536 : i32
      scf.if %cond3A_537 {
        %dma_wait3A_669 = arith.constant 0 : i32
        %dma_wait3A_670 = arith.constant 1 : i32
        %dma_wait3A_671 = arith.constant 0 : i32
        %dma_wait3A_672 = tpu.memref_slice %arg10[%dma_wait3A_670, %dma_wait3A_671] : memref<4x224xi32, #tpu.memory_space<vmem>> -> memref<1x24xi32, #tpu.memory_space<vmem>>
        %dma_wait3A_673 = tpu.memref_squeeze %dma_wait3A_672 : memref<1x24xi32, #tpu.memory_space<vmem>> -> memref<24xi32, #tpu.memory_space<vmem>>
        %dma_wait3A_674 = arith.constant 0 : i32
        %dma_wait3A_675 = tpu.memref_slice %arg3[%dma_wait3A_669, %dma_wait3A_674] : memref<4096x24xi32, #tpu.memory_space<hbm>> -> memref<1x24xi32, #tpu.memory_space<hbm>>
        %dma_wait3A_676 = tpu.memref_squeeze %dma_wait3A_675 : memref<1x24xi32, #tpu.memory_space<hbm>> -> memref<24xi32, #tpu.memory_space<hbm>>
        %dma_wait3A_677 = arith.constant 0 : i32
        %dma_wait3A_678 = tpu.memref_slice %arg10[%dma_wait3A_670, %dma_wait3A_677] : memref<4x224xi32, #tpu.memory_space<vmem>> -> memref<1x24xi32, #tpu.memory_space<vmem>>
        %dma_wait3A_679 = tpu.memref_squeeze %dma_wait3A_678 : memref<1x24xi32, #tpu.memory_space<vmem>> -> memref<24xi32, #tpu.memory_space<vmem>>
        %dma_wait3A_680 = arith.constant 0 : i32
        %dma_wait3A_681 = tpu.memref_slice %arg3[%dma_wait3A_669, %dma_wait3A_680] : memref<4096x24xi32, #tpu.memory_space<hbm>> -> memref<1x24xi32, #tpu.memory_space<hbm>>
        %dma_wait3A_682 = tpu.memref_squeeze %dma_wait3A_681 : memref<1x24xi32, #tpu.memory_space<hbm>> -> memref<24xi32, #tpu.memory_space<hbm>>
        tpu.wait_dma2 semaphore(%arg18 : memref<!tpu.dma_semaphore, #tpu.memory_space<semaphore_mem>>) src(%dma_wait3A_682 : memref<24xi32, #tpu.memory_space<hbm>>) dst(%dma_wait3A_679 : memref<24xi32, #tpu.memory_space<vmem>>)
        %dma_wait3A_683 = arith.constant 0 : i32
        %dma_wait3A_684 = arith.constant 1 : i32
        %dma_wait3A_685 = arith.constant 24 : i32
        %dma_wait3A_686 = tpu.memref_slice %arg10[%dma_wait3A_684, %dma_wait3A_685] : memref<4x224xi32, #tpu.memory_space<vmem>> -> memref<1x200xi32, #tpu.memory_space<vmem>>
        %dma_wait3A_687 = tpu.memref_squeeze %dma_wait3A_686 : memref<1x200xi32, #tpu.memory_space<vmem>> -> memref<200xi32, #tpu.memory_space<vmem>>
        %dma_wait3A_688 = arith.constant 0 : i32
        %dma_wait3A_689 = tpu.memref_slice %arg4[%dma_wait3A_683, %dma_wait3A_688] : memref<4096x200xi32, #tpu.memory_space<hbm>> -> memref<1x200xi32, #tpu.memory_space<hbm>>
        %dma_wait3A_690 = tpu.memref_squeeze %dma_wait3A_689 : memref<1x200xi32, #tpu.memory_space<hbm>> -> memref<200xi32, #tpu.memory_space<hbm>>
        %dma_wait3A_691 = arith.constant 24 : i32
        %dma_wait3A_692 = tpu.memref_slice %arg10[%dma_wait3A_684, %dma_wait3A_691] : memref<4x224xi32, #tpu.memory_space<vmem>> -> memref<1x200xi32, #tpu.memory_space<vmem>>
        %dma_wait3A_693 = tpu.memref_squeeze %dma_wait3A_692 : memref<1x200xi32, #tpu.memory_space<vmem>> -> memref<200xi32, #tpu.memory_space<vmem>>
        %dma_wait3A_694 = arith.constant 0 : i32
        %dma_wait3A_695 = tpu.memref_slice %arg4[%dma_wait3A_683, %dma_wait3A_694] : memref<4096x200xi32, #tpu.memory_space<hbm>> -> memref<1x200xi32, #tpu.memory_space<hbm>>
        %dma_wait3A_696 = tpu.memref_squeeze %dma_wait3A_695 : memref<1x200xi32, #tpu.memory_space<hbm>> -> memref<200xi32, #tpu.memory_space<hbm>>
        tpu.wait_dma2 semaphore(%arg18 : memref<!tpu.dma_semaphore, #tpu.memory_space<semaphore_mem>>) src(%dma_wait3A_696 : memref<200xi32, #tpu.memory_space<hbm>>) dst(%dma_wait3A_693 : memref<200xi32, #tpu.memory_space<vmem>>)
        %dma_start3A_697 = arith.constant 1 : i32
        %dma_start3A_698 = arith.constant 1 : i32
        %dma_start3A_699 = arith.constant 0 : i32
        %dma_start3A_700 = arith.constant 0 : i32
        %dma_start3A_701 = tpu.memref_slice %arg11[%dma_start3A_698, %dma_start3A_699, %dma_start3A_700] : memref<4x224x64xf32, #tpu.memory_space<vmem>> -> memref<1x112x64xf32, #tpu.memory_space<vmem>>
        %dma_start3A_702 = tpu.memref_squeeze %dma_start3A_701 : memref<1x112x64xf32, #tpu.memory_space<vmem>> -> memref<112x64xf32, #tpu.memory_space<vmem>>
        %dma_start3A_703 = arith.constant 0 : i32
        %dma_start3A_704 = tpu.memref_slice %arg10[%dma_start3A_697, %dma_start3A_703] : memref<4x224xi32, #tpu.memory_space<vmem>> -> memref<1x112xi32, #tpu.memory_space<vmem>>
        %dma_start3A_705 = tpu.memref_squeeze %dma_start3A_704 : memref<1x112xi32, #tpu.memory_space<vmem>> -> memref<112xi32, #tpu.memory_space<vmem>>
        %dma_start3A_706 = arith.constant 0 : i32
        %dma_start3A_707 = arith.constant 0 : i32
        %dma_start3A_708 = tpu.memref_slice %arg6[%dma_start3A_706, %dma_start3A_707] : memref<1000000x64xf32, #tpu.memory_space<hbm>> -> memref<1000000x64xf32, #tpu.memory_space<hbm>>
        tpu.enqueue_indirect_dma source(%dma_start3A_708 : memref<1000000x64xf32, #tpu.memory_space<hbm>>) target(%dma_start3A_702 : memref<112x64xf32, #tpu.memory_space<vmem>>) offsets(%dma_start3A_705 : memref<112xi32, #tpu.memory_space<vmem>>) semaphore(%arg14 : memref<!tpu.dma_semaphore, #tpu.memory_space<semaphore_mem>>)
        %dma_start3A_709 = arith.constant 1 : i32
        %dma_start3A_710 = arith.constant 1 : i32
        %dma_start3A_711 = arith.constant 112 : i32
        %dma_start3A_712 = arith.constant 0 : i32
        %dma_start3A_713 = tpu.memref_slice %arg11[%dma_start3A_710, %dma_start3A_711, %dma_start3A_712] : memref<4x224x64xf32, #tpu.memory_space<vmem>> -> memref<1x112x64xf32, #tpu.memory_space<vmem>>
        %dma_start3A_714 = tpu.memref_squeeze %dma_start3A_713 : memref<1x112x64xf32, #tpu.memory_space<vmem>> -> memref<112x64xf32, #tpu.memory_space<vmem>>
        %dma_start3A_715 = arith.constant 112 : i32
        %dma_start3A_716 = tpu.memref_slice %arg10[%dma_start3A_709, %dma_start3A_715] : memref<4x224xi32, #tpu.memory_space<vmem>> -> memref<1x112xi32, #tpu.memory_space<vmem>>
        %dma_start3A_717 = tpu.memref_squeeze %dma_start3A_716 : memref<1x112xi32, #tpu.memory_space<vmem>> -> memref<112xi32, #tpu.memory_space<vmem>>
        %dma_start3A_718 = arith.constant 0 : i32
        %dma_start3A_719 = arith.constant 0 : i32
        %dma_start3A_720 = tpu.memref_slice %arg6[%dma_start3A_718, %dma_start3A_719] : memref<1000000x64xf32, #tpu.memory_space<hbm>> -> memref<1000000x64xf32, #tpu.memory_space<hbm>>
        tpu.enqueue_indirect_dma source(%dma_start3A_720 : memref<1000000x64xf32, #tpu.memory_space<hbm>>) target(%dma_start3A_714 : memref<112x64xf32, #tpu.memory_space<vmem>>) offsets(%dma_start3A_717 : memref<112xi32, #tpu.memory_space<vmem>>) semaphore(%arg14 : memref<!tpu.dma_semaphore, #tpu.memory_space<semaphore_mem>>)
      } else {
      }
      %add3A_538 = arith.constant 4 : i32
      %add3A_539 = arith.addi %add3A_498, %add3A_538 : i32
      %lt3A_540 = arith.constant 128 : i32
      %lt3A_541 = arith.cmpi slt, %add3A_539, %lt3A_540 : i32
      %convert_element_type3A_542 = arith.extui %lt3A_541 : i1 to i32
      %cond3A_543 = arith.constant 0 : i32
      %cond3A_544 = arith.cmpi ne, %convert_element_type3A_542, %cond3A_543 : i32
      scf.if %cond3A_544 {
        %add3A_669 = arith.constant 4 : i32
        %add3A_670 = arith.addi %add3A_498, %add3A_669 : i32
        %add3A_671 = arith.addi %mul3A_8, %add3A_670 : i32
        %dma_start3A_672 = arith.constant 2 : i32
        %dma_start3A_673 = arith.constant 0 : i32
        %dma_start3A_674 = tpu.memref_slice %arg10[%dma_start3A_672, %dma_start3A_673] : memref<4x224xi32, #tpu.memory_space<vmem>> -> memref<1x24xi32, #tpu.memory_space<vmem>>
        %dma_start3A_675 = tpu.memref_squeeze %dma_start3A_674 : memref<1x24xi32, #tpu.memory_space<vmem>> -> memref<24xi32, #tpu.memory_space<vmem>>
        %dma_start3A_676 = arith.constant 0 : i32
        %dma_start3A_677 = tpu.memref_slice %arg3[%add3A_671, %dma_start3A_676] : memref<4096x24xi32, #tpu.memory_space<hbm>> -> memref<1x24xi32, #tpu.memory_space<hbm>>
        %dma_start3A_678 = tpu.memref_squeeze %dma_start3A_677 : memref<1x24xi32, #tpu.memory_space<hbm>> -> memref<24xi32, #tpu.memory_space<hbm>>
        %dma_start3A_679 = arith.constant 0 : i32
        %dma_start3A_680 = tpu.memref_slice %arg10[%dma_start3A_672, %dma_start3A_679] : memref<4x224xi32, #tpu.memory_space<vmem>> -> memref<1x24xi32, #tpu.memory_space<vmem>>
        %dma_start3A_681 = tpu.memref_squeeze %dma_start3A_680 : memref<1x24xi32, #tpu.memory_space<vmem>> -> memref<24xi32, #tpu.memory_space<vmem>>
        %dma_start3A_682 = arith.constant 0 : i32
        %dma_start3A_683 = tpu.memref_slice %arg3[%add3A_671, %dma_start3A_682] : memref<4096x24xi32, #tpu.memory_space<hbm>> -> memref<1x24xi32, #tpu.memory_space<hbm>>
        %dma_start3A_684 = tpu.memref_squeeze %dma_start3A_683 : memref<1x24xi32, #tpu.memory_space<hbm>> -> memref<24xi32, #tpu.memory_space<hbm>>
        tpu.enqueue_dma source(%dma_start3A_684 : memref<24xi32, #tpu.memory_space<hbm>>) target(%dma_start3A_681 : memref<24xi32, #tpu.memory_space<vmem>>) target_semaphore(%arg19 : memref<!tpu.dma_semaphore, #tpu.memory_space<semaphore_mem>>)
        %dma_start3A_685 = arith.constant 2 : i32
        %dma_start3A_686 = arith.constant 24 : i32
        %dma_start3A_687 = tpu.memref_slice %arg10[%dma_start3A_685, %dma_start3A_686] : memref<4x224xi32, #tpu.memory_space<vmem>> -> memref<1x200xi32, #tpu.memory_space<vmem>>
        %dma_start3A_688 = tpu.memref_squeeze %dma_start3A_687 : memref<1x200xi32, #tpu.memory_space<vmem>> -> memref<200xi32, #tpu.memory_space<vmem>>
        %dma_start3A_689 = arith.constant 0 : i32
        %dma_start3A_690 = tpu.memref_slice %arg4[%add3A_671, %dma_start3A_689] : memref<4096x200xi32, #tpu.memory_space<hbm>> -> memref<1x200xi32, #tpu.memory_space<hbm>>
        %dma_start3A_691 = tpu.memref_squeeze %dma_start3A_690 : memref<1x200xi32, #tpu.memory_space<hbm>> -> memref<200xi32, #tpu.memory_space<hbm>>
        %dma_start3A_692 = arith.constant 24 : i32
        %dma_start3A_693 = tpu.memref_slice %arg10[%dma_start3A_685, %dma_start3A_692] : memref<4x224xi32, #tpu.memory_space<vmem>> -> memref<1x200xi32, #tpu.memory_space<vmem>>
        %dma_start3A_694 = tpu.memref_squeeze %dma_start3A_693 : memref<1x200xi32, #tpu.memory_space<vmem>> -> memref<200xi32, #tpu.memory_space<vmem>>
        %dma_start3A_695 = arith.constant 0 : i32
        %dma_start3A_696 = tpu.memref_slice %arg4[%add3A_671, %dma_start3A_695] : memref<4096x200xi32, #tpu.memory_space<hbm>> -> memref<1x200xi32, #tpu.memory_space<hbm>>
        %dma_start3A_697 = tpu.memref_squeeze %dma_start3A_696 : memref<1x200xi32, #tpu.memory_space<hbm>> -> memref<200xi32, #tpu.memory_space<hbm>>
        tpu.enqueue_dma source(%dma_start3A_697 : memref<200xi32, #tpu.memory_space<hbm>>) target(%dma_start3A_694 : memref<200xi32, #tpu.memory_space<vmem>>) target_semaphore(%arg19 : memref<!tpu.dma_semaphore, #tpu.memory_space<semaphore_mem>>)
      } else {
      }
      %ge3A_545 = arith.constant 4 : i32
      %ge3A_546 = arith.cmpi sge, %add3A_498, %ge3A_545 : i32
      %convert_element_type3A_547 = arith.extui %ge3A_546 : i1 to i32
      %cond3A_548 = arith.constant 0 : i32
      %cond3A_549 = arith.cmpi ne, %convert_element_type3A_547, %cond3A_548 : i32
      scf.if %cond3A_549 {
        %dma_wait3A_669 = arith.constant 2 : i32
        %dma_wait3A_670 = arith.constant 0 : i32
        %dma_wait3A_671 = tpu.memref_slice %arg12[%dma_wait3A_669, %dma_wait3A_670] : memref<4x224xf32, #tpu.memory_space<vmem>> -> memref<1x224xf32, #tpu.memory_space<vmem>>
        %dma_wait3A_672 = tpu.memref_squeeze %dma_wait3A_671 : memref<1x224xf32, #tpu.memory_space<vmem>> -> memref<224xf32, #tpu.memory_space<vmem>>
        %dma_wait3A_673 = arith.constant 0 : i32
        %dma_wait3A_674 = tpu.memref_slice %arg7[%dma_wait3A_673] : memref<917504xf32, #tpu.memory_space<hbm>> -> memref<224xf32, #tpu.memory_space<hbm>>
        %dma_wait3A_675 = arith.constant 0 : i32
        %dma_wait3A_676 = tpu.memref_slice %arg12[%dma_wait3A_669, %dma_wait3A_675] : memref<4x224xf32, #tpu.memory_space<vmem>> -> memref<1x224xf32, #tpu.memory_space<vmem>>
        %dma_wait3A_677 = tpu.memref_squeeze %dma_wait3A_676 : memref<1x224xf32, #tpu.memory_space<vmem>> -> memref<224xf32, #tpu.memory_space<vmem>>
        %dma_wait3A_678 = arith.constant 0 : i32
        %dma_wait3A_679 = tpu.memref_slice %arg7[%dma_wait3A_678] : memref<917504xf32, #tpu.memory_space<hbm>> -> memref<224xf32, #tpu.memory_space<hbm>>
        tpu.wait_dma2 semaphore(%arg23 : memref<!tpu.dma_semaphore, #tpu.memory_space<semaphore_mem>>) src(%dma_wait3A_679 : memref<224xf32, #tpu.memory_space<hbm>>) dst(%dma_wait3A_677 : memref<224xf32, #tpu.memory_space<vmem>>)
      } else {
      }
      %get3A_550 = arith.index_cast %add3A_498 : i32 to index
      %get3A_551 = arith.constant 0 : index
      %get3A_552 = tpu.vector_load %arg9[%get3A_550, %get3A_551] {strides = array<i32>} : memref<128x128xf32, #tpu.memory_space<vmem>>, vector<16xf32>,
      %get3A_553 = arith.index_cast %add3A_498 : i32 to index
      %get3A_554 = arith.constant 16 : index
      %get3A_555 = tpu.vector_load %arg9[%get3A_553, %get3A_554] {strides = array<i32>} : memref<128x128xf32, #tpu.memory_space<vmem>>, vector<16xf32>,
      %get3A_556 = arith.index_cast %add3A_498 : i32 to index
      %get3A_557 = arith.constant 32 : index
      %get3A_558 = tpu.vector_load %arg9[%get3A_556, %get3A_557] {strides = array<i32>} : memref<128x128xf32, #tpu.memory_space<vmem>>, vector<16xf32>,
      %get3A_559 = arith.index_cast %add3A_498 : i32 to index
      %get3A_560 = arith.constant 48 : index
      %get3A_561 = tpu.vector_load %arg9[%get3A_559, %get3A_560] {strides = array<i32>} : memref<128x128xf32, #tpu.memory_space<vmem>>, vector<16xf32>,
      %scan3A_562 = arith.constant 0 : i32
      %scan3A_563 = arith.constant 0 : i32
      %scan3A_564 = arith.constant 14 : i32
      %scan3A_565 = arith.addi %scan3A_563, %scan3A_564 : i32
      %scan3A_566 = arith.constant 1 : i32
      scf.for %scan3A_669 = %scan3A_563 to %scan3A_565 step %scan3A_566  : i32 {
        %mul3A_670 = arith.constant 16 : i32
        %mul3A_671 = arith.muli %scan3A_669, %mul3A_670 : i32
        %broadcast_in_dim3A = arith.constant 0.000000e+00 : f32
        %broadcast_in_dim3A_672 = vector.broadcast %broadcast_in_dim3A : f32 to vector<16xf32>
        %add3A_673 = arith.constant 0 : i32
        %add3A_674 = arith.addi %mul3A_671, %add3A_673 : i32
        %get3A_675 = arith.constant 2 : i32
        %get3A_676 = arith.index_cast %get3A_675 : i32 to index
        %get3A_677 = arith.index_cast %add3A_674 : i32 to index
        %get3A_678 = arith.constant 0 : index
        %get3A_679 = tpu.vector_load %arg11[%get3A_676, %get3A_677, %get3A_678] {strides = array<i32>} : memref<4x224x64xf32, #tpu.memory_space<vmem>>, vector<16xf32>,
        %mul3A_680 = arith.mulf %get3A_679, %get3A_552 : vector<16xf32>
        %get3A_681 = arith.constant 2 : i32
        %get3A_682 = arith.index_cast %get3A_681 : i32 to index
        %get3A_683 = arith.index_cast %add3A_674 : i32 to index
        %get3A_684 = arith.constant 16 : index
        %get3A_685 = tpu.vector_load %arg11[%get3A_682, %get3A_683, %get3A_684] {strides = array<i32>} : memref<4x224x64xf32, #tpu.memory_space<vmem>>, vector<16xf32>,
        %mul3A_686 = arith.mulf %get3A_685, %get3A_555 : vector<16xf32>
        %add3A_687 = arith.addf %mul3A_680, %mul3A_686 : vector<16xf32>
        %get3A_688 = arith.constant 2 : i32
        %get3A_689 = arith.index_cast %get3A_688 : i32 to index
        %get3A_690 = arith.index_cast %add3A_674 : i32 to index
        %get3A_691 = arith.constant 32 : index
        %get3A_692 = tpu.vector_load %arg11[%get3A_689, %get3A_690, %get3A_691] {strides = array<i32>} : memref<4x224x64xf32, #tpu.memory_space<vmem>>, vector<16xf32>,
        %mul3A_693 = arith.mulf %get3A_692, %get3A_558 : vector<16xf32>
        %get3A_694 = arith.constant 2 : i32
        %get3A_695 = arith.index_cast %get3A_694 : i32 to index
        %get3A_696 = arith.index_cast %add3A_674 : i32 to index
        %get3A_697 = arith.constant 48 : index
        %get3A_698 = tpu.vector_load %arg11[%get3A_695, %get3A_696, %get3A_697] {strides = array<i32>} : memref<4x224x64xf32, #tpu.memory_space<vmem>>, vector<16xf32>,
        %mul3A_699 = arith.mulf %get3A_698, %get3A_561 : vector<16xf32>
        %add3A_700 = arith.addf %mul3A_693, %mul3A_699 : vector<16xf32>
        %add3A_701 = arith.addf %add3A_687, %add3A_700 : vector<16xf32>
        %reduce_sum3A = arith.constant true
        %reduce_sum3A_702 = vector.broadcast %reduce_sum3A : i1 to vector<16xi1>
        %reduce_sum3A_703 = tpu.scan <sum>, %add3A_701 masked %reduce_sum3A_702 : vector<16xf32>, vector<16xi1> -> vector<16xf32>
        %reduce_sum3A_704 = vector.extract %reduce_sum3A_703[15] : f32 from vector<16xf32>
        %eq3A = arith.constant 0 : i32
        %eq3A_705 = vector.broadcast %eq3A : i32 to vector<16xi32>
        %eq3A_706 = arith.cmpi eq, %iota3A, %eq3A_705 : vector<16xi32>
        %broadcast_in_dim3A_707 = vector.broadcast %reduce_sum3A_704 : f32 to vector<16xf32>
        %select_n3A = arith.select %eq3A_706, %broadcast_in_dim3A_707, %broadcast_in_dim3A_672 : vector<16xi1>, vector<16xf32>
        %add3A_708 = arith.constant 1 : i32
        %add3A_709 = arith.addi %mul3A_671, %add3A_708 : i32
        %get3A_710 = arith.constant 2 : i32
        %get3A_711 = arith.index_cast %get3A_710 : i32 to index
        %get3A_712 = arith.index_cast %add3A_709 : i32 to index
        %get3A_713 = arith.constant 0 : index
        %get3A_714 = tpu.vector_load %arg11[%get3A_711, %get3A_712, %get3A_713] {strides = array<i32>} : memref<4x224x64xf32, #tpu.memory_space<vmem>>, vector<16xf32>,
        %mul3A_715 = arith.mulf %get3A_714, %get3A_552 : vector<16xf32>
        %get3A_716 = arith.constant 2 : i32
        %get3A_717 = arith.index_cast %get3A_716 : i32 to index
        %get3A_718 = arith.index_cast %add3A_709 : i32 to index
        %get3A_719 = arith.constant 16 : index
        %get3A_720 = tpu.vector_load %arg11[%get3A_717, %get3A_718, %get3A_719] {strides = array<i32>} : memref<4x224x64xf32, #tpu.memory_space<vmem>>, vector<16xf32>,
        %mul3A_721 = arith.mulf %get3A_720, %get3A_555 : vector<16xf32>
        %add3A_722 = arith.addf %mul3A_715, %mul3A_721 : vector<16xf32>
        %get3A_723 = arith.constant 2 : i32
        %get3A_724 = arith.index_cast %get3A_723 : i32 to index
        %get3A_725 = arith.index_cast %add3A_709 : i32 to index
        %get3A_726 = arith.constant 32 : index
        %get3A_727 = tpu.vector_load %arg11[%get3A_724, %get3A_725, %get3A_726] {strides = array<i32>} : memref<4x224x64xf32, #tpu.memory_space<vmem>>, vector<16xf32>,
        %mul3A_728 = arith.mulf %get3A_727, %get3A_558 : vector<16xf32>
        %get3A_729 = arith.constant 2 : i32
        %get3A_730 = arith.index_cast %get3A_729 : i32 to index
        %get3A_731 = arith.index_cast %add3A_709 : i32 to index
        %get3A_732 = arith.constant 48 : index
        %get3A_733 = tpu.vector_load %arg11[%get3A_730, %get3A_731, %get3A_732] {strides = array<i32>} : memref<4x224x64xf32, #tpu.memory_space<vmem>>, vector<16xf32>,
        %mul3A_734 = arith.mulf %get3A_733, %get3A_561 : vector<16xf32>
        %add3A_735 = arith.addf %mul3A_728, %mul3A_734 : vector<16xf32>
        %add3A_736 = arith.addf %add3A_722, %add3A_735 : vector<16xf32>
        %reduce_sum3A_737 = arith.constant true
        %reduce_sum3A_738 = vector.broadcast %reduce_sum3A_737 : i1 to vector<16xi1>
        %reduce_sum3A_739 = tpu.scan <sum>, %add3A_736 masked %reduce_sum3A_738 : vector<16xf32>, vector<16xi1> -> vector<16xf32>
        %reduce_sum3A_740 = vector.extract %reduce_sum3A_739[15] : f32 from vector<16xf32>
        %eq3A_741 = arith.constant 1 : i32
        %eq3A_742 = vector.broadcast %eq3A_741 : i32 to vector<16xi32>
        %eq3A_743 = arith.cmpi eq, %iota3A, %eq3A_742 : vector<16xi32>
        %broadcast_in_dim3A_744 = vector.broadcast %reduce_sum3A_740 : f32 to vector<16xf32>
        %select_n3A_745 = arith.select %eq3A_743, %broadcast_in_dim3A_744, %select_n3A : vector<16xi1>, vector<16xf32>
        %add3A_746 = arith.constant 2 : i32
        %add3A_747 = arith.addi %mul3A_671, %add3A_746 : i32
        %get3A_748 = arith.constant 2 : i32
        %get3A_749 = arith.index_cast %get3A_748 : i32 to index
        %get3A_750 = arith.index_cast %add3A_747 : i32 to index
        %get3A_751 = arith.constant 0 : index
        %get3A_752 = tpu.vector_load %arg11[%get3A_749, %get3A_750, %get3A_751] {strides = array<i32>} : memref<4x224x64xf32, #tpu.memory_space<vmem>>, vector<16xf32>,
        %mul3A_753 = arith.mulf %get3A_752, %get3A_552 : vector<16xf32>
        %get3A_754 = arith.constant 2 : i32
        %get3A_755 = arith.index_cast %get3A_754 : i32 to index
        %get3A_756 = arith.index_cast %add3A_747 : i32 to index
        %get3A_757 = arith.constant 16 : index
        %get3A_758 = tpu.vector_load %arg11[%get3A_755, %get3A_756, %get3A_757] {strides = array<i32>} : memref<4x224x64xf32, #tpu.memory_space<vmem>>, vector<16xf32>,
        %mul3A_759 = arith.mulf %get3A_758, %get3A_555 : vector<16xf32>
        %add3A_760 = arith.addf %mul3A_753, %mul3A_759 : vector<16xf32>
        %get3A_761 = arith.constant 2 : i32
        %get3A_762 = arith.index_cast %get3A_761 : i32 to index
        %get3A_763 = arith.index_cast %add3A_747 : i32 to index
        %get3A_764 = arith.constant 32 : index
        %get3A_765 = tpu.vector_load %arg11[%get3A_762, %get3A_763, %get3A_764] {strides = array<i32>} : memref<4x224x64xf32, #tpu.memory_space<vmem>>, vector<16xf32>,
        %mul3A_766 = arith.mulf %get3A_765, %get3A_558 : vector<16xf32>
        %get3A_767 = arith.constant 2 : i32
        %get3A_768 = arith.index_cast %get3A_767 : i32 to index
        %get3A_769 = arith.index_cast %add3A_747 : i32 to index
        %get3A_770 = arith.constant 48 : index
        %get3A_771 = tpu.vector_load %arg11[%get3A_768, %get3A_769, %get3A_770] {strides = array<i32>} : memref<4x224x64xf32, #tpu.memory_space<vmem>>, vector<16xf32>,
        %mul3A_772 = arith.mulf %get3A_771, %get3A_561 : vector<16xf32>
        %add3A_773 = arith.addf %mul3A_766, %mul3A_772 : vector<16xf32>
        %add3A_774 = arith.addf %add3A_760, %add3A_773 : vector<16xf32>
        %reduce_sum3A_775 = arith.constant true
        %reduce_sum3A_776 = vector.broadcast %reduce_sum3A_775 : i1 to vector<16xi1>
        %reduce_sum3A_777 = tpu.scan <sum>, %add3A_774 masked %reduce_sum3A_776 : vector<16xf32>, vector<16xi1> -> vector<16xf32>
        %reduce_sum3A_778 = vector.extract %reduce_sum3A_777[15] : f32 from vector<16xf32>
        %eq3A_779 = arith.constant 2 : i32
        %eq3A_780 = vector.broadcast %eq3A_779 : i32 to vector<16xi32>
        %eq3A_781 = arith.cmpi eq, %iota3A, %eq3A_780 : vector<16xi32>
        %broadcast_in_dim3A_782 = vector.broadcast %reduce_sum3A_778 : f32 to vector<16xf32>
        %select_n3A_783 = arith.select %eq3A_781, %broadcast_in_dim3A_782, %select_n3A_745 : vector<16xi1>, vector<16xf32>
        %add3A_784 = arith.constant 3 : i32
        %add3A_785 = arith.addi %mul3A_671, %add3A_784 : i32
        %get3A_786 = arith.constant 2 : i32
        %get3A_787 = arith.index_cast %get3A_786 : i32 to index
        %get3A_788 = arith.index_cast %add3A_785 : i32 to index
        %get3A_789 = arith.constant 0 : index
        %get3A_790 = tpu.vector_load %arg11[%get3A_787, %get3A_788, %get3A_789] {strides = array<i32>} : memref<4x224x64xf32, #tpu.memory_space<vmem>>, vector<16xf32>,
        %mul3A_791 = arith.mulf %get3A_790, %get3A_552 : vector<16xf32>
        %get3A_792 = arith.constant 2 : i32
        %get3A_793 = arith.index_cast %get3A_792 : i32 to index
        %get3A_794 = arith.index_cast %add3A_785 : i32 to index
        %get3A_795 = arith.constant 16 : index
        %get3A_796 = tpu.vector_load %arg11[%get3A_793, %get3A_794, %get3A_795] {strides = array<i32>} : memref<4x224x64xf32, #tpu.memory_space<vmem>>, vector<16xf32>,
        %mul3A_797 = arith.mulf %get3A_796, %get3A_555 : vector<16xf32>
        %add3A_798 = arith.addf %mul3A_791, %mul3A_797 : vector<16xf32>
        %get3A_799 = arith.constant 2 : i32
        %get3A_800 = arith.index_cast %get3A_799 : i32 to index
        %get3A_801 = arith.index_cast %add3A_785 : i32 to index
        %get3A_802 = arith.constant 32 : index
        %get3A_803 = tpu.vector_load %arg11[%get3A_800, %get3A_801, %get3A_802] {strides = array<i32>} : memref<4x224x64xf32, #tpu.memory_space<vmem>>, vector<16xf32>,
        %mul3A_804 = arith.mulf %get3A_803, %get3A_558 : vector<16xf32>
        %get3A_805 = arith.constant 2 : i32
        %get3A_806 = arith.index_cast %get3A_805 : i32 to index
        %get3A_807 = arith.index_cast %add3A_785 : i32 to index
        %get3A_808 = arith.constant 48 : index
        %get3A_809 = tpu.vector_load %arg11[%get3A_806, %get3A_807, %get3A_808] {strides = array<i32>} : memref<4x224x64xf32, #tpu.memory_space<vmem>>, vector<16xf32>,
        %mul3A_810 = arith.mulf %get3A_809, %get3A_561 : vector<16xf32>
        %add3A_811 = arith.addf %mul3A_804, %mul3A_810 : vector<16xf32>
        %add3A_812 = arith.addf %add3A_798, %add3A_811 : vector<16xf32>
        %reduce_sum3A_813 = arith.constant true
        %reduce_sum3A_814 = vector.broadcast %reduce_sum3A_813 : i1 to vector<16xi1>
        %reduce_sum3A_815 = tpu.scan <sum>, %add3A_812 masked %reduce_sum3A_814 : vector<16xf32>, vector<16xi1> -> vector<16xf32>
        %reduce_sum3A_816 = vector.extract %reduce_sum3A_815[15] : f32 from vector<16xf32>
        %eq3A_817 = arith.constant 3 : i32
        %eq3A_818 = vector.broadcast %eq3A_817 : i32 to vector<16xi32>
        %eq3A_819 = arith.cmpi eq, %iota3A, %eq3A_818 : vector<16xi32>
        %broadcast_in_dim3A_820 = vector.broadcast %reduce_sum3A_816 : f32 to vector<16xf32>
        %select_n3A_821 = arith.select %eq3A_819, %broadcast_in_dim3A_820, %select_n3A_783 : vector<16xi1>, vector<16xf32>
        %add3A_822 = arith.constant 4 : i32
        %add3A_823 = arith.addi %mul3A_671, %add3A_822 : i32
        %get3A_824 = arith.constant 2 : i32
        %get3A_825 = arith.index_cast %get3A_824 : i32 to index
        %get3A_826 = arith.index_cast %add3A_823 : i32 to index
        %get3A_827 = arith.constant 0 : index
        %get3A_828 = tpu.vector_load %arg11[%get3A_825, %get3A_826, %get3A_827] {strides = array<i32>} : memref<4x224x64xf32, #tpu.memory_space<vmem>>, vector<16xf32>,
        %mul3A_829 = arith.mulf %get3A_828, %get3A_552 : vector<16xf32>
        %get3A_830 = arith.constant 2 : i32
        %get3A_831 = arith.index_cast %get3A_830 : i32 to index
        %get3A_832 = arith.index_cast %add3A_823 : i32 to index
        %get3A_833 = arith.constant 16 : index
        %get3A_834 = tpu.vector_load %arg11[%get3A_831, %get3A_832, %get3A_833] {strides = array<i32>} : memref<4x224x64xf32, #tpu.memory_space<vmem>>, vector<16xf32>,
        %mul3A_835 = arith.mulf %get3A_834, %get3A_555 : vector<16xf32>
        %add3A_836 = arith.addf %mul3A_829, %mul3A_835 : vector<16xf32>
        %get3A_837 = arith.constant 2 : i32
        %get3A_838 = arith.index_cast %get3A_837 : i32 to index
        %get3A_839 = arith.index_cast %add3A_823 : i32 to index
        %get3A_840 = arith.constant 32 : index
        %get3A_841 = tpu.vector_load %arg11[%get3A_838, %get3A_839, %get3A_840] {strides = array<i32>} : memref<4x224x64xf32, #tpu.memory_space<vmem>>, vector<16xf32>,
        %mul3A_842 = arith.mulf %get3A_841, %get3A_558 : vector<16xf32>
        %get3A_843 = arith.constant 2 : i32
        %get3A_844 = arith.index_cast %get3A_843 : i32 to index
        %get3A_845 = arith.index_cast %add3A_823 : i32 to index
        %get3A_846 = arith.constant 48 : index
        %get3A_847 = tpu.vector_load %arg11[%get3A_844, %get3A_845, %get3A_846] {strides = array<i32>} : memref<4x224x64xf32, #tpu.memory_space<vmem>>, vector<16xf32>,
        %mul3A_848 = arith.mulf %get3A_847, %get3A_561 : vector<16xf32>
        %add3A_849 = arith.addf %mul3A_842, %mul3A_848 : vector<16xf32>
        %add3A_850 = arith.addf %add3A_836, %add3A_849 : vector<16xf32>
        %reduce_sum3A_851 = arith.constant true
        %reduce_sum3A_852 = vector.broadcast %reduce_sum3A_851 : i1 to vector<16xi1>
        %reduce_sum3A_853 = tpu.scan <sum>, %add3A_850 masked %reduce_sum3A_852 : vector<16xf32>, vector<16xi1> -> vector<16xf32>
        %reduce_sum3A_854 = vector.extract %reduce_sum3A_853[15] : f32 from vector<16xf32>
        %eq3A_855 = arith.constant 4 : i32
        %eq3A_856 = vector.broadcast %eq3A_855 : i32 to vector<16xi32>
        %eq3A_857 = arith.cmpi eq, %iota3A, %eq3A_856 : vector<16xi32>
        %broadcast_in_dim3A_858 = vector.broadcast %reduce_sum3A_854 : f32 to vector<16xf32>
        %select_n3A_859 = arith.select %eq3A_857, %broadcast_in_dim3A_858, %select_n3A_821 : vector<16xi1>, vector<16xf32>
        %add3A_860 = arith.constant 5 : i32
        %add3A_861 = arith.addi %mul3A_671, %add3A_860 : i32
        %get3A_862 = arith.constant 2 : i32
        %get3A_863 = arith.index_cast %get3A_862 : i32 to index
        %get3A_864 = arith.index_cast %add3A_861 : i32 to index
        %get3A_865 = arith.constant 0 : index
        %get3A_866 = tpu.vector_load %arg11[%get3A_863, %get3A_864, %get3A_865] {strides = array<i32>} : memref<4x224x64xf32, #tpu.memory_space<vmem>>, vector<16xf32>,
        %mul3A_867 = arith.mulf %get3A_866, %get3A_552 : vector<16xf32>
        %get3A_868 = arith.constant 2 : i32
        %get3A_869 = arith.index_cast %get3A_868 : i32 to index
        %get3A_870 = arith.index_cast %add3A_861 : i32 to index
        %get3A_871 = arith.constant 16 : index
        %get3A_872 = tpu.vector_load %arg11[%get3A_869, %get3A_870, %get3A_871] {strides = array<i32>} : memref<4x224x64xf32, #tpu.memory_space<vmem>>, vector<16xf32>,
        %mul3A_873 = arith.mulf %get3A_872, %get3A_555 : vector<16xf32>
        %add3A_874 = arith.addf %mul3A_867, %mul3A_873 : vector<16xf32>
        %get3A_875 = arith.constant 2 : i32
        %get3A_876 = arith.index_cast %get3A_875 : i32 to index
        %get3A_877 = arith.index_cast %add3A_861 : i32 to index
        %get3A_878 = arith.constant 32 : index
        %get3A_879 = tpu.vector_load %arg11[%get3A_876, %get3A_877, %get3A_878] {strides = array<i32>} : memref<4x224x64xf32, #tpu.memory_space<vmem>>, vector<16xf32>,
        %mul3A_880 = arith.mulf %get3A_879, %get3A_558 : vector<16xf32>
        %get3A_881 = arith.constant 2 : i32
        %get3A_882 = arith.index_cast %get3A_881 : i32 to index
        %get3A_883 = arith.index_cast %add3A_861 : i32 to index
        %get3A_884 = arith.constant 48 : index
        %get3A_885 = tpu.vector_load %arg11[%get3A_882, %get3A_883, %get3A_884] {strides = array<i32>} : memref<4x224x64xf32, #tpu.memory_space<vmem>>, vector<16xf32>,
        %mul3A_886 = arith.mulf %get3A_885, %get3A_561 : vector<16xf32>
        %add3A_887 = arith.addf %mul3A_880, %mul3A_886 : vector<16xf32>
        %add3A_888 = arith.addf %add3A_874, %add3A_887 : vector<16xf32>
        %reduce_sum3A_889 = arith.constant true
        %reduce_sum3A_890 = vector.broadcast %reduce_sum3A_889 : i1 to vector<16xi1>
        %reduce_sum3A_891 = tpu.scan <sum>, %add3A_888 masked %reduce_sum3A_890 : vector<16xf32>, vector<16xi1> -> vector<16xf32>
        %reduce_sum3A_892 = vector.extract %reduce_sum3A_891[15] : f32 from vector<16xf32>
        %eq3A_893 = arith.constant 5 : i32
        %eq3A_894 = vector.broadcast %eq3A_893 : i32 to vector<16xi32>
        %eq3A_895 = arith.cmpi eq, %iota3A, %eq3A_894 : vector<16xi32>
        %broadcast_in_dim3A_896 = vector.broadcast %reduce_sum3A_892 : f32 to vector<16xf32>
        %select_n3A_897 = arith.select %eq3A_895, %broadcast_in_dim3A_896, %select_n3A_859 : vector<16xi1>, vector<16xf32>
        %add3A_898 = arith.constant 6 : i32
        %add3A_899 = arith.addi %mul3A_671, %add3A_898 : i32
        %get3A_900 = arith.constant 2 : i32
        %get3A_901 = arith.index_cast %get3A_900 : i32 to index
        %get3A_902 = arith.index_cast %add3A_899 : i32 to index
        %get3A_903 = arith.constant 0 : index
        %get3A_904 = tpu.vector_load %arg11[%get3A_901, %get3A_902, %get3A_903] {strides = array<i32>} : memref<4x224x64xf32, #tpu.memory_space<vmem>>, vector<16xf32>,
        %mul3A_905 = arith.mulf %get3A_904, %get3A_552 : vector<16xf32>
        %get3A_906 = arith.constant 2 : i32
        %get3A_907 = arith.index_cast %get3A_906 : i32 to index
        %get3A_908 = arith.index_cast %add3A_899 : i32 to index
        %get3A_909 = arith.constant 16 : index
        %get3A_910 = tpu.vector_load %arg11[%get3A_907, %get3A_908, %get3A_909] {strides = array<i32>} : memref<4x224x64xf32, #tpu.memory_space<vmem>>, vector<16xf32>,
        %mul3A_911 = arith.mulf %get3A_910, %get3A_555 : vector<16xf32>
        %add3A_912 = arith.addf %mul3A_905, %mul3A_911 : vector<16xf32>
        %get3A_913 = arith.constant 2 : i32
        %get3A_914 = arith.index_cast %get3A_913 : i32 to index
        %get3A_915 = arith.index_cast %add3A_899 : i32 to index
        %get3A_916 = arith.constant 32 : index
        %get3A_917 = tpu.vector_load %arg11[%get3A_914, %get3A_915, %get3A_916] {strides = array<i32>} : memref<4x224x64xf32, #tpu.memory_space<vmem>>, vector<16xf32>,
        %mul3A_918 = arith.mulf %get3A_917, %get3A_558 : vector<16xf32>
        %get3A_919 = arith.constant 2 : i32
        %get3A_920 = arith.index_cast %get3A_919 : i32 to index
        %get3A_921 = arith.index_cast %add3A_899 : i32 to index
        %get3A_922 = arith.constant 48 : index
        %get3A_923 = tpu.vector_load %arg11[%get3A_920, %get3A_921, %get3A_922] {strides = array<i32>} : memref<4x224x64xf32, #tpu.memory_space<vmem>>, vector<16xf32>,
        %mul3A_924 = arith.mulf %get3A_923, %get3A_561 : vector<16xf32>
        %add3A_925 = arith.addf %mul3A_918, %mul3A_924 : vector<16xf32>
        %add3A_926 = arith.addf %add3A_912, %add3A_925 : vector<16xf32>
        %reduce_sum3A_927 = arith.constant true
        %reduce_sum3A_928 = vector.broadcast %reduce_sum3A_927 : i1 to vector<16xi1>
        %reduce_sum3A_929 = tpu.scan <sum>, %add3A_926 masked %reduce_sum3A_928 : vector<16xf32>, vector<16xi1> -> vector<16xf32>
        %reduce_sum3A_930 = vector.extract %reduce_sum3A_929[15] : f32 from vector<16xf32>
        %eq3A_931 = arith.constant 6 : i32
        %eq3A_932 = vector.broadcast %eq3A_931 : i32 to vector<16xi32>
        %eq3A_933 = arith.cmpi eq, %iota3A, %eq3A_932 : vector<16xi32>
        %broadcast_in_dim3A_934 = vector.broadcast %reduce_sum3A_930 : f32 to vector<16xf32>
        %select_n3A_935 = arith.select %eq3A_933, %broadcast_in_dim3A_934, %select_n3A_897 : vector<16xi1>, vector<16xf32>
        %add3A_936 = arith.constant 7 : i32
        %add3A_937 = arith.addi %mul3A_671, %add3A_936 : i32
        %get3A_938 = arith.constant 2 : i32
        %get3A_939 = arith.index_cast %get3A_938 : i32 to index
        %get3A_940 = arith.index_cast %add3A_937 : i32 to index
        %get3A_941 = arith.constant 0 : index
        %get3A_942 = tpu.vector_load %arg11[%get3A_939, %get3A_940, %get3A_941] {strides = array<i32>} : memref<4x224x64xf32, #tpu.memory_space<vmem>>, vector<16xf32>,
        %mul3A_943 = arith.mulf %get3A_942, %get3A_552 : vector<16xf32>
        %get3A_944 = arith.constant 2 : i32
        %get3A_945 = arith.index_cast %get3A_944 : i32 to index
        %get3A_946 = arith.index_cast %add3A_937 : i32 to index
        %get3A_947 = arith.constant 16 : index
        %get3A_948 = tpu.vector_load %arg11[%get3A_945, %get3A_946, %get3A_947] {strides = array<i32>} : memref<4x224x64xf32, #tpu.memory_space<vmem>>, vector<16xf32>,
        %mul3A_949 = arith.mulf %get3A_948, %get3A_555 : vector<16xf32>
        %add3A_950 = arith.addf %mul3A_943, %mul3A_949 : vector<16xf32>
        %get3A_951 = arith.constant 2 : i32
        %get3A_952 = arith.index_cast %get3A_951 : i32 to index
        %get3A_953 = arith.index_cast %add3A_937 : i32 to index
        %get3A_954 = arith.constant 32 : index
        %get3A_955 = tpu.vector_load %arg11[%get3A_952, %get3A_953, %get3A_954] {strides = array<i32>} : memref<4x224x64xf32, #tpu.memory_space<vmem>>, vector<16xf32>,
        %mul3A_956 = arith.mulf %get3A_955, %get3A_558 : vector<16xf32>
        %get3A_957 = arith.constant 2 : i32
        %get3A_958 = arith.index_cast %get3A_957 : i32 to index
        %get3A_959 = arith.index_cast %add3A_937 : i32 to index
        %get3A_960 = arith.constant 48 : index
        %get3A_961 = tpu.vector_load %arg11[%get3A_958, %get3A_959, %get3A_960] {strides = array<i32>} : memref<4x224x64xf32, #tpu.memory_space<vmem>>, vector<16xf32>,
        %mul3A_962 = arith.mulf %get3A_961, %get3A_561 : vector<16xf32>
        %add3A_963 = arith.addf %mul3A_956, %mul3A_962 : vector<16xf32>
        %add3A_964 = arith.addf %add3A_950, %add3A_963 : vector<16xf32>
        %reduce_sum3A_965 = arith.constant true
        %reduce_sum3A_966 = vector.broadcast %reduce_sum3A_965 : i1 to vector<16xi1>
        %reduce_sum3A_967 = tpu.scan <sum>, %add3A_964 masked %reduce_sum3A_966 : vector<16xf32>, vector<16xi1> -> vector<16xf32>
        %reduce_sum3A_968 = vector.extract %reduce_sum3A_967[15] : f32 from vector<16xf32>
        %eq3A_969 = arith.constant 7 : i32
        %eq3A_970 = vector.broadcast %eq3A_969 : i32 to vector<16xi32>
        %eq3A_971 = arith.cmpi eq, %iota3A, %eq3A_970 : vector<16xi32>
        %broadcast_in_dim3A_972 = vector.broadcast %reduce_sum3A_968 : f32 to vector<16xf32>
        %select_n3A_973 = arith.select %eq3A_971, %broadcast_in_dim3A_972, %select_n3A_935 : vector<16xi1>, vector<16xf32>
        %add3A_974 = arith.constant 8 : i32
        %add3A_975 = arith.addi %mul3A_671, %add3A_974 : i32
        %get3A_976 = arith.constant 2 : i32
        %get3A_977 = arith.index_cast %get3A_976 : i32 to index
        %get3A_978 = arith.index_cast %add3A_975 : i32 to index
        %get3A_979 = arith.constant 0 : index
        %get3A_980 = tpu.vector_load %arg11[%get3A_977, %get3A_978, %get3A_979] {strides = array<i32>} : memref<4x224x64xf32, #tpu.memory_space<vmem>>, vector<16xf32>,
        %mul3A_981 = arith.mulf %get3A_980, %get3A_552 : vector<16xf32>
        %get3A_982 = arith.constant 2 : i32
        %get3A_983 = arith.index_cast %get3A_982 : i32 to index
        %get3A_984 = arith.index_cast %add3A_975 : i32 to index
        %get3A_985 = arith.constant 16 : index
        %get3A_986 = tpu.vector_load %arg11[%get3A_983, %get3A_984, %get3A_985] {strides = array<i32>} : memref<4x224x64xf32, #tpu.memory_space<vmem>>, vector<16xf32>,
        %mul3A_987 = arith.mulf %get3A_986, %get3A_555 : vector<16xf32>
        %add3A_988 = arith.addf %mul3A_981, %mul3A_987 : vector<16xf32>
        %get3A_989 = arith.constant 2 : i32
        %get3A_990 = arith.index_cast %get3A_989 : i32 to index
        %get3A_991 = arith.index_cast %add3A_975 : i32 to index
        %get3A_992 = arith.constant 32 : index
        %get3A_993 = tpu.vector_load %arg11[%get3A_990, %get3A_991, %get3A_992] {strides = array<i32>} : memref<4x224x64xf32, #tpu.memory_space<vmem>>, vector<16xf32>,
        %mul3A_994 = arith.mulf %get3A_993, %get3A_558 : vector<16xf32>
        %get3A_995 = arith.constant 2 : i32
        %get3A_996 = arith.index_cast %get3A_995 : i32 to index
        %get3A_997 = arith.index_cast %add3A_975 : i32 to index
        %get3A_998 = arith.constant 48 : index
        %get3A_999 = tpu.vector_load %arg11[%get3A_996, %get3A_997, %get3A_998] {strides = array<i32>} : memref<4x224x64xf32, #tpu.memory_space<vmem>>, vector<16xf32>,
        %mul3A_1000 = arith.mulf %get3A_999, %get3A_561 : vector<16xf32>
        %add3A_1001 = arith.addf %mul3A_994, %mul3A_1000 : vector<16xf32>
        %add3A_1002 = arith.addf %add3A_988, %add3A_1001 : vector<16xf32>
        %reduce_sum3A_1003 = arith.constant true
        %reduce_sum3A_1004 = vector.broadcast %reduce_sum3A_1003 : i1 to vector<16xi1>
        %reduce_sum3A_1005 = tpu.scan <sum>, %add3A_1002 masked %reduce_sum3A_1004 : vector<16xf32>, vector<16xi1> -> vector<16xf32>
        %reduce_sum3A_1006 = vector.extract %reduce_sum3A_1005[15] : f32 from vector<16xf32>
        %eq3A_1007 = arith.constant 8 : i32
        %eq3A_1008 = vector.broadcast %eq3A_1007 : i32 to vector<16xi32>
        %eq3A_1009 = arith.cmpi eq, %iota3A, %eq3A_1008 : vector<16xi32>
        %broadcast_in_dim3A_1010 = vector.broadcast %reduce_sum3A_1006 : f32 to vector<16xf32>
        %select_n3A_1011 = arith.select %eq3A_1009, %broadcast_in_dim3A_1010, %select_n3A_973 : vector<16xi1>, vector<16xf32>
        %add3A_1012 = arith.constant 9 : i32
        %add3A_1013 = arith.addi %mul3A_671, %add3A_1012 : i32
        %get3A_1014 = arith.constant 2 : i32
        %get3A_1015 = arith.index_cast %get3A_1014 : i32 to index
        %get3A_1016 = arith.index_cast %add3A_1013 : i32 to index
        %get3A_1017 = arith.constant 0 : index
        %get3A_1018 = tpu.vector_load %arg11[%get3A_1015, %get3A_1016, %get3A_1017] {strides = array<i32>} : memref<4x224x64xf32, #tpu.memory_space<vmem>>, vector<16xf32>,
        %mul3A_1019 = arith.mulf %get3A_1018, %get3A_552 : vector<16xf32>
        %get3A_1020 = arith.constant 2 : i32
        %get3A_1021 = arith.index_cast %get3A_1020 : i32 to index
        %get3A_1022 = arith.index_cast %add3A_1013 : i32 to index
        %get3A_1023 = arith.constant 16 : index
        %get3A_1024 = tpu.vector_load %arg11[%get3A_1021, %get3A_1022, %get3A_1023] {strides = array<i32>} : memref<4x224x64xf32, #tpu.memory_space<vmem>>, vector<16xf32>,
        %mul3A_1025 = arith.mulf %get3A_1024, %get3A_555 : vector<16xf32>
        %add3A_1026 = arith.addf %mul3A_1019, %mul3A_1025 : vector<16xf32>
        %get3A_1027 = arith.constant 2 : i32
        %get3A_1028 = arith.index_cast %get3A_1027 : i32 to index
        %get3A_1029 = arith.index_cast %add3A_1013 : i32 to index
        %get3A_1030 = arith.constant 32 : index
        %get3A_1031 = tpu.vector_load %arg11[%get3A_1028, %get3A_1029, %get3A_1030] {strides = array<i32>} : memref<4x224x64xf32, #tpu.memory_space<vmem>>, vector<16xf32>,
        %mul3A_1032 = arith.mulf %get3A_1031, %get3A_558 : vector<16xf32>
        %get3A_1033 = arith.constant 2 : i32
        %get3A_1034 = arith.index_cast %get3A_1033 : i32 to index
        %get3A_1035 = arith.index_cast %add3A_1013 : i32 to index
        %get3A_1036 = arith.constant 48 : index
        %get3A_1037 = tpu.vector_load %arg11[%get3A_1034, %get3A_1035, %get3A_1036] {strides = array<i32>} : memref<4x224x64xf32, #tpu.memory_space<vmem>>, vector<16xf32>,
        %mul3A_1038 = arith.mulf %get3A_1037, %get3A_561 : vector<16xf32>
        %add3A_1039 = arith.addf %mul3A_1032, %mul3A_1038 : vector<16xf32>
        %add3A_1040 = arith.addf %add3A_1026, %add3A_1039 : vector<16xf32>
        %reduce_sum3A_1041 = arith.constant true
        %reduce_sum3A_1042 = vector.broadcast %reduce_sum3A_1041 : i1 to vector<16xi1>
        %reduce_sum3A_1043 = tpu.scan <sum>, %add3A_1040 masked %reduce_sum3A_1042 : vector<16xf32>, vector<16xi1> -> vector<16xf32>
        %reduce_sum3A_1044 = vector.extract %reduce_sum3A_1043[15] : f32 from vector<16xf32>
        %eq3A_1045 = arith.constant 9 : i32
        %eq3A_1046 = vector.broadcast %eq3A_1045 : i32 to vector<16xi32>
        %eq3A_1047 = arith.cmpi eq, %iota3A, %eq3A_1046 : vector<16xi32>
        %broadcast_in_dim3A_1048 = vector.broadcast %reduce_sum3A_1044 : f32 to vector<16xf32>
        %select_n3A_1049 = arith.select %eq3A_1047, %broadcast_in_dim3A_1048, %select_n3A_1011 : vector<16xi1>, vector<16xf32>
        %add3A_1050 = arith.constant 10 : i32
        %add3A_1051 = arith.addi %mul3A_671, %add3A_1050 : i32
        %get3A_1052 = arith.constant 2 : i32
        %get3A_1053 = arith.index_cast %get3A_1052 : i32 to index
        %get3A_1054 = arith.index_cast %add3A_1051 : i32 to index
        %get3A_1055 = arith.constant 0 : index
        %get3A_1056 = tpu.vector_load %arg11[%get3A_1053, %get3A_1054, %get3A_1055] {strides = array<i32>} : memref<4x224x64xf32, #tpu.memory_space<vmem>>, vector<16xf32>,
        %mul3A_1057 = arith.mulf %get3A_1056, %get3A_552 : vector<16xf32>
        %get3A_1058 = arith.constant 2 : i32
        %get3A_1059 = arith.index_cast %get3A_1058 : i32 to index
        %get3A_1060 = arith.index_cast %add3A_1051 : i32 to index
        %get3A_1061 = arith.constant 16 : index
        %get3A_1062 = tpu.vector_load %arg11[%get3A_1059, %get3A_1060, %get3A_1061] {strides = array<i32>} : memref<4x224x64xf32, #tpu.memory_space<vmem>>, vector<16xf32>,
        %mul3A_1063 = arith.mulf %get3A_1062, %get3A_555 : vector<16xf32>
        %add3A_1064 = arith.addf %mul3A_1057, %mul3A_1063 : vector<16xf32>
        %get3A_1065 = arith.constant 2 : i32
        %get3A_1066 = arith.index_cast %get3A_1065 : i32 to index
        %get3A_1067 = arith.index_cast %add3A_1051 : i32 to index
        %get3A_1068 = arith.constant 32 : index
        %get3A_1069 = tpu.vector_load %arg11[%get3A_1066, %get3A_1067, %get3A_1068] {strides = array<i32>} : memref<4x224x64xf32, #tpu.memory_space<vmem>>, vector<16xf32>,
        %mul3A_1070 = arith.mulf %get3A_1069, %get3A_558 : vector<16xf32>
        %get3A_1071 = arith.constant 2 : i32
        %get3A_1072 = arith.index_cast %get3A_1071 : i32 to index
        %get3A_1073 = arith.index_cast %add3A_1051 : i32 to index
        %get3A_1074 = arith.constant 48 : index
        %get3A_1075 = tpu.vector_load %arg11[%get3A_1072, %get3A_1073, %get3A_1074] {strides = array<i32>} : memref<4x224x64xf32, #tpu.memory_space<vmem>>, vector<16xf32>,
        %mul3A_1076 = arith.mulf %get3A_1075, %get3A_561 : vector<16xf32>
        %add3A_1077 = arith.addf %mul3A_1070, %mul3A_1076 : vector<16xf32>
        %add3A_1078 = arith.addf %add3A_1064, %add3A_1077 : vector<16xf32>
        %reduce_sum3A_1079 = arith.constant true
        %reduce_sum3A_1080 = vector.broadcast %reduce_sum3A_1079 : i1 to vector<16xi1>
        %reduce_sum3A_1081 = tpu.scan <sum>, %add3A_1078 masked %reduce_sum3A_1080 : vector<16xf32>, vector<16xi1> -> vector<16xf32>
        %reduce_sum3A_1082 = vector.extract %reduce_sum3A_1081[15] : f32 from vector<16xf32>
        %eq3A_1083 = arith.constant 10 : i32
        %eq3A_1084 = vector.broadcast %eq3A_1083 : i32 to vector<16xi32>
        %eq3A_1085 = arith.cmpi eq, %iota3A, %eq3A_1084 : vector<16xi32>
        %broadcast_in_dim3A_1086 = vector.broadcast %reduce_sum3A_1082 : f32 to vector<16xf32>
        %select_n3A_1087 = arith.select %eq3A_1085, %broadcast_in_dim3A_1086, %select_n3A_1049 : vector<16xi1>, vector<16xf32>
        %add3A_1088 = arith.constant 11 : i32
        %add3A_1089 = arith.addi %mul3A_671, %add3A_1088 : i32
        %get3A_1090 = arith.constant 2 : i32
        %get3A_1091 = arith.index_cast %get3A_1090 : i32 to index
        %get3A_1092 = arith.index_cast %add3A_1089 : i32 to index
        %get3A_1093 = arith.constant 0 : index
        %get3A_1094 = tpu.vector_load %arg11[%get3A_1091, %get3A_1092, %get3A_1093] {strides = array<i32>} : memref<4x224x64xf32, #tpu.memory_space<vmem>>, vector<16xf32>,
        %mul3A_1095 = arith.mulf %get3A_1094, %get3A_552 : vector<16xf32>
        %get3A_1096 = arith.constant 2 : i32
        %get3A_1097 = arith.index_cast %get3A_1096 : i32 to index
        %get3A_1098 = arith.index_cast %add3A_1089 : i32 to index
        %get3A_1099 = arith.constant 16 : index
        %get3A_1100 = tpu.vector_load %arg11[%get3A_1097, %get3A_1098, %get3A_1099] {strides = array<i32>} : memref<4x224x64xf32, #tpu.memory_space<vmem>>, vector<16xf32>,
        %mul3A_1101 = arith.mulf %get3A_1100, %get3A_555 : vector<16xf32>
        %add3A_1102 = arith.addf %mul3A_1095, %mul3A_1101 : vector<16xf32>
        %get3A_1103 = arith.constant 2 : i32
        %get3A_1104 = arith.index_cast %get3A_1103 : i32 to index
        %get3A_1105 = arith.index_cast %add3A_1089 : i32 to index
        %get3A_1106 = arith.constant 32 : index
        %get3A_1107 = tpu.vector_load %arg11[%get3A_1104, %get3A_1105, %get3A_1106] {strides = array<i32>} : memref<4x224x64xf32, #tpu.memory_space<vmem>>, vector<16xf32>,
        %mul3A_1108 = arith.mulf %get3A_1107, %get3A_558 : vector<16xf32>
        %get3A_1109 = arith.constant 2 : i32
        %get3A_1110 = arith.index_cast %get3A_1109 : i32 to index
        %get3A_1111 = arith.index_cast %add3A_1089 : i32 to index
        %get3A_1112 = arith.constant 48 : index
        %get3A_1113 = tpu.vector_load %arg11[%get3A_1110, %get3A_1111, %get3A_1112] {strides = array<i32>} : memref<4x224x64xf32, #tpu.memory_space<vmem>>, vector<16xf32>,
        %mul3A_1114 = arith.mulf %get3A_1113, %get3A_561 : vector<16xf32>
        %add3A_1115 = arith.addf %mul3A_1108, %mul3A_1114 : vector<16xf32>
        %add3A_1116 = arith.addf %add3A_1102, %add3A_1115 : vector<16xf32>
        %reduce_sum3A_1117 = arith.constant true
        %reduce_sum3A_1118 = vector.broadcast %reduce_sum3A_1117 : i1 to vector<16xi1>
        %reduce_sum3A_1119 = tpu.scan <sum>, %add3A_1116 masked %reduce_sum3A_1118 : vector<16xf32>, vector<16xi1> -> vector<16xf32>
        %reduce_sum3A_1120 = vector.extract %reduce_sum3A_1119[15] : f32 from vector<16xf32>
        %eq3A_1121 = arith.constant 11 : i32
        %eq3A_1122 = vector.broadcast %eq3A_1121 : i32 to vector<16xi32>
        %eq3A_1123 = arith.cmpi eq, %iota3A, %eq3A_1122 : vector<16xi32>
        %broadcast_in_dim3A_1124 = vector.broadcast %reduce_sum3A_1120 : f32 to vector<16xf32>
        %select_n3A_1125 = arith.select %eq3A_1123, %broadcast_in_dim3A_1124, %select_n3A_1087 : vector<16xi1>, vector<16xf32>
        %add3A_1126 = arith.constant 12 : i32
        %add3A_1127 = arith.addi %mul3A_671, %add3A_1126 : i32
        %get3A_1128 = arith.constant 2 : i32
        %get3A_1129 = arith.index_cast %get3A_1128 : i32 to index
        %get3A_1130 = arith.index_cast %add3A_1127 : i32 to index
        %get3A_1131 = arith.constant 0 : index
        %get3A_1132 = tpu.vector_load %arg11[%get3A_1129, %get3A_1130, %get3A_1131] {strides = array<i32>} : memref<4x224x64xf32, #tpu.memory_space<vmem>>, vector<16xf32>,
        %mul3A_1133 = arith.mulf %get3A_1132, %get3A_552 : vector<16xf32>
        %get3A_1134 = arith.constant 2 : i32
        %get3A_1135 = arith.index_cast %get3A_1134 : i32 to index
        %get3A_1136 = arith.index_cast %add3A_1127 : i32 to index
        %get3A_1137 = arith.constant 16 : index
        %get3A_1138 = tpu.vector_load %arg11[%get3A_1135, %get3A_1136, %get3A_1137] {strides = array<i32>} : memref<4x224x64xf32, #tpu.memory_space<vmem>>, vector<16xf32>,
        %mul3A_1139 = arith.mulf %get3A_1138, %get3A_555 : vector<16xf32>
        %add3A_1140 = arith.addf %mul3A_1133, %mul3A_1139 : vector<16xf32>
        %get3A_1141 = arith.constant 2 : i32
        %get3A_1142 = arith.index_cast %get3A_1141 : i32 to index
        %get3A_1143 = arith.index_cast %add3A_1127 : i32 to index
        %get3A_1144 = arith.constant 32 : index
        %get3A_1145 = tpu.vector_load %arg11[%get3A_1142, %get3A_1143, %get3A_1144] {strides = array<i32>} : memref<4x224x64xf32, #tpu.memory_space<vmem>>, vector<16xf32>,
        %mul3A_1146 = arith.mulf %get3A_1145, %get3A_558 : vector<16xf32>
        %get3A_1147 = arith.constant 2 : i32
        %get3A_1148 = arith.index_cast %get3A_1147 : i32 to index
        %get3A_1149 = arith.index_cast %add3A_1127 : i32 to index
        %get3A_1150 = arith.constant 48 : index
        %get3A_1151 = tpu.vector_load %arg11[%get3A_1148, %get3A_1149, %get3A_1150] {strides = array<i32>} : memref<4x224x64xf32, #tpu.memory_space<vmem>>, vector<16xf32>,
        %mul3A_1152 = arith.mulf %get3A_1151, %get3A_561 : vector<16xf32>
        %add3A_1153 = arith.addf %mul3A_1146, %mul3A_1152 : vector<16xf32>
        %add3A_1154 = arith.addf %add3A_1140, %add3A_1153 : vector<16xf32>
        %reduce_sum3A_1155 = arith.constant true
        %reduce_sum3A_1156 = vector.broadcast %reduce_sum3A_1155 : i1 to vector<16xi1>
        %reduce_sum3A_1157 = tpu.scan <sum>, %add3A_1154 masked %reduce_sum3A_1156 : vector<16xf32>, vector<16xi1> -> vector<16xf32>
        %reduce_sum3A_1158 = vector.extract %reduce_sum3A_1157[15] : f32 from vector<16xf32>
        %eq3A_1159 = arith.constant 12 : i32
        %eq3A_1160 = vector.broadcast %eq3A_1159 : i32 to vector<16xi32>
        %eq3A_1161 = arith.cmpi eq, %iota3A, %eq3A_1160 : vector<16xi32>
        %broadcast_in_dim3A_1162 = vector.broadcast %reduce_sum3A_1158 : f32 to vector<16xf32>
        %select_n3A_1163 = arith.select %eq3A_1161, %broadcast_in_dim3A_1162, %select_n3A_1125 : vector<16xi1>, vector<16xf32>
        %add3A_1164 = arith.constant 13 : i32
        %add3A_1165 = arith.addi %mul3A_671, %add3A_1164 : i32
        %get3A_1166 = arith.constant 2 : i32
        %get3A_1167 = arith.index_cast %get3A_1166 : i32 to index
        %get3A_1168 = arith.index_cast %add3A_1165 : i32 to index
        %get3A_1169 = arith.constant 0 : index
        %get3A_1170 = tpu.vector_load %arg11[%get3A_1167, %get3A_1168, %get3A_1169] {strides = array<i32>} : memref<4x224x64xf32, #tpu.memory_space<vmem>>, vector<16xf32>,
        %mul3A_1171 = arith.mulf %get3A_1170, %get3A_552 : vector<16xf32>
        %get3A_1172 = arith.constant 2 : i32
        %get3A_1173 = arith.index_cast %get3A_1172 : i32 to index
        %get3A_1174 = arith.index_cast %add3A_1165 : i32 to index
        %get3A_1175 = arith.constant 16 : index
        %get3A_1176 = tpu.vector_load %arg11[%get3A_1173, %get3A_1174, %get3A_1175] {strides = array<i32>} : memref<4x224x64xf32, #tpu.memory_space<vmem>>, vector<16xf32>,
        %mul3A_1177 = arith.mulf %get3A_1176, %get3A_555 : vector<16xf32>
        %add3A_1178 = arith.addf %mul3A_1171, %mul3A_1177 : vector<16xf32>
        %get3A_1179 = arith.constant 2 : i32
        %get3A_1180 = arith.index_cast %get3A_1179 : i32 to index
        %get3A_1181 = arith.index_cast %add3A_1165 : i32 to index
        %get3A_1182 = arith.constant 32 : index
        %get3A_1183 = tpu.vector_load %arg11[%get3A_1180, %get3A_1181, %get3A_1182] {strides = array<i32>} : memref<4x224x64xf32, #tpu.memory_space<vmem>>, vector<16xf32>,
        %mul3A_1184 = arith.mulf %get3A_1183, %get3A_558 : vector<16xf32>
        %get3A_1185 = arith.constant 2 : i32
        %get3A_1186 = arith.index_cast %get3A_1185 : i32 to index
        %get3A_1187 = arith.index_cast %add3A_1165 : i32 to index
        %get3A_1188 = arith.constant 48 : index
        %get3A_1189 = tpu.vector_load %arg11[%get3A_1186, %get3A_1187, %get3A_1188] {strides = array<i32>} : memref<4x224x64xf32, #tpu.memory_space<vmem>>, vector<16xf32>,
        %mul3A_1190 = arith.mulf %get3A_1189, %get3A_561 : vector<16xf32>
        %add3A_1191 = arith.addf %mul3A_1184, %mul3A_1190 : vector<16xf32>
        %add3A_1192 = arith.addf %add3A_1178, %add3A_1191 : vector<16xf32>
        %reduce_sum3A_1193 = arith.constant true
        %reduce_sum3A_1194 = vector.broadcast %reduce_sum3A_1193 : i1 to vector<16xi1>
        %reduce_sum3A_1195 = tpu.scan <sum>, %add3A_1192 masked %reduce_sum3A_1194 : vector<16xf32>, vector<16xi1> -> vector<16xf32>
        %reduce_sum3A_1196 = vector.extract %reduce_sum3A_1195[15] : f32 from vector<16xf32>
        %eq3A_1197 = arith.constant 13 : i32
        %eq3A_1198 = vector.broadcast %eq3A_1197 : i32 to vector<16xi32>
        %eq3A_1199 = arith.cmpi eq, %iota3A, %eq3A_1198 : vector<16xi32>
        %broadcast_in_dim3A_1200 = vector.broadcast %reduce_sum3A_1196 : f32 to vector<16xf32>
        %select_n3A_1201 = arith.select %eq3A_1199, %broadcast_in_dim3A_1200, %select_n3A_1163 : vector<16xi1>, vector<16xf32>
        %add3A_1202 = arith.constant 14 : i32
        %add3A_1203 = arith.addi %mul3A_671, %add3A_1202 : i32
        %get3A_1204 = arith.constant 2 : i32
        %get3A_1205 = arith.index_cast %get3A_1204 : i32 to index
        %get3A_1206 = arith.index_cast %add3A_1203 : i32 to index
        %get3A_1207 = arith.constant 0 : index
        %get3A_1208 = tpu.vector_load %arg11[%get3A_1205, %get3A_1206, %get3A_1207] {strides = array<i32>} : memref<4x224x64xf32, #tpu.memory_space<vmem>>, vector<16xf32>,
        %mul3A_1209 = arith.mulf %get3A_1208, %get3A_552 : vector<16xf32>
        %get3A_1210 = arith.constant 2 : i32
        %get3A_1211 = arith.index_cast %get3A_1210 : i32 to index
        %get3A_1212 = arith.index_cast %add3A_1203 : i32 to index
        %get3A_1213 = arith.constant 16 : index
        %get3A_1214 = tpu.vector_load %arg11[%get3A_1211, %get3A_1212, %get3A_1213] {strides = array<i32>} : memref<4x224x64xf32, #tpu.memory_space<vmem>>, vector<16xf32>,
        %mul3A_1215 = arith.mulf %get3A_1214, %get3A_555 : vector<16xf32>
        %add3A_1216 = arith.addf %mul3A_1209, %mul3A_1215 : vector<16xf32>
        %get3A_1217 = arith.constant 2 : i32
        %get3A_1218 = arith.index_cast %get3A_1217 : i32 to index
        %get3A_1219 = arith.index_cast %add3A_1203 : i32 to index
        %get3A_1220 = arith.constant 32 : index
        %get3A_1221 = tpu.vector_load %arg11[%get3A_1218, %get3A_1219, %get3A_1220] {strides = array<i32>} : memref<4x224x64xf32, #tpu.memory_space<vmem>>, vector<16xf32>,
        %mul3A_1222 = arith.mulf %get3A_1221, %get3A_558 : vector<16xf32>
        %get3A_1223 = arith.constant 2 : i32
        %get3A_1224 = arith.index_cast %get3A_1223 : i32 to index
        %get3A_1225 = arith.index_cast %add3A_1203 : i32 to index
        %get3A_1226 = arith.constant 48 : index
        %get3A_1227 = tpu.vector_load %arg11[%get3A_1224, %get3A_1225, %get3A_1226] {strides = array<i32>} : memref<4x224x64xf32, #tpu.memory_space<vmem>>, vector<16xf32>,
        %mul3A_1228 = arith.mulf %get3A_1227, %get3A_561 : vector<16xf32>
        %add3A_1229 = arith.addf %mul3A_1222, %mul3A_1228 : vector<16xf32>
        %add3A_1230 = arith.addf %add3A_1216, %add3A_1229 : vector<16xf32>
        %reduce_sum3A_1231 = arith.constant true
        %reduce_sum3A_1232 = vector.broadcast %reduce_sum3A_1231 : i1 to vector<16xi1>
        %reduce_sum3A_1233 = tpu.scan <sum>, %add3A_1230 masked %reduce_sum3A_1232 : vector<16xf32>, vector<16xi1> -> vector<16xf32>
        %reduce_sum3A_1234 = vector.extract %reduce_sum3A_1233[15] : f32 from vector<16xf32>
        %eq3A_1235 = arith.constant 14 : i32
        %eq3A_1236 = vector.broadcast %eq3A_1235 : i32 to vector<16xi32>
        %eq3A_1237 = arith.cmpi eq, %iota3A, %eq3A_1236 : vector<16xi32>
        %broadcast_in_dim3A_1238 = vector.broadcast %reduce_sum3A_1234 : f32 to vector<16xf32>
        %select_n3A_1239 = arith.select %eq3A_1237, %broadcast_in_dim3A_1238, %select_n3A_1201 : vector<16xi1>, vector<16xf32>
        %add3A_1240 = arith.constant 15 : i32
        %add3A_1241 = arith.addi %mul3A_671, %add3A_1240 : i32
        %get3A_1242 = arith.constant 2 : i32
        %get3A_1243 = arith.index_cast %get3A_1242 : i32 to index
        %get3A_1244 = arith.index_cast %add3A_1241 : i32 to index
        %get3A_1245 = arith.constant 0 : index
        %get3A_1246 = tpu.vector_load %arg11[%get3A_1243, %get3A_1244, %get3A_1245] {strides = array<i32>} : memref<4x224x64xf32, #tpu.memory_space<vmem>>, vector<16xf32>,
        %mul3A_1247 = arith.mulf %get3A_1246, %get3A_552 : vector<16xf32>
        %get3A_1248 = arith.constant 2 : i32
        %get3A_1249 = arith.index_cast %get3A_1248 : i32 to index
        %get3A_1250 = arith.index_cast %add3A_1241 : i32 to index
        %get3A_1251 = arith.constant 16 : index
        %get3A_1252 = tpu.vector_load %arg11[%get3A_1249, %get3A_1250, %get3A_1251] {strides = array<i32>} : memref<4x224x64xf32, #tpu.memory_space<vmem>>, vector<16xf32>,
        %mul3A_1253 = arith.mulf %get3A_1252, %get3A_555 : vector<16xf32>
        %add3A_1254 = arith.addf %mul3A_1247, %mul3A_1253 : vector<16xf32>
        %get3A_1255 = arith.constant 2 : i32
        %get3A_1256 = arith.index_cast %get3A_1255 : i32 to index
        %get3A_1257 = arith.index_cast %add3A_1241 : i32 to index
        %get3A_1258 = arith.constant 32 : index
        %get3A_1259 = tpu.vector_load %arg11[%get3A_1256, %get3A_1257, %get3A_1258] {strides = array<i32>} : memref<4x224x64xf32, #tpu.memory_space<vmem>>, vector<16xf32>,
        %mul3A_1260 = arith.mulf %get3A_1259, %get3A_558 : vector<16xf32>
        %get3A_1261 = arith.constant 2 : i32
        %get3A_1262 = arith.index_cast %get3A_1261 : i32 to index
        %get3A_1263 = arith.index_cast %add3A_1241 : i32 to index
        %get3A_1264 = arith.constant 48 : index
        %get3A_1265 = tpu.vector_load %arg11[%get3A_1262, %get3A_1263, %get3A_1264] {strides = array<i32>} : memref<4x224x64xf32, #tpu.memory_space<vmem>>, vector<16xf32>,
        %mul3A_1266 = arith.mulf %get3A_1265, %get3A_561 : vector<16xf32>
        %add3A_1267 = arith.addf %mul3A_1260, %mul3A_1266 : vector<16xf32>
        %add3A_1268 = arith.addf %add3A_1254, %add3A_1267 : vector<16xf32>
        %reduce_sum3A_1269 = arith.constant true
        %reduce_sum3A_1270 = vector.broadcast %reduce_sum3A_1269 : i1 to vector<16xi1>
        %reduce_sum3A_1271 = tpu.scan <sum>, %add3A_1268 masked %reduce_sum3A_1270 : vector<16xf32>, vector<16xi1> -> vector<16xf32>
        %reduce_sum3A_1272 = vector.extract %reduce_sum3A_1271[15] : f32 from vector<16xf32>
        %eq3A_1273 = arith.constant 15 : i32
        %eq3A_1274 = vector.broadcast %eq3A_1273 : i32 to vector<16xi32>
        %eq3A_1275 = arith.cmpi eq, %iota3A, %eq3A_1274 : vector<16xi32>
        %broadcast_in_dim3A_1276 = vector.broadcast %reduce_sum3A_1272 : f32 to vector<16xf32>
        %select_n3A_1277 = arith.select %eq3A_1275, %broadcast_in_dim3A_1276, %select_n3A_1239 : vector<16xi1>, vector<16xf32>
        %swap3A = arith.constant 2 : i32
        %swap3A_1278 = arith.index_cast %swap3A : i32 to index
        %swap3A_1279 = arith.index_cast %mul3A_671 : i32 to index
        %swap3A_1280 = tpu.vector_load %arg12[%swap3A_1278, %swap3A_1279] {strides = array<i32>} : memref<4x224xf32, #tpu.memory_space<vmem>>, vector<16xf32>,
        tpu.vector_store %arg12[%swap3A_1278, %swap3A_1279], %select_n3A_1277 {strides = array<i32>} : memref<4x224xf32, #tpu.memory_space<vmem>>, vector<16xf32>,
      }
      %scan3A_567 = arith.constant 14 : i32
      %mul3A_568 = arith.constant 128 : i32
      %mul3A_569 = arith.muli %add3A, %mul3A_568 : i32
      %add3A_570 = arith.addi %mul3A_569, %add3A_498 : i32
      %mul3A_571 = arith.constant 224 : i32
      %mul3A_572 = arith.muli %add3A_570, %mul3A_571 : i32
      %dma_start3A_573 = arith.constant 2 : i32
      %dma_start3A_574 = arith.constant 0 : i32
      %dma_start3A_575 = tpu.memref_slice %arg12[%dma_start3A_573, %dma_start3A_574] : memref<4x224xf32, #tpu.memory_space<vmem>> -> memref<1x224xf32, #tpu.memory_space<vmem>>
      %dma_start3A_576 = tpu.memref_squeeze %dma_start3A_575 : memref<1x224xf32, #tpu.memory_space<vmem>> -> memref<224xf32, #tpu.memory_space<vmem>>
      %dma_start3A_577 = tpu.memref_slice %arg7[%mul3A_572] : memref<917504xf32, #tpu.memory_space<hbm>> -> memref<224xf32, #tpu.memory_space<hbm>>
      %dma_start3A_578 = tpu.memref_slice %arg7[%mul3A_572] : memref<917504xf32, #tpu.memory_space<hbm>> -> memref<224xf32, #tpu.memory_space<hbm>>
      %dma_start3A_579 = arith.constant 0 : i32
      %dma_start3A_580 = tpu.memref_slice %arg12[%dma_start3A_573, %dma_start3A_579] : memref<4x224xf32, #tpu.memory_space<vmem>> -> memref<1x224xf32, #tpu.memory_space<vmem>>
      %dma_start3A_581 = tpu.memref_squeeze %dma_start3A_580 : memref<1x224xf32, #tpu.memory_space<vmem>> -> memref<224xf32, #tpu.memory_space<vmem>>
      tpu.enqueue_dma source(%dma_start3A_581 : memref<224xf32, #tpu.memory_space<vmem>>) target(%dma_start3A_578 : memref<224xf32, #tpu.memory_space<hbm>>) target_semaphore(%arg23 : memref<!tpu.dma_semaphore, #tpu.memory_space<semaphore_mem>>)
      %mul3A_582 = arith.constant 4 : i32
      %mul3A_583 = arith.muli %scan3A_326, %mul3A_582 : i32
      %add3A_584 = arith.constant 3 : i32
      %add3A_585 = arith.addi %mul3A_583, %add3A_584 : i32
      %dma_wait3A_586 = arith.constant 3 : i32
      %dma_wait3A_587 = arith.constant 0 : i32
      %dma_wait3A_588 = arith.constant 0 : i32
      %dma_wait3A_589 = tpu.memref_slice %arg11[%dma_wait3A_586, %dma_wait3A_587, %dma_wait3A_588] : memref<4x224x64xf32, #tpu.memory_space<vmem>> -> memref<1x112x64xf32, #tpu.memory_space<vmem>>
      %dma_wait3A_590 = tpu.memref_squeeze %dma_wait3A_589 : memref<1x112x64xf32, #tpu.memory_space<vmem>> -> memref<112x64xf32, #tpu.memory_space<vmem>>
      %dma_wait3A_591 = arith.constant 0 : i32
      %dma_wait3A_592 = arith.constant 0 : i32
      %dma_wait3A_593 = tpu.memref_slice %arg6[%dma_wait3A_591, %dma_wait3A_592] : memref<1000000x64xf32, #tpu.memory_space<hbm>> -> memref<112x64xf32, #tpu.memory_space<hbm>>
      %dma_wait3A_594 = arith.constant 0 : i32
      %dma_wait3A_595 = arith.constant 0 : i32
      %dma_wait3A_596 = tpu.memref_slice %arg11[%dma_wait3A_586, %dma_wait3A_594, %dma_wait3A_595] : memref<4x224x64xf32, #tpu.memory_space<vmem>> -> memref<1x112x64xf32, #tpu.memory_space<vmem>>
      %dma_wait3A_597 = tpu.memref_squeeze %dma_wait3A_596 : memref<1x112x64xf32, #tpu.memory_space<vmem>> -> memref<112x64xf32, #tpu.memory_space<vmem>>
      %dma_wait3A_598 = arith.constant 0 : i32
      %dma_wait3A_599 = arith.constant 0 : i32
      %dma_wait3A_600 = tpu.memref_slice %arg6[%dma_wait3A_598, %dma_wait3A_599] : memref<1000000x64xf32, #tpu.memory_space<hbm>> -> memref<112x64xf32, #tpu.memory_space<hbm>>
      tpu.wait_dma2 semaphore(%arg16 : memref<!tpu.dma_semaphore, #tpu.memory_space<semaphore_mem>>) src(%dma_wait3A_600 : memref<112x64xf32, #tpu.memory_space<hbm>>) dst(%dma_wait3A_597 : memref<112x64xf32, #tpu.memory_space<vmem>>)
      %dma_wait3A_601 = arith.constant 3 : i32
      %dma_wait3A_602 = arith.constant 112 : i32
      %dma_wait3A_603 = arith.constant 0 : i32
      %dma_wait3A_604 = tpu.memref_slice %arg11[%dma_wait3A_601, %dma_wait3A_602, %dma_wait3A_603] : memref<4x224x64xf32, #tpu.memory_space<vmem>> -> memref<1x112x64xf32, #tpu.memory_space<vmem>>
      %dma_wait3A_605 = tpu.memref_squeeze %dma_wait3A_604 : memref<1x112x64xf32, #tpu.memory_space<vmem>> -> memref<112x64xf32, #tpu.memory_space<vmem>>
      %dma_wait3A_606 = arith.constant 0 : i32
      %dma_wait3A_607 = arith.constant 0 : i32
      %dma_wait3A_608 = tpu.memref_slice %arg6[%dma_wait3A_606, %dma_wait3A_607] : memref<1000000x64xf32, #tpu.memory_space<hbm>> -> memref<112x64xf32, #tpu.memory_space<hbm>>
      %dma_wait3A_609 = arith.constant 112 : i32
      %dma_wait3A_610 = arith.constant 0 : i32
      %dma_wait3A_611 = tpu.memref_slice %arg11[%dma_wait3A_601, %dma_wait3A_609, %dma_wait3A_610] : memref<4x224x64xf32, #tpu.memory_space<vmem>> -> memref<1x112x64xf32, #tpu.memory_space<vmem>>
      %dma_wait3A_612 = tpu.memref_squeeze %dma_wait3A_611 : memref<1x112x64xf32, #tpu.memory_space<vmem>> -> memref<112x64xf32, #tpu.memory_space<vmem>>
      %dma_wait3A_613 = arith.constant 0 : i32
      %dma_wait3A_614 = arith.constant 0 : i32
      %dma_wait3A_615 = tpu.memref_slice %arg6[%dma_wait3A_613, %dma_wait3A_614] : memref<1000000x64xf32, #tpu.memory_space<hbm>> -> memref<112x64xf32, #tpu.memory_space<hbm>>
      tpu.wait_dma2 semaphore(%arg16 : memref<!tpu.dma_semaphore, #tpu.memory_space<semaphore_mem>>) src(%dma_wait3A_615 : memref<112x64xf32, #tpu.memory_space<hbm>>) dst(%dma_wait3A_612 : memref<112x64xf32, #tpu.memory_space<vmem>>)
      %add3A_616 = arith.constant 4 : i32
      %add3A_617 = arith.addi %add3A_585, %add3A_616 : i32
      %sub3A_618 = arith.constant 1 : i32
      %sub3A_619 = arith.subi %add3A_617, %sub3A_618 : i32
      %lt3A_620 = arith.constant 128 : i32
      %lt3A_621 = arith.cmpi slt, %sub3A_619, %lt3A_620 : i32
      %convert_element_type3A_622 = arith.extui %lt3A_621 : i1 to i32
      %cond3A_623 = arith.constant 0 : i32
      %cond3A_624 = arith.cmpi ne, %convert_element_type3A_622, %cond3A_623 : i32
      scf.if %cond3A_624 {
        %dma_wait3A_669 = arith.constant 0 : i32
        %dma_wait3A_670 = arith.constant 2 : i32
        %dma_wait3A_671 = arith.constant 0 : i32
        %dma_wait3A_672 = tpu.memref_slice %arg10[%dma_wait3A_670, %dma_wait3A_671] : memref<4x224xi32, #tpu.memory_space<vmem>> -> memref<1x24xi32, #tpu.memory_space<vmem>>
        %dma_wait3A_673 = tpu.memref_squeeze %dma_wait3A_672 : memref<1x24xi32, #tpu.memory_space<vmem>> -> memref<24xi32, #tpu.memory_space<vmem>>
        %dma_wait3A_674 = arith.constant 0 : i32
        %dma_wait3A_675 = tpu.memref_slice %arg3[%dma_wait3A_669, %dma_wait3A_674] : memref<4096x24xi32, #tpu.memory_space<hbm>> -> memref<1x24xi32, #tpu.memory_space<hbm>>
        %dma_wait3A_676 = tpu.memref_squeeze %dma_wait3A_675 : memref<1x24xi32, #tpu.memory_space<hbm>> -> memref<24xi32, #tpu.memory_space<hbm>>
        %dma_wait3A_677 = arith.constant 0 : i32
        %dma_wait3A_678 = tpu.memref_slice %arg10[%dma_wait3A_670, %dma_wait3A_677] : memref<4x224xi32, #tpu.memory_space<vmem>> -> memref<1x24xi32, #tpu.memory_space<vmem>>
        %dma_wait3A_679 = tpu.memref_squeeze %dma_wait3A_678 : memref<1x24xi32, #tpu.memory_space<vmem>> -> memref<24xi32, #tpu.memory_space<vmem>>
        %dma_wait3A_680 = arith.constant 0 : i32
        %dma_wait3A_681 = tpu.memref_slice %arg3[%dma_wait3A_669, %dma_wait3A_680] : memref<4096x24xi32, #tpu.memory_space<hbm>> -> memref<1x24xi32, #tpu.memory_space<hbm>>
        %dma_wait3A_682 = tpu.memref_squeeze %dma_wait3A_681 : memref<1x24xi32, #tpu.memory_space<hbm>> -> memref<24xi32, #tpu.memory_space<hbm>>
        tpu.wait_dma2 semaphore(%arg19 : memref<!tpu.dma_semaphore, #tpu.memory_space<semaphore_mem>>) src(%dma_wait3A_682 : memref<24xi32, #tpu.memory_space<hbm>>) dst(%dma_wait3A_679 : memref<24xi32, #tpu.memory_space<vmem>>)
        %dma_wait3A_683 = arith.constant 0 : i32
        %dma_wait3A_684 = arith.constant 2 : i32
        %dma_wait3A_685 = arith.constant 24 : i32
        %dma_wait3A_686 = tpu.memref_slice %arg10[%dma_wait3A_684, %dma_wait3A_685] : memref<4x224xi32, #tpu.memory_space<vmem>> -> memref<1x200xi32, #tpu.memory_space<vmem>>
        %dma_wait3A_687 = tpu.memref_squeeze %dma_wait3A_686 : memref<1x200xi32, #tpu.memory_space<vmem>> -> memref<200xi32, #tpu.memory_space<vmem>>
        %dma_wait3A_688 = arith.constant 0 : i32
        %dma_wait3A_689 = tpu.memref_slice %arg4[%dma_wait3A_683, %dma_wait3A_688] : memref<4096x200xi32, #tpu.memory_space<hbm>> -> memref<1x200xi32, #tpu.memory_space<hbm>>
        %dma_wait3A_690 = tpu.memref_squeeze %dma_wait3A_689 : memref<1x200xi32, #tpu.memory_space<hbm>> -> memref<200xi32, #tpu.memory_space<hbm>>
        %dma_wait3A_691 = arith.constant 24 : i32
        %dma_wait3A_692 = tpu.memref_slice %arg10[%dma_wait3A_684, %dma_wait3A_691] : memref<4x224xi32, #tpu.memory_space<vmem>> -> memref<1x200xi32, #tpu.memory_space<vmem>>
        %dma_wait3A_693 = tpu.memref_squeeze %dma_wait3A_692 : memref<1x200xi32, #tpu.memory_space<vmem>> -> memref<200xi32, #tpu.memory_space<vmem>>
        %dma_wait3A_694 = arith.constant 0 : i32
        %dma_wait3A_695 = tpu.memref_slice %arg4[%dma_wait3A_683, %dma_wait3A_694] : memref<4096x200xi32, #tpu.memory_space<hbm>> -> memref<1x200xi32, #tpu.memory_space<hbm>>
        %dma_wait3A_696 = tpu.memref_squeeze %dma_wait3A_695 : memref<1x200xi32, #tpu.memory_space<hbm>> -> memref<200xi32, #tpu.memory_space<hbm>>
        tpu.wait_dma2 semaphore(%arg19 : memref<!tpu.dma_semaphore, #tpu.memory_space<semaphore_mem>>) src(%dma_wait3A_696 : memref<200xi32, #tpu.memory_space<hbm>>) dst(%dma_wait3A_693 : memref<200xi32, #tpu.memory_space<vmem>>)
        %dma_start3A_697 = arith.constant 2 : i32
        %dma_start3A_698 = arith.constant 2 : i32
        %dma_start3A_699 = arith.constant 0 : i32
        %dma_start3A_700 = arith.constant 0 : i32
        %dma_start3A_701 = tpu.memref_slice %arg11[%dma_start3A_698, %dma_start3A_699, %dma_start3A_700] : memref<4x224x64xf32, #tpu.memory_space<vmem>> -> memref<1x112x64xf32, #tpu.memory_space<vmem>>
        %dma_start3A_702 = tpu.memref_squeeze %dma_start3A_701 : memref<1x112x64xf32, #tpu.memory_space<vmem>> -> memref<112x64xf32, #tpu.memory_space<vmem>>
        %dma_start3A_703 = arith.constant 0 : i32
        %dma_start3A_704 = tpu.memref_slice %arg10[%dma_start3A_697, %dma_start3A_703] : memref<4x224xi32, #tpu.memory_space<vmem>> -> memref<1x112xi32, #tpu.memory_space<vmem>>
        %dma_start3A_705 = tpu.memref_squeeze %dma_start3A_704 : memref<1x112xi32, #tpu.memory_space<vmem>> -> memref<112xi32, #tpu.memory_space<vmem>>
        %dma_start3A_706 = arith.constant 0 : i32
        %dma_start3A_707 = arith.constant 0 : i32
        %dma_start3A_708 = tpu.memref_slice %arg6[%dma_start3A_706, %dma_start3A_707] : memref<1000000x64xf32, #tpu.memory_space<hbm>> -> memref<1000000x64xf32, #tpu.memory_space<hbm>>
        tpu.enqueue_indirect_dma source(%dma_start3A_708 : memref<1000000x64xf32, #tpu.memory_space<hbm>>) target(%dma_start3A_702 : memref<112x64xf32, #tpu.memory_space<vmem>>) offsets(%dma_start3A_705 : memref<112xi32, #tpu.memory_space<vmem>>) semaphore(%arg15 : memref<!tpu.dma_semaphore, #tpu.memory_space<semaphore_mem>>)
        %dma_start3A_709 = arith.constant 2 : i32
        %dma_start3A_710 = arith.constant 2 : i32
        %dma_start3A_711 = arith.constant 112 : i32
        %dma_start3A_712 = arith.constant 0 : i32
        %dma_start3A_713 = tpu.memref_slice %arg11[%dma_start3A_710, %dma_start3A_711, %dma_start3A_712] : memref<4x224x64xf32, #tpu.memory_space<vmem>> -> memref<1x112x64xf32, #tpu.memory_space<vmem>>
        %dma_start3A_714 = tpu.memref_squeeze %dma_start3A_713 : memref<1x112x64xf32, #tpu.memory_space<vmem>> -> memref<112x64xf32, #tpu.memory_space<vmem>>
        %dma_start3A_715 = arith.constant 112 : i32
        %dma_start3A_716 = tpu.memref_slice %arg10[%dma_start3A_709, %dma_start3A_715] : memref<4x224xi32, #tpu.memory_space<vmem>> -> memref<1x112xi32, #tpu.memory_space<vmem>>
        %dma_start3A_717 = tpu.memref_squeeze %dma_start3A_716 : memref<1x112xi32, #tpu.memory_space<vmem>> -> memref<112xi32, #tpu.memory_space<vmem>>
        %dma_start3A_718 = arith.constant 0 : i32
        %dma_start3A_719 = arith.constant 0 : i32
        %dma_start3A_720 = tpu.memref_slice %arg6[%dma_start3A_718, %dma_start3A_719] : memref<1000000x64xf32, #tpu.memory_space<hbm>> -> memref<1000000x64xf32, #tpu.memory_space<hbm>>
        tpu.enqueue_indirect_dma source(%dma_start3A_720 : memref<1000000x64xf32, #tpu.memory_space<hbm>>) target(%dma_start3A_714 : memref<112x64xf32, #tpu.memory_space<vmem>>) offsets(%dma_start3A_717 : memref<112xi32, #tpu.memory_space<vmem>>) semaphore(%arg15 : memref<!tpu.dma_semaphore, #tpu.memory_space<semaphore_mem>>)
      } else {
      }
      %add3A_625 = arith.constant 4 : i32
      %add3A_626 = arith.addi %add3A_585, %add3A_625 : i32
      %lt3A_627 = arith.constant 128 : i32
      %lt3A_628 = arith.cmpi slt, %add3A_626, %lt3A_627 : i32
      %convert_element_type3A_629 = arith.extui %lt3A_628 : i1 to i32
      %cond3A_630 = arith.constant 0 : i32
      %cond3A_631 = arith.cmpi ne, %convert_element_type3A_629, %cond3A_630 : i32
      scf.if %cond3A_631 {
        %add3A_669 = arith.constant 4 : i32
        %add3A_670 = arith.addi %add3A_585, %add3A_669 : i32
        %add3A_671 = arith.addi %mul3A_8, %add3A_670 : i32
        %dma_start3A_672 = arith.constant 3 : i32
        %dma_start3A_673 = arith.constant 0 : i32
        %dma_start3A_674 = tpu.memref_slice %arg10[%dma_start3A_672, %dma_start3A_673] : memref<4x224xi32, #tpu.memory_space<vmem>> -> memref<1x24xi32, #tpu.memory_space<vmem>>
        %dma_start3A_675 = tpu.memref_squeeze %dma_start3A_674 : memref<1x24xi32, #tpu.memory_space<vmem>> -> memref<24xi32, #tpu.memory_space<vmem>>
        %dma_start3A_676 = arith.constant 0 : i32
        %dma_start3A_677 = tpu.memref_slice %arg3[%add3A_671, %dma_start3A_676] : memref<4096x24xi32, #tpu.memory_space<hbm>> -> memref<1x24xi32, #tpu.memory_space<hbm>>
        %dma_start3A_678 = tpu.memref_squeeze %dma_start3A_677 : memref<1x24xi32, #tpu.memory_space<hbm>> -> memref<24xi32, #tpu.memory_space<hbm>>
        %dma_start3A_679 = arith.constant 0 : i32
        %dma_start3A_680 = tpu.memref_slice %arg10[%dma_start3A_672, %dma_start3A_679] : memref<4x224xi32, #tpu.memory_space<vmem>> -> memref<1x24xi32, #tpu.memory_space<vmem>>
        %dma_start3A_681 = tpu.memref_squeeze %dma_start3A_680 : memref<1x24xi32, #tpu.memory_space<vmem>> -> memref<24xi32, #tpu.memory_space<vmem>>
        %dma_start3A_682 = arith.constant 0 : i32
        %dma_start3A_683 = tpu.memref_slice %arg3[%add3A_671, %dma_start3A_682] : memref<4096x24xi32, #tpu.memory_space<hbm>> -> memref<1x24xi32, #tpu.memory_space<hbm>>
        %dma_start3A_684 = tpu.memref_squeeze %dma_start3A_683 : memref<1x24xi32, #tpu.memory_space<hbm>> -> memref<24xi32, #tpu.memory_space<hbm>>
        tpu.enqueue_dma source(%dma_start3A_684 : memref<24xi32, #tpu.memory_space<hbm>>) target(%dma_start3A_681 : memref<24xi32, #tpu.memory_space<vmem>>) target_semaphore(%arg20 : memref<!tpu.dma_semaphore, #tpu.memory_space<semaphore_mem>>)
        %dma_start3A_685 = arith.constant 3 : i32
        %dma_start3A_686 = arith.constant 24 : i32
        %dma_start3A_687 = tpu.memref_slice %arg10[%dma_start3A_685, %dma_start3A_686] : memref<4x224xi32, #tpu.memory_space<vmem>> -> memref<1x200xi32, #tpu.memory_space<vmem>>
        %dma_start3A_688 = tpu.memref_squeeze %dma_start3A_687 : memref<1x200xi32, #tpu.memory_space<vmem>> -> memref<200xi32, #tpu.memory_space<vmem>>
        %dma_start3A_689 = arith.constant 0 : i32
        %dma_start3A_690 = tpu.memref_slice %arg4[%add3A_671, %dma_start3A_689] : memref<4096x200xi32, #tpu.memory_space<hbm>> -> memref<1x200xi32, #tpu.memory_space<hbm>>
        %dma_start3A_691 = tpu.memref_squeeze %dma_start3A_690 : memref<1x200xi32, #tpu.memory_space<hbm>> -> memref<200xi32, #tpu.memory_space<hbm>>
        %dma_start3A_692 = arith.constant 24 : i32
        %dma_start3A_693 = tpu.memref_slice %arg10[%dma_start3A_685, %dma_start3A_692] : memref<4x224xi32, #tpu.memory_space<vmem>> -> memref<1x200xi32, #tpu.memory_space<vmem>>
        %dma_start3A_694 = tpu.memref_squeeze %dma_start3A_693 : memref<1x200xi32, #tpu.memory_space<vmem>> -> memref<200xi32, #tpu.memory_space<vmem>>
        %dma_start3A_695 = arith.constant 0 : i32
        %dma_start3A_696 = tpu.memref_slice %arg4[%add3A_671, %dma_start3A_695] : memref<4096x200xi32, #tpu.memory_space<hbm>> -> memref<1x200xi32, #tpu.memory_space<hbm>>
        %dma_start3A_697 = tpu.memref_squeeze %dma_start3A_696 : memref<1x200xi32, #tpu.memory_space<hbm>> -> memref<200xi32, #tpu.memory_space<hbm>>
        tpu.enqueue_dma source(%dma_start3A_697 : memref<200xi32, #tpu.memory_space<hbm>>) target(%dma_start3A_694 : memref<200xi32, #tpu.memory_space<vmem>>) target_semaphore(%arg20 : memref<!tpu.dma_semaphore, #tpu.memory_space<semaphore_mem>>)
      } else {
      }
      %ge3A_632 = arith.constant 4 : i32
      %ge3A_633 = arith.cmpi sge, %add3A_585, %ge3A_632 : i32
      %convert_element_type3A_634 = arith.extui %ge3A_633 : i1 to i32
      %cond3A_635 = arith.constant 0 : i32
      %cond3A_636 = arith.cmpi ne, %convert_element_type3A_634, %cond3A_635 : i32
      scf.if %cond3A_636 {
        %dma_wait3A_669 = arith.constant 3 : i32
        %dma_wait3A_670 = arith.constant 0 : i32
        %dma_wait3A_671 = tpu.memref_slice %arg12[%dma_wait3A_669, %dma_wait3A_670] : memref<4x224xf32, #tpu.memory_space<vmem>> -> memref<1x224xf32, #tpu.memory_space<vmem>>
        %dma_wait3A_672 = tpu.memref_squeeze %dma_wait3A_671 : memref<1x224xf32, #tpu.memory_space<vmem>> -> memref<224xf32, #tpu.memory_space<vmem>>
        %dma_wait3A_673 = arith.constant 0 : i32
        %dma_wait3A_674 = tpu.memref_slice %arg7[%dma_wait3A_673] : memref<917504xf32, #tpu.memory_space<hbm>> -> memref<224xf32, #tpu.memory_space<hbm>>
        %dma_wait3A_675 = arith.constant 0 : i32
        %dma_wait3A_676 = tpu.memref_slice %arg12[%dma_wait3A_669, %dma_wait3A_675] : memref<4x224xf32, #tpu.memory_space<vmem>> -> memref<1x224xf32, #tpu.memory_space<vmem>>
        %dma_wait3A_677 = tpu.memref_squeeze %dma_wait3A_676 : memref<1x224xf32, #tpu.memory_space<vmem>> -> memref<224xf32, #tpu.memory_space<vmem>>
        %dma_wait3A_678 = arith.constant 0 : i32
        %dma_wait3A_679 = tpu.memref_slice %arg7[%dma_wait3A_678] : memref<917504xf32, #tpu.memory_space<hbm>> -> memref<224xf32, #tpu.memory_space<hbm>>
        tpu.wait_dma2 semaphore(%arg24 : memref<!tpu.dma_semaphore, #tpu.memory_space<semaphore_mem>>) src(%dma_wait3A_679 : memref<224xf32, #tpu.memory_space<hbm>>) dst(%dma_wait3A_677 : memref<224xf32, #tpu.memory_space<vmem>>)
      } else {
      }
      %get3A_637 = arith.index_cast %add3A_585 : i32 to index
      %get3A_638 = arith.constant 0 : index
      %get3A_639 = tpu.vector_load %arg9[%get3A_637, %get3A_638] {strides = array<i32>} : memref<128x128xf32, #tpu.memory_space<vmem>>, vector<16xf32>,
      %get3A_640 = arith.index_cast %add3A_585 : i32 to index
      %get3A_641 = arith.constant 16 : index
      %get3A_642 = tpu.vector_load %arg9[%get3A_640, %get3A_641] {strides = array<i32>} : memref<128x128xf32, #tpu.memory_space<vmem>>, vector<16xf32>,
      %get3A_643 = arith.index_cast %add3A_585 : i32 to index
      %get3A_644 = arith.constant 32 : index
      %get3A_645 = tpu.vector_load %arg9[%get3A_643, %get3A_644] {strides = array<i32>} : memref<128x128xf32, #tpu.memory_space<vmem>>, vector<16xf32>,
      %get3A_646 = arith.index_cast %add3A_585 : i32 to index
      %get3A_647 = arith.constant 48 : index
      %get3A_648 = tpu.vector_load %arg9[%get3A_646, %get3A_647] {strides = array<i32>} : memref<128x128xf32, #tpu.memory_space<vmem>>, vector<16xf32>,
      %scan3A_649 = arith.constant 0 : i32
      %scan3A_650 = arith.constant 0 : i32
      %scan3A_651 = arith.constant 14 : i32
      %scan3A_652 = arith.addi %scan3A_650, %scan3A_651 : i32
      %scan3A_653 = arith.constant 1 : i32
      scf.for %scan3A_669 = %scan3A_650 to %scan3A_652 step %scan3A_653  : i32 {
        %mul3A_670 = arith.constant 16 : i32
        %mul3A_671 = arith.muli %scan3A_669, %mul3A_670 : i32
        %broadcast_in_dim3A = arith.constant 0.000000e+00 : f32
        %broadcast_in_dim3A_672 = vector.broadcast %broadcast_in_dim3A : f32 to vector<16xf32>
        %add3A_673 = arith.constant 0 : i32
        %add3A_674 = arith.addi %mul3A_671, %add3A_673 : i32
        %get3A_675 = arith.constant 3 : i32
        %get3A_676 = arith.index_cast %get3A_675 : i32 to index
        %get3A_677 = arith.index_cast %add3A_674 : i32 to index
        %get3A_678 = arith.constant 0 : index
        %get3A_679 = tpu.vector_load %arg11[%get3A_676, %get3A_677, %get3A_678] {strides = array<i32>} : memref<4x224x64xf32, #tpu.memory_space<vmem>>, vector<16xf32>,
        %mul3A_680 = arith.mulf %get3A_679, %get3A_639 : vector<16xf32>
        %get3A_681 = arith.constant 3 : i32
        %get3A_682 = arith.index_cast %get3A_681 : i32 to index
        %get3A_683 = arith.index_cast %add3A_674 : i32 to index
        %get3A_684 = arith.constant 16 : index
        %get3A_685 = tpu.vector_load %arg11[%get3A_682, %get3A_683, %get3A_684] {strides = array<i32>} : memref<4x224x64xf32, #tpu.memory_space<vmem>>, vector<16xf32>,
        %mul3A_686 = arith.mulf %get3A_685, %get3A_642 : vector<16xf32>
        %add3A_687 = arith.addf %mul3A_680, %mul3A_686 : vector<16xf32>
        %get3A_688 = arith.constant 3 : i32
        %get3A_689 = arith.index_cast %get3A_688 : i32 to index
        %get3A_690 = arith.index_cast %add3A_674 : i32 to index
        %get3A_691 = arith.constant 32 : index
        %get3A_692 = tpu.vector_load %arg11[%get3A_689, %get3A_690, %get3A_691] {strides = array<i32>} : memref<4x224x64xf32, #tpu.memory_space<vmem>>, vector<16xf32>,
        %mul3A_693 = arith.mulf %get3A_692, %get3A_645 : vector<16xf32>
        %get3A_694 = arith.constant 3 : i32
        %get3A_695 = arith.index_cast %get3A_694 : i32 to index
        %get3A_696 = arith.index_cast %add3A_674 : i32 to index
        %get3A_697 = arith.constant 48 : index
        %get3A_698 = tpu.vector_load %arg11[%get3A_695, %get3A_696, %get3A_697] {strides = array<i32>} : memref<4x224x64xf32, #tpu.memory_space<vmem>>, vector<16xf32>,
        %mul3A_699 = arith.mulf %get3A_698, %get3A_648 : vector<16xf32>
        %add3A_700 = arith.addf %mul3A_693, %mul3A_699 : vector<16xf32>
        %add3A_701 = arith.addf %add3A_687, %add3A_700 : vector<16xf32>
        %reduce_sum3A = arith.constant true
        %reduce_sum3A_702 = vector.broadcast %reduce_sum3A : i1 to vector<16xi1>
        %reduce_sum3A_703 = tpu.scan <sum>, %add3A_701 masked %reduce_sum3A_702 : vector<16xf32>, vector<16xi1> -> vector<16xf32>
        %reduce_sum3A_704 = vector.extract %reduce_sum3A_703[15] : f32 from vector<16xf32>
        %eq3A = arith.constant 0 : i32
        %eq3A_705 = vector.broadcast %eq3A : i32 to vector<16xi32>
        %eq3A_706 = arith.cmpi eq, %iota3A, %eq3A_705 : vector<16xi32>
        %broadcast_in_dim3A_707 = vector.broadcast %reduce_sum3A_704 : f32 to vector<16xf32>
        %select_n3A = arith.select %eq3A_706, %broadcast_in_dim3A_707, %broadcast_in_dim3A_672 : vector<16xi1>, vector<16xf32>
        %add3A_708 = arith.constant 1 : i32
        %add3A_709 = arith.addi %mul3A_671, %add3A_708 : i32
        %get3A_710 = arith.constant 3 : i32
        %get3A_711 = arith.index_cast %get3A_710 : i32 to index
        %get3A_712 = arith.index_cast %add3A_709 : i32 to index
        %get3A_713 = arith.constant 0 : index
        %get3A_714 = tpu.vector_load %arg11[%get3A_711, %get3A_712, %get3A_713] {strides = array<i32>} : memref<4x224x64xf32, #tpu.memory_space<vmem>>, vector<16xf32>,
        %mul3A_715 = arith.mulf %get3A_714, %get3A_639 : vector<16xf32>
        %get3A_716 = arith.constant 3 : i32
        %get3A_717 = arith.index_cast %get3A_716 : i32 to index
        %get3A_718 = arith.index_cast %add3A_709 : i32 to index
        %get3A_719 = arith.constant 16 : index
        %get3A_720 = tpu.vector_load %arg11[%get3A_717, %get3A_718, %get3A_719] {strides = array<i32>} : memref<4x224x64xf32, #tpu.memory_space<vmem>>, vector<16xf32>,
        %mul3A_721 = arith.mulf %get3A_720, %get3A_642 : vector<16xf32>
        %add3A_722 = arith.addf %mul3A_715, %mul3A_721 : vector<16xf32>
        %get3A_723 = arith.constant 3 : i32
        %get3A_724 = arith.index_cast %get3A_723 : i32 to index
        %get3A_725 = arith.index_cast %add3A_709 : i32 to index
        %get3A_726 = arith.constant 32 : index
        %get3A_727 = tpu.vector_load %arg11[%get3A_724, %get3A_725, %get3A_726] {strides = array<i32>} : memref<4x224x64xf32, #tpu.memory_space<vmem>>, vector<16xf32>,
        %mul3A_728 = arith.mulf %get3A_727, %get3A_645 : vector<16xf32>
        %get3A_729 = arith.constant 3 : i32
        %get3A_730 = arith.index_cast %get3A_729 : i32 to index
        %get3A_731 = arith.index_cast %add3A_709 : i32 to index
        %get3A_732 = arith.constant 48 : index
        %get3A_733 = tpu.vector_load %arg11[%get3A_730, %get3A_731, %get3A_732] {strides = array<i32>} : memref<4x224x64xf32, #tpu.memory_space<vmem>>, vector<16xf32>,
        %mul3A_734 = arith.mulf %get3A_733, %get3A_648 : vector<16xf32>
        %add3A_735 = arith.addf %mul3A_728, %mul3A_734 : vector<16xf32>
        %add3A_736 = arith.addf %add3A_722, %add3A_735 : vector<16xf32>
        %reduce_sum3A_737 = arith.constant true
        %reduce_sum3A_738 = vector.broadcast %reduce_sum3A_737 : i1 to vector<16xi1>
        %reduce_sum3A_739 = tpu.scan <sum>, %add3A_736 masked %reduce_sum3A_738 : vector<16xf32>, vector<16xi1> -> vector<16xf32>
        %reduce_sum3A_740 = vector.extract %reduce_sum3A_739[15] : f32 from vector<16xf32>
        %eq3A_741 = arith.constant 1 : i32
        %eq3A_742 = vector.broadcast %eq3A_741 : i32 to vector<16xi32>
        %eq3A_743 = arith.cmpi eq, %iota3A, %eq3A_742 : vector<16xi32>
        %broadcast_in_dim3A_744 = vector.broadcast %reduce_sum3A_740 : f32 to vector<16xf32>
        %select_n3A_745 = arith.select %eq3A_743, %broadcast_in_dim3A_744, %select_n3A : vector<16xi1>, vector<16xf32>
        %add3A_746 = arith.constant 2 : i32
        %add3A_747 = arith.addi %mul3A_671, %add3A_746 : i32
        %get3A_748 = arith.constant 3 : i32
        %get3A_749 = arith.index_cast %get3A_748 : i32 to index
        %get3A_750 = arith.index_cast %add3A_747 : i32 to index
        %get3A_751 = arith.constant 0 : index
        %get3A_752 = tpu.vector_load %arg11[%get3A_749, %get3A_750, %get3A_751] {strides = array<i32>} : memref<4x224x64xf32, #tpu.memory_space<vmem>>, vector<16xf32>,
        %mul3A_753 = arith.mulf %get3A_752, %get3A_639 : vector<16xf32>
        %get3A_754 = arith.constant 3 : i32
        %get3A_755 = arith.index_cast %get3A_754 : i32 to index
        %get3A_756 = arith.index_cast %add3A_747 : i32 to index
        %get3A_757 = arith.constant 16 : index
        %get3A_758 = tpu.vector_load %arg11[%get3A_755, %get3A_756, %get3A_757] {strides = array<i32>} : memref<4x224x64xf32, #tpu.memory_space<vmem>>, vector<16xf32>,
        %mul3A_759 = arith.mulf %get3A_758, %get3A_642 : vector<16xf32>
        %add3A_760 = arith.addf %mul3A_753, %mul3A_759 : vector<16xf32>
        %get3A_761 = arith.constant 3 : i32
        %get3A_762 = arith.index_cast %get3A_761 : i32 to index
        %get3A_763 = arith.index_cast %add3A_747 : i32 to index
        %get3A_764 = arith.constant 32 : index
        %get3A_765 = tpu.vector_load %arg11[%get3A_762, %get3A_763, %get3A_764] {strides = array<i32>} : memref<4x224x64xf32, #tpu.memory_space<vmem>>, vector<16xf32>,
        %mul3A_766 = arith.mulf %get3A_765, %get3A_645 : vector<16xf32>
        %get3A_767 = arith.constant 3 : i32
        %get3A_768 = arith.index_cast %get3A_767 : i32 to index
        %get3A_769 = arith.index_cast %add3A_747 : i32 to index
        %get3A_770 = arith.constant 48 : index
        %get3A_771 = tpu.vector_load %arg11[%get3A_768, %get3A_769, %get3A_770] {strides = array<i32>} : memref<4x224x64xf32, #tpu.memory_space<vmem>>, vector<16xf32>,
        %mul3A_772 = arith.mulf %get3A_771, %get3A_648 : vector<16xf32>
        %add3A_773 = arith.addf %mul3A_766, %mul3A_772 : vector<16xf32>
        %add3A_774 = arith.addf %add3A_760, %add3A_773 : vector<16xf32>
        %reduce_sum3A_775 = arith.constant true
        %reduce_sum3A_776 = vector.broadcast %reduce_sum3A_775 : i1 to vector<16xi1>
        %reduce_sum3A_777 = tpu.scan <sum>, %add3A_774 masked %reduce_sum3A_776 : vector<16xf32>, vector<16xi1> -> vector<16xf32>
        %reduce_sum3A_778 = vector.extract %reduce_sum3A_777[15] : f32 from vector<16xf32>
        %eq3A_779 = arith.constant 2 : i32
        %eq3A_780 = vector.broadcast %eq3A_779 : i32 to vector<16xi32>
        %eq3A_781 = arith.cmpi eq, %iota3A, %eq3A_780 : vector<16xi32>
        %broadcast_in_dim3A_782 = vector.broadcast %reduce_sum3A_778 : f32 to vector<16xf32>
        %select_n3A_783 = arith.select %eq3A_781, %broadcast_in_dim3A_782, %select_n3A_745 : vector<16xi1>, vector<16xf32>
        %add3A_784 = arith.constant 3 : i32
        %add3A_785 = arith.addi %mul3A_671, %add3A_784 : i32
        %get3A_786 = arith.constant 3 : i32
        %get3A_787 = arith.index_cast %get3A_786 : i32 to index
        %get3A_788 = arith.index_cast %add3A_785 : i32 to index
        %get3A_789 = arith.constant 0 : index
        %get3A_790 = tpu.vector_load %arg11[%get3A_787, %get3A_788, %get3A_789] {strides = array<i32>} : memref<4x224x64xf32, #tpu.memory_space<vmem>>, vector<16xf32>,
        %mul3A_791 = arith.mulf %get3A_790, %get3A_639 : vector<16xf32>
        %get3A_792 = arith.constant 3 : i32
        %get3A_793 = arith.index_cast %get3A_792 : i32 to index
        %get3A_794 = arith.index_cast %add3A_785 : i32 to index
        %get3A_795 = arith.constant 16 : index
        %get3A_796 = tpu.vector_load %arg11[%get3A_793, %get3A_794, %get3A_795] {strides = array<i32>} : memref<4x224x64xf32, #tpu.memory_space<vmem>>, vector<16xf32>,
        %mul3A_797 = arith.mulf %get3A_796, %get3A_642 : vector<16xf32>
        %add3A_798 = arith.addf %mul3A_791, %mul3A_797 : vector<16xf32>
        %get3A_799 = arith.constant 3 : i32
        %get3A_800 = arith.index_cast %get3A_799 : i32 to index
        %get3A_801 = arith.index_cast %add3A_785 : i32 to index
        %get3A_802 = arith.constant 32 : index
        %get3A_803 = tpu.vector_load %arg11[%get3A_800, %get3A_801, %get3A_802] {strides = array<i32>} : memref<4x224x64xf32, #tpu.memory_space<vmem>>, vector<16xf32>,
        %mul3A_804 = arith.mulf %get3A_803, %get3A_645 : vector<16xf32>
        %get3A_805 = arith.constant 3 : i32
        %get3A_806 = arith.index_cast %get3A_805 : i32 to index
        %get3A_807 = arith.index_cast %add3A_785 : i32 to index
        %get3A_808 = arith.constant 48 : index
        %get3A_809 = tpu.vector_load %arg11[%get3A_806, %get3A_807, %get3A_808] {strides = array<i32>} : memref<4x224x64xf32, #tpu.memory_space<vmem>>, vector<16xf32>,
        %mul3A_810 = arith.mulf %get3A_809, %get3A_648 : vector<16xf32>
        %add3A_811 = arith.addf %mul3A_804, %mul3A_810 : vector<16xf32>
        %add3A_812 = arith.addf %add3A_798, %add3A_811 : vector<16xf32>
        %reduce_sum3A_813 = arith.constant true
        %reduce_sum3A_814 = vector.broadcast %reduce_sum3A_813 : i1 to vector<16xi1>
        %reduce_sum3A_815 = tpu.scan <sum>, %add3A_812 masked %reduce_sum3A_814 : vector<16xf32>, vector<16xi1> -> vector<16xf32>
        %reduce_sum3A_816 = vector.extract %reduce_sum3A_815[15] : f32 from vector<16xf32>
        %eq3A_817 = arith.constant 3 : i32
        %eq3A_818 = vector.broadcast %eq3A_817 : i32 to vector<16xi32>
        %eq3A_819 = arith.cmpi eq, %iota3A, %eq3A_818 : vector<16xi32>
        %broadcast_in_dim3A_820 = vector.broadcast %reduce_sum3A_816 : f32 to vector<16xf32>
        %select_n3A_821 = arith.select %eq3A_819, %broadcast_in_dim3A_820, %select_n3A_783 : vector<16xi1>, vector<16xf32>
        %add3A_822 = arith.constant 4 : i32
        %add3A_823 = arith.addi %mul3A_671, %add3A_822 : i32
        %get3A_824 = arith.constant 3 : i32
        %get3A_825 = arith.index_cast %get3A_824 : i32 to index
        %get3A_826 = arith.index_cast %add3A_823 : i32 to index
        %get3A_827 = arith.constant 0 : index
        %get3A_828 = tpu.vector_load %arg11[%get3A_825, %get3A_826, %get3A_827] {strides = array<i32>} : memref<4x224x64xf32, #tpu.memory_space<vmem>>, vector<16xf32>,
        %mul3A_829 = arith.mulf %get3A_828, %get3A_639 : vector<16xf32>
        %get3A_830 = arith.constant 3 : i32
        %get3A_831 = arith.index_cast %get3A_830 : i32 to index
        %get3A_832 = arith.index_cast %add3A_823 : i32 to index
        %get3A_833 = arith.constant 16 : index
        %get3A_834 = tpu.vector_load %arg11[%get3A_831, %get3A_832, %get3A_833] {strides = array<i32>} : memref<4x224x64xf32, #tpu.memory_space<vmem>>, vector<16xf32>,
        %mul3A_835 = arith.mulf %get3A_834, %get3A_642 : vector<16xf32>
        %add3A_836 = arith.addf %mul3A_829, %mul3A_835 : vector<16xf32>
        %get3A_837 = arith.constant 3 : i32
        %get3A_838 = arith.index_cast %get3A_837 : i32 to index
        %get3A_839 = arith.index_cast %add3A_823 : i32 to index
        %get3A_840 = arith.constant 32 : index
        %get3A_841 = tpu.vector_load %arg11[%get3A_838, %get3A_839, %get3A_840] {strides = array<i32>} : memref<4x224x64xf32, #tpu.memory_space<vmem>>, vector<16xf32>,
        %mul3A_842 = arith.mulf %get3A_841, %get3A_645 : vector<16xf32>
        %get3A_843 = arith.constant 3 : i32
        %get3A_844 = arith.index_cast %get3A_843 : i32 to index
        %get3A_845 = arith.index_cast %add3A_823 : i32 to index
        %get3A_846 = arith.constant 48 : index
        %get3A_847 = tpu.vector_load %arg11[%get3A_844, %get3A_845, %get3A_846] {strides = array<i32>} : memref<4x224x64xf32, #tpu.memory_space<vmem>>, vector<16xf32>,
        %mul3A_848 = arith.mulf %get3A_847, %get3A_648 : vector<16xf32>
        %add3A_849 = arith.addf %mul3A_842, %mul3A_848 : vector<16xf32>
        %add3A_850 = arith.addf %add3A_836, %add3A_849 : vector<16xf32>
        %reduce_sum3A_851 = arith.constant true
        %reduce_sum3A_852 = vector.broadcast %reduce_sum3A_851 : i1 to vector<16xi1>
        %reduce_sum3A_853 = tpu.scan <sum>, %add3A_850 masked %reduce_sum3A_852 : vector<16xf32>, vector<16xi1> -> vector<16xf32>
        %reduce_sum3A_854 = vector.extract %reduce_sum3A_853[15] : f32 from vector<16xf32>
        %eq3A_855 = arith.constant 4 : i32
        %eq3A_856 = vector.broadcast %eq3A_855 : i32 to vector<16xi32>
        %eq3A_857 = arith.cmpi eq, %iota3A, %eq3A_856 : vector<16xi32>
        %broadcast_in_dim3A_858 = vector.broadcast %reduce_sum3A_854 : f32 to vector<16xf32>
        %select_n3A_859 = arith.select %eq3A_857, %broadcast_in_dim3A_858, %select_n3A_821 : vector<16xi1>, vector<16xf32>
        %add3A_860 = arith.constant 5 : i32
        %add3A_861 = arith.addi %mul3A_671, %add3A_860 : i32
        %get3A_862 = arith.constant 3 : i32
        %get3A_863 = arith.index_cast %get3A_862 : i32 to index
        %get3A_864 = arith.index_cast %add3A_861 : i32 to index
        %get3A_865 = arith.constant 0 : index
        %get3A_866 = tpu.vector_load %arg11[%get3A_863, %get3A_864, %get3A_865] {strides = array<i32>} : memref<4x224x64xf32, #tpu.memory_space<vmem>>, vector<16xf32>,
        %mul3A_867 = arith.mulf %get3A_866, %get3A_639 : vector<16xf32>
        %get3A_868 = arith.constant 3 : i32
        %get3A_869 = arith.index_cast %get3A_868 : i32 to index
        %get3A_870 = arith.index_cast %add3A_861 : i32 to index
        %get3A_871 = arith.constant 16 : index
        %get3A_872 = tpu.vector_load %arg11[%get3A_869, %get3A_870, %get3A_871] {strides = array<i32>} : memref<4x224x64xf32, #tpu.memory_space<vmem>>, vector<16xf32>,
        %mul3A_873 = arith.mulf %get3A_872, %get3A_642 : vector<16xf32>
        %add3A_874 = arith.addf %mul3A_867, %mul3A_873 : vector<16xf32>
        %get3A_875 = arith.constant 3 : i32
        %get3A_876 = arith.index_cast %get3A_875 : i32 to index
        %get3A_877 = arith.index_cast %add3A_861 : i32 to index
        %get3A_878 = arith.constant 32 : index
        %get3A_879 = tpu.vector_load %arg11[%get3A_876, %get3A_877, %get3A_878] {strides = array<i32>} : memref<4x224x64xf32, #tpu.memory_space<vmem>>, vector<16xf32>,
        %mul3A_880 = arith.mulf %get3A_879, %get3A_645 : vector<16xf32>
        %get3A_881 = arith.constant 3 : i32
        %get3A_882 = arith.index_cast %get3A_881 : i32 to index
        %get3A_883 = arith.index_cast %add3A_861 : i32 to index
        %get3A_884 = arith.constant 48 : index
        %get3A_885 = tpu.vector_load %arg11[%get3A_882, %get3A_883, %get3A_884] {strides = array<i32>} : memref<4x224x64xf32, #tpu.memory_space<vmem>>, vector<16xf32>,
        %mul3A_886 = arith.mulf %get3A_885, %get3A_648 : vector<16xf32>
        %add3A_887 = arith.addf %mul3A_880, %mul3A_886 : vector<16xf32>
        %add3A_888 = arith.addf %add3A_874, %add3A_887 : vector<16xf32>
        %reduce_sum3A_889 = arith.constant true
        %reduce_sum3A_890 = vector.broadcast %reduce_sum3A_889 : i1 to vector<16xi1>
        %reduce_sum3A_891 = tpu.scan <sum>, %add3A_888 masked %reduce_sum3A_890 : vector<16xf32>, vector<16xi1> -> vector<16xf32>
        %reduce_sum3A_892 = vector.extract %reduce_sum3A_891[15] : f32 from vector<16xf32>
        %eq3A_893 = arith.constant 5 : i32
        %eq3A_894 = vector.broadcast %eq3A_893 : i32 to vector<16xi32>
        %eq3A_895 = arith.cmpi eq, %iota3A, %eq3A_894 : vector<16xi32>
        %broadcast_in_dim3A_896 = vector.broadcast %reduce_sum3A_892 : f32 to vector<16xf32>
        %select_n3A_897 = arith.select %eq3A_895, %broadcast_in_dim3A_896, %select_n3A_859 : vector<16xi1>, vector<16xf32>
        %add3A_898 = arith.constant 6 : i32
        %add3A_899 = arith.addi %mul3A_671, %add3A_898 : i32
        %get3A_900 = arith.constant 3 : i32
        %get3A_901 = arith.index_cast %get3A_900 : i32 to index
        %get3A_902 = arith.index_cast %add3A_899 : i32 to index
        %get3A_903 = arith.constant 0 : index
        %get3A_904 = tpu.vector_load %arg11[%get3A_901, %get3A_902, %get3A_903] {strides = array<i32>} : memref<4x224x64xf32, #tpu.memory_space<vmem>>, vector<16xf32>,
        %mul3A_905 = arith.mulf %get3A_904, %get3A_639 : vector<16xf32>
        %get3A_906 = arith.constant 3 : i32
        %get3A_907 = arith.index_cast %get3A_906 : i32 to index
        %get3A_908 = arith.index_cast %add3A_899 : i32 to index
        %get3A_909 = arith.constant 16 : index
        %get3A_910 = tpu.vector_load %arg11[%get3A_907, %get3A_908, %get3A_909] {strides = array<i32>} : memref<4x224x64xf32, #tpu.memory_space<vmem>>, vector<16xf32>,
        %mul3A_911 = arith.mulf %get3A_910, %get3A_642 : vector<16xf32>
        %add3A_912 = arith.addf %mul3A_905, %mul3A_911 : vector<16xf32>
        %get3A_913 = arith.constant 3 : i32
        %get3A_914 = arith.index_cast %get3A_913 : i32 to index
        %get3A_915 = arith.index_cast %add3A_899 : i32 to index
        %get3A_916 = arith.constant 32 : index
        %get3A_917 = tpu.vector_load %arg11[%get3A_914, %get3A_915, %get3A_916] {strides = array<i32>} : memref<4x224x64xf32, #tpu.memory_space<vmem>>, vector<16xf32>,
        %mul3A_918 = arith.mulf %get3A_917, %get3A_645 : vector<16xf32>
        %get3A_919 = arith.constant 3 : i32
        %get3A_920 = arith.index_cast %get3A_919 : i32 to index
        %get3A_921 = arith.index_cast %add3A_899 : i32 to index
        %get3A_922 = arith.constant 48 : index
        %get3A_923 = tpu.vector_load %arg11[%get3A_920, %get3A_921, %get3A_922] {strides = array<i32>} : memref<4x224x64xf32, #tpu.memory_space<vmem>>, vector<16xf32>,
        %mul3A_924 = arith.mulf %get3A_923, %get3A_648 : vector<16xf32>
        %add3A_925 = arith.addf %mul3A_918, %mul3A_924 : vector<16xf32>
        %add3A_926 = arith.addf %add3A_912, %add3A_925 : vector<16xf32>
        %reduce_sum3A_927 = arith.constant true
        %reduce_sum3A_928 = vector.broadcast %reduce_sum3A_927 : i1 to vector<16xi1>
        %reduce_sum3A_929 = tpu.scan <sum>, %add3A_926 masked %reduce_sum3A_928 : vector<16xf32>, vector<16xi1> -> vector<16xf32>
        %reduce_sum3A_930 = vector.extract %reduce_sum3A_929[15] : f32 from vector<16xf32>
        %eq3A_931 = arith.constant 6 : i32
        %eq3A_932 = vector.broadcast %eq3A_931 : i32 to vector<16xi32>
        %eq3A_933 = arith.cmpi eq, %iota3A, %eq3A_932 : vector<16xi32>
        %broadcast_in_dim3A_934 = vector.broadcast %reduce_sum3A_930 : f32 to vector<16xf32>
        %select_n3A_935 = arith.select %eq3A_933, %broadcast_in_dim3A_934, %select_n3A_897 : vector<16xi1>, vector<16xf32>
        %add3A_936 = arith.constant 7 : i32
        %add3A_937 = arith.addi %mul3A_671, %add3A_936 : i32
        %get3A_938 = arith.constant 3 : i32
        %get3A_939 = arith.index_cast %get3A_938 : i32 to index
        %get3A_940 = arith.index_cast %add3A_937 : i32 to index
        %get3A_941 = arith.constant 0 : index
        %get3A_942 = tpu.vector_load %arg11[%get3A_939, %get3A_940, %get3A_941] {strides = array<i32>} : memref<4x224x64xf32, #tpu.memory_space<vmem>>, vector<16xf32>,
        %mul3A_943 = arith.mulf %get3A_942, %get3A_639 : vector<16xf32>
        %get3A_944 = arith.constant 3 : i32
        %get3A_945 = arith.index_cast %get3A_944 : i32 to index
        %get3A_946 = arith.index_cast %add3A_937 : i32 to index
        %get3A_947 = arith.constant 16 : index
        %get3A_948 = tpu.vector_load %arg11[%get3A_945, %get3A_946, %get3A_947] {strides = array<i32>} : memref<4x224x64xf32, #tpu.memory_space<vmem>>, vector<16xf32>,
        %mul3A_949 = arith.mulf %get3A_948, %get3A_642 : vector<16xf32>
        %add3A_950 = arith.addf %mul3A_943, %mul3A_949 : vector<16xf32>
        %get3A_951 = arith.constant 3 : i32
        %get3A_952 = arith.index_cast %get3A_951 : i32 to index
        %get3A_953 = arith.index_cast %add3A_937 : i32 to index
        %get3A_954 = arith.constant 32 : index
        %get3A_955 = tpu.vector_load %arg11[%get3A_952, %get3A_953, %get3A_954] {strides = array<i32>} : memref<4x224x64xf32, #tpu.memory_space<vmem>>, vector<16xf32>,
        %mul3A_956 = arith.mulf %get3A_955, %get3A_645 : vector<16xf32>
        %get3A_957 = arith.constant 3 : i32
        %get3A_958 = arith.index_cast %get3A_957 : i32 to index
        %get3A_959 = arith.index_cast %add3A_937 : i32 to index
        %get3A_960 = arith.constant 48 : index
        %get3A_961 = tpu.vector_load %arg11[%get3A_958, %get3A_959, %get3A_960] {strides = array<i32>} : memref<4x224x64xf32, #tpu.memory_space<vmem>>, vector<16xf32>,
        %mul3A_962 = arith.mulf %get3A_961, %get3A_648 : vector<16xf32>
        %add3A_963 = arith.addf %mul3A_956, %mul3A_962 : vector<16xf32>
        %add3A_964 = arith.addf %add3A_950, %add3A_963 : vector<16xf32>
        %reduce_sum3A_965 = arith.constant true
        %reduce_sum3A_966 = vector.broadcast %reduce_sum3A_965 : i1 to vector<16xi1>
        %reduce_sum3A_967 = tpu.scan <sum>, %add3A_964 masked %reduce_sum3A_966 : vector<16xf32>, vector<16xi1> -> vector<16xf32>
        %reduce_sum3A_968 = vector.extract %reduce_sum3A_967[15] : f32 from vector<16xf32>
        %eq3A_969 = arith.constant 7 : i32
        %eq3A_970 = vector.broadcast %eq3A_969 : i32 to vector<16xi32>
        %eq3A_971 = arith.cmpi eq, %iota3A, %eq3A_970 : vector<16xi32>
        %broadcast_in_dim3A_972 = vector.broadcast %reduce_sum3A_968 : f32 to vector<16xf32>
        %select_n3A_973 = arith.select %eq3A_971, %broadcast_in_dim3A_972, %select_n3A_935 : vector<16xi1>, vector<16xf32>
        %add3A_974 = arith.constant 8 : i32
        %add3A_975 = arith.addi %mul3A_671, %add3A_974 : i32
        %get3A_976 = arith.constant 3 : i32
        %get3A_977 = arith.index_cast %get3A_976 : i32 to index
        %get3A_978 = arith.index_cast %add3A_975 : i32 to index
        %get3A_979 = arith.constant 0 : index
        %get3A_980 = tpu.vector_load %arg11[%get3A_977, %get3A_978, %get3A_979] {strides = array<i32>} : memref<4x224x64xf32, #tpu.memory_space<vmem>>, vector<16xf32>,
        %mul3A_981 = arith.mulf %get3A_980, %get3A_639 : vector<16xf32>
        %get3A_982 = arith.constant 3 : i32
        %get3A_983 = arith.index_cast %get3A_982 : i32 to index
        %get3A_984 = arith.index_cast %add3A_975 : i32 to index
        %get3A_985 = arith.constant 16 : index
        %get3A_986 = tpu.vector_load %arg11[%get3A_983, %get3A_984, %get3A_985] {strides = array<i32>} : memref<4x224x64xf32, #tpu.memory_space<vmem>>, vector<16xf32>,
        %mul3A_987 = arith.mulf %get3A_986, %get3A_642 : vector<16xf32>
        %add3A_988 = arith.addf %mul3A_981, %mul3A_987 : vector<16xf32>
        %get3A_989 = arith.constant 3 : i32
        %get3A_990 = arith.index_cast %get3A_989 : i32 to index
        %get3A_991 = arith.index_cast %add3A_975 : i32 to index
        %get3A_992 = arith.constant 32 : index
        %get3A_993 = tpu.vector_load %arg11[%get3A_990, %get3A_991, %get3A_992] {strides = array<i32>} : memref<4x224x64xf32, #tpu.memory_space<vmem>>, vector<16xf32>,
        %mul3A_994 = arith.mulf %get3A_993, %get3A_645 : vector<16xf32>
        %get3A_995 = arith.constant 3 : i32
        %get3A_996 = arith.index_cast %get3A_995 : i32 to index
        %get3A_997 = arith.index_cast %add3A_975 : i32 to index
        %get3A_998 = arith.constant 48 : index
        %get3A_999 = tpu.vector_load %arg11[%get3A_996, %get3A_997, %get3A_998] {strides = array<i32>} : memref<4x224x64xf32, #tpu.memory_space<vmem>>, vector<16xf32>,
        %mul3A_1000 = arith.mulf %get3A_999, %get3A_648 : vector<16xf32>
        %add3A_1001 = arith.addf %mul3A_994, %mul3A_1000 : vector<16xf32>
        %add3A_1002 = arith.addf %add3A_988, %add3A_1001 : vector<16xf32>
        %reduce_sum3A_1003 = arith.constant true
        %reduce_sum3A_1004 = vector.broadcast %reduce_sum3A_1003 : i1 to vector<16xi1>
        %reduce_sum3A_1005 = tpu.scan <sum>, %add3A_1002 masked %reduce_sum3A_1004 : vector<16xf32>, vector<16xi1> -> vector<16xf32>
        %reduce_sum3A_1006 = vector.extract %reduce_sum3A_1005[15] : f32 from vector<16xf32>
        %eq3A_1007 = arith.constant 8 : i32
        %eq3A_1008 = vector.broadcast %eq3A_1007 : i32 to vector<16xi32>
        %eq3A_1009 = arith.cmpi eq, %iota3A, %eq3A_1008 : vector<16xi32>
        %broadcast_in_dim3A_1010 = vector.broadcast %reduce_sum3A_1006 : f32 to vector<16xf32>
        %select_n3A_1011 = arith.select %eq3A_1009, %broadcast_in_dim3A_1010, %select_n3A_973 : vector<16xi1>, vector<16xf32>
        %add3A_1012 = arith.constant 9 : i32
        %add3A_1013 = arith.addi %mul3A_671, %add3A_1012 : i32
        %get3A_1014 = arith.constant 3 : i32
        %get3A_1015 = arith.index_cast %get3A_1014 : i32 to index
        %get3A_1016 = arith.index_cast %add3A_1013 : i32 to index
        %get3A_1017 = arith.constant 0 : index
        %get3A_1018 = tpu.vector_load %arg11[%get3A_1015, %get3A_1016, %get3A_1017] {strides = array<i32>} : memref<4x224x64xf32, #tpu.memory_space<vmem>>, vector<16xf32>,
        %mul3A_1019 = arith.mulf %get3A_1018, %get3A_639 : vector<16xf32>
        %get3A_1020 = arith.constant 3 : i32
        %get3A_1021 = arith.index_cast %get3A_1020 : i32 to index
        %get3A_1022 = arith.index_cast %add3A_1013 : i32 to index
        %get3A_1023 = arith.constant 16 : index
        %get3A_1024 = tpu.vector_load %arg11[%get3A_1021, %get3A_1022, %get3A_1023] {strides = array<i32>} : memref<4x224x64xf32, #tpu.memory_space<vmem>>, vector<16xf32>,
        %mul3A_1025 = arith.mulf %get3A_1024, %get3A_642 : vector<16xf32>
        %add3A_1026 = arith.addf %mul3A_1019, %mul3A_1025 : vector<16xf32>
        %get3A_1027 = arith.constant 3 : i32
        %get3A_1028 = arith.index_cast %get3A_1027 : i32 to index
        %get3A_1029 = arith.index_cast %add3A_1013 : i32 to index
        %get3A_1030 = arith.constant 32 : index
        %get3A_1031 = tpu.vector_load %arg11[%get3A_1028, %get3A_1029, %get3A_1030] {strides = array<i32>} : memref<4x224x64xf32, #tpu.memory_space<vmem>>, vector<16xf32>,
        %mul3A_1032 = arith.mulf %get3A_1031, %get3A_645 : vector<16xf32>
        %get3A_1033 = arith.constant 3 : i32
        %get3A_1034 = arith.index_cast %get3A_1033 : i32 to index
        %get3A_1035 = arith.index_cast %add3A_1013 : i32 to index
        %get3A_1036 = arith.constant 48 : index
        %get3A_1037 = tpu.vector_load %arg11[%get3A_1034, %get3A_1035, %get3A_1036] {strides = array<i32>} : memref<4x224x64xf32, #tpu.memory_space<vmem>>, vector<16xf32>,
        %mul3A_1038 = arith.mulf %get3A_1037, %get3A_648 : vector<16xf32>
        %add3A_1039 = arith.addf %mul3A_1032, %mul3A_1038 : vector<16xf32>
        %add3A_1040 = arith.addf %add3A_1026, %add3A_1039 : vector<16xf32>
        %reduce_sum3A_1041 = arith.constant true
        %reduce_sum3A_1042 = vector.broadcast %reduce_sum3A_1041 : i1 to vector<16xi1>
        %reduce_sum3A_1043 = tpu.scan <sum>, %add3A_1040 masked %reduce_sum3A_1042 : vector<16xf32>, vector<16xi1> -> vector<16xf32>
        %reduce_sum3A_1044 = vector.extract %reduce_sum3A_1043[15] : f32 from vector<16xf32>
        %eq3A_1045 = arith.constant 9 : i32
        %eq3A_1046 = vector.broadcast %eq3A_1045 : i32 to vector<16xi32>
        %eq3A_1047 = arith.cmpi eq, %iota3A, %eq3A_1046 : vector<16xi32>
        %broadcast_in_dim3A_1048 = vector.broadcast %reduce_sum3A_1044 : f32 to vector<16xf32>
        %select_n3A_1049 = arith.select %eq3A_1047, %broadcast_in_dim3A_1048, %select_n3A_1011 : vector<16xi1>, vector<16xf32>
        %add3A_1050 = arith.constant 10 : i32
        %add3A_1051 = arith.addi %mul3A_671, %add3A_1050 : i32
        %get3A_1052 = arith.constant 3 : i32
        %get3A_1053 = arith.index_cast %get3A_1052 : i32 to index
        %get3A_1054 = arith.index_cast %add3A_1051 : i32 to index
        %get3A_1055 = arith.constant 0 : index
        %get3A_1056 = tpu.vector_load %arg11[%get3A_1053, %get3A_1054, %get3A_1055] {strides = array<i32>} : memref<4x224x64xf32, #tpu.memory_space<vmem>>, vector<16xf32>,
        %mul3A_1057 = arith.mulf %get3A_1056, %get3A_639 : vector<16xf32>
        %get3A_1058 = arith.constant 3 : i32
        %get3A_1059 = arith.index_cast %get3A_1058 : i32 to index
        %get3A_1060 = arith.index_cast %add3A_1051 : i32 to index
        %get3A_1061 = arith.constant 16 : index
        %get3A_1062 = tpu.vector_load %arg11[%get3A_1059, %get3A_1060, %get3A_1061] {strides = array<i32>} : memref<4x224x64xf32, #tpu.memory_space<vmem>>, vector<16xf32>,
        %mul3A_1063 = arith.mulf %get3A_1062, %get3A_642 : vector<16xf32>
        %add3A_1064 = arith.addf %mul3A_1057, %mul3A_1063 : vector<16xf32>
        %get3A_1065 = arith.constant 3 : i32
        %get3A_1066 = arith.index_cast %get3A_1065 : i32 to index
        %get3A_1067 = arith.index_cast %add3A_1051 : i32 to index
        %get3A_1068 = arith.constant 32 : index
        %get3A_1069 = tpu.vector_load %arg11[%get3A_1066, %get3A_1067, %get3A_1068] {strides = array<i32>} : memref<4x224x64xf32, #tpu.memory_space<vmem>>, vector<16xf32>,
        %mul3A_1070 = arith.mulf %get3A_1069, %get3A_645 : vector<16xf32>
        %get3A_1071 = arith.constant 3 : i32
        %get3A_1072 = arith.index_cast %get3A_1071 : i32 to index
        %get3A_1073 = arith.index_cast %add3A_1051 : i32 to index
        %get3A_1074 = arith.constant 48 : index
        %get3A_1075 = tpu.vector_load %arg11[%get3A_1072, %get3A_1073, %get3A_1074] {strides = array<i32>} : memref<4x224x64xf32, #tpu.memory_space<vmem>>, vector<16xf32>,
        %mul3A_1076 = arith.mulf %get3A_1075, %get3A_648 : vector<16xf32>
        %add3A_1077 = arith.addf %mul3A_1070, %mul3A_1076 : vector<16xf32>
        %add3A_1078 = arith.addf %add3A_1064, %add3A_1077 : vector<16xf32>
        %reduce_sum3A_1079 = arith.constant true
        %reduce_sum3A_1080 = vector.broadcast %reduce_sum3A_1079 : i1 to vector<16xi1>
        %reduce_sum3A_1081 = tpu.scan <sum>, %add3A_1078 masked %reduce_sum3A_1080 : vector<16xf32>, vector<16xi1> -> vector<16xf32>
        %reduce_sum3A_1082 = vector.extract %reduce_sum3A_1081[15] : f32 from vector<16xf32>
        %eq3A_1083 = arith.constant 10 : i32
        %eq3A_1084 = vector.broadcast %eq3A_1083 : i32 to vector<16xi32>
        %eq3A_1085 = arith.cmpi eq, %iota3A, %eq3A_1084 : vector<16xi32>
        %broadcast_in_dim3A_1086 = vector.broadcast %reduce_sum3A_1082 : f32 to vector<16xf32>
        %select_n3A_1087 = arith.select %eq3A_1085, %broadcast_in_dim3A_1086, %select_n3A_1049 : vector<16xi1>, vector<16xf32>
        %add3A_1088 = arith.constant 11 : i32
        %add3A_1089 = arith.addi %mul3A_671, %add3A_1088 : i32
        %get3A_1090 = arith.constant 3 : i32
        %get3A_1091 = arith.index_cast %get3A_1090 : i32 to index
        %get3A_1092 = arith.index_cast %add3A_1089 : i32 to index
        %get3A_1093 = arith.constant 0 : index
        %get3A_1094 = tpu.vector_load %arg11[%get3A_1091, %get3A_1092, %get3A_1093] {strides = array<i32>} : memref<4x224x64xf32, #tpu.memory_space<vmem>>, vector<16xf32>,
        %mul3A_1095 = arith.mulf %get3A_1094, %get3A_639 : vector<16xf32>
        %get3A_1096 = arith.constant 3 : i32
        %get3A_1097 = arith.index_cast %get3A_1096 : i32 to index
        %get3A_1098 = arith.index_cast %add3A_1089 : i32 to index
        %get3A_1099 = arith.constant 16 : index
        %get3A_1100 = tpu.vector_load %arg11[%get3A_1097, %get3A_1098, %get3A_1099] {strides = array<i32>} : memref<4x224x64xf32, #tpu.memory_space<vmem>>, vector<16xf32>,
        %mul3A_1101 = arith.mulf %get3A_1100, %get3A_642 : vector<16xf32>
        %add3A_1102 = arith.addf %mul3A_1095, %mul3A_1101 : vector<16xf32>
        %get3A_1103 = arith.constant 3 : i32
        %get3A_1104 = arith.index_cast %get3A_1103 : i32 to index
        %get3A_1105 = arith.index_cast %add3A_1089 : i32 to index
        %get3A_1106 = arith.constant 32 : index
        %get3A_1107 = tpu.vector_load %arg11[%get3A_1104, %get3A_1105, %get3A_1106] {strides = array<i32>} : memref<4x224x64xf32, #tpu.memory_space<vmem>>, vector<16xf32>,
        %mul3A_1108 = arith.mulf %get3A_1107, %get3A_645 : vector<16xf32>
        %get3A_1109 = arith.constant 3 : i32
        %get3A_1110 = arith.index_cast %get3A_1109 : i32 to index
        %get3A_1111 = arith.index_cast %add3A_1089 : i32 to index
        %get3A_1112 = arith.constant 48 : index
        %get3A_1113 = tpu.vector_load %arg11[%get3A_1110, %get3A_1111, %get3A_1112] {strides = array<i32>} : memref<4x224x64xf32, #tpu.memory_space<vmem>>, vector<16xf32>,
        %mul3A_1114 = arith.mulf %get3A_1113, %get3A_648 : vector<16xf32>
        %add3A_1115 = arith.addf %mul3A_1108, %mul3A_1114 : vector<16xf32>
        %add3A_1116 = arith.addf %add3A_1102, %add3A_1115 : vector<16xf32>
        %reduce_sum3A_1117 = arith.constant true
        %reduce_sum3A_1118 = vector.broadcast %reduce_sum3A_1117 : i1 to vector<16xi1>
        %reduce_sum3A_1119 = tpu.scan <sum>, %add3A_1116 masked %reduce_sum3A_1118 : vector<16xf32>, vector<16xi1> -> vector<16xf32>
        %reduce_sum3A_1120 = vector.extract %reduce_sum3A_1119[15] : f32 from vector<16xf32>
        %eq3A_1121 = arith.constant 11 : i32
        %eq3A_1122 = vector.broadcast %eq3A_1121 : i32 to vector<16xi32>
        %eq3A_1123 = arith.cmpi eq, %iota3A, %eq3A_1122 : vector<16xi32>
        %broadcast_in_dim3A_1124 = vector.broadcast %reduce_sum3A_1120 : f32 to vector<16xf32>
        %select_n3A_1125 = arith.select %eq3A_1123, %broadcast_in_dim3A_1124, %select_n3A_1087 : vector<16xi1>, vector<16xf32>
        %add3A_1126 = arith.constant 12 : i32
        %add3A_1127 = arith.addi %mul3A_671, %add3A_1126 : i32
        %get3A_1128 = arith.constant 3 : i32
        %get3A_1129 = arith.index_cast %get3A_1128 : i32 to index
        %get3A_1130 = arith.index_cast %add3A_1127 : i32 to index
        %get3A_1131 = arith.constant 0 : index
        %get3A_1132 = tpu.vector_load %arg11[%get3A_1129, %get3A_1130, %get3A_1131] {strides = array<i32>} : memref<4x224x64xf32, #tpu.memory_space<vmem>>, vector<16xf32>,
        %mul3A_1133 = arith.mulf %get3A_1132, %get3A_639 : vector<16xf32>
        %get3A_1134 = arith.constant 3 : i32
        %get3A_1135 = arith.index_cast %get3A_1134 : i32 to index
        %get3A_1136 = arith.index_cast %add3A_1127 : i32 to index
        %get3A_1137 = arith.constant 16 : index
        %get3A_1138 = tpu.vector_load %arg11[%get3A_1135, %get3A_1136, %get3A_1137] {strides = array<i32>} : memref<4x224x64xf32, #tpu.memory_space<vmem>>, vector<16xf32>,
        %mul3A_1139 = arith.mulf %get3A_1138, %get3A_642 : vector<16xf32>
        %add3A_1140 = arith.addf %mul3A_1133, %mul3A_1139 : vector<16xf32>
        %get3A_1141 = arith.constant 3 : i32
        %get3A_1142 = arith.index_cast %get3A_1141 : i32 to index
        %get3A_1143 = arith.index_cast %add3A_1127 : i32 to index
        %get3A_1144 = arith.constant 32 : index
        %get3A_1145 = tpu.vector_load %arg11[%get3A_1142, %get3A_1143, %get3A_1144] {strides = array<i32>} : memref<4x224x64xf32, #tpu.memory_space<vmem>>, vector<16xf32>,
        %mul3A_1146 = arith.mulf %get3A_1145, %get3A_645 : vector<16xf32>
        %get3A_1147 = arith.constant 3 : i32
        %get3A_1148 = arith.index_cast %get3A_1147 : i32 to index
        %get3A_1149 = arith.index_cast %add3A_1127 : i32 to index
        %get3A_1150 = arith.constant 48 : index
        %get3A_1151 = tpu.vector_load %arg11[%get3A_1148, %get3A_1149, %get3A_1150] {strides = array<i32>} : memref<4x224x64xf32, #tpu.memory_space<vmem>>, vector<16xf32>,
        %mul3A_1152 = arith.mulf %get3A_1151, %get3A_648 : vector<16xf32>
        %add3A_1153 = arith.addf %mul3A_1146, %mul3A_1152 : vector<16xf32>
        %add3A_1154 = arith.addf %add3A_1140, %add3A_1153 : vector<16xf32>
        %reduce_sum3A_1155 = arith.constant true
        %reduce_sum3A_1156 = vector.broadcast %reduce_sum3A_1155 : i1 to vector<16xi1>
        %reduce_sum3A_1157 = tpu.scan <sum>, %add3A_1154 masked %reduce_sum3A_1156 : vector<16xf32>, vector<16xi1> -> vector<16xf32>
        %reduce_sum3A_1158 = vector.extract %reduce_sum3A_1157[15] : f32 from vector<16xf32>
        %eq3A_1159 = arith.constant 12 : i32
        %eq3A_1160 = vector.broadcast %eq3A_1159 : i32 to vector<16xi32>
        %eq3A_1161 = arith.cmpi eq, %iota3A, %eq3A_1160 : vector<16xi32>
        %broadcast_in_dim3A_1162 = vector.broadcast %reduce_sum3A_1158 : f32 to vector<16xf32>
        %select_n3A_1163 = arith.select %eq3A_1161, %broadcast_in_dim3A_1162, %select_n3A_1125 : vector<16xi1>, vector<16xf32>
        %add3A_1164 = arith.constant 13 : i32
        %add3A_1165 = arith.addi %mul3A_671, %add3A_1164 : i32
        %get3A_1166 = arith.constant 3 : i32
        %get3A_1167 = arith.index_cast %get3A_1166 : i32 to index
        %get3A_1168 = arith.index_cast %add3A_1165 : i32 to index
        %get3A_1169 = arith.constant 0 : index
        %get3A_1170 = tpu.vector_load %arg11[%get3A_1167, %get3A_1168, %get3A_1169] {strides = array<i32>} : memref<4x224x64xf32, #tpu.memory_space<vmem>>, vector<16xf32>,
        %mul3A_1171 = arith.mulf %get3A_1170, %get3A_639 : vector<16xf32>
        %get3A_1172 = arith.constant 3 : i32
        %get3A_1173 = arith.index_cast %get3A_1172 : i32 to index
        %get3A_1174 = arith.index_cast %add3A_1165 : i32 to index
        %get3A_1175 = arith.constant 16 : index
        %get3A_1176 = tpu.vector_load %arg11[%get3A_1173, %get3A_1174, %get3A_1175] {strides = array<i32>} : memref<4x224x64xf32, #tpu.memory_space<vmem>>, vector<16xf32>,
        %mul3A_1177 = arith.mulf %get3A_1176, %get3A_642 : vector<16xf32>
        %add3A_1178 = arith.addf %mul3A_1171, %mul3A_1177 : vector<16xf32>
        %get3A_1179 = arith.constant 3 : i32
        %get3A_1180 = arith.index_cast %get3A_1179 : i32 to index
        %get3A_1181 = arith.index_cast %add3A_1165 : i32 to index
        %get3A_1182 = arith.constant 32 : index
        %get3A_1183 = tpu.vector_load %arg11[%get3A_1180, %get3A_1181, %get3A_1182] {strides = array<i32>} : memref<4x224x64xf32, #tpu.memory_space<vmem>>, vector<16xf32>,
        %mul3A_1184 = arith.mulf %get3A_1183, %get3A_645 : vector<16xf32>
        %get3A_1185 = arith.constant 3 : i32
        %get3A_1186 = arith.index_cast %get3A_1185 : i32 to index
        %get3A_1187 = arith.index_cast %add3A_1165 : i32 to index
        %get3A_1188 = arith.constant 48 : index
        %get3A_1189 = tpu.vector_load %arg11[%get3A_1186, %get3A_1187, %get3A_1188] {strides = array<i32>} : memref<4x224x64xf32, #tpu.memory_space<vmem>>, vector<16xf32>,
        %mul3A_1190 = arith.mulf %get3A_1189, %get3A_648 : vector<16xf32>
        %add3A_1191 = arith.addf %mul3A_1184, %mul3A_1190 : vector<16xf32>
        %add3A_1192 = arith.addf %add3A_1178, %add3A_1191 : vector<16xf32>
        %reduce_sum3A_1193 = arith.constant true
        %reduce_sum3A_1194 = vector.broadcast %reduce_sum3A_1193 : i1 to vector<16xi1>
        %reduce_sum3A_1195 = tpu.scan <sum>, %add3A_1192 masked %reduce_sum3A_1194 : vector<16xf32>, vector<16xi1> -> vector<16xf32>
        %reduce_sum3A_1196 = vector.extract %reduce_sum3A_1195[15] : f32 from vector<16xf32>
        %eq3A_1197 = arith.constant 13 : i32
        %eq3A_1198 = vector.broadcast %eq3A_1197 : i32 to vector<16xi32>
        %eq3A_1199 = arith.cmpi eq, %iota3A, %eq3A_1198 : vector<16xi32>
        %broadcast_in_dim3A_1200 = vector.broadcast %reduce_sum3A_1196 : f32 to vector<16xf32>
        %select_n3A_1201 = arith.select %eq3A_1199, %broadcast_in_dim3A_1200, %select_n3A_1163 : vector<16xi1>, vector<16xf32>
        %add3A_1202 = arith.constant 14 : i32
        %add3A_1203 = arith.addi %mul3A_671, %add3A_1202 : i32
        %get3A_1204 = arith.constant 3 : i32
        %get3A_1205 = arith.index_cast %get3A_1204 : i32 to index
        %get3A_1206 = arith.index_cast %add3A_1203 : i32 to index
        %get3A_1207 = arith.constant 0 : index
        %get3A_1208 = tpu.vector_load %arg11[%get3A_1205, %get3A_1206, %get3A_1207] {strides = array<i32>} : memref<4x224x64xf32, #tpu.memory_space<vmem>>, vector<16xf32>,
        %mul3A_1209 = arith.mulf %get3A_1208, %get3A_639 : vector<16xf32>
        %get3A_1210 = arith.constant 3 : i32
        %get3A_1211 = arith.index_cast %get3A_1210 : i32 to index
        %get3A_1212 = arith.index_cast %add3A_1203 : i32 to index
        %get3A_1213 = arith.constant 16 : index
        %get3A_1214 = tpu.vector_load %arg11[%get3A_1211, %get3A_1212, %get3A_1213] {strides = array<i32>} : memref<4x224x64xf32, #tpu.memory_space<vmem>>, vector<16xf32>,
        %mul3A_1215 = arith.mulf %get3A_1214, %get3A_642 : vector<16xf32>
        %add3A_1216 = arith.addf %mul3A_1209, %mul3A_1215 : vector<16xf32>
        %get3A_1217 = arith.constant 3 : i32
        %get3A_1218 = arith.index_cast %get3A_1217 : i32 to index
        %get3A_1219 = arith.index_cast %add3A_1203 : i32 to index
        %get3A_1220 = arith.constant 32 : index
        %get3A_1221 = tpu.vector_load %arg11[%get3A_1218, %get3A_1219, %get3A_1220] {strides = array<i32>} : memref<4x224x64xf32, #tpu.memory_space<vmem>>, vector<16xf32>,
        %mul3A_1222 = arith.mulf %get3A_1221, %get3A_645 : vector<16xf32>
        %get3A_1223 = arith.constant 3 : i32
        %get3A_1224 = arith.index_cast %get3A_1223 : i32 to index
        %get3A_1225 = arith.index_cast %add3A_1203 : i32 to index
        %get3A_1226 = arith.constant 48 : index
        %get3A_1227 = tpu.vector_load %arg11[%get3A_1224, %get3A_1225, %get3A_1226] {strides = array<i32>} : memref<4x224x64xf32, #tpu.memory_space<vmem>>, vector<16xf32>,
        %mul3A_1228 = arith.mulf %get3A_1227, %get3A_648 : vector<16xf32>
        %add3A_1229 = arith.addf %mul3A_1222, %mul3A_1228 : vector<16xf32>
        %add3A_1230 = arith.addf %add3A_1216, %add3A_1229 : vector<16xf32>
        %reduce_sum3A_1231 = arith.constant true
        %reduce_sum3A_1232 = vector.broadcast %reduce_sum3A_1231 : i1 to vector<16xi1>
        %reduce_sum3A_1233 = tpu.scan <sum>, %add3A_1230 masked %reduce_sum3A_1232 : vector<16xf32>, vector<16xi1> -> vector<16xf32>
        %reduce_sum3A_1234 = vector.extract %reduce_sum3A_1233[15] : f32 from vector<16xf32>
        %eq3A_1235 = arith.constant 14 : i32
        %eq3A_1236 = vector.broadcast %eq3A_1235 : i32 to vector<16xi32>
        %eq3A_1237 = arith.cmpi eq, %iota3A, %eq3A_1236 : vector<16xi32>
        %broadcast_in_dim3A_1238 = vector.broadcast %reduce_sum3A_1234 : f32 to vector<16xf32>
        %select_n3A_1239 = arith.select %eq3A_1237, %broadcast_in_dim3A_1238, %select_n3A_1201 : vector<16xi1>, vector<16xf32>
        %add3A_1240 = arith.constant 15 : i32
        %add3A_1241 = arith.addi %mul3A_671, %add3A_1240 : i32
        %get3A_1242 = arith.constant 3 : i32
        %get3A_1243 = arith.index_cast %get3A_1242 : i32 to index
        %get3A_1244 = arith.index_cast %add3A_1241 : i32 to index
        %get3A_1245 = arith.constant 0 : index
        %get3A_1246 = tpu.vector_load %arg11[%get3A_1243, %get3A_1244, %get3A_1245] {strides = array<i32>} : memref<4x224x64xf32, #tpu.memory_space<vmem>>, vector<16xf32>,
        %mul3A_1247 = arith.mulf %get3A_1246, %get3A_639 : vector<16xf32>
        %get3A_1248 = arith.constant 3 : i32
        %get3A_1249 = arith.index_cast %get3A_1248 : i32 to index
        %get3A_1250 = arith.index_cast %add3A_1241 : i32 to index
        %get3A_1251 = arith.constant 16 : index
        %get3A_1252 = tpu.vector_load %arg11[%get3A_1249, %get3A_1250, %get3A_1251] {strides = array<i32>} : memref<4x224x64xf32, #tpu.memory_space<vmem>>, vector<16xf32>,
        %mul3A_1253 = arith.mulf %get3A_1252, %get3A_642 : vector<16xf32>
        %add3A_1254 = arith.addf %mul3A_1247, %mul3A_1253 : vector<16xf32>
        %get3A_1255 = arith.constant 3 : i32
        %get3A_1256 = arith.index_cast %get3A_1255 : i32 to index
        %get3A_1257 = arith.index_cast %add3A_1241 : i32 to index
        %get3A_1258 = arith.constant 32 : index
        %get3A_1259 = tpu.vector_load %arg11[%get3A_1256, %get3A_1257, %get3A_1258] {strides = array<i32>} : memref<4x224x64xf32, #tpu.memory_space<vmem>>, vector<16xf32>,
        %mul3A_1260 = arith.mulf %get3A_1259, %get3A_645 : vector<16xf32>
        %get3A_1261 = arith.constant 3 : i32
        %get3A_1262 = arith.index_cast %get3A_1261 : i32 to index
        %get3A_1263 = arith.index_cast %add3A_1241 : i32 to index
        %get3A_1264 = arith.constant 48 : index
        %get3A_1265 = tpu.vector_load %arg11[%get3A_1262, %get3A_1263, %get3A_1264] {strides = array<i32>} : memref<4x224x64xf32, #tpu.memory_space<vmem>>, vector<16xf32>,
        %mul3A_1266 = arith.mulf %get3A_1265, %get3A_648 : vector<16xf32>
        %add3A_1267 = arith.addf %mul3A_1260, %mul3A_1266 : vector<16xf32>
        %add3A_1268 = arith.addf %add3A_1254, %add3A_1267 : vector<16xf32>
        %reduce_sum3A_1269 = arith.constant true
        %reduce_sum3A_1270 = vector.broadcast %reduce_sum3A_1269 : i1 to vector<16xi1>
        %reduce_sum3A_1271 = tpu.scan <sum>, %add3A_1268 masked %reduce_sum3A_1270 : vector<16xf32>, vector<16xi1> -> vector<16xf32>
        %reduce_sum3A_1272 = vector.extract %reduce_sum3A_1271[15] : f32 from vector<16xf32>
        %eq3A_1273 = arith.constant 15 : i32
        %eq3A_1274 = vector.broadcast %eq3A_1273 : i32 to vector<16xi32>
        %eq3A_1275 = arith.cmpi eq, %iota3A, %eq3A_1274 : vector<16xi32>
        %broadcast_in_dim3A_1276 = vector.broadcast %reduce_sum3A_1272 : f32 to vector<16xf32>
        %select_n3A_1277 = arith.select %eq3A_1275, %broadcast_in_dim3A_1276, %select_n3A_1239 : vector<16xi1>, vector<16xf32>
        %swap3A = arith.constant 3 : i32
        %swap3A_1278 = arith.index_cast %swap3A : i32 to index
        %swap3A_1279 = arith.index_cast %mul3A_671 : i32 to index
        %swap3A_1280 = tpu.vector_load %arg12[%swap3A_1278, %swap3A_1279] {strides = array<i32>} : memref<4x224xf32, #tpu.memory_space<vmem>>, vector<16xf32>,
        tpu.vector_store %arg12[%swap3A_1278, %swap3A_1279], %select_n3A_1277 {strides = array<i32>} : memref<4x224xf32, #tpu.memory_space<vmem>>, vector<16xf32>,
      }
      %scan3A_654 = arith.constant 14 : i32
      %mul3A_655 = arith.constant 128 : i32
      %mul3A_656 = arith.muli %add3A, %mul3A_655 : i32
      %add3A_657 = arith.addi %mul3A_656, %add3A_585 : i32
      %mul3A_658 = arith.constant 224 : i32
      %mul3A_659 = arith.muli %add3A_657, %mul3A_658 : i32
      %dma_start3A_660 = arith.constant 3 : i32
      %dma_start3A_661 = arith.constant 0 : i32
      %dma_start3A_662 = tpu.memref_slice %arg12[%dma_start3A_660, %dma_start3A_661] : memref<4x224xf32, #tpu.memory_space<vmem>> -> memref<1x224xf32, #tpu.memory_space<vmem>>
      %dma_start3A_663 = tpu.memref_squeeze %dma_start3A_662 : memref<1x224xf32, #tpu.memory_space<vmem>> -> memref<224xf32, #tpu.memory_space<vmem>>
      %dma_start3A_664 = tpu.memref_slice %arg7[%mul3A_659] : memref<917504xf32, #tpu.memory_space<hbm>> -> memref<224xf32, #tpu.memory_space<hbm>>
      %dma_start3A_665 = tpu.memref_slice %arg7[%mul3A_659] : memref<917504xf32, #tpu.memory_space<hbm>> -> memref<224xf32, #tpu.memory_space<hbm>>
      %dma_start3A_666 = arith.constant 0 : i32
      %dma_start3A_667 = tpu.memref_slice %arg12[%dma_start3A_660, %dma_start3A_666] : memref<4x224xf32, #tpu.memory_space<vmem>> -> memref<1x224xf32, #tpu.memory_space<vmem>>
      %dma_start3A_668 = tpu.memref_squeeze %dma_start3A_667 : memref<1x224xf32, #tpu.memory_space<vmem>> -> memref<224xf32, #tpu.memory_space<vmem>>
      tpu.enqueue_dma source(%dma_start3A_668 : memref<224xf32, #tpu.memory_space<vmem>>) target(%dma_start3A_665 : memref<224xf32, #tpu.memory_space<hbm>>) target_semaphore(%arg24 : memref<!tpu.dma_semaphore, #tpu.memory_space<semaphore_mem>>)
    }
    %scan3A_281 = arith.constant 32 : i32
    %dma_wait3A_282 = arith.constant 0 : i32
    %dma_wait3A_283 = arith.constant 0 : i32
    %dma_wait3A_284 = tpu.memref_slice %arg12[%dma_wait3A_282, %dma_wait3A_283] : memref<4x224xf32, #tpu.memory_space<vmem>> -> memref<1x224xf32, #tpu.memory_space<vmem>>
    %dma_wait3A_285 = tpu.memref_squeeze %dma_wait3A_284 : memref<1x224xf32, #tpu.memory_space<vmem>> -> memref<224xf32, #tpu.memory_space<vmem>>
    %dma_wait3A_286 = arith.constant 0 : i32
    %dma_wait3A_287 = tpu.memref_slice %arg7[%dma_wait3A_286] : memref<917504xf32, #tpu.memory_space<hbm>> -> memref<224xf32, #tpu.memory_space<hbm>>
    %dma_wait3A_288 = arith.constant 0 : i32
    %dma_wait3A_289 = tpu.memref_slice %arg12[%dma_wait3A_282, %dma_wait3A_288] : memref<4x224xf32, #tpu.memory_space<vmem>> -> memref<1x224xf32, #tpu.memory_space<vmem>>
    %dma_wait3A_290 = tpu.memref_squeeze %dma_wait3A_289 : memref<1x224xf32, #tpu.memory_space<vmem>> -> memref<224xf32, #tpu.memory_space<vmem>>
    %dma_wait3A_291 = arith.constant 0 : i32
    %dma_wait3A_292 = tpu.memref_slice %arg7[%dma_wait3A_291] : memref<917504xf32, #tpu.memory_space<hbm>> -> memref<224xf32, #tpu.memory_space<hbm>>
    tpu.wait_dma2 semaphore(%arg21 : memref<!tpu.dma_semaphore, #tpu.memory_space<semaphore_mem>>) src(%dma_wait3A_292 : memref<224xf32, #tpu.memory_space<hbm>>) dst(%dma_wait3A_290 : memref<224xf32, #tpu.memory_space<vmem>>)
    %dma_wait3A_293 = arith.constant 1 : i32
    %dma_wait3A_294 = arith.constant 0 : i32
    %dma_wait3A_295 = tpu.memref_slice %arg12[%dma_wait3A_293, %dma_wait3A_294] : memref<4x224xf32, #tpu.memory_space<vmem>> -> memref<1x224xf32, #tpu.memory_space<vmem>>
    %dma_wait3A_296 = tpu.memref_squeeze %dma_wait3A_295 : memref<1x224xf32, #tpu.memory_space<vmem>> -> memref<224xf32, #tpu.memory_space<vmem>>
    %dma_wait3A_297 = arith.constant 0 : i32
    %dma_wait3A_298 = tpu.memref_slice %arg7[%dma_wait3A_297] : memref<917504xf32, #tpu.memory_space<hbm>> -> memref<224xf32, #tpu.memory_space<hbm>>
    %dma_wait3A_299 = arith.constant 0 : i32
    %dma_wait3A_300 = tpu.memref_slice %arg12[%dma_wait3A_293, %dma_wait3A_299] : memref<4x224xf32, #tpu.memory_space<vmem>> -> memref<1x224xf32, #tpu.memory_space<vmem>>
    %dma_wait3A_301 = tpu.memref_squeeze %dma_wait3A_300 : memref<1x224xf32, #tpu.memory_space<vmem>> -> memref<224xf32, #tpu.memory_space<vmem>>
    %dma_wait3A_302 = arith.constant 0 : i32
    %dma_wait3A_303 = tpu.memref_slice %arg7[%dma_wait3A_302] : memref<917504xf32, #tpu.memory_space<hbm>> -> memref<224xf32, #tpu.memory_space<hbm>>
    tpu.wait_dma2 semaphore(%arg22 : memref<!tpu.dma_semaphore, #tpu.memory_space<semaphore_mem>>) src(%dma_wait3A_303 : memref<224xf32, #tpu.memory_space<hbm>>) dst(%dma_wait3A_301 : memref<224xf32, #tpu.memory_space<vmem>>)
    %dma_wait3A_304 = arith.constant 2 : i32
    %dma_wait3A_305 = arith.constant 0 : i32
    %dma_wait3A_306 = tpu.memref_slice %arg12[%dma_wait3A_304, %dma_wait3A_305] : memref<4x224xf32, #tpu.memory_space<vmem>> -> memref<1x224xf32, #tpu.memory_space<vmem>>
    %dma_wait3A_307 = tpu.memref_squeeze %dma_wait3A_306 : memref<1x224xf32, #tpu.memory_space<vmem>> -> memref<224xf32, #tpu.memory_space<vmem>>
    %dma_wait3A_308 = arith.constant 0 : i32
    %dma_wait3A_309 = tpu.memref_slice %arg7[%dma_wait3A_308] : memref<917504xf32, #tpu.memory_space<hbm>> -> memref<224xf32, #tpu.memory_space<hbm>>
    %dma_wait3A_310 = arith.constant 0 : i32
    %dma_wait3A_311 = tpu.memref_slice %arg12[%dma_wait3A_304, %dma_wait3A_310] : memref<4x224xf32, #tpu.memory_space<vmem>> -> memref<1x224xf32, #tpu.memory_space<vmem>>
    %dma_wait3A_312 = tpu.memref_squeeze %dma_wait3A_311 : memref<1x224xf32, #tpu.memory_space<vmem>> -> memref<224xf32, #tpu.memory_space<vmem>>
    %dma_wait3A_313 = arith.constant 0 : i32
    %dma_wait3A_314 = tpu.memref_slice %arg7[%dma_wait3A_313] : memref<917504xf32, #tpu.memory_space<hbm>> -> memref<224xf32, #tpu.memory_space<hbm>>
    tpu.wait_dma2 semaphore(%arg23 : memref<!tpu.dma_semaphore, #tpu.memory_space<semaphore_mem>>) src(%dma_wait3A_314 : memref<224xf32, #tpu.memory_space<hbm>>) dst(%dma_wait3A_312 : memref<224xf32, #tpu.memory_space<vmem>>)
    %dma_wait3A_315 = arith.constant 3 : i32
    %dma_wait3A_316 = arith.constant 0 : i32
    %dma_wait3A_317 = tpu.memref_slice %arg12[%dma_wait3A_315, %dma_wait3A_316] : memref<4x224xf32, #tpu.memory_space<vmem>> -> memref<1x224xf32, #tpu.memory_space<vmem>>
    %dma_wait3A_318 = tpu.memref_squeeze %dma_wait3A_317 : memref<1x224xf32, #tpu.memory_space<vmem>> -> memref<224xf32, #tpu.memory_space<vmem>>
    %dma_wait3A_319 = arith.constant 0 : i32
    %dma_wait3A_320 = tpu.memref_slice %arg7[%dma_wait3A_319] : memref<917504xf32, #tpu.memory_space<hbm>> -> memref<224xf32, #tpu.memory_space<hbm>>
    %dma_wait3A_321 = arith.constant 0 : i32
    %dma_wait3A_322 = tpu.memref_slice %arg12[%dma_wait3A_315, %dma_wait3A_321] : memref<4x224xf32, #tpu.memory_space<vmem>> -> memref<1x224xf32, #tpu.memory_space<vmem>>
    %dma_wait3A_323 = tpu.memref_squeeze %dma_wait3A_322 : memref<1x224xf32, #tpu.memory_space<vmem>> -> memref<224xf32, #tpu.memory_space<vmem>>
    %dma_wait3A_324 = arith.constant 0 : i32
    %dma_wait3A_325 = tpu.memref_slice %arg7[%dma_wait3A_324] : memref<917504xf32, #tpu.memory_space<hbm>> -> memref<224xf32, #tpu.memory_space<hbm>>
    tpu.wait_dma2 semaphore(%arg24 : memref<!tpu.dma_semaphore, #tpu.memory_space<semaphore_mem>>) src(%dma_wait3A_325 : memref<224xf32, #tpu.memory_space<hbm>>) dst(%dma_wait3A_323 : memref<224xf32, #tpu.memory_space<vmem>>)
    return
  }
}

module attributes {stable_mosaic.version = 14 : i64} {
  func.func @_tc_loss_body(%arg0: i32, %arg1: memref<896x128xf32, #tpu.memory_space<vmem>>, %arg2: memref<1x1xf32, #tpu.memory_space<smem>>) attributes {dimension_semantics = [#tpu.dimension_semantics<arbitrary>], iteration_bounds = array<i64: 8>, scalar_prefetch = 0 : i64, scratch_operands = 0 : i64, tpu.core_type = #tpu.core_type<tc>, window_params = [{transform_indices = @transform_0, window_bounds = array<i64: 896, 128>}, {transform_indices = @transform_1, window_bounds = array<i64: 1, 1>}]} {
    %get3A = arith.constant 0 : index
    %get3A_0 = arith.constant 0 : index
    %get3A_1 = vector.load %arg1[%get3A, %get3A_0] : memref<896x128xf32, #tpu.memory_space<vmem>>, vector<896x128xf32>
    %iota3A = tpu.iota {dimensions = array<i32: 0>} : vector<896x128xi32>
    %iota3A_2 = tpu.iota {dimensions = array<i32: 1>} : vector<896x128xi32>
    %mul3A = arith.constant 896 : i32
    %mul3A_3 = arith.muli %arg0, %mul3A : i32
    %add3A = vector.broadcast %mul3A_3 : i32 to vector<896x128xi32>
    %add3A_4 = arith.addi %add3A, %iota3A : vector<896x128xi32>
    %mul3A_5 = arith.constant 128 : i32
    %mul3A_6 = vector.broadcast %mul3A_5 : i32 to vector<896x128xi32>
    %mul3A_7 = arith.muli %add3A_4, %mul3A_6 : vector<896x128xi32>
    %add3A_8 = arith.addi %mul3A_7, %iota3A_2 : vector<896x128xi32>
    %jit3A = arith.constant 224 : i32
    %eq3A = arith.constant 0 : i32
    %eq3A_9 = arith.cmpi eq, %jit3A, %eq3A : i32
    %jit3A_10 = arith.constant 1 : i32
    %select_n3A = arith.select %eq3A_9, %jit3A_10, %jit3A : i32
    %rem3A = vector.broadcast %select_n3A : i32 to vector<896x128xi32>
    %rem3A_11 = arith.remsi %add3A_8, %rem3A : vector<896x128xi32>
    %ne3A = arith.constant 0 : i32
    %ne3A_12 = vector.broadcast %ne3A : i32 to vector<896x128xi32>
    %ne3A_13 = arith.cmpi ne, %rem3A_11, %ne3A_12 : vector<896x128xi32>
    %lt3A = arith.constant 0 : i32
    %lt3A_14 = vector.broadcast %lt3A : i32 to vector<896x128xi32>
    %lt3A_15 = arith.cmpi slt, %rem3A_11, %lt3A_14 : vector<896x128xi32>
    %lt3A_16 = arith.constant 0 : i32
    %lt3A_17 = arith.cmpi slt, %select_n3A, %lt3A_16 : i32
    %ne3A_18 = vector.broadcast %lt3A_17 : i1 to vector<896x128xi1>
    %ne3A_19 = vector.broadcast %ne3A_18 : vector<896x128xi1> to vector<896x128xi1>
    %ne3A_20 = arith.xori %lt3A_15, %ne3A_19 : vector<896x128xi1>
    %and3A = arith.andi %ne3A_20, %ne3A_13 : vector<896x128xi1>
    %add3A_21 = vector.broadcast %select_n3A : i32 to vector<896x128xi32>
    %add3A_22 = arith.addi %rem3A_11, %add3A_21 : vector<896x128xi32>
    %select_n3A_23 = arith.select %and3A, %add3A_22, %rem3A_11 : vector<896x128xi1>, vector<896x128xi32>
    %lt3A_24 = arith.constant 20 : i32
    %lt3A_25 = vector.broadcast %lt3A_24 : i32 to vector<896x128xi32>
    %lt3A_26 = arith.cmpi slt, %select_n3A_23, %lt3A_25 : vector<896x128xi32>
    %neg3A = arith.constant 0.000000e+00 : f32
    %neg3A_27 = vector.broadcast %neg3A : f32 to vector<896x128xf32>
    %neg3A_28 = arith.subf %neg3A_27, %get3A_1 : vector<896x128xf32>
    %select_n3A_29 = arith.select %lt3A_26, %get3A_1, %neg3A_28 : vector<896x128xi1>, vector<896x128xf32>
    %min3A = arith.constant 0.000000e+00 : f32
    %min3A_30 = vector.broadcast %min3A : f32 to vector<896x128xf32>
    %min3A_31 = arith.minimumf %select_n3A_29, %min3A_30 : vector<896x128xf32>
    %abs3A = math.absf %select_n3A_29 : vector<896x128xf32>
    %neg3A_32 = arith.constant 0.000000e+00 : f32
    %neg3A_33 = vector.broadcast %neg3A_32 : f32 to vector<896x128xf32>
    %neg3A_34 = arith.subf %neg3A_33, %abs3A : vector<896x128xf32>
    %exp3A = math.exp %neg3A_34 : vector<896x128xf32>
    %add3A_35 = arith.constant 1.000000e+00 : f32
    %add3A_36 = vector.broadcast %add3A_35 : f32 to vector<896x128xf32>
    %add3A_37 = arith.addf %add3A_36, %exp3A : vector<896x128xf32>
    %log3A = math.log %add3A_37 : vector<896x128xf32>
    %sub3A = arith.subf %min3A_31, %log3A : vector<896x128xf32>
    %ge3A = arith.constant 20 : i32
    %ge3A_38 = vector.broadcast %ge3A : i32 to vector<896x128xi32>
    %ge3A_39 = arith.cmpi sge, %select_n3A_23, %ge3A_38 : vector<896x128xi32>
    %lt3A_40 = arith.constant 24 : i32
    %lt3A_41 = vector.broadcast %lt3A_40 : i32 to vector<896x128xi32>
    %lt3A_42 = arith.cmpi slt, %select_n3A_23, %lt3A_41 : vector<896x128xi32>
    %and3A_43 = arith.andi %ge3A_39, %lt3A_42 : vector<896x128xi1>
    %jit3A_44 = arith.constant 0.000000e+00 : f32
    %broadcast_in_dim3A = vector.broadcast %jit3A_44 : f32 to vector<896x128xf32>
    %select_n3A_45 = arith.select %and3A_43, %broadcast_in_dim3A, %sub3A : vector<896x128xi1>, vector<896x128xf32>
    %eq3A_46 = arith.constant 0 : i32
    %eq3A_47 = arith.cmpi eq, %arg0, %eq3A_46 : i32
    %convert_element_type3A = arith.extui %eq3A_47 : i1 to i32
    %cond3A = arith.constant 0 : i32
    %cond3A_48 = arith.cmpi ne, %convert_element_type3A, %cond3A : i32
    scf.if %cond3A_48 {
      %swap3A_64 = arith.constant 0.000000e+00 : f32
      %swap3A_65 = arith.constant 0 : index
      %swap3A_66 = arith.constant 0 : index
      %swap3A_67 = memref.load %arg2[%swap3A_65, %swap3A_66] : memref<1x1xf32, #tpu.memory_space<smem>>
      memref.store %swap3A_64, %arg2[%swap3A_65, %swap3A_66] : memref<1x1xf32, #tpu.memory_space<smem>>
    } else {
    }
    %get3A_49 = arith.constant 0 : index
    %get3A_50 = arith.constant 0 : index
    %get3A_51 = memref.load %arg2[%get3A_49, %get3A_50] : memref<1x1xf32, #tpu.memory_space<smem>>
    %reduce_sum3A = vector.shape_cast %select_n3A_45 : vector<896x128xf32> to vector<1x896x128xf32>
    %reduce_sum3A_52 = arith.constant dense<0.000000e+00> : vector<1xf32>
    %reduce_sum3A_53 = vector.multi_reduction <add>, %reduce_sum3A, %reduce_sum3A_52 [1, 2] : vector<1x896x128xf32> to vector<1xf32>
    %reduce_sum3A_54 = vector.shape_cast %reduce_sum3A_53 : vector<1xf32> to vector<1x1x1xf32>
    %reduce_sum3A_55 = vector.extract %reduce_sum3A_54[0, 0, 0] : f32 from vector<1x1x1xf32>
    %add3A_56 = arith.addf %get3A_51, %reduce_sum3A_55 : f32
    %swap3A = arith.constant 0 : index
    %swap3A_57 = arith.constant 0 : index
    %swap3A_58 = memref.load %arg2[%swap3A, %swap3A_57] : memref<1x1xf32, #tpu.memory_space<smem>>
    memref.store %add3A_56, %arg2[%swap3A, %swap3A_57] : memref<1x1xf32, #tpu.memory_space<smem>>
    %eq3A_59 = arith.constant 7 : i32
    %eq3A_60 = arith.cmpi eq, %arg0, %eq3A_59 : i32
    %convert_element_type3A_61 = arith.extui %eq3A_60 : i1 to i32
    %cond3A_62 = arith.constant 0 : i32
    %cond3A_63 = arith.cmpi ne, %convert_element_type3A_61, %cond3A_62 : i32
    scf.if %cond3A_63 {
      %get3A_64 = arith.constant 0 : index
      %get3A_65 = arith.constant 0 : index
      %get3A_66 = memref.load %arg2[%get3A_64, %get3A_65] : memref<1x1xf32, #tpu.memory_space<smem>>
      %mul3A_67 = arith.constant -1.22070314E-5 : f32
      %mul3A_68 = arith.mulf %get3A_66, %mul3A_67 : f32
      %swap3A_69 = arith.constant 0 : index
      %swap3A_70 = arith.constant 0 : index
      %swap3A_71 = memref.load %arg2[%swap3A_69, %swap3A_70] : memref<1x1xf32, #tpu.memory_space<smem>>
      memref.store %mul3A_68, %arg2[%swap3A_69, %swap3A_70] : memref<1x1xf32, #tpu.memory_space<smem>>
    } else {
    }
    return
  }
  func.func @transform_0(%arg0: i32) -> (i32, i32) {
    %c0_i32 = arith.constant 0 : i32
    %c0_i32_0 = arith.constant 0 : i32
    return %arg0, %c0_i32 : i32, i32
  }
  func.func @transform_1(%arg0: i32) -> (i32, i32) {
    %c0_i32 = arith.constant 0 : i32
    %c0_i32_0 = arith.constant 0 : i32
    %c0_i32_1 = arith.constant 0 : i32
    return %c0_i32, %c0_i32_0 : i32, i32
  }
}

</mosaic_0001>

<sc_bundles>
// kernel: kernel.4.cloned.1.call-start
scs
__scs_entry_jumppad:
0x0: {  	(pc) =	sbr.rel $0x88, $3  }
0x1: {  	(tag) =	ssettag $0x0;
	lr =	simm.s32 $0x1  }
0x2: {  	[smem:$0x3F9C] =	sst lr;
	_ =	strace $0xD0000000  }
0x3: {  	_ = 	snop  }
0x4: {  	_ = 	snop  }
0x5: {  	_ = 	snop  }
0x6: {  	_ = 	snop  }
0x7: {  	_ = 	snop  }
__scs_overlays_trampoline_lowered:
0x8: {  	[smem:$0x3FAB] =	sst s0  }
0x9: {  	[smem:$0x3FAC] =	sst s1  }
0xa: {  	[smem:$0x3FAD] =	sst s2  }
0xb: {  	[smem:$0x3FAE] =	sst s3  }
0xc: {  	[smem:$0x3FAF] =	sst s4  }
0xd: {  	[smem:$0x3FB0] =	sst s5  }
0xe: {  	[smem:$0x3FB1] =	sst s6  }
0xf: {  	[smem:$0x3FB2] =	sst s7  }
0x10: {  	[smem:$0x3FB3] =	sst s8  }
0x11: {  	[smem:$0x3FB4] =	sst s9;
	s0 =	simm.s32 @!p0 $0x0  }
0x12: {  	s1 =	sld [smem:$0x3F9A];
	s0 =	simm.s32 @p0 $0x1  }
0x13: {  	[smem:$0x3FB5] =	sst s0;
	s0 =	simm.s32 @!p1 $0x0  }
0x14: {  	s2 =	sld [smem:$0x3F99];
	s0 =	simm.s32 @p1 $0x1  }
0x15: {  	[smem:$0x3FB6] =	sst s0;
	s0 =	simm.s32 @!p2 $0x0  }
0x16: {  	s3 =	sld [smem:$0x3FDB];
	s0 =	simm.s32 @p2 $0x1  }
0x17: {  	s4 =	simm.s32 $0x1BF5;
	[smem:$0x3FB8] =	sst s0  }
0x18: {  	s0 =	sld [smem:$0x3F9B];
	_ =	swait.ge [sflag:s4], $0x0  }
0x19: {  	s7 =	sld [smem:$0x3F9C]  }
0x1a: {  	s8 =	sadd.s32 $0xFFFFE003, lr  }
0x1b: {  	s9 =	sadd.s32 $0xFFFFFEF7, lr;
	s5 =	simm.s32 $0xFFFFFFFF;
	p2 =	slt.u32 s8, $0xFFFFF086  }
0x1c: {  	p1 =	slt.u32 s9, $0xF7A;
	s5 =	simm.s32 @!p2 $0x0  }
0x1d: {  	s5 =	simm.s32 @p1 $0x1;
	p0 =	seq.s32 s7, s2  }
0x1e: {  	s7 =	smul.u32 @!p0 $0xF7A, s2;
	p2 =	seq.s32 @!p0 s5, $0x0  }
0x1f: {  	s9 =	smul.u32 $0xF7A, s1;
	s8 =	simm.s32 @!p0 $0x1BF5;
	p2 =	por !p2, p0  }
0x20: {  	[sflag:s8] =	ssyncset.s32 @!p0 $0xFFFFF086;
	s6 =	sadd.s32 @!p0 s3, s7;
	s7 =	simm.s32 @!p0 $0x108  }
0x21: {  	s3 =	sadd.s32 s3, s9;
	s6 =	sadd.s32 @!p0 $0x88, s6;
	s7 =	simm.s32 @p2 $0x1082  }
0x22: {  	[simem:s7], [sflag:s8] =	dma.local @!p0 [hbm:s6], $0xF7A  }
0x23: {  	s9 =	sor.u32 $0xD0000000, s2;
	s6 =	simm.s32 $0x108;
	_ =	swait.ge @!p0 [sflag:s8], $0x0  }
0x24: {  	s3 =	sadd.s32 $0x88, s3;
	s6 =	simm.s32 @!p1 $0x1082;
	[sflag:s4] =	ssyncset.s32 $0xFFFFF086  }
0x25: {  	[simem:s6], [sflag:s4] =	dma.local [hbm:s3], $0xF7A  }
0x26: {  	[smem:$0x3F9C] =	sst s1;
	(tag) =	ssettag s2;
	_ =	strace s9  }
0x27: {  	s1 =	sld [smem:$0x3FAC]  }
0x28: {  	s2 =	sld [smem:$0x3FAD]  }
0x29: {  	s4 =	sld [smem:$0x3FAF]  }
0x2a: {  	p0 =	seq.s32 s5, $0x0;
	s5 =	sld [smem:$0x3FB0]  }
0x2b: {  	s6 =	sld [smem:$0x3FB1]  }
0x2c: {  	s7 =	sld [smem:$0x3FB2]  }
0x2d: {  	s3 =	simm.s32 $0x108;
	s8 =	sld [smem:$0x3FB3]  }
0x2e: {  	s3 =	simm.s32 @!p0 $0x1082;
	s9 =	sld [smem:$0x3FB4]  }
0x2f: {  	lr =	sadd.s32 s0, s3;
	s0 =	sld [smem:$0x3FAB]  }
0x30: {  	s3 =	sld [smem:$0x3FAE]  }
0x31: {  	[smem:$0x3FB7] =	sst s10  }
0x32: {  	s10 =	sld [smem:$0x3FB5];
	_ =	sdelay $0x3  }
0x33: {  	p0 =	seq.s32 s10, $0x1;
	s10 =	sld [smem:$0x3FB7];
	_ =	sdelay $0x3  }
0x34: {  	[smem:$0x3FB7] =	sst s10  }
0x35: {  	s10 =	sld [smem:$0x3FB6];
	_ =	sdelay $0x3  }
0x36: {  	p1 =	seq.s32 s10, $0x1;
	s10 =	sld [smem:$0x3FB7];
	_ =	sdelay $0x3  }
0x37: {  	[smem:$0x3FB7] =	sst s10  }
0x38: {  	s10 =	sld [smem:$0x3FB8]  }
0x39: {  	_ = 	snop;
	(pc) =	sbr.ind lr, $3  }
0x3a: {  	_ = 	snop  }
0x3b: {  	_ = 	snop  }
0x3c: {  	p2 =	seq.s32 s10, $0x1;
	s10 =	sld [smem:$0x3FB7]  }
0x3d: {  	_ =	shalt  }
0x3e: {  	_ =	shalt  }
0x3f: {  	_ =	shalt  }
0x40: {  	_ =	shalt  }
0x41: {  	_ =	shalt  }
0x42: {  	_ =	shalt  }
0x43: {  	_ =	shalt  }
0x44: {  	_ =	shalt  }
0x45: {  	_ =	shalt  }
0x46: {  	_ =	shalt  }
0x47: {  	_ =	shalt  }
0x48: {  	_ =	shalt  }
0x49: {  	_ =	shalt  }
0x4a: {  	_ =	shalt  }
0x4b: {  	_ =	shalt  }
0x4c: {  	_ =	shalt  }
0x4d: {  	_ =	shalt  }
0x4e: {  	_ =	shalt  }
0x4f: {  	_ =	shalt  }
0x50: {  	_ =	shalt  }
0x51: {  	_ =	shalt  }
0x52: {  	_ =	shalt  }
0x53: {  	_ =	shalt  }
0x54: {  	_ =	shalt  }
0x55: {  	_ =	shalt  }
0x56: {  	_ =	shalt  }
0x57: {  	_ =	shalt  }
0x58: {  	_ =	shalt  }
0x59: {  	_ =	shalt  }
0x5a: {  	_ =	shalt  }
0x5b: {  	_ =	shalt  }
0x5c: {  	_ =	shalt  }
0x5d: {  	_ =	shalt  }
0x5e: {  	_ =	shalt  }
0x5f: {  	_ =	shalt  }
0x60: {  	_ =	shalt  }
0x61: {  	_ =	shalt  }
0x62: {  	_ =	shalt  }
0x63: {  	_ =	shalt  }
0x64: {  	_ =	shalt  }
0x65: {  	_ =	shalt  }
0x66: {  	_ =	shalt  }
0x67: {  	_ =	shalt  }
0x68: {  	_ =	shalt  }
0x69: {  	_ =	shalt  }
0x6a: {  	_ =	shalt  }
0x6b: {  	_ =	shalt  }
0x6c: {  	_ =	shalt  }
0x6d: {  	_ =	shalt  }
0x6e: {  	_ =	shalt  }
0x6f: {  	_ =	shalt  }
0x70: {  	_ =	shalt  }
0x71: {  	_ =	shalt  }
0x72: {  	_ =	shalt  }
0x73: {  	_ =	shalt  }
0x74: {  	_ =	shalt  }
0x75: {  	_ =	shalt  }
0x76: {  	_ =	shalt  }
0x77: {  	_ =	shalt  }
0x78: {  	_ =	shalt  }
0x79: {  	_ =	shalt  }
0x7a: {  	_ =	shalt  }
0x7b: {  	_ =	shalt  }
0x7c: {  	_ =	shalt  }
0x7d: {  	_ =	shalt  }
0x7e: {  	_ =	shalt  }
0x7f: {  	_ =	shalt  }
0x80: {  	_ =	shalt  }
0x81: {  	_ =	shalt  }
0x82: {  	_ =	shalt  }
0x83: {  	_ =	shalt  }
0x84: {  	_ =	shalt  }
0x85: {  	_ =	shalt  }
0x86: {  	_ =	shalt  }
0x87: {  	_ =	shalt  }
.Lfunc_end0:
.L_simem_size_0:
called_computation_lowered:
.L_overlay_start_0:
0x88: {  	s2 =	sld [smem:$0x3FD9]  }
0x89: {  	s3 =	sld [smem:$0x3FFE];
	_ =	sdelay $0x1  }
0x8a: {  	s1 =	srdreg.scid  }
0x8b: {  	s0 =	sand.u32 $0x1, s1  }
0x8c: {  	s17 =	sshll.u32 s0, $0xA;
	s2 =	sadd.s32 s3, s2  }
0x8d: {  	s2 =	sadd.s32 s2, s17  }
0x8e: {  	[smem:$0x3FC3] =	sst s2  }
0x8f: {  	_ = 	snop  }
0x90: {  	s2 =	sld [smem:$0x3FC9];
	(tm) =	ssettm $0x1  }
0x91: {  	s18 =	sld [smem:$0x3FFB];
	_ =	sdelay $0x3  }
0x92: {  	_ =	strace s18  }
0x93: {  	s3 =	sld [smem:$0x3FFC];
	_ =	sdelay $0x3  }
0x94: {  	_ =	strace s3  }
0x95: {  	s3 =	sld [smem:$0x3FFD];
	_ =	sdelay $0x3  }
0x96: {  	_ =	strace s3  }
0x97: {  	_ =	strace $0x8FFFFFFF  }
0x98: {  	s19 =	sld [smem:$0x3FDB];
	_ =	sdelay $0x1  }
0x99: {  	s4 =	simm.s32 $_scs_section_size  }
0x9a: {  	s5 =	simm.s32 $_size__tile_overlayer_lowered;
	s6 =	simm.s32 $_tile_overlayer_lowered  }
0x9b: {  	s22 =	simm.s32 $0x1BFF;
	s21 =	sshll.u32 s6, $0x1;
	s3 =	sadd.s32 s4, s19  }
0x9c: {  	s7 =	simm.s32 $0x0;
	s20 =	sshll.u32 s5, $0x1;
	s5 =	sadd.s32 s21, s3  }
0x9d: {  	[timem:s7], [sflag:s22] =	dma.local [hbm:s5], s20  }
0x9e: {  	_ =	swait.ge [sflag:s22], s20  }
0x9f: {  	s4 =	ssub.s32 $0x0, s20;
	[sflag:s22] =	ssyncset.done $0x0  }
0xa0: {  	[sflag:s22] =	ssyncadd.s32 s4;
	_ =	sdelay $0x1  }
0xa1: {  	s23 =	simm.s32 $0x1B8B  }
0xa2: {  	_ =	swait.ge [sflag:s23], $0x1  }
0xa3: {  	[sflag:s23] =	ssyncset.done $0x0  }
0xa4: {  	s25 =	simm.s32 $0x1B8E;
	s24 =	sld [smem:$0x3FFE];
	[sflag:s23] =	ssyncadd.s32 $0xFFFFFFFF  }
0xa5: {  	s26 =	simm.s32 $execute0_lowered;
	[smem:$0x3FD2] =	sst s25  }
0xa6: {  	s5 =	sshll.u32 s26, $0x1;
	_ =	strace $0x80000046;
	[dreg:$0x1] =	wrdreg $0xFFFFFFFF  }
0xa7: {  	s28 =	simm.s32 $_size_execute0_lowered;
	s3 =	sadd.s32 s3, s5;
	[dreg:$0x0] =	wrdreg $0x0  }
0xa8: {  	s5 =	sshll.u32 s28, $0x1;
	[dreg:$0x2] =	wrdreg s3  }
0xa9: {  	[dreg:$0x3] =	wrdreg s5  }
0xaa: {  	[dreg:$0x4] =	wrdreg $0xC0  }
0xab: {  	_ =	task [dreg:s7], $0x5FFFF  }
0xac: {  	[dreg:$0x1] =	wrdreg $0xFFFFFFFF  }
0xad: {  	[dreg:$0x0] =	wrdreg $0x60  }
0xae: {  	[dreg:$0x2] =	wrdreg s2  }
0xaf: {  	[dreg:$0x3] =	wrdreg s24  }
0xb0: {  	[dreg:$0x4] =	wrdreg $0x9  }
0xb1: {  	_ =	task.clear_ibuf [dreg:s7], $0x5FFFF;
	_ =	strace $0x90000046  }
0xb2: {  	s29 =	simm.s32 $0x9;
	_ =	strace $0x80000048  }
0xb3: {  	_ =	swait.ge [sflag:s29], $0x1  }
0xb4: {  	[sflag:s29] =	ssyncadd.s32 $0xFFFFFFFF  }
0xb5: {  	_ =	strace $0x90000048  }
0xb6: {  	_ =	sfence  }
0xb7: {  	s30 =	sld [smem:$0x0];
	_ =	sdelay $0x2  }
0xb8: {  	s31 =	sshll.u32 s1, $0xD;
	s1 =	sshrl.u32 s1, $0x2  }
0xb9: {  	s3 =	sand.u32 $0x4000, s31;
	s1 =	sadd.s32 s1, s30  }
0xba: {  	s0 =	sor.u32 s3, s0;
	s1 =	sshll.u32 s1, $0x11  }
0xbb: {  	s0 =	sor.u32 s1, s0  }
0xbc: {  	s0 =	sadd.s32 $0x8F2B, s0  }
0xbd: {  	[sflag:s0] =	ssyncadd.remote.s32 $0x1  }
0xbe: {  	_ =	sfence.sel $0xFFFF  }
0xbf: {  	[dreg:$0x0] =	wrdreg $0xFFFFFFFF;
	(pc) =	sbr.abs _section_cstart, $3  }
0xc0: {  	[dreg:$0x1] =	wrdreg $0xFFFFFFFF  }
0xc1: {  	_ =	task.clear_ibuf [dreg:s7], $0x2FFFF;
	_ =	strace $0x9FFFFFFF  }
0xc2: {  	(tm) =	ssettm $0x7FFFFFFF  }
0xc3: {  	_ =	shalt  }
tec
execute0_lowered:
.L_overlay_start_1:
0x0: {  	(tag) =	ssettag $0x1  }
0x1: {  	s0 =	rddreg [dreg:$0x0]  }
0x2: {  	s1 =	rddreg [dreg:$0x1]  }
0x3: {  	s2 =	srdreg.scid;
	s3 =	stileid.u32  }
0x4: {  	s30 =	simm.s32 $0x70;
	s6 =	sand.u32 $0x1, s2;
	s2 =	simm.s32 $0x0  }
0x5: {  	s3 =	sshll.u32 s3, $0x8;
	s5 =	sadd.s32 $0xF42E00, s1;
	s4 =	sshll.u32 s6, $0x7  }
0x6: {  	s7 =	sadd.s32 $0x2626400, s1;
	[smem:$0x7FF] =	sst s2;
	s3 =	sor.u32 s4, s3  }
0x7: {  	s6 =	ssub.s32 $0x2, s6;
	_ =	strace $0x80000047;
	s9 =	smul.u32 $0x3, s3  }
0x8: {  	s4 =	sadd.s32 $0xF5BE00, s1;
	s10 =	smul.u32 $0x19, s3;
	s8 =	sor.u32 $0x1, s3  }
0x9: {  	[dreg:$0x3] =	wrdreg s7;
	s7 =	sadd.s32 $0x1E85200, s1;
	s11 =	smul.u32 $0x3, s8  }
0xa: {  	s19 =	sshrl.u32 s6, $0x1;
	s13 =	sor.u32 $0x2, s3;
	s12 =	smul.u32 $0x19, s8  }
0xb: {  	s15 =	sshrl.u32 s3, $0x3;
	s16 =	sor.u32 $0x3, s3;
	s14 =	smul.u32 $0x3, s13  }
0xc: {  	s18 =	sor.u32 $0x4, s3;
	s8 =	sadd.s32 $0xF5EE00, s1;
	s13 =	smul.u32 $0x19, s13  }
0xd: {  	s1 =	ssub.s32 s6, s19;
	s0 =	sadd.s32 s0, s15;
	s20 =	smul.u32 $0x3, s16  }
0xe: {  	s23 =	smul.u32 $0x19, s16;
	s19 =	sor.u32 $0x5, s3;
	s15 =	simm.s32 $0x126A0  }
0xf: {  	s16 =	simm.s32 $0x9;
	s6 =	simm.s32 $0x0;
	[dreg:$0x4] =	wrdreg s0  }
0x10: {  	s21 =	sadd.s32 s4, s9;
	s22 =	sadd.s32 s5, s10;
	s31 =	smax.u32 s1, $0x1  }
0x11: {  	s1 =	simm.s32 $0x4320;
	s9 =	simm.s32 $0x12400;
	[dreg:$0x5] =	wrdreg s21  }
0x12: {  	s10 =	simm.s32 $0x2;
	[dreg:$0x6] =	wrdreg s22;
	s24 =	sadd.s32 s4, s11  }
0x13: {  	s25 =	sadd.s32 s5, s12;
	s26 =	sadd.s32 s4, s14;
	[dreg:$0xd] =	wrdreg s31  }
0x14: {  	s28 =	sadd.s32 s5, s13;
	s0 =	sadd.s32 s4, s20;
	[dreg:$0x7] =	wrdreg s24  }
0x15: {  	vm0 =	vmmov $0x1;
	vm1 =	vmmov $0x3;
	vm2 =	vmmov $0x7;
	s29 =	sadd.s32 s5, s23;
	s20 =	sor.u32 $0x6, s3;
	[dreg:$0x8] =	wrdreg s25  }
0x16: {  	vm3 =	vmmov $0xf;
	vm4 =	vmmov $0x1f;
	vm5 =	vmmov $0x3f;
	s21 =	sor.u32 $0x7, s3;
	s11 =	simm.s32 $0x124E0;
	[dreg:$0x9] =	wrdreg s26  }
0x17: {  	vm6 =	vmmov $0x7f;
	vm7 =	vmmov $0xff;
	vm8 =	vmmov $0x1ff;
	s12 =	simm.s32 $0x3;
	s13 =	simm.s32 $0x125C0;
	[dreg:$0xa] =	wrdreg s28  }
0x18: {  	vm9 =	vmmov $0x3ff;
	vm10 =	vmmov $0x7ff;
	vm11 =	vmmov $0xfff;
	s14 =	simm.s32 $0x4;
	s23 =	simm.s32 $0xC;
	[dreg:$0xb] =	wrdreg s0  }
0x19: {  	vm12 =	vmmov $0x1fff;
	vm13 =	vmmov $0x3fff;
	vm14 =	vmmov $0x7fff;
	[dreg:$0xc] =	wrdreg s29;
	s25 =	simm.s32 $0x1;
	s26 =	simm.s32 $0x8  }
.LBB2_1:
0x1a: {  	[dreg:$0xe] =	wrdreg s6  }
0x1b: {  	s0 =	rddreg [dreg:$0x4];
	s22 =	simm.s32 $0xD  }
0x1c: {  	[tilespmem:s2], [sflag:$0xD] =	stream.linear.gather [hbm4b:s0+s2], $0x80, $0x38;
	[tilespmem:$0x12780] =	vst v63  }
0x1d: {  	_ =	swait.ge [sflag:s22], $0x80  }
0x1e: {  	[sflag:s22] =	ssyncset.done $0x0  }
0x1f: {  	s28 =	simm.s32 $0x80;
	s24 =	rddreg [dreg:$0x3];
	[sflag:s22] =	ssyncadd.s32 $0xFFFFFF80  }
0x20: {  	[tilespmem:s28], [sflag:$0x1] =	stream.indirect.gather [hbm4b:s24+s28], $0x80, s2, s28, $0xb8;
	[tilespmem:$0x12780] =	vst v63  }
0x21: {  	_ =	swait.ge [sflag:s25], $0x4000  }
0x22: {  	[sflag:s25] =	ssyncset.done $0x0  }
0x23: {  	s6 =	simm.s32 $0x4080;
	s29 =	rddreg [dreg:$0x5];
	[sflag:s25] =	ssyncadd.s32 $0xFFFFC000  }
0x24: {  	[tilespmem:s6], [sflag:$0x5] =	stream.linear.gather [hbm4b:s29+s2], $0x18, $0x38;
	[tilespmem:$0x12780] =	vst v63  }
0x25: {  	s17 =	simm.s32 $0x4098;
	s31 =	rddreg [dreg:$0x6]  }
0x26: {  	[tilespmem:s17], [sflag:$0x5] =	stream.linear.gather [hbm4b:s31+s2], $0xC8, $0x38;
	[tilespmem:$0x12780] =	vst v63  }
0x27: {  	s22 =	rddreg [dreg:$0x7];
	s17 =	simm.s32 $0x4160  }
0x28: {  	[tilespmem:s17], [sflag:$0x6] =	stream.linear.gather [hbm4b:s22+s2], $0x18, $0x38;
	[tilespmem:$0x12780] =	vst v63  }
0x29: {  	s24 =	rddreg [dreg:$0x8];
	s22 =	simm.s32 $0x4178  }
0x2a: {  	[tilespmem:s22], [sflag:$0x6] =	stream.linear.gather [hbm4b:s24+s2], $0xC8, $0x38;
	[tilespmem:$0x12780] =	vst v63  }
0x2b: {  	s28 =	rddreg [dreg:$0x9];
	s22 =	simm.s32 $0x4240  }
0x2c: {  	[tilespmem:s22], [sflag:$0x7] =	stream.linear.gather [hbm4b:s28+s2], $0x18, $0x38;
	[tilespmem:$0x12780] =	vst v63  }
0x2d: {  	s29 =	rddreg [dreg:$0xa];
	s24 =	simm.s32 $0x4258  }
0x2e: {  	[tilespmem:s24], [sflag:$0x7] =	stream.linear.gather [hbm4b:s29+s2], $0xC8, $0x38;
	[tilespmem:$0x12780] =	vst v63  }
0x2f: {  	s31 =	rddreg [dreg:$0xb]  }
0x30: {  	[tilespmem:s1], [sflag:$0x8] =	stream.linear.gather [hbm4b:s31+s2], $0x18, $0x38;
	[tilespmem:$0x12780] =	vst v63  }
0x31: {  	s28 =	simm.s32 $0x4338;
	s24 =	rddreg [dreg:$0xc];
	s29 =	simm.s32 $0x5  }
0x32: {  	[tilespmem:s28], [sflag:$0x8] =	stream.linear.gather [hbm4b:s24+s2], $0xC8, $0x38;
	[tilespmem:$0x12780] =	vst v63  }
0x33: {  	_ =	swait.ge [sflag:s29], $0x18  }
0x34: {  	[sflag:s29] =	ssyncset.done $0x0  }
0x35: {  	[sflag:s29] =	ssyncadd.s32 $0xFFFFFFE8  }
0x36: {  	_ =	swait.ge [sflag:s29], $0xC8  }
0x37: {  	[sflag:s29] =	ssyncset.done $0x0  }
0x38: {  	s31 =	simm.s32 $0x4400;
	[sflag:s29] =	ssyncadd.s32 $0xFFFFFF38  }
0x39: {  	[tilespmem:s31], [sflag:$0x1] =	stream.indirect.gather [hbm4b:s7+s30], $0x40, s6, s30, $0xb8;
	[tilespmem:$0x12780] =	vst v63  }
0x3a: {  	s24 =	simm.s32 $0x40F0;
	s28 =	simm.s32 $0x6000;
	s29 =	simm.s32 $0x6  }
0x3b: {  	[tilespmem:s28], [sflag:$0x1] =	stream.indirect.gather [hbm4b:s7+s30], $0x40, s24, s30, $0xb8;
	[tilespmem:$0x12780] =	vst v63  }
0x3c: {  	_ =	swait.ge [sflag:s29], $0x18  }
0x3d: {  	[sflag:s29] =	ssyncset.done $0x0  }
0x3e: {  	[sflag:s29] =	ssyncadd.s32 $0xFFFFFFE8  }
0x3f: {  	_ =	swait.ge [sflag:s29], $0xC8  }
0x40: {  	[sflag:s29] =	ssyncset.done $0x0  }
0x41: {  	s31 =	simm.s32 $0x7C00;
	[sflag:s29] =	ssyncadd.s32 $0xFFFFFF38  }
0x42: {  	[tilespmem:s31], [sflag:$0x2] =	stream.indirect.gather [hbm4b:s7+s30], $0x40, s17, s30, $0xb8;
	[tilespmem:$0x12780] =	vst v63  }
0x43: {  	s6 =	simm.s32 $0x41D0;
	s24 =	simm.s32 $0x7;
	s17 =	simm.s32 $0x9800  }
0x44: {  	[tilespmem:s17], [sflag:$0x2] =	stream.indirect.gather [hbm4b:s7+s30], $0x40, s6, s30, $0xb8;
	[tilespmem:$0x12780] =	vst v63  }
0x45: {  	_ =	swait.ge [sflag:s24], $0x18  }
0x46: {  	[sflag:s24] =	ssyncset.done $0x0  }
0x47: {  	[sflag:s24] =	ssyncadd.s32 $0xFFFFFFE8  }
0x48: {  	_ =	swait.ge [sflag:s24], $0xC8  }
0x49: {  	[sflag:s24] =	ssyncset.done $0x0  }
0x4a: {  	s28 =	simm.s32 $0xB400;
	[sflag:s24] =	ssyncadd.s32 $0xFFFFFF38  }
0x4b: {  	[tilespmem:s28], [sflag:$0x3] =	stream.indirect.gather [hbm4b:s7+s30], $0x40, s22, s30, $0xb8;
	[tilespmem:$0x12780] =	vst v63  }
0x4c: {  	s29 =	simm.s32 $0x42B0;
	s31 =	simm.s32 $0xD000;
	s22 =	simm.s32 $0x0  }
0x4d: {  	[tilespmem:s31], [sflag:$0x3] =	stream.indirect.gather [hbm4b:s7+s30], $0x40, s29, s30, $0xb8;
	[tilespmem:$0x12780] =	vst v63  }
.LBB2_2:
0x4e: {  	_ =	swait.ge [sflag:s25], $0x1C00  }
0x4f: {  	[sflag:s25] =	ssyncset.done $0x0  }
0x50: {  	[sflag:s25] =	ssyncadd.s32 $0xFFFFE400  }
0x51: {  	_ =	swait.ge [sflag:s25], $0x1C00  }
0x52: {  	[sflag:s25] =	ssyncset.done $0x0  }
0x53: {  	[sflag:s25] =	ssyncadd.s32 $0xFFFFE400  }
0x54: {  	_ =	swait.ge [sflag:s26], $0x18  }
0x55: {  	[sflag:s26] =	ssyncset.done $0x0  }
0x56: {  	[sflag:s26] =	ssyncadd.s32 $0xFFFFFFE8  }
0x57: {  	_ =	swait.ge [sflag:s26], $0xC8  }
0x58: {  	s0 =	simm.s32 $0xEC00;
	[sflag:s26] =	ssyncset.done $0x0  }
0x59: {  	s24 =	sshll.u32 s22, $0x2;
	p0 =	seq.s32 s22, $0x1F;
	[sflag:s26] =	ssyncadd.s32 $0xFFFFFF38  }
0x5a: {  	[tilespmem:s0], [sflag:$0x4] =	stream.indirect.gather [hbm4b:s7+s30], $0x40, s1, s30, $0xb8;
	[tilespmem:$0x12780] =	vst v63  }
0x5b: {  	s6 =	simm.s32 $0x4390;
	p1 =	seq.s32 @!p0 s22, $0x0;
	s0 =	sadd.s32 @!p0 s24, s18  }
0x5c: {  	s28 =	simm.s32 $0x10800;
	p1 =	por p0, !p1;
	s17 =	smul.u32 @!p0 $0x3, s0  }
0x5d: {  	[tilespmem:s28], [sflag:$0x4] =	stream.indirect.gather [hbm4b:s7+s30], $0x40, s6, s30, $0xb8;
	[tilespmem:$0x12780] =	vst v63  }
.Ltmp0:
0x5e: {  	s29 =	simm.s32 @!p0 $0x4080;
	(pc) =	sbr.rel @!p1 .LBB2_3-.Ltmp0, $4  }
0x5f: {  	s0 =	smul.u32 @!p0 $0x19, s0;
	s28 =	simm.s32 @!p0 $0x0;
	s17 =	sadd.s32 @!p0 s4, s17  }
0x60: {  	[tilespmem:s29], [sflag:$0x5] =	stream.linear.gather @!p0 [hbm4b:s17+s28], $0x18, $0x38;
	[tilespmem:$0x12780] =	vst v63  }
0x61: {  	s0 =	sadd.s32 @!p0 s5, s0;
	s17 =	simm.s32 @!p0 $0x4098  }
0x62: {  	[tilespmem:s17], [sflag:$0x5] =	stream.linear.gather @!p0 [hbm4b:s0+s28], $0xC8, $0x38;
	[tilespmem:$0x12780] =	vst v63  }
.Ltmp1:
0x63: {  	(pc) =	sbr.rel .LBB2_5-.Ltmp1, $4  }
0x64: {  	_ = 	snop  }
0x65: {  	_ =	swait.ge [sflag:s16], $0xE0  }
0x66: {  	[sflag:s16] =	ssyncset.done $0x0  }
0x67: {  	p1 =	por $0x0, $0x0;
	[sflag:s16] =	ssyncadd.s32 $0xFFFFFF20  }
.LBB2_3:
0x68: {  	p1 =	por @!p0 $0x1, $0x1  }
.LBB2_5:
0x69: {  	s0 =	sshll.u32 s22, $0x9  }
0x6a: {  	s0 =	sand.u32 $0x3FFFFE00, s0  }
0x6b: {  	v2 =	vld [tilespmem:s0+$0x80]  }
0x6c: {  	v3 =	vld [tilespmem:s0+$0x90]  }
0x6d: {  	v0 =	vld [tilespmem:s0+$0xA0]  }
0x6e: {  	v1 =	vld [tilespmem:s0+$0xB0];
	s0 =	simm.s32 $0x4600  }
0x6f: {  	v6 =	vld [tilespmem:s0+$0x180]  }
0x70: {  	v7 =	vld [tilespmem:s0+$0x190]  }
0x71: {  	v9 =	vld [tilespmem:s0+$0x1A0]  }
0x72: {  	v10 =	vld [tilespmem:s0+$0x1B0]  }
0x73: {  	v4 =	vld [tilespmem:s0+$0x140]  }
0x74: {  	v11 =	vld [tilespmem:s0+$0x100]  }
0x75: {  	v12 =	vld [tilespmem:s0+$0x110]  }
0x76: {  	v13 =	vld [tilespmem:s0+$0x120]  }
0x77: {  	v14 =	vld [tilespmem:s0+$0x130]  }
0x78: {  	v15 =	vld [tilespmem:s0+$0xC0]  }
0x79: {  	v16 =	vld [tilespmem:s0+$0xD0]  }
0x7a: {  	v17 =	vld [tilespmem:s0+$0xE0]  }
0x7b: {  	v18 =	vld [tilespmem:s0+$0xF0]  }
0x7c: {  	v5 =	vld [tilespmem:s0+$0x80]  }
0x7d: {  	v19 =	vld [tilespmem:s0+$0x40]  }
0x7e: {  	v20 =	vld [tilespmem:s0+$0x50]  }
0x7f: {  	v21 =	vld [tilespmem:s0+$0x60]  }
0x80: {  	v22 =	vld [tilespmem:s0+$0x70]  }
0x81: {  	v23 =	vld [tilespmem:s0+$0x0]  }
0x82: {  	v24 =	vld [tilespmem:s0+$0x10]  }
0x83: {  	v25 =	vld [tilespmem:s0+$0x20]  }
0x84: {  	v26 =	vld [tilespmem:s0+$0x30];
	v6 =	vmul.f32 v6, v2;
	v7 =	vmul.f32 v7, v3  }
0x85: {  	v8 =	vld [tilespmem:s0+$0xFFFFFFC0];
	v9 =	vmul.f32 v9, v0;
	v10 =	vmul.f32 v10, v1  }
0x86: {  	v27 =	vld [tilespmem:s0+$0xFFFFFF80];
	v6 =	vadd.f32 v7, v6;
	v7 =	vmul.f32 v11, v2;
	v11 =	vmul.f32 v12, v3  }
0x87: {  	v28 =	vld [tilespmem:s0+$0xFFFFFF90];
	v19 =	vmul.f32 v19, v2;
	v20 =	vmul.f32 v20, v3;
	v9 =	vadd.f32 v10, v9  }
0x88: {  	v29 =	vld [tilespmem:s0+$0xFFFFFFA0];
	v10 =	vmul.f32 v13, v0;
	v13 =	vmul.f32 v14, v1;
	v7 =	vadd.f32 v11, v7  }
0x89: {  	v60 =	vld [tilespmem:s0+$0xFFFFFE90];
	v11 =	vmul.f32 v15, v2;
	v15 =	vmul.f32 v16, v3;
	v6 =	vadd.f32 v9, v6  }
0x8a: {  	v61 =	vld [tilespmem:s0+$0xFFFFFEA0];
	v9 =	vmul.f32 v17, v0;
	v17 =	vmul.f32 v18, v1;
	v10 =	vadd.f32 v13, v10  }
0x8b: {  	v62 =	vld [tilespmem:s0+$0xFFFFFEB0];
	v21 =	vmul.f32 v21, v0;
	v22 =	vmul.f32 v22, v1;
	v15 =	vadd.f32 v15, v11  }
0x8c: {  	v12 =	vld [tilespmem:s0+$0xFFFFFFB0];
	v7 =	vadd.f32 v10, v7;
	v9 =	vadd.f32 v17, v9  }
0x8d: {  	v14 =	vld [tilespmem:s0+$0xFFFFFF40];
	v17 =	vadd.f32 v20, v19;
	v20 =	vadd.f32 v22, v21;
	(xrf2) =	vadd.scan.msk.f32 $0xffff, v6  }
0x8e: {  	v18 =	vld [tilespmem:s0+$0xFFFFFF60];
	v22 =	vmul.f32 v26, v1;
	v6 =	vadd.f32 v9, v15;
	(xrf2) =	vadd.scan.msk.f32 $0xffff, v7;
	v7 =	vmul.f32 v23, v2  }
0x8f: {  	v16 =	vld [tilespmem:s0+$0xFFFFFF50];
	v15 =	vmul.f32 v24, v3;
	v17 =	vadd.f32 v20, v17;
	v20 =	vmul.f32 v25, v0  }
0x90: {  	v13 =	vld [tilespmem:s0+$0xFFFFFF70];
	(xrf2) =	vadd.scan.msk.f32 $0xffff, v6  }
0x91: {  	v11 =	vld [tilespmem:s0+$0xFFFFFF00];
	v6 =	vadd.f32 v15, v7;
	(xrf2) =	vadd.scan.msk.f32 $0xffff, v17;
	v17 =	vadd.f32 v22, v20  }
0x92: {  	v10 =	vld [tilespmem:s0+$0xFFFFFEC0];
	v7 =	vmul.f32 v27, v2  }
0x93: {  	v19 =	vld [tilespmem:s0+$0xFFFFFED0];
	v15 =	vmul.f32 v28, v3;
	v17 =	vadd.f32 v17, v6;
	v6 =	vmul.f32 v18, v0  }
0x94: {  	v9 =	vld [tilespmem:s0+$0xFFFFFEE0];
	v20 =	vmul.f32 v29, v0;
	v22 =	vmul.f32 v12, v1  }
0x95: {  	v21 =	vld [tilespmem:s0+$0xFFFFFEF0];
	v7 =	vadd.f32 v15, v7;
	v15 =	vmul.f32 v16, v3;
	v16 =	vmul.f32 v13, v1  }
0x96: {  	v23 =	vld [tilespmem:s0+$0xFFFFFE80];
	v18 =	vadd.f32 v22, v20  }
0x97: {  	v14 =	vmul.f32 v14, v2;
	v12 =	vld [tilespmem:s0+$0xFFFFFE00];
	v22 =	vadd.f32 v16, v6;
	v6, _, _ =	vpop (xrf2);
	(xrf2) =	vadd.scan.msk.f32 $0xffff, v17  }
0x98: {  	v10 =	vmul.f32 v10, v2;
	v19 =	vmul.f32 v19, v3;
	v13 =	vld [tilespmem:s0+$0xFFFFFE10];
	v18 =	vadd.f32 v18, v7  }
0x99: {  	v9 =	vmul.f32 v9, v0;
	v20 =	vadd.f32 v15, v14;
	v14 =	vld [tilespmem:s0+$0xFFFFFE20]  }
0x9a: {  	v21 =	vmul.f32 v21, v1;
	v10 =	vadd.f32 v19, v10;
	v15 =	vld [tilespmem:s0+$0xFFFFFE40];
	v7, _, _ =	vpop (xrf2);
	(xrf2) =	vadd.scan.msk.f32 $0xffff, v18  }
0x9b: {  	v16 =	vld [tilespmem:s0+$0xFFFFFE30];
	v19 =	vadd.f32 v22, v20  }
0x9c: {  	v24 =	vmul.f32 v60, v3;
	v63 =	vadd.f32 v21, v9;
	v17 =	vld [tilespmem:s0+$0xFFFFFE50];
	v20 =	vmul.f32 v23, v2  }
0x9d: {  	v22 =	vmul.f32 v61, v0;
	v23 =	vmul.f32 v62, v1;
	v18 =	vld [tilespmem:s0+$0xFFFFFE60];
	v9, _, _ =	vpop (xrf2);
	(xrf2) =	vadd.scan.msk.f32 $0xffff, v19  }
0x9e: {  	s28 =	sshllo.u32 s22, $0x2;
	s17 =	simm.s32 $0x0;
	s29 =	simm.s32 $0x40;
	v21 =	vadd.f32 v24, v20;
	v20 =	vadd.f32 v63, v10;
	v19 =	vld [tilespmem:s0+$0xFFFFFE70];
	v10, _, _ =	vpop (xrf2)  }
.LBB2_6:
0x9f: {  	p2 =	sne.s32 s29, $0x340;
	v12 =	vmul.f32 v12, v2;
	v13 =	vmul.f32 v13, v3;
	v22 =	vadd.f32 v23, v22;
	v23 =	vld [tilespmem:s0+$0xFFFFFF10]  }
0xa0: {  	v14 =	vmul.f32 v14, v0;
	v16 =	vmul.f32 v16, v1;
	v24 =	vld [tilespmem:s0+$0xFFFFFF20];
	(xrf2) =	vadd.scan.msk.f32 $0xffff, v20  }
0xa1: {  	v12 =	vadd.f32 v13, v12;
	v13 =	vadd.f32 v22, v21;
	v20 =	vld [tilespmem:s0+$0xFFFFFF30];
	v21, _, _ =	vpop (xrf2)  }
0xa2: {  	v15 =	vmul.f32 v15, v2;
	v25 =	vadd.f32 v16, v14;
	v16 =	vmul.f32 v17, v3;
	v17 =	vld [tilespmem:s0+$0xFFFFFFD0]  }
0xa3: {  	v18 =	vmul.f32 v18, v0;
	v19 =	vmul.f32 v19, v1;
	v22 =	vld [tilespmem:s0+$0xFFFFFFE0];
	(xrf2) =	vadd.scan.msk.f32 $0xffff, v13  }
0xa4: {  	v11 =	vmul.f32 v11, v2;
	v12 =	vadd.f32 v25, v12;
	v13 =	vld [tilespmem:s0+$0xFFFFFFF0];
	v14, _, _ =	vpop (xrf2)  }
0xa5: {  	v15 =	vadd.f32 v16, v15;
	v25 =	vadd.f32 v19, v18;
	v18 =	vmul.f32 v23, v3;
	v19 =	vld [tilespmem:s0+$0x90]  }
0xa6: {  	v23 =	vmul.f32 v24, v0;
	v20 =	vmul.f32 v20, v1;
	v24 =	vld [tilespmem:s0+$0xA0];
	(xrf2) =	vadd.scan.msk.f32 $0xffff, v12  }
0xa7: {  	v8 =	vmul.f32 v8, v2;
	v12 =	vadd.f32 v25, v15;
	v15 =	vld [tilespmem:s0+$0xB0];
	v16, _, _ =	vpop (xrf2)  }
0xa8: {  	v11 =	vadd.f32 v18, v11;
	v17 =	vmul.f32 v17, v3;
	v25 =	vadd.f32 v20, v23;
	v20 =	vld [tilespmem:s0+$0x150]  }
0xa9: {  	v22 =	vmul.f32 v22, v0;
	v13 =	vmul.f32 v13, v1;
	v23 =	vld [tilespmem:s0+$0x160];
	(xrf2) =	vadd.scan.msk.f32 $0xffff, v12  }
0xaa: {  	v5 =	vmul.f32 v5, v2;
	v11 =	vadd.f32 v25, v11;
	v12 =	vld [tilespmem:s0+$0x170];
	v18, _, _ =	vpop (xrf2)  }
0xab: {  	v8 =	vadd.f32 v17, v8;
	v17 =	vmul.f32 v19, v3;
	v25 =	vadd.f32 v13, v22;
	v19 =	vld [tilespmem:s0+$0x1C0]  }
0xac: {  	v22 =	vmul.f32 v24, v0;
	v15 =	vmul.f32 v15, v1;
	v24 =	vld [tilespmem:s0+$0x1D0];
	(xrf2) =	vadd.scan.msk.f32 $0xffff, v11  }
0xad: {  	v4 =	vmul.f32 v4, v2;
	v25 =	vadd.f32 v25, v8;
	v11 =	vld [tilespmem:s0+$0x1E0];
	v13, _, _ =	vpop (xrf2)  }
0xae: {  	v5 =	vadd.f32 v17, v5;
	v17 =	vmul.f32 v20, v3;
	v15 =	vadd.f32 v15, v22;
	v20 =	vld [tilespmem:s0+$0x1F0]  }
0xaf: {  	v22 =	vmul.f32 v23, v0;
	v12 =	vmul.f32 v12, v1;
	(xrf2) =	vadd.scan.msk.f32 $0xffff, v25  }
0xb0: {  	v5 =	vadd.f32 v15, v5;
	v8, _, _ =	vpop (xrf2)  }
0xb1: {  	v4 =	vadd.f32 v17, v4;
	v22 =	vadd.f32 v12, v22  }
0xb2: {  	v15 =	vmul.f32 v19, v2;
	v17 =	vmul.f32 v24, v3;
	(xrf2) =	vadd.scan.msk.f32 $0xffff, v5  }
0xb3: {  	v5 =	vmul.f32 v11, v0;
	v4 =	vadd.f32 v22, v4;
	v19 =	vmul.f32 v20, v1;
	v12, _, _ =	vpop (xrf2)  }
0xb4: {  	v8 =	vbroadcast v8, $0xF;
	v12 =	vbroadcast v12, $0xF  }
0xb5: {  	v13 =	vbroadcast v13, $0xF;
	v15 =	vadd.f32 v17, v15;
	v5 =	vadd.f32 v19, v5;
	(xrf2) =	vadd.scan.msk.f32 $0xffff, v4  }
0xb6: {  	v4 =	vsel vm0, v8, v12;
	v8 =	vbroadcast v18, $0xF;
	v11, _, _ =	vpop (xrf2)  }
0xb7: {  	v4 =	vsel vm1, v4, v13;
	v11 =	vbroadcast v11, $0xF;
	v5 =	vadd.f32 v5, v15  }
0xb8: {  	v4 =	vsel vm2, v4, v8;
	v8 =	vbroadcast v16, $0xF  }
0xb9: {  	v4 =	vsel vm3, v4, v11;
	v11 =	vbroadcast v14, $0xF;
	v12, _, _ =	vpop (xrf2);
	(xrf2) =	vadd.scan.msk.f32 $0xffff, v5  }
0xba: {  	v4 =	vsel vm4, v4, v8;
	v5 =	vbroadcast v12, $0xF  }
0xbb: {  	v8 =	vbroadcast v21, $0xF;
	v4 =	vsel vm5, v4, v11  }
0xbc: {  	v4 =	vsel vm6, v4, v5;
	v5 =	vbroadcast v10, $0xF;
	v10, _, _ =	vpop (xrf2)  }
0xbd: {  	v4 =	vsel vm7, v4, v8;
	v10 =	vbroadcast v10, $0xF  }
0xbe: {  	v4 =	vsel vm8, v4, v5;
	v5 =	vbroadcast v9, $0xF  }
0xbf: {  	v7 =	vbroadcast v7, $0xF;
	v4 =	vsel vm9, v4, v10;
	v8, _, _ =	vpop (xrf2)  }
0xc0: {  	v4 =	vsel vm10, v4, v5;
	v8 =	vbroadcast v8, $0xF  }
0xc1: {  	v6 =	vbroadcast v6, $0xF;
	v4 =	vsel vm11, v4, v7  }
0xc2: {  	v4 =	vsel vm12, v4, v8  }
0xc3: {  	v4 =	vsel vm13, v4, v6;
	v5, _, _ =	vpop (xrf2)  }
0xc4: {  	s31 =	sshra.s32 s17, $0x2;
	s17 =	smov.u32 s29;
	v4 =	vsel vm14, v4, v5  }
0xc5: {  	s0 =	sadd.s32 $0x400, s0;
	[tilespmem:s31+$0x12400] =	vst v4  }
0xc6: {  	v6 =	vld [tilespmem:s0+$0x180]  }
0xc7: {  	v7 =	vld [tilespmem:s0+$0x190]  }
0xc8: {  	v9 =	vld [tilespmem:s0+$0x1A0]  }
0xc9: {  	v10 =	vld [tilespmem:s0+$0x1B0]  }
0xca: {  	v4 =	vld [tilespmem:s0+$0x140]  }
0xcb: {  	v11 =	vld [tilespmem:s0+$0x100]  }
0xcc: {  	v12 =	vld [tilespmem:s0+$0x110]  }
0xcd: {  	v13 =	vld [tilespmem:s0+$0x120]  }
0xce: {  	v14 =	vld [tilespmem:s0+$0x130]  }
0xcf: {  	v15 =	vld [tilespmem:s0+$0xC0]  }
0xd0: {  	v16 =	vld [tilespmem:s0+$0xD0]  }
0xd1: {  	v17 =	vld [tilespmem:s0+$0xE0]  }
0xd2: {  	v18 =	vld [tilespmem:s0+$0xF0]  }
0xd3: {  	v5 =	vld [tilespmem:s0+$0x80]  }
0xd4: {  	v19 =	vld [tilespmem:s0+$0x40]  }
0xd5: {  	v20 =	vld [tilespmem:s0+$0x50]  }
0xd6: {  	v21 =	vld [tilespmem:s0+$0x60]  }
0xd7: {  	v22 =	vld [tilespmem:s0+$0x70]  }
0xd8: {  	v23 =	vld [tilespmem:s0+$0x0]  }
0xd9: {  	v24 =	vld [tilespmem:s0+$0x10]  }
0xda: {  	v25 =	vld [tilespmem:s0+$0x20]  }
0xdb: {  	v6 =	vmul.f32 v6, v2;
	v7 =	vmul.f32 v7, v3;
	v26 =	vld [tilespmem:s0+$0x30]  }
0xdc: {  	v9 =	vmul.f32 v9, v0;
	v10 =	vmul.f32 v10, v1;
	v8 =	vld [tilespmem:s0+$0xFFFFFFC0]  }
0xdd: {  	v6 =	vadd.f32 v7, v6;
	v27 =	vld [tilespmem:s0+$0xFFFFFF80]  }
0xde: {  	v11 =	vmul.f32 v11, v2;
	v9 =	vadd.f32 v10, v9;
	v12 =	vmul.f32 v12, v3;
	v7 =	vld [tilespmem:s0+$0xFFFFFF90]  }
0xdf: {  	v13 =	vmul.f32 v13, v0;
	v14 =	vmul.f32 v14, v1;
	v10 =	vld [tilespmem:s0+$0xFFFFFFA0]  }
0xe0: {  	v6 =	vadd.f32 v9, v6;
	v11 =	vadd.f32 v12, v11;
	v28 =	vld [tilespmem:s0+$0xFFFFFFB0]  }
0xe1: {  	v12 =	vmul.f32 v15, v2;
	v15 =	vmul.f32 v16, v3;
	v13 =	vadd.f32 v14, v13;
	v9 =	vld [tilespmem:s0+$0xFFFFFF40]  }
0xe2: {  	v16 =	vmul.f32 v17, v0;
	v17 =	vmul.f32 v18, v1;
	v14 =	vld [tilespmem:s0+$0xFFFFFF50];
	(xrf2) =	vadd.scan.msk.f32 $0xffff, v6  }
0xe3: {  	v6 =	vadd.f32 v15, v12;
	v12 =	vadd.f32 v13, v11;
	v18 =	vld [tilespmem:s0+$0xFFFFFF60]  }
0xe4: {  	v16 =	vadd.f32 v17, v16;
	v15 =	vmul.f32 v19, v2;
	v19 =	vmul.f32 v20, v3;
	v13 =	vld [tilespmem:s0+$0xFFFFFF70]  }
0xe5: {  	v17 =	vmul.f32 v21, v0;
	v20 =	vmul.f32 v22, v1;
	v11 =	vld [tilespmem:s0+$0xFFFFFF00];
	(xrf2) =	vadd.scan.msk.f32 $0xffff, v12  }
0xe6: {  	v6 =	vadd.f32 v16, v6;
	v12 =	vadd.f32 v19, v15;
	v21 =	vld [tilespmem:s0+$0xFFFFFEC0]  }
0xe7: {  	v16 =	vmul.f32 v23, v2;
	v17 =	vadd.f32 v20, v17;
	v19 =	vmul.f32 v24, v3;
	v15 =	vld [tilespmem:s0+$0xFFFFFED0]  }
0xe8: {  	v22 =	vmul.f32 v25, v0;
	v23 =	vmul.f32 v26, v1;
	v20 =	vld [tilespmem:s0+$0xFFFFFEE0];
	(xrf2) =	vadd.scan.msk.f32 $0xffff, v6  }
0xe9: {  	v26 =	vadd.f32 v19, v16;
	v12 =	vadd.f32 v17, v12;
	v24 =	vld [tilespmem:s0+$0xFFFFFEF0]  }
0xea: {  	v7 =	vmul.f32 v7, v3;
	v16 =	vmul.f32 v27, v2;
	v17 =	vadd.f32 v23, v22;
	v19 =	vld [tilespmem:s0+$0xFFFFFE80]  }
0xeb: {  	v10 =	vmul.f32 v10, v0;
	v23 =	vmul.f32 v28, v1;
	v22 =	vld [tilespmem:s0+$0xFFFFFE90];
	(xrf2) =	vadd.scan.msk.f32 $0xffff, v12  }
0xec: {  	v27 =	vadd.f32 v7, v16;
	v16 =	vadd.f32 v17, v26;
	v25 =	vld [tilespmem:s0+$0xFFFFFEA0];
	v6, _, _ =	vpop (xrf2)  }
0xed: {  	v9 =	vmul.f32 v9, v2;
	v14 =	vmul.f32 v14, v3;
	v10 =	vadd.f32 v23, v10;
	v26 =	vld [tilespmem:s0+$0xFFFFFEB0]  }
0xee: {  	v17 =	vmul.f32 v18, v0;
	v18 =	vmul.f32 v13, v1;
	v12 =	vld [tilespmem:s0+$0xFFFFFE00];
	(xrf2) =	vadd.scan.msk.f32 $0xffff, v16  }
0xef: {  	v28 =	vadd.f32 v14, v9;
	v10 =	vadd.f32 v10, v27;
	v13 =	vld [tilespmem:s0+$0xFFFFFE10];
	v7, _, _ =	vpop (xrf2)  }
0xf0: {  	v21 =	vmul.f32 v21, v2;
	v17 =	vadd.f32 v18, v17;
	v23 =	vmul.f32 v15, v3;
	v14 =	vld [tilespmem:s0+$0xFFFFFE20]  }
.Ltmp2:
0xf1: {  	v18 =	vmul.f32 v20, v0;
	v20 =	vmul.f32 v24, v1;
	v16 =	vld [tilespmem:s0+$0xFFFFFE30];
	(xrf2) =	vadd.scan.msk.f32 $0xffff, v10;
	(pc) =	sbr.rel @p2 .LBB2_6-.Ltmp2, $4  }
0xf2: {  	v29 =	vadd.f32 v23, v21;
	v21 =	vadd.f32 v17, v28;
	v15 =	vld [tilespmem:s0+$0xFFFFFE40];
	v9, _, _ =	vpop (xrf2)  }
0xf3: {  	v24 =	vmul.f32 v19, v2;
	v27 =	vmul.f32 v22, v3;
	v20 =	vadd.f32 v20, v18;
	v17 =	vld [tilespmem:s0+$0xFFFFFE50]  }
0xf4: {  	v22 =	vmul.f32 v25, v0;
	v23 =	vmul.f32 v26, v1;
	v18 =	vld [tilespmem:s0+$0xFFFFFE60];
	(xrf2) =	vadd.scan.msk.f32 $0xffff, v21  }
0xf5: {  	s29 =	sadd.s32 $0x40, s29;
	v20 =	vadd.f32 v20, v29;
	v21 =	vadd.f32 v27, v24;
	v19 =	vld [tilespmem:s0+$0xFFFFFE70];
	v10, _, _ =	vpop (xrf2)  }
0xf6: {  	v24 =	vld [tilespmem:s0+$0xFFFFFF10]  }
0xf7: {  	v12 =	vmul.f32 v12, v2;
	v13 =	vmul.f32 v13, v3;
	v25 =	vld [tilespmem:s0+$0xFFFFFF20]  }
0xf8: {  	v14 =	vmul.f32 v14, v0;
	v16 =	vmul.f32 v16, v1;
	v26 =	vld [tilespmem:s0+$0xFFFFFF30]  }
0xf9: {  	v22 =	vadd.f32 v23, v22;
	v23 =	vld [tilespmem:s0+$0xFFFFFFD0];
	v11 =	vmul.f32 v11, v2;
	v15 =	vmul.f32 v15, v2  }
0xfa: {  	v17 =	vmul.f32 v17, v3;
	v12 =	vadd.f32 v13, v12;
	v14 =	vadd.f32 v16, v14;
	v16 =	vld [tilespmem:s0+$0xFFFFFFF0]  }
0xfb: {  	v21 =	vadd.f32 v22, v21;
	v22 =	vld [tilespmem:s0+$0xA0];
	v13 =	vmul.f32 v18, v0;
	v18 =	vmul.f32 v19, v1  }
0xfc: {  	v19 =	vld [tilespmem:s0+$0xFFFFFFE0];
	v15 =	vadd.f32 v17, v15;
	v12 =	vadd.f32 v14, v12;
	v17 =	vmul.f32 v24, v3  }
0xfd: {  	(xrf2) =	vadd.scan.msk.f32 $0xffff, v20;
	v14 =	vmul.f32 v25, v0;
	v20 =	vmul.f32 v26, v1;
	v13 =	vadd.f32 v18, v13;
	v18 =	vld [tilespmem:s0+$0x90]  }
0xfe: {  	(xrf2) =	vadd.scan.msk.f32 $0xffff, v21;
	v11 =	vadd.f32 v17, v11;
	v17 =	vld [tilespmem:s0+$0x150]  }
0xff: {  	(xrf2) =	vadd.scan.msk.f32 $0xffff, v12;
	v12 =	vadd.f32 v20, v14;
	v13 =	vadd.f32 v13, v15;
	v15 =	vld [tilespmem:s0+$0xB0]  }
0x100: {  	v8 =	vmul.f32 v8, v2;
	v14 =	vmul.f32 v23, v3;
	v20 =	vld [tilespmem:s0+$0x160]  }
0x101: {  	v16 =	vmul.f32 v16, v1;
	v19 =	vmul.f32 v19, v0;
	v11 =	vadd.f32 v12, v11;
	v12 =	vld [tilespmem:s0+$0x170]  }
0x102: {  	v5 =	vmul.f32 v5, v2;
	v4 =	vmul.f32 v4, v2  }
0x103: {  	v8 =	vadd.f32 v14, v8;
	(xrf2) =	vadd.scan.msk.f32 $0xffff, v13;
	v13 =	vadd.f32 v16, v19;
	v14 =	vmul.f32 v18, v3  }
0x104: {  	v18 =	vmul.f32 v22, v0;
	(xrf2) =	vadd.scan.msk.f32 $0xffff, v11;
	v15 =	vmul.f32 v15, v1  }
0x105: {  	v16 =	vld [tilespmem:s0+$0x1C0];
	v20 =	vmul.f32 v20, v0;
	v8 =	vadd.f32 v13, v8;
	v5 =	vadd.f32 v14, v5  }
0x106: {  	v19 =	vld [tilespmem:s0+$0x1D0];
	v12 =	vmul.f32 v12, v1;
	v14 =	vadd.f32 v15, v18;
	v15 =	vmul.f32 v17, v3  }
0x107: {  	v11, _, _ =	vpop (xrf2);
	v13 =	vld [tilespmem:s0+$0x1E0]  }
0x108: {  	v21, _, _ =	vpop (xrf2);
	v17 =	vld [tilespmem:s0+$0x1F0];
	v12 =	vadd.f32 v12, v20;
	v4 =	vadd.f32 v15, v4  }
0x109: {  	v18, _, _ =	vpop (xrf2);
	(xrf2) =	vadd.scan.msk.f32 $0xffff, v8;
	v5 =	vadd.f32 v14, v5  }
0x10a: {  	v8, _, _ =	vpop (xrf2);
	v4 =	vadd.f32 v12, v4  }
0x10b: {  	v14, _, _ =	vpop (xrf2)  }
0x10c: {  	v2 =	vmul.f32 v16, v2;
	v3 =	vmul.f32 v19, v3;
	(xrf2) =	vadd.scan.msk.f32 $0xffff, v5;
	v15, _, _ =	vpop (xrf2)  }
0x10d: {  	v0 =	vmul.f32 v13, v0;
	v1 =	vmul.f32 v17, v1;
	v5, _, _ =	vpop (xrf2)  }
0x10e: {  	v2 =	vadd.f32 v3, v2;
	v12 =	vbroadcast v15, $0xF;
	(xrf2) =	vadd.scan.msk.f32 $0xffff, v4;
	v5 =	vbroadcast v5, $0xF;
	v4, _, _ =	vpop (xrf2)  }
0x10f: {  	v13 =	vbroadcast v14, $0xF;
	v0 =	vadd.f32 v1, v0;
	v4 =	vbroadcast v4, $0xF  }
0x110: {  	v3 =	vbroadcast v8, $0xF;
	v1 =	vsel vm0, v12, v5  }
0x111: {  	v0 =	vadd.f32 v0, v2;
	v1 =	vsel vm1, v1, v13  }
0x112: {  	v2 =	vbroadcast v18, $0xF;
	v1 =	vsel vm2, v1, v3;
	v3 =	vbroadcast v21, $0xF  }
0x113: {  	v1 =	vsel vm3, v1, v4;
	v4, _, _ =	vpop (xrf2)  }
0x114: {  	(xrf2) =	vadd.scan.msk.f32 $0xffff, v0;
	v0 =	vsel vm4, v1, v2;
	v1 =	vbroadcast v4, $0xF  }
0x115: {  	v2 =	vbroadcast v11, $0xF;
	v0 =	vsel vm5, v0, v3  }
0x116: {  	v3, _, _ =	vpop (xrf2);
	v0 =	vsel vm6, v0, v1;
	v1 =	vbroadcast v10, $0xF  }
0x117: {  	v0 =	vsel vm7, v0, v2;
	v2 =	vbroadcast v3, $0xF  }
0x118: {  	v0 =	vsel vm8, v0, v1;
	v1 =	vbroadcast v9, $0xF  }
0x119: {  	v3, _, _ =	vpop (xrf2);
	v0 =	vsel vm9, v0, v2  }
0x11a: {  	v2 =	vbroadcast v7, $0xF;
	v0 =	vsel vm10, v0, v1;
	v1 =	vbroadcast v3, $0xF;
	_ =	sdelay $0x1  }
0x11b: {  	v0 =	vsel vm11, v0, v2;
	v2 =	vbroadcast v6, $0xF  }
0x11c: {  	s6 =	sadd.s32 s3, s24;
	v0 =	vsel vm12, v0, v1  }
0x11d: {  	s0 =	smul.u32 $0x1C, s6;
	v0 =	vsel vm13, v0, v2;
	v1, _, _ =	vpop (xrf2)  }
0x11e: {  	s17 =	sshra.s32 s17, $0x2;
	v0 =	vsel vm14, v0, v1  }
0x11f: {  	s0 =	sadd.s32 s8, s0;
	[tilespmem:s17+$0x12400] =	vst v0  }
0x120: {  	[hbm4b:s0+s2] =	stream.linear.scatter [tilespmem:s9], [sflag:$0x9], $0xE0, $0x38;
	[tilespmem:$0x12780] =	vst v63  }
0x121: {  	_ =	swait.ge [sflag:s10], $0x1C00  }
0x122: {  	[sflag:s10] =	ssyncset.done $0x0  }
0x123: {  	[sflag:s10] =	ssyncadd.s32 $0xFFFFE400  }
0x124: {  	_ =	swait.ge [sflag:s10], $0x1C00  }
0x125: {  	[sflag:s10] =	ssyncset.done $0x0  }
0x126: {  	s0 =	simm.s32 @!p0 $0x5;
	[sflag:s10] =	ssyncadd.s32 $0xFFFFE400  }
0x127: {  	_ =	swait.ge @!p0 [sflag:s0], $0x18  }
0x128: {  	[sflag:s0] =	ssyncset.done @!p0 $0x0  }
0x129: {  	[sflag:s0] =	ssyncadd.s32 @!p0 $0xFFFFFFE8  }
0x12a: {  	_ =	swait.ge @!p0 [sflag:s0], $0xC8  }
0x12b: {  	s29 =	simm.s32 @!p0 $0x4400;
	[sflag:s0] =	ssyncset.done @!p0 $0x0  }
0x12c: {  	s17 =	simm.s32 @!p0 $0x4080;
	[sflag:s0] =	ssyncadd.s32 @!p0 $0xFFFFFF38;
	s0 =	simm.s32 @!p0 $0x70  }
0x12d: {  	[tilespmem:s29], [sflag:$0x1] =	stream.indirect.gather @!p0 [hbm4b:s7+s0], $0x40, s17, s0, $0xb8;
	[tilespmem:$0x12780] =	vst v63  }
0x12e: {  	s17 =	sadd.s32 @!p0 s24, s19  }
0x12f: {  	s6 =	smul.u32 @!p0 $0x3, s17  }
0x130: {  	s31 =	simm.s32 @!p0 $0x6000;
	s29 =	simm.s32 @!p0 $0x40F0;
	s17 =	smul.u32 @!p0 $0x19, s17  }
0x131: {  	[tilespmem:s31], [sflag:$0x1] =	stream.indirect.gather @!p0 [hbm4b:s7+s0], $0x40, s29, s0, $0xb8;
	[tilespmem:$0x12780] =	vst v63  }
0x132: {  	s29 =	simm.s32 @!p0 $0x4160;
	s0 =	sadd.s32 @!p0 s4, s6;
	s6 =	simm.s32 @!p0 $0x0  }
0x133: {  	[tilespmem:s29], [sflag:$0x6] =	stream.linear.gather @!p0 [hbm4b:s0+s6], $0x18, $0x38;
	[tilespmem:$0x12780] =	vst v63  }
0x134: {  	s0 =	sadd.s32 @!p0 s5, s17;
	s17 =	simm.s32 @!p0 $0x4178  }
0x135: {  	[tilespmem:s17], [sflag:$0x6] =	stream.linear.gather @!p0 [hbm4b:s0+s6], $0xC8, $0x38;
	[tilespmem:$0x12780] =	vst v63  }
0x136: {  	s6 =	simm.s32 @!p1 $0xA  }
0x137: {  	s0 =	sor.u32 $0x1, s24;
	_ =	swait.ge @!p1 [sflag:s6], $0xE0  }
0x138: {  	s17 =	sshll.u32 s0, $0x7;
	[sflag:s6] =	ssyncset.done @!p1 $0x0  }
0x139: {  	s17 =	sand.u32 $0x3FFFFF80, s17;
	[sflag:s6] =	ssyncadd.s32 @!p1 $0xFFFFFF20  }
0x13a: {  	v2 =	vld [tilespmem:s17+$0x80]  }
0x13b: {  	v3 =	vld [tilespmem:s17+$0x90]  }
0x13c: {  	v0 =	vld [tilespmem:s17+$0xA0]  }
0x13d: {  	v1 =	vld [tilespmem:s17+$0xB0];
	s17 =	simm.s32 $0x7FF0  }
0x13e: {  	v6 =	vld [tilespmem:s17+$0xFFFFFF90]  }
0x13f: {  	v7 =	vld [tilespmem:s17+$0xFFFFFFA0]  }
0x140: {  	v9 =	vld [tilespmem:s17+$0xFFFFFFB0]  }
0x141: {  	v10 =	vld [tilespmem:s17+$0xFFFFFFC0]  }
0x142: {  	v4 =	vld [tilespmem:s17+$0xFFFFFF50]  }
0x143: {  	v11 =	vld [tilespmem:s17+$0xFFFFFF10]  }
0x144: {  	v12 =	vld [tilespmem:s17+$0xFFFFFF20]  }
0x145: {  	v13 =	vld [tilespmem:s17+$0xFFFFFF30]  }
0x146: {  	v14 =	vld [tilespmem:s17+$0xFFFFFF40]  }
0x147: {  	v15 =	vld [tilespmem:s17+$0xFFFFFED0]  }
0x148: {  	v16 =	vld [tilespmem:s17+$0xFFFFFEE0]  }
0x149: {  	v17 =	vld [tilespmem:s17+$0xFFFFFEF0]  }
0x14a: {  	v18 =	vld [tilespmem:s17+$0xFFFFFF00]  }
0x14b: {  	v5 =	vld [tilespmem:s17+$0xFFFFFE90]  }
0x14c: {  	v19 =	vld [tilespmem:s17+$0xFFFFFE50]  }
0x14d: {  	v20 =	vld [tilespmem:s17+$0xFFFFFE60]  }
0x14e: {  	v21 =	vld [tilespmem:s17+$0xFFFFFE70]  }
0x14f: {  	v22 =	vld [tilespmem:s17+$0xFFFFFE80]  }
0x150: {  	v23 =	vld [tilespmem:s17+$0xFFFFFE10]  }
0x151: {  	v57 =	vld [tilespmem:s17+$0xFFFFFE20]  }
0x152: {  	v58 =	vld [tilespmem:s17+$0xFFFFFE30]  }
0x153: {  	v59 =	vld [tilespmem:s17+$0xFFFFFE40];
	v6 =	vmul.f32 v6, v2;
	v7 =	vmul.f32 v7, v3  }
0x154: {  	v8 =	vld [tilespmem:s17+$0xFFFFFDD0];
	v9 =	vmul.f32 v9, v0;
	v10 =	vmul.f32 v10, v1  }
0x155: {  	v27 =	vld [tilespmem:s17+$0xFFFFFD90];
	v6 =	vadd.f32 v7, v6;
	v7 =	vmul.f32 v11, v2;
	v11 =	vmul.f32 v12, v3  }
0x156: {  	v28 =	vld [tilespmem:s17+$0xFFFFFDA0];
	v19 =	vmul.f32 v19, v2;
	v20 =	vmul.f32 v20, v3;
	v9 =	vadd.f32 v10, v9  }
0x157: {  	v29 =	vld [tilespmem:s17+$0xFFFFFDB0];
	v10 =	vmul.f32 v13, v0;
	v13 =	vmul.f32 v14, v1;
	v7 =	vadd.f32 v11, v7  }
0x158: {  	v60 =	vld [tilespmem:s17+$0xFFFFFCA0];
	v11 =	vmul.f32 v15, v2;
	v15 =	vmul.f32 v16, v3;
	v6 =	vadd.f32 v9, v6  }
0x159: {  	v61 =	vld [tilespmem:s17+$0xFFFFFCB0];
	v9 =	vmul.f32 v17, v0;
	v17 =	vmul.f32 v18, v1;
	v10 =	vadd.f32 v13, v10  }
0x15a: {  	v62 =	vld [tilespmem:s17+$0xFFFFFCC0];
	v21 =	vmul.f32 v21, v0;
	v22 =	vmul.f32 v22, v1;
	v15 =	vadd.f32 v15, v11  }
0x15b: {  	v12 =	vld [tilespmem:s17+$0xFFFFFDC0];
	v7 =	vadd.f32 v10, v7;
	v9 =	vadd.f32 v17, v9  }
0x15c: {  	v14 =	vld [tilespmem:s17+$0xFFFFFD50];
	v17 =	vadd.f32 v20, v19;
	v20 =	vadd.f32 v22, v21;
	(xrf2) =	vadd.scan.msk.f32 $0xffff, v6  }
0x15d: {  	v18 =	vld [tilespmem:s17+$0xFFFFFD70];
	v22 =	vmul.f32 v59, v1;
	v6 =	vadd.f32 v9, v15;
	(xrf2) =	vadd.scan.msk.f32 $0xffff, v7;
	v7 =	vmul.f32 v23, v2  }
0x15e: {  	v16 =	vld [tilespmem:s17+$0xFFFFFD60];
	v15 =	vmul.f32 v57, v3;
	v17 =	vadd.f32 v20, v17;
	v20 =	vmul.f32 v58, v0  }
0x15f: {  	v13 =	vld [tilespmem:s17+$0xFFFFFD80];
	(xrf2) =	vadd.scan.msk.f32 $0xffff, v6  }
0x160: {  	v11 =	vld [tilespmem:s17+$0xFFFFFD10];
	v6 =	vadd.f32 v15, v7;
	(xrf2) =	vadd.scan.msk.f32 $0xffff, v17;
	v17 =	vadd.f32 v22, v20  }
0x161: {  	v10 =	vld [tilespmem:s17+$0xFFFFFCD0];
	v7 =	vmul.f32 v27, v2  }
0x162: {  	v19 =	vld [tilespmem:s17+$0xFFFFFCE0];
	v15 =	vmul.f32 v28, v3;
	v17 =	vadd.f32 v17, v6;
	v6 =	vmul.f32 v18, v0  }
0x163: {  	v9 =	vld [tilespmem:s17+$0xFFFFFCF0];
	v20 =	vmul.f32 v29, v0;
	v22 =	vmul.f32 v12, v1  }
0x164: {  	v21 =	vld [tilespmem:s17+$0xFFFFFD00];
	v7 =	vadd.f32 v15, v7;
	v15 =	vmul.f32 v16, v3;
	v16 =	vmul.f32 v13, v1  }
0x165: {  	v23 =	vld [tilespmem:s17+$0xFFFFFC90];
	v18 =	vadd.f32 v22, v20  }
0x166: {  	v14 =	vmul.f32 v14, v2;
	v12 =	vld [tilespmem:s17+$0xFFFFFC10];
	v22 =	vadd.f32 v16, v6;
	v6, _, _ =	vpop (xrf2);
	(xrf2) =	vadd.scan.msk.f32 $0xffff, v17  }
0x167: {  	v10 =	vmul.f32 v10, v2;
	v19 =	vmul.f32 v19, v3;
	v13 =	vld [tilespmem:s17+$0xFFFFFC20];
	v18 =	vadd.f32 v18, v7  }
0x168: {  	v9 =	vmul.f32 v9, v0;
	v20 =	vadd.f32 v15, v14;
	v14 =	vld [tilespmem:s17+$0xFFFFFC30]  }
0x169: {  	v21 =	vmul.f32 v21, v1;
	v10 =	vadd.f32 v19, v10;
	v15 =	vld [tilespmem:s17+$0xFFFFFC50];
	v7, _, _ =	vpop (xrf2);
	(xrf2) =	vadd.scan.msk.f32 $0xffff, v18  }
0x16a: {  	v16 =	vld [tilespmem:s17+$0xFFFFFC40];
	v19 =	vadd.f32 v22, v20  }
0x16b: {  	v24 =	vmul.f32 v60, v3;
	v63 =	vadd.f32 v21, v9;
	v17 =	vld [tilespmem:s17+$0xFFFFFC60];
	v20 =	vmul.f32 v23, v2  }
0x16c: {  	v22 =	vmul.f32 v61, v0;
	v23 =	vmul.f32 v62, v1;
	v18 =	vld [tilespmem:s17+$0xFFFFFC70];
	v9, _, _ =	vpop (xrf2);
	(xrf2) =	vadd.scan.msk.f32 $0xffff, v19  }
0x16d: {  	s31 =	simm.s32 $0x40;
	s29 =	simm.s32 $0x0;
	v21 =	vadd.f32 v24, v20;
	v20 =	vadd.f32 v63, v10;
	v19 =	vld [tilespmem:s17+$0xFFFFFC80];
	v10, _, _ =	vpop (xrf2)  }
.LBB2_8:
0x16e: {  	p2 =	sne.s32 s31, $0x340;
	v12 =	vmul.f32 v12, v2;
	v13 =	vmul.f32 v13, v3;
	v22 =	vadd.f32 v23, v22;
	v23 =	vld [tilespmem:s17+$0xFFFFFD20]  }
0x16f: {  	v14 =	vmul.f32 v14, v0;
	v16 =	vmul.f32 v16, v1;
	v24 =	vld [tilespmem:s17+$0xFFFFFD30];
	(xrf2) =	vadd.scan.msk.f32 $0xffff, v20  }
0x170: {  	v12 =	vadd.f32 v13, v12;
	v13 =	vadd.f32 v22, v21;
	v20 =	vld [tilespmem:s17+$0xFFFFFD40];
	v21, _, _ =	vpop (xrf2)  }
0x171: {  	v15 =	vmul.f32 v15, v2;
	v25 =	vadd.f32 v16, v14;
	v16 =	vmul.f32 v17, v3;
	v17 =	vld [tilespmem:s17+$0xFFFFFDE0]  }
0x172: {  	v18 =	vmul.f32 v18, v0;
	v19 =	vmul.f32 v19, v1;
	v22 =	vld [tilespmem:s17+$0xFFFFFDF0];
	(xrf2) =	vadd.scan.msk.f32 $0xffff, v13  }
0x173: {  	v11 =	vmul.f32 v11, v2;
	v12 =	vadd.f32 v25, v12;
	v13 =	vld [tilespmem:s17+$0xFFFFFE00];
	v14, _, _ =	vpop (xrf2)  }
0x174: {  	v15 =	vadd.f32 v16, v15;
	v25 =	vadd.f32 v19, v18;
	v18 =	vmul.f32 v23, v3;
	v19 =	vld [tilespmem:s17+$0xFFFFFEA0]  }
0x175: {  	v23 =	vmul.f32 v24, v0;
	v20 =	vmul.f32 v20, v1;
	v24 =	vld [tilespmem:s17+$0xFFFFFEB0];
	(xrf2) =	vadd.scan.msk.f32 $0xffff, v12  }
0x176: {  	v8 =	vmul.f32 v8, v2;
	v12 =	vadd.f32 v25, v15;
	v15 =	vld [tilespmem:s17+$0xFFFFFEC0];
	v16, _, _ =	vpop (xrf2)  }
0x177: {  	v11 =	vadd.f32 v18, v11;
	v17 =	vmul.f32 v17, v3;
	v25 =	vadd.f32 v20, v23;
	v20 =	vld [tilespmem:s17+$0xFFFFFF60]  }
0x178: {  	v22 =	vmul.f32 v22, v0;
	v13 =	vmul.f32 v13, v1;
	v23 =	vld [tilespmem:s17+$0xFFFFFF70];
	(xrf2) =	vadd.scan.msk.f32 $0xffff, v12  }
0x179: {  	v5 =	vmul.f32 v5, v2;
	v11 =	vadd.f32 v25, v11;
	v12 =	vld [tilespmem:s17+$0xFFFFFF80];
	v18, _, _ =	vpop (xrf2)  }
0x17a: {  	v8 =	vadd.f32 v17, v8;
	v17 =	vmul.f32 v19, v3;
	v25 =	vadd.f32 v13, v22;
	v19 =	vld [tilespmem:s17+$0xFFFFFFD0]  }
0x17b: {  	v22 =	vmul.f32 v24, v0;
	v15 =	vmul.f32 v15, v1;
	v24 =	vld [tilespmem:s17+$0xFFFFFFE0];
	(xrf2) =	vadd.scan.msk.f32 $0xffff, v11  }
0x17c: {  	v4 =	vmul.f32 v4, v2;
	v25 =	vadd.f32 v25, v8;
	v11 =	vld [tilespmem:s17+$0xFFFFFFF0];
	v13, _, _ =	vpop (xrf2)  }
0x17d: {  	v5 =	vadd.f32 v17, v5;
	v17 =	vmul.f32 v20, v3;
	v15 =	vadd.f32 v15, v22;
	v20 =	vld [tilespmem:s17+$0x0]  }
0x17e: {  	v22 =	vmul.f32 v23, v0;
	v12 =	vmul.f32 v12, v1;
	(xrf2) =	vadd.scan.msk.f32 $0xffff, v25  }
0x17f: {  	v5 =	vadd.f32 v15, v5;
	v8, _, _ =	vpop (xrf2)  }
0x180: {  	v4 =	vadd.f32 v17, v4;
	v22 =	vadd.f32 v12, v22  }
0x181: {  	v15 =	vmul.f32 v19, v2;
	v17 =	vmul.f32 v24, v3;
	(xrf2) =	vadd.scan.msk.f32 $0xffff, v5  }
0x182: {  	v5 =	vmul.f32 v11, v0;
	v4 =	vadd.f32 v22, v4;
	v19 =	vmul.f32 v20, v1;
	v12, _, _ =	vpop (xrf2)  }
0x183: {  	v8 =	vbroadcast v8, $0xF;
	v12 =	vbroadcast v12, $0xF  }
0x184: {  	v13 =	vbroadcast v13, $0xF;
	v15 =	vadd.f32 v17, v15;
	v5 =	vadd.f32 v19, v5;
	(xrf2) =	vadd.scan.msk.f32 $0xffff, v4  }
0x185: {  	v4 =	vsel vm0, v8, v12;
	v8 =	vbroadcast v18, $0xF;
	v11, _, _ =	vpop (xrf2)  }
0x186: {  	v4 =	vsel vm1, v4, v13;
	v11 =	vbroadcast v11, $0xF;
	v5 =	vadd.f32 v5, v15  }
0x187: {  	v4 =	vsel vm2, v4, v8;
	v8 =	vbroadcast v16, $0xF  }
0x188: {  	v4 =	vsel vm3, v4, v11;
	v11 =	vbroadcast v14, $0xF;
	v12, _, _ =	vpop (xrf2);
	(xrf2) =	vadd.scan.msk.f32 $0xffff, v5  }
0x189: {  	v4 =	vsel vm4, v4, v8;
	v5 =	vbroadcast v12, $0xF  }
0x18a: {  	v8 =	vbroadcast v21, $0xF;
	v4 =	vsel vm5, v4, v11  }
0x18b: {  	v4 =	vsel vm6, v4, v5;
	v5 =	vbroadcast v10, $0xF;
	v10, _, _ =	vpop (xrf2)  }
0x18c: {  	v4 =	vsel vm7, v4, v8;
	v10 =	vbroadcast v10, $0xF  }
0x18d: {  	v4 =	vsel vm8, v4, v5;
	v5 =	vbroadcast v9, $0xF  }
0x18e: {  	v7 =	vbroadcast v7, $0xF;
	v4 =	vsel vm9, v4, v10;
	v8, _, _ =	vpop (xrf2)  }
0x18f: {  	v4 =	vsel vm10, v4, v5;
	v8 =	vbroadcast v8, $0xF  }
0x190: {  	v6 =	vbroadcast v6, $0xF;
	v4 =	vsel vm11, v4, v7  }
0x191: {  	v4 =	vsel vm12, v4, v8  }
0x192: {  	v4 =	vsel vm13, v4, v6;
	v5, _, _ =	vpop (xrf2)  }
0x193: {  	s6 =	sshra.s32 s29, $0x2;
	s29 =	smov.u32 s31;
	v4 =	vsel vm14, v4, v5  }
0x194: {  	s17 =	sadd.s32 $0x400, s17;
	[tilespmem:s6+$0x124E0] =	vst v4  }
0x195: {  	v6 =	vld [tilespmem:s17+$0xFFFFFF90]  }
0x196: {  	v7 =	vld [tilespmem:s17+$0xFFFFFFA0]  }
0x197: {  	v9 =	vld [tilespmem:s17+$0xFFFFFFB0]  }
0x198: {  	v10 =	vld [tilespmem:s17+$0xFFFFFFC0]  }
0x199: {  	v4 =	vld [tilespmem:s17+$0xFFFFFF50]  }
0x19a: {  	v11 =	vld [tilespmem:s17+$0xFFFFFF10]  }
0x19b: {  	v12 =	vld [tilespmem:s17+$0xFFFFFF20]  }
0x19c: {  	v13 =	vld [tilespmem:s17+$0xFFFFFF30]  }
0x19d: {  	v14 =	vld [tilespmem:s17+$0xFFFFFF40]  }
0x19e: {  	v15 =	vld [tilespmem:s17+$0xFFFFFED0]  }
0x19f: {  	v16 =	vld [tilespmem:s17+$0xFFFFFEE0]  }
0x1a0: {  	v17 =	vld [tilespmem:s17+$0xFFFFFEF0]  }
0x1a1: {  	v18 =	vld [tilespmem:s17+$0xFFFFFF00]  }
0x1a2: {  	v5 =	vld [tilespmem:s17+$0xFFFFFE90]  }
0x1a3: {  	v19 =	vld [tilespmem:s17+$0xFFFFFE50]  }
0x1a4: {  	v20 =	vld [tilespmem:s17+$0xFFFFFE60]  }
0x1a5: {  	v21 =	vld [tilespmem:s17+$0xFFFFFE70]  }
0x1a6: {  	v22 =	vld [tilespmem:s17+$0xFFFFFE80]  }
0x1a7: {  	v23 =	vld [tilespmem:s17+$0xFFFFFE10]  }
0x1a8: {  	v24 =	vld [tilespmem:s17+$0xFFFFFE20]  }
0x1a9: {  	v25 =	vld [tilespmem:s17+$0xFFFFFE30]  }
0x1aa: {  	v6 =	vmul.f32 v6, v2;
	v7 =	vmul.f32 v7, v3;
	v26 =	vld [tilespmem:s17+$0xFFFFFE40]  }
0x1ab: {  	v9 =	vmul.f32 v9, v0;
	v10 =	vmul.f32 v10, v1;
	v8 =	vld [tilespmem:s17+$0xFFFFFDD0]  }
0x1ac: {  	v6 =	vadd.f32 v7, v6;
	v27 =	vld [tilespmem:s17+$0xFFFFFD90]  }
0x1ad: {  	v11 =	vmul.f32 v11, v2;
	v9 =	vadd.f32 v10, v9;
	v12 =	vmul.f32 v12, v3;
	v7 =	vld [tilespmem:s17+$0xFFFFFDA0]  }
0x1ae: {  	v13 =	vmul.f32 v13, v0;
	v14 =	vmul.f32 v14, v1;
	v10 =	vld [tilespmem:s17+$0xFFFFFDB0]  }
0x1af: {  	v6 =	vadd.f32 v9, v6;
	v11 =	vadd.f32 v12, v11;
	v28 =	vld [tilespmem:s17+$0xFFFFFDC0]  }
0x1b0: {  	v12 =	vmul.f32 v15, v2;
	v15 =	vmul.f32 v16, v3;
	v13 =	vadd.f32 v14, v13;
	v9 =	vld [tilespmem:s17+$0xFFFFFD50]  }
0x1b1: {  	v16 =	vmul.f32 v17, v0;
	v17 =	vmul.f32 v18, v1;
	v14 =	vld [tilespmem:s17+$0xFFFFFD60];
	(xrf2) =	vadd.scan.msk.f32 $0xffff, v6  }
0x1b2: {  	v6 =	vadd.f32 v15, v12;
	v12 =	vadd.f32 v13, v11;
	v18 =	vld [tilespmem:s17+$0xFFFFFD70]  }
0x1b3: {  	v16 =	vadd.f32 v17, v16;
	v15 =	vmul.f32 v19, v2;
	v19 =	vmul.f32 v20, v3;
	v13 =	vld [tilespmem:s17+$0xFFFFFD80]  }
0x1b4: {  	v17 =	vmul.f32 v21, v0;
	v20 =	vmul.f32 v22, v1;
	v11 =	vld [tilespmem:s17+$0xFFFFFD10];
	(xrf2) =	vadd.scan.msk.f32 $0xffff, v12  }
0x1b5: {  	v6 =	vadd.f32 v16, v6;
	v12 =	vadd.f32 v19, v15;
	v21 =	vld [tilespmem:s17+$0xFFFFFCD0]  }
0x1b6: {  	v16 =	vmul.f32 v23, v2;
	v17 =	vadd.f32 v20, v17;
	v19 =	vmul.f32 v24, v3;
	v15 =	vld [tilespmem:s17+$0xFFFFFCE0]  }
0x1b7: {  	v22 =	vmul.f32 v25, v0;
	v23 =	vmul.f32 v26, v1;
	v20 =	vld [tilespmem:s17+$0xFFFFFCF0];
	(xrf2) =	vadd.scan.msk.f32 $0xffff, v6  }
0x1b8: {  	v26 =	vadd.f32 v19, v16;
	v12 =	vadd.f32 v17, v12;
	v24 =	vld [tilespmem:s17+$0xFFFFFD00]  }
0x1b9: {  	v7 =	vmul.f32 v7, v3;
	v16 =	vmul.f32 v27, v2;
	v17 =	vadd.f32 v23, v22;
	v19 =	vld [tilespmem:s17+$0xFFFFFC90]  }
0x1ba: {  	v10 =	vmul.f32 v10, v0;
	v23 =	vmul.f32 v28, v1;
	v22 =	vld [tilespmem:s17+$0xFFFFFCA0];
	(xrf2) =	vadd.scan.msk.f32 $0xffff, v12  }
0x1bb: {  	v27 =	vadd.f32 v7, v16;
	v16 =	vadd.f32 v17, v26;
	v25 =	vld [tilespmem:s17+$0xFFFFFCB0];
	v6, _, _ =	vpop (xrf2)  }
0x1bc: {  	v9 =	vmul.f32 v9, v2;
	v14 =	vmul.f32 v14, v3;
	v10 =	vadd.f32 v23, v10;
	v26 =	vld [tilespmem:s17+$0xFFFFFCC0]  }
0x1bd: {  	v17 =	vmul.f32 v18, v0;
	v18 =	vmul.f32 v13, v1;
	v12 =	vld [tilespmem:s17+$0xFFFFFC10];
	(xrf2) =	vadd.scan.msk.f32 $0xffff, v16  }
0x1be: {  	v28 =	vadd.f32 v14, v9;
	v10 =	vadd.f32 v10, v27;
	v13 =	vld [tilespmem:s17+$0xFFFFFC20];
	v7, _, _ =	vpop (xrf2)  }
0x1bf: {  	v21 =	vmul.f32 v21, v2;
	v17 =	vadd.f32 v18, v17;
	v23 =	vmul.f32 v15, v3;
	v14 =	vld [tilespmem:s17+$0xFFFFFC30]  }
.Ltmp3:
0x1c0: {  	v18 =	vmul.f32 v20, v0;
	v20 =	vmul.f32 v24, v1;
	v16 =	vld [tilespmem:s17+$0xFFFFFC40];
	(xrf2) =	vadd.scan.msk.f32 $0xffff, v10;
	(pc) =	sbr.rel @p2 .LBB2_8-.Ltmp3, $4  }
0x1c1: {  	v29 =	vadd.f32 v23, v21;
	v21 =	vadd.f32 v17, v28;
	v15 =	vld [tilespmem:s17+$0xFFFFFC50];
	v9, _, _ =	vpop (xrf2)  }
0x1c2: {  	v24 =	vmul.f32 v19, v2;
	v27 =	vmul.f32 v22, v3;
	v20 =	vadd.f32 v20, v18;
	v17 =	vld [tilespmem:s17+$0xFFFFFC60]  }
0x1c3: {  	v22 =	vmul.f32 v25, v0;
	v23 =	vmul.f32 v26, v1;
	v18 =	vld [tilespmem:s17+$0xFFFFFC70];
	(xrf2) =	vadd.scan.msk.f32 $0xffff, v21  }
0x1c4: {  	s31 =	sadd.s32 $0x40, s31;
	v20 =	vadd.f32 v20, v29;
	v21 =	vadd.f32 v27, v24;
	v19 =	vld [tilespmem:s17+$0xFFFFFC80];
	v10, _, _ =	vpop (xrf2)  }
0x1c5: {  	v24 =	vld [tilespmem:s17+$0xFFFFFD20]  }
0x1c6: {  	v12 =	vmul.f32 v12, v2;
	v13 =	vmul.f32 v13, v3;
	v25 =	vld [tilespmem:s17+$0xFFFFFD30]  }
0x1c7: {  	v14 =	vmul.f32 v14, v0;
	v16 =	vmul.f32 v16, v1;
	v26 =	vld [tilespmem:s17+$0xFFFFFD40]  }
0x1c8: {  	v22 =	vadd.f32 v23, v22;
	v23 =	vld [tilespmem:s17+$0xFFFFFDE0];
	v11 =	vmul.f32 v11, v2;
	v15 =	vmul.f32 v15, v2  }
0x1c9: {  	v17 =	vmul.f32 v17, v3;
	v12 =	vadd.f32 v13, v12;
	v14 =	vadd.f32 v16, v14;
	v16 =	vld [tilespmem:s17+$0xFFFFFE00]  }
0x1ca: {  	v21 =	vadd.f32 v22, v21;
	v22 =	vld [tilespmem:s17+$0xFFFFFEB0];
	v13 =	vmul.f32 v18, v0;
	v18 =	vmul.f32 v19, v1  }
0x1cb: {  	v19 =	vld [tilespmem:s17+$0xFFFFFDF0];
	v15 =	vadd.f32 v17, v15;
	v12 =	vadd.f32 v14, v12;
	v17 =	vmul.f32 v24, v3  }
0x1cc: {  	(xrf2) =	vadd.scan.msk.f32 $0xffff, v20;
	v14 =	vmul.f32 v25, v0;
	v20 =	vmul.f32 v26, v1;
	v13 =	vadd.f32 v18, v13;
	v18 =	vld [tilespmem:s17+$0xFFFFFEA0]  }
0x1cd: {  	(xrf2) =	vadd.scan.msk.f32 $0xffff, v21;
	v11 =	vadd.f32 v17, v11;
	v17 =	vld [tilespmem:s17+$0xFFFFFF60]  }
0x1ce: {  	(xrf2) =	vadd.scan.msk.f32 $0xffff, v12;
	v12 =	vadd.f32 v20, v14;
	v13 =	vadd.f32 v13, v15;
	v15 =	vld [tilespmem:s17+$0xFFFFFEC0]  }
0x1cf: {  	v8 =	vmul.f32 v8, v2;
	v14 =	vmul.f32 v23, v3;
	v20 =	vld [tilespmem:s17+$0xFFFFFF70]  }
0x1d0: {  	v16 =	vmul.f32 v16, v1;
	v19 =	vmul.f32 v19, v0;
	v11 =	vadd.f32 v12, v11;
	v12 =	vld [tilespmem:s17+$0xFFFFFF80]  }
0x1d1: {  	v5 =	vmul.f32 v5, v2;
	v4 =	vmul.f32 v4, v2  }
0x1d2: {  	v8 =	vadd.f32 v14, v8;
	(xrf2) =	vadd.scan.msk.f32 $0xffff, v13;
	v13 =	vadd.f32 v16, v19;
	v14 =	vmul.f32 v18, v3  }
0x1d3: {  	v18 =	vmul.f32 v22, v0;
	(xrf2) =	vadd.scan.msk.f32 $0xffff, v11;
	v15 =	vmul.f32 v15, v1  }
0x1d4: {  	v16 =	vld [tilespmem:s17+$0xFFFFFFD0];
	v20 =	vmul.f32 v20, v0;
	v8 =	vadd.f32 v13, v8;
	v5 =	vadd.f32 v14, v5  }
0x1d5: {  	v19 =	vld [tilespmem:s17+$0xFFFFFFE0];
	v12 =	vmul.f32 v12, v1;
	v14 =	vadd.f32 v15, v18;
	v15 =	vmul.f32 v17, v3  }
0x1d6: {  	v11, _, _ =	vpop (xrf2);
	v13 =	vld [tilespmem:s17+$0xFFFFFFF0]  }
0x1d7: {  	v21, _, _ =	vpop (xrf2);
	v17 =	vld [tilespmem:s17+$0x0];
	v12 =	vadd.f32 v12, v20;
	v4 =	vadd.f32 v15, v4  }
0x1d8: {  	v18, _, _ =	vpop (xrf2);
	(xrf2) =	vadd.scan.msk.f32 $0xffff, v8;
	v5 =	vadd.f32 v14, v5  }
0x1d9: {  	v8, _, _ =	vpop (xrf2);
	v4 =	vadd.f32 v12, v4  }
0x1da: {  	v14, _, _ =	vpop (xrf2)  }
0x1db: {  	v2 =	vmul.f32 v16, v2;
	v3 =	vmul.f32 v19, v3;
	v15, _, _ =	vpop (xrf2);
	(xrf2) =	vadd.scan.msk.f32 $0xffff, v5  }
0x1dc: {  	v0 =	vmul.f32 v13, v0;
	v1 =	vmul.f32 v17, v1;
	v5, _, _ =	vpop (xrf2)  }
0x1dd: {  	v2 =	vadd.f32 v3, v2;
	v12 =	vbroadcast v15, $0xF;
	(xrf2) =	vadd.scan.msk.f32 $0xffff, v4;
	v5 =	vbroadcast v5, $0xF;
	v4, _, _ =	vpop (xrf2)  }
0x1de: {  	v13 =	vbroadcast v14, $0xF;
	v0 =	vadd.f32 v1, v0;
	v4 =	vbroadcast v4, $0xF  }
0x1df: {  	v3 =	vbroadcast v8, $0xF;
	v1 =	vsel vm0, v12, v5  }
0x1e0: {  	v0 =	vadd.f32 v0, v2;
	v1 =	vsel vm1, v1, v13  }
0x1e1: {  	v2 =	vbroadcast v18, $0xF;
	v1 =	vsel vm2, v1, v3;
	v3 =	vbroadcast v21, $0xF  }
0x1e2: {  	v1 =	vsel vm3, v1, v4;
	v4, _, _ =	vpop (xrf2)  }
0x1e3: {  	(xrf2) =	vadd.scan.msk.f32 $0xffff, v0;
	v0 =	vsel vm4, v1, v2;
	v1 =	vbroadcast v4, $0xF  }
0x1e4: {  	v2 =	vbroadcast v11, $0xF;
	v0 =	vsel vm5, v0, v3  }
0x1e5: {  	v3, _, _ =	vpop (xrf2);
	v0 =	vsel vm6, v0, v1;
	v1 =	vbroadcast v10, $0xF  }
0x1e6: {  	v0 =	vsel vm7, v0, v2;
	v2 =	vbroadcast v3, $0xF  }
0x1e7: {  	v0 =	vsel vm8, v0, v1;
	v1 =	vbroadcast v9, $0xF  }
0x1e8: {  	v3, _, _ =	vpop (xrf2);
	v0 =	vsel vm9, v0, v2  }
0x1e9: {  	v2 =	vbroadcast v7, $0xF;
	v0 =	vsel vm10, v0, v1;
	v1 =	vbroadcast v3, $0xF;
	_ =	sdelay $0x1  }
0x1ea: {  	v0 =	vsel vm11, v0, v2;
	v2 =	vbroadcast v6, $0xF  }
0x1eb: {  	s0 =	sadd.s32 s3, s0;
	v0 =	vsel vm12, v0, v1  }
0x1ec: {  	s0 =	smul.u32 $0x1C, s0;
	v0 =	vsel vm13, v0, v2;
	v1, _, _ =	vpop (xrf2)  }
0x1ed: {  	s6 =	sshra.s32 s29, $0x2;
	v0 =	vsel vm14, v0, v1  }
0x1ee: {  	s0 =	sadd.s32 s8, s0;
	[tilespmem:s6+$0x124E0] =	vst v0  }
0x1ef: {  	[hbm4b:s0+s2] =	stream.linear.scatter [tilespmem:s11], [sflag:$0xA], $0xE0, $0x38;
	[tilespmem:$0x12780] =	vst v63  }
0x1f0: {  	_ =	swait.ge [sflag:s12], $0x1C00  }
0x1f1: {  	[sflag:s12] =	ssyncset.done $0x0  }
0x1f2: {  	[sflag:s12] =	ssyncadd.s32 $0xFFFFE400  }
0x1f3: {  	_ =	swait.ge [sflag:s12], $0x1C00  }
0x1f4: {  	[sflag:s12] =	ssyncset.done $0x0  }
0x1f5: {  	s0 =	simm.s32 @!p0 $0x6;
	[sflag:s12] =	ssyncadd.s32 $0xFFFFE400  }
0x1f6: {  	_ =	swait.ge @!p0 [sflag:s0], $0x18  }
0x1f7: {  	[sflag:s0] =	ssyncset.done @!p0 $0x0  }
0x1f8: {  	[sflag:s0] =	ssyncadd.s32 @!p0 $0xFFFFFFE8  }
0x1f9: {  	_ =	swait.ge @!p0 [sflag:s0], $0xC8  }
0x1fa: {  	s17 =	simm.s32 @!p0 $0x7C00;
	[sflag:s0] =	ssyncset.done @!p0 $0x0  }
0x1fb: {  	s6 =	simm.s32 @!p0 $0x4160;
	[sflag:s0] =	ssyncadd.s32 @!p0 $0xFFFFFF38;
	s0 =	simm.s32 @!p0 $0x70  }
0x1fc: {  	[tilespmem:s17], [sflag:$0x2] =	stream.indirect.gather @!p0 [hbm4b:s7+s0], $0x40, s6, s0, $0xb8;
	[tilespmem:$0x12780] =	vst v63  }
0x1fd: {  	s6 =	sadd.s32 @!p0 s24, s20  }
0x1fe: {  	s31 =	smul.u32 @!p0 $0x3, s6  }
0x1ff: {  	s29 =	simm.s32 @!p0 $0x9800;
	s17 =	simm.s32 @!p0 $0x41D0;
	s6 =	smul.u32 @!p0 $0x19, s6  }
0x200: {  	[tilespmem:s29], [sflag:$0x2] =	stream.indirect.gather @!p0 [hbm4b:s7+s0], $0x40, s17, s0, $0xb8;
	[tilespmem:$0x12780] =	vst v63  }
0x201: {  	s17 =	simm.s32 @!p0 $0x0;
	s29 =	simm.s32 @!p0 $0x4240;
	s0 =	sadd.s32 @!p0 s4, s31  }
0x202: {  	[tilespmem:s29], [sflag:$0x7] =	stream.linear.gather @!p0 [hbm4b:s0+s17], $0x18, $0x38;
	[tilespmem:$0x12780] =	vst v63  }
0x203: {  	s0 =	sadd.s32 @!p0 s5, s6;
	s6 =	simm.s32 @!p0 $0x4258  }
0x204: {  	[tilespmem:s6], [sflag:$0x7] =	stream.linear.gather @!p0 [hbm4b:s0+s17], $0xC8, $0x38;
	[tilespmem:$0x12780] =	vst v63  }
0x205: {  	s6 =	simm.s32 @!p1 $0xB  }
0x206: {  	s0 =	sor.u32 $0x2, s24;
	_ =	swait.ge @!p1 [sflag:s6], $0xE0  }
0x207: {  	s17 =	sshll.u32 s0, $0x7;
	[sflag:s6] =	ssyncset.done @!p1 $0x0  }
0x208: {  	s17 =	sand.u32 $0x3FFFFF80, s17;
	[sflag:s6] =	ssyncadd.s32 @!p1 $0xFFFFFF20  }
0x209: {  	v2 =	vld [tilespmem:s17+$0x80]  }
0x20a: {  	v3 =	vld [tilespmem:s17+$0x90]  }
0x20b: {  	v0 =	vld [tilespmem:s17+$0xA0]  }
0x20c: {  	s6 =	simm.s32 $0x0;
	v1 =	vld [tilespmem:s17+$0xB0]  }
0x20d: {  	v6 =	vld [tilespmem:s6+$0xB780]  }
0x20e: {  	v7 =	vld [tilespmem:s6+$0xB790]  }
0x20f: {  	v8 =	vld [tilespmem:s6+$0xB7A0]  }
0x210: {  	v9 =	vld [tilespmem:s6+$0xB7B0]  }
0x211: {  	v10 =	vld [tilespmem:s6+$0xB700]  }
0x212: {  	v11 =	vld [tilespmem:s6+$0xB710]  }
0x213: {  	v12 =	vld [tilespmem:s6+$0xB720]  }
0x214: {  	v13 =	vld [tilespmem:s6+$0xB730]  }
0x215: {  	v14 =	vld [tilespmem:s6+$0xB6C0]  }
0x216: {  	v15 =	vld [tilespmem:s6+$0xB6D0]  }
0x217: {  	v16 =	vld [tilespmem:s6+$0xB6E0]  }
0x218: {  	v17 =	vld [tilespmem:s6+$0xB6F0]  }
0x219: {  	v5 =	vld [tilespmem:s6+$0xB680]  }
0x21a: {  	v18 =	vld [tilespmem:s6+$0xB640]  }
0x21b: {  	v19 =	vld [tilespmem:s6+$0xB650]  }
0x21c: {  	v20 =	vld [tilespmem:s6+$0xB660]  }
0x21d: {  	v21 =	vld [tilespmem:s6+$0xB670]  }
0x21e: {  	v22 =	vld [tilespmem:s6+$0xB600]  }
0x21f: {  	v23 =	vld [tilespmem:s6+$0xB610]  }
0x220: {  	v37 =	vld [tilespmem:s6+$0xB620]  }
0x221: {  	v38 =	vld [tilespmem:s6+$0xB630]  }
0x222: {  	v39 =	vld [tilespmem:s6+$0xB5C0]  }
0x223: {  	v28 =	vld [tilespmem:s6+$0xB590]  }
0x224: {  	v30 =	vld [tilespmem:s6+$0xB5B0]  }
0x225: {  	v32 =	vld [tilespmem:s6+$0xB550]  }
0x226: {  	v33 =	vld [tilespmem:s6+$0xB560];
	v6 =	vmul.f32 v6, v2  }
0x227: {  	v27 =	vld [tilespmem:s6+$0xB580];
	v7 =	vmul.f32 v7, v3;
	v8 =	vmul.f32 v8, v0  }
0x228: {  	v29 =	vld [tilespmem:s6+$0xB5A0];
	v9 =	vmul.f32 v9, v1;
	v10 =	vmul.f32 v10, v2  }
0x229: {  	v31 =	vld [tilespmem:s6+$0xB540];
	v11 =	vmul.f32 v11, v3;
	v40 =	vmul.f32 v28, v3  }
0x22a: {  	v41 =	vld [tilespmem:s6+$0xB4B0];
	v42 =	vmul.f32 v30, v1;
	v44 =	vmul.f32 v32, v3  }
0x22b: {  	v43 =	vld [tilespmem:s6+$0xB410];
	v46 =	vmul.f32 v33, v0;
	v6 =	vadd.f32 v7, v6;
	v7 =	vadd.f32 v9, v8  }
0x22c: {  	v45 =	vld [tilespmem:s6+$0xB420];
	v9 =	vmul.f32 v12, v0;
	v12 =	vmul.f32 v13, v1;
	v10 =	vadd.f32 v11, v10  }
0x22d: {  	v47 =	vld [tilespmem:s6+$0xB430];
	v13 =	vmul.f32 v15, v3;
	v6 =	vadd.f32 v7, v6;
	v7 =	vmul.f32 v14, v2  }
0x22e: {  	v8 =	vld [tilespmem:s6+$0xB570];
	v15 =	vmul.f32 v17, v1;
	v9 =	vadd.f32 v12, v9;
	v12 =	vmul.f32 v16, v0  }
0x22f: {  	v17 =	vmul.f32 v19, v3;
	v19 =	vmul.f32 v21, v1;
	v14 =	vld [tilespmem:s6+$0xB4C0];
	v7 =	vadd.f32 v13, v7  }
0x230: {  	v16 =	vld [tilespmem:s6+$0xB4D0];
	v13 =	vmul.f32 v18, v2;
	v9 =	vadd.f32 v9, v10;
	v10 =	vadd.f32 v15, v12  }
0x231: {  	v48 =	vld [tilespmem:s6+$0xB440];
	v15 =	vmul.f32 v20, v0;
	v20 =	vmul.f32 v23, v3  }
0x232: {  	v18 =	vld [tilespmem:s6+$0xB4E0];
	v13 =	vadd.f32 v17, v13;
	v7 =	vadd.f32 v10, v7;
	v10 =	vmul.f32 v22, v2  }
0x233: {  	v12 =	vld [tilespmem:s6+$0xB4F0];
	v15 =	vadd.f32 v19, v15;
	v19 =	vmul.f32 v37, v0;
	v22 =	vmul.f32 v38, v1  }
0x234: {  	v49 =	vld [tilespmem:s6+$0xB530];
	v8 =	vmul.f32 v8, v1;
	v14 =	vmul.f32 v14, v2;
	v10 =	vadd.f32 v20, v10  }
0x235: {  	v21 =	vld [tilespmem:s6+$0xB490];
	v16 =	vmul.f32 v16, v3;
	v13 =	vadd.f32 v15, v13;
	v15 =	vadd.f32 v22, v19  }
0x236: {  	v17 =	vld [tilespmem:s6+$0xB480];
	v8 =	vadd.f32 v8, v46;
	v20 =	vmul.f32 v27, v2;
	v22 =	vmul.f32 v29, v0  }
0x237: {  	v23 =	vld [tilespmem:s6+$0xB4A0];
	v18 =	vmul.f32 v18, v0;
	v10 =	vadd.f32 v15, v10;
	v15 =	vmul.f32 v31, v2  }
0x238: {  	v19 =	vld [tilespmem:s6+$0xB400];
	v12 =	vmul.f32 v12, v1;
	v20 =	vadd.f32 v40, v20;
	v22 =	vadd.f32 v42, v22  }
0x239: {  	(xrf2) =	vadd.scan.msk.f32 $0xffff, v6;
	v14 =	vadd.f32 v16, v14;
	v16 =	vld [tilespmem:s6+$0xB460];
	v15 =	vadd.f32 v44, v15  }
0x23a: {  	(xrf2) =	vadd.scan.msk.f32 $0xffff, v9;
	v6 =	vadd.f32 v12, v18;
	v20 =	vadd.f32 v22, v20;
	v22 =	vld [tilespmem:s6+$0xB450]  }
0x23b: {  	(xrf2) =	vadd.scan.msk.f32 $0xffff, v7;
	v8 =	vadd.f32 v8, v15;
	v15 =	vmul.f32 v17, v2;
	v17 =	vmul.f32 v21, v3;
	v21 =	vld [tilespmem:s6+$0xB470]  }
0x23c: {  	v11 =	vld [tilespmem:s6+$0xB500];
	v7 =	vmul.f32 v45, v0;
	(xrf2) =	vadd.scan.msk.f32 $0xffff, v13;
	v13 =	vmul.f32 v48, v2  }
0x23d: {  	v12 =	vmul.f32 v23, v0;
	v18 =	vmul.f32 v41, v1;
	v23 =	vld [tilespmem:s6+$0xB510];
	v6 =	vadd.f32 v6, v14  }
0x23e: {  	v9 =	vadd.f32 v17, v15;
	v15 =	vmul.f32 v19, v2;
	v17 =	vmul.f32 v43, v3;
	v19 =	vld [tilespmem:s6+$0xB520]  }
0x23f: {  	v14 =	vmul.f32 v47, v1;
	v12 =	vadd.f32 v18, v12;
	v18 =	vmul.f32 v22, v3;
	v22 =	vld [tilespmem:s6+$0xB5D0]  }
0x240: {  	(xrf2) =	vadd.scan.msk.f32 $0xffff, v10;
	v10 =	vadd.f32 v17, v15;
	v15 =	vmul.f32 v16, v0;
	v17 =	vld [tilespmem:s6+$0xB5E0];
	v16 =	vmul.f32 v21, v1  }
0x241: {  	v11 =	vmul.f32 v11, v2;
	(xrf2) =	vadd.scan.msk.f32 $0xffff, v20;
	v7 =	vadd.f32 v14, v7;
	v9 =	vadd.f32 v12, v9;
	v12 =	vld [tilespmem:s6+$0xB5F0]  }
0x242: {  	(xrf2) =	vadd.scan.msk.f32 $0xffff, v8;
	v14 =	vmul.f32 v23, v3;
	v8 =	vadd.f32 v18, v13;
	v13 =	vadd.f32 v16, v15;
	v15 =	vld [tilespmem:s6+$0xB690]  }
0x243: {  	(xrf2) =	vadd.scan.msk.f32 $0xffff, v6;
	v6 =	vadd.f32 v7, v10;
	v10 =	vmul.f32 v49, v1;
	v7 =	vmul.f32 v19, v0;
	v16 =	vld [tilespmem:s6+$0xB6A0]  }
0x244: {  	(xrf2) =	vadd.scan.msk.f32 $0xffff, v9;
	v9 =	vmul.f32 v39, v2;
	v8 =	vadd.f32 v13, v8;
	v13 =	vld [tilespmem:s6+$0xB6B0]  }
0x245: {  	v4 =	vld [tilespmem:s6+$0xB740];
	(xrf2) =	vadd.scan.msk.f32 $0xffff, v6;
	v6 =	vadd.f32 v14, v11;
	v7 =	vadd.f32 v10, v7;
	v10 =	vmul.f32 v22, v3  }
0x246: {  	v18 =	vld [tilespmem:s6+$0xB760];
	v17 =	vmul.f32 v17, v0;
	v12 =	vmul.f32 v12, v1  }
0x247: {  	v5 =	vmul.f32 v5, v2;
	v11 =	vld [tilespmem:s6+$0xB750];
	v14, _, _ =	vpop (xrf2);
	(xrf2) =	vadd.scan.msk.f32 $0xffff, v8;
	v6 =	vadd.f32 v7, v6  }
0x248: {  	v7 =	vld [tilespmem:s6+$0xB770];
	v9 =	vadd.f32 v10, v9;
	v10 =	vadd.f32 v12, v17;
	v12 =	vmul.f32 v15, v3;
	v8, _, _ =	vpop (xrf2)  }
0x249: {  	v20 =	vld [tilespmem:s6+$0xB7D0];
	v16 =	vmul.f32 v16, v0;
	v19, _, _ =	vpop (xrf2);
	v13 =	vmul.f32 v13, v1  }
0x24a: {  	v15 =	vld [tilespmem:s6+$0xB7C0];
	(xrf2) =	vadd.scan.msk.f32 $0xffff, v6;
	v9 =	vadd.f32 v10, v9;
	v17, _, _ =	vpop (xrf2)  }
0x24b: {  	v10 =	vld [tilespmem:s6+$0xB7E0];
	v5 =	vadd.f32 v12, v5;
	v6, _, _ =	vpop (xrf2);
	v12 =	vadd.f32 v13, v16  }
0x24c: {  	v4 =	vmul.f32 v4, v2;
	v11 =	vmul.f32 v11, v3;
	v13 =	vld [tilespmem:s6+$0xB7F0];
	v21, _, _ =	vpop (xrf2)  }
0x24d: {  	v18 =	vmul.f32 v18, v0;
	(xrf2) =	vadd.scan.msk.f32 $0xffff, v9;
	v7 =	vmul.f32 v7, v1;
	v16, _, _ =	vpop (xrf2)  }
0x24e: {  	v5 =	vadd.f32 v12, v5;
	v9, _, _ =	vpop (xrf2)  }
0x24f: {  	v4 =	vadd.f32 v11, v4;
	v7 =	vadd.f32 v7, v18;
	v12, _, _ =	vpop (xrf2)  }
0x250: {  	v15 =	vmul.f32 v15, v2;
	v18 =	vmul.f32 v20, v3;
	(xrf2) =	vadd.scan.msk.f32 $0xffff, v5;
	v11, _, _ =	vpop (xrf2)  }
0x251: {  	v4 =	vadd.f32 v7, v4;
	v5 =	vmul.f32 v10, v0;
	v7 =	vmul.f32 v13, v1;
	v10, _, _ =	vpop (xrf2)  }
0x252: {  	v11 =	vbroadcast v11, $0xF;
	v10 =	vbroadcast v10, $0xF  }
0x253: {  	v12 =	vbroadcast v12, $0xF;
	v13 =	vadd.f32 v18, v15;
	(xrf2) =	vadd.scan.msk.f32 $0xffff, v4  }
0x254: {  	v5 =	vadd.f32 v7, v5;
	v7 =	vbroadcast v9, $0xF;
	v9, _, _ =	vpop (xrf2);
	v4 =	vsel vm0, v11, v10  }
0x255: {  	v9 =	vbroadcast v9, $0xF;
	v4 =	vsel vm1, v4, v12  }
0x256: {  	v5 =	vadd.f32 v5, v13;
	v4 =	vsel vm2, v4, v7;
	v7 =	vbroadcast v16, $0xF  }
0x257: {  	v10, _, _ =	vpop (xrf2);
	v4 =	vsel vm3, v4, v9;
	v9 =	vbroadcast v21, $0xF  }
0x258: {  	(xrf2) =	vadd.scan.msk.f32 $0xffff, v5;
	v5 =	vbroadcast v10, $0xF;
	v4 =	vsel vm4, v4, v7  }
0x259: {  	v6 =	vbroadcast v6, $0xF;
	v4 =	vsel vm5, v4, v9  }
0x25a: {  	v4 =	vsel vm6, v4, v5;
	v5 =	vbroadcast v17, $0xF;
	v7, _, _ =	vpop (xrf2)  }
0x25b: {  	v4 =	vsel vm7, v4, v6;
	v6 =	vbroadcast v7, $0xF  }
0x25c: {  	v4 =	vsel vm8, v4, v5;
	v5 =	vbroadcast v19, $0xF  }
0x25d: {  	v7, _, _ =	vpop (xrf2);
	v4 =	vsel vm9, v4, v6  }
0x25e: {  	v6 =	vbroadcast v8, $0xF;
	v4 =	vsel vm10, v4, v5;
	v5 =	vbroadcast v7, $0xF;
	_ =	sdelay $0x1  }
0x25f: {  	v4 =	vsel vm11, v4, v6;
	v6 =	vbroadcast v14, $0xF  }
0x260: {  	v4 =	vsel vm12, v4, v5  }
0x261: {  	v4 =	vsel vm13, v4, v6;
	v5, _, _ =	vpop (xrf2)  }
0x262: {  	s17 =	simm.s32 $0x125C0;
	v4 =	vsel vm14, v4, v5  }
0x263: {  	s29 =	simm.s32 $0x400;
	[tilespmem:s17+$0x0] =	vst v4  }
0x264: {  	v6 =	vld [tilespmem:s29+$0xB780]  }
0x265: {  	v7 =	vld [tilespmem:s29+$0xB790]  }
0x266: {  	v9 =	vld [tilespmem:s29+$0xB7A0]  }
0x267: {  	v10 =	vld [tilespmem:s29+$0xB7B0]  }
0x268: {  	v4 =	vld [tilespmem:s29+$0xB740]  }
0x269: {  	v11 =	vld [tilespmem:s29+$0xB700]  }
0x26a: {  	v12 =	vld [tilespmem:s29+$0xB710]  }
0x26b: {  	v13 =	vld [tilespmem:s29+$0xB720]  }
0x26c: {  	v14 =	vld [tilespmem:s29+$0xB730]  }
0x26d: {  	v15 =	vld [tilespmem:s29+$0xB6C0]  }
0x26e: {  	v16 =	vld [tilespmem:s29+$0xB6D0]  }
0x26f: {  	v17 =	vld [tilespmem:s29+$0xB6E0]  }
0x270: {  	v18 =	vld [tilespmem:s29+$0xB6F0]  }
0x271: {  	v5 =	vld [tilespmem:s29+$0xB680]  }
0x272: {  	v19 =	vld [tilespmem:s29+$0xB640]  }
0x273: {  	v20 =	vld [tilespmem:s29+$0xB650]  }
0x274: {  	v21 =	vld [tilespmem:s29+$0xB660]  }
0x275: {  	v22 =	vld [tilespmem:s29+$0xB670]  }
0x276: {  	v23 =	vld [tilespmem:s29+$0xB600]  }
0x277: {  	v50 =	vld [tilespmem:s29+$0xB610]  }
0x278: {  	v51 =	vld [tilespmem:s29+$0xB620]  }
0x279: {  	v52 =	vld [tilespmem:s29+$0xB630]  }
0x27a: {  	v8 =	vld [tilespmem:s29+$0xB5C0];
	v6 =	vmul.f32 v6, v2  }
0x27b: {  	v53 =	vld [tilespmem:s29+$0xB580];
	v7 =	vmul.f32 v7, v3;
	v9 =	vmul.f32 v9, v0  }
0x27c: {  	v54 =	vld [tilespmem:s29+$0xB590];
	v10 =	vmul.f32 v10, v1;
	v11 =	vmul.f32 v11, v2  }
0x27d: {  	v55 =	vld [tilespmem:s29+$0xB5A0];
	v12 =	vmul.f32 v12, v3;
	v15 =	vmul.f32 v15, v2  }
0x27e: {  	v56 =	vld [tilespmem:s29+$0xB5B0];
	v16 =	vmul.f32 v16, v3;
	v6 =	vadd.f32 v7, v6;
	v9 =	vadd.f32 v10, v9  }
0x27f: {  	v57 =	vld [tilespmem:s29+$0xB540];
	v7 =	vmul.f32 v13, v0;
	v13 =	vmul.f32 v14, v1;
	v11 =	vadd.f32 v12, v11  }
0x280: {  	v58 =	vld [tilespmem:s29+$0xB560];
	v12 =	vmul.f32 v17, v0;
	v17 =	vmul.f32 v18, v1;
	v6 =	vadd.f32 v9, v6  }
0x281: {  	v59 =	vld [tilespmem:s29+$0xB4A0];
	v7 =	vadd.f32 v13, v7;
	v9 =	vadd.f32 v16, v15  }
0x282: {  	v60 =	vld [tilespmem:s29+$0xB4B0];
	v12 =	vadd.f32 v17, v12;
	v13 =	vmul.f32 v20, v3;
	v17 =	vmul.f32 v22, v1;
	(xrf2) =	vadd.scan.msk.f32 $0xffff, v6  }
0x283: {  	v14 =	vld [tilespmem:s29+$0xB550];
	v7 =	vadd.f32 v7, v11;
	v11 =	vmul.f32 v19, v2;
	v6 =	vmul.f32 v21, v0  }
0x284: {  	v18 =	vld [tilespmem:s29+$0xB570];
	v9 =	vadd.f32 v12, v9;
	v12 =	vmul.f32 v50, v3  }
0x285: {  	v10 =	vld [tilespmem:s29+$0xB500];
	(xrf2) =	vadd.scan.msk.f32 $0xffff, v7;
	v7 =	vadd.f32 v13, v11;
	v11 =	vmul.f32 v23, v2;
	v6 =	vadd.f32 v17, v6  }
0x286: {  	v15 =	vld [tilespmem:s29+$0xB4C0];
	v13 =	vmul.f32 v51, v0;
	v17 =	vmul.f32 v52, v1  }
0x287: {  	v16 =	vld [tilespmem:s29+$0xB4D0];
	v21 =	vmul.f32 v54, v3;
	v6 =	vadd.f32 v6, v7  }
0x288: {  	v20 =	vld [tilespmem:s29+$0xB4F0];
	v23 =	vmul.f32 v56, v1;
	(xrf2) =	vadd.scan.msk.f32 $0xffff, v9;
	v11 =	vadd.f32 v12, v11;
	v13 =	vadd.f32 v17, v13  }
0x289: {  	v22 =	vld [tilespmem:s29+$0xB490];
	v12 =	vmul.f32 v53, v2;
	v7 =	vmul.f32 v55, v0;
	(xrf2) =	vadd.scan.msk.f32 $0xffff, v6  }
0x28a: {  	v61 =	vmul.f32 v58, v0;
	v19 =	vld [tilespmem:s29+$0xB4E0];
	v14 =	vmul.f32 v14, v3;
	v11 =	vadd.f32 v13, v11  }
0x28b: {  	v18 =	vmul.f32 v18, v1;
	v9 =	vld [tilespmem:s29+$0xB480];
	v21 =	vadd.f32 v21, v12;
	v7 =	vadd.f32 v23, v7  }
0x28c: {  	v62 =	vmul.f32 v16, v3;
	v16 =	vld [tilespmem:s29+$0xB430];
	v17 =	vmul.f32 v57, v2;
	v6, _, _ =	vpop (xrf2);
	(xrf2) =	vadd.scan.msk.f32 $0xffff, v11  }
0x28d: {  	v12 =	vld [tilespmem:s29+$0xB400];
	v21 =	vadd.f32 v7, v21  }
0x28e: {  	v18 =	vadd.f32 v18, v61;
	v13 =	vld [tilespmem:s29+$0xB410];
	v17 =	vadd.f32 v14, v17;
	v23 =	vmul.f32 v15, v2  }
0x28f: {  	v20 =	vmul.f32 v20, v1;
	v19 =	vmul.f32 v19, v0;
	v14 =	vld [tilespmem:s29+$0xB420];
	v7, _, _ =	vpop (xrf2);
	(xrf2) =	vadd.scan.msk.f32 $0xffff, v21  }
0x290: {  	v15 =	vld [tilespmem:s29+$0xB440];
	v63 =	vadd.f32 v18, v17;
	v11 =	vadd.f32 v62, v23  }
0x291: {  	v17 =	vld [tilespmem:s29+$0xB450];
	v23 =	vmul.f32 v22, v3;
	v22 =	vadd.f32 v20, v19;
	v21 =	vmul.f32 v9, v2  }
0x292: {  	s31 =	simm.s32 $0x2000;
	v18 =	vld [tilespmem:s29+$0xB460];
	v19 =	vmul.f32 v59, v0;
	v20 =	vmul.f32 v60, v1;
	v9, _, _ =	vpop (xrf2);
	(xrf2) =	vadd.scan.msk.f32 $0xffff, v63  }
.LBB2_10:
0x293: {  	p2 =	sne.s32 s31, $0xD000;
	v24 =	vld [tilespmem:s29+$0xB470];
	v25 =	vadd.f32 v23, v21;
	v22 =	vadd.f32 v22, v11;
	v11, _, _ =	vpop (xrf2)  }
0x294: {  	v12 =	vmul.f32 v12, v2;
	v13 =	vmul.f32 v13, v3;
	v19 =	vadd.f32 v20, v19;
	v20 =	vld [tilespmem:s29+$0xB510]  }
0x295: {  	v14 =	vmul.f32 v14, v0;
	v16 =	vmul.f32 v16, v1;
	v23 =	vld [tilespmem:s29+$0xB520];
	(xrf2) =	vadd.scan.msk.f32 $0xffff, v22  }
0x296: {  	v12 =	vadd.f32 v13, v12;
	v13 =	vadd.f32 v19, v25;
	v19 =	vld [tilespmem:s29+$0xB530];
	v21, _, _ =	vpop (xrf2)  }
0x297: {  	v15 =	vmul.f32 v15, v2;
	v25 =	vadd.f32 v16, v14;
	v16 =	vmul.f32 v17, v3;
	v17 =	vld [tilespmem:s29+$0xB5D0]  }
0x298: {  	v18 =	vmul.f32 v18, v0;
	v22 =	vmul.f32 v24, v1;
	v24 =	vld [tilespmem:s29+$0xB5E0];
	(xrf2) =	vadd.scan.msk.f32 $0xffff, v13  }
0x299: {  	v10 =	vmul.f32 v10, v2;
	v12 =	vadd.f32 v25, v12;
	v13 =	vld [tilespmem:s29+$0xB5F0];
	v14, _, _ =	vpop (xrf2)  }
0x29a: {  	v15 =	vadd.f32 v16, v15;
	v25 =	vadd.f32 v22, v18;
	v18 =	vmul.f32 v20, v3;
	v20 =	vld [tilespmem:s29+$0xB690]  }
0x29b: {  	v22 =	vmul.f32 v23, v0;
	v19 =	vmul.f32 v19, v1;
	v23 =	vld [tilespmem:s29+$0xB6A0];
	(xrf2) =	vadd.scan.msk.f32 $0xffff, v12  }
0x29c: {  	v8 =	vmul.f32 v8, v2;
	v12 =	vadd.f32 v25, v15;
	v15 =	vld [tilespmem:s29+$0xB6B0];
	v16, _, _ =	vpop (xrf2)  }
0x29d: {  	v10 =	vadd.f32 v18, v10;
	v17 =	vmul.f32 v17, v3;
	v25 =	vadd.f32 v19, v22;
	v19 =	vld [tilespmem:s29+$0xB750]  }
0x29e: {  	v22 =	vmul.f32 v24, v0;
	v13 =	vmul.f32 v13, v1;
	v24 =	vld [tilespmem:s29+$0xB760];
	(xrf2) =	vadd.scan.msk.f32 $0xffff, v12  }
0x29f: {  	v5 =	vmul.f32 v5, v2;
	v10 =	vadd.f32 v25, v10;
	v12 =	vld [tilespmem:s29+$0xB770];
	v18, _, _ =	vpop (xrf2)  }
0x2a0: {  	v8 =	vadd.f32 v17, v8;
	v17 =	vmul.f32 v20, v3;
	v25 =	vadd.f32 v13, v22;
	v20 =	vld [tilespmem:s29+$0xB7C0]  }
0x2a1: {  	v22 =	vmul.f32 v23, v0;
	v15 =	vmul.f32 v15, v1;
	v23 =	vld [tilespmem:s29+$0xB7D0];
	(xrf2) =	vadd.scan.msk.f32 $0xffff, v10  }
0x2a2: {  	v4 =	vmul.f32 v4, v2;
	v25 =	vadd.f32 v25, v8;
	v10 =	vld [tilespmem:s29+$0xB7E0];
	v13, _, _ =	vpop (xrf2)  }
0x2a3: {  	v5 =	vadd.f32 v17, v5;
	v17 =	vmul.f32 v19, v3;
	v15 =	vadd.f32 v15, v22;
	v19 =	vld [tilespmem:s29+$0xB7F0]  }
0x2a4: {  	v22 =	vmul.f32 v24, v0;
	v12 =	vmul.f32 v12, v1;
	(xrf2) =	vadd.scan.msk.f32 $0xffff, v25  }
0x2a5: {  	v5 =	vadd.f32 v15, v5;
	v8, _, _ =	vpop (xrf2)  }
0x2a6: {  	v4 =	vadd.f32 v17, v4;
	v22 =	vadd.f32 v12, v22  }
0x2a7: {  	v15 =	vmul.f32 v20, v2;
	v17 =	vmul.f32 v23, v3;
	(xrf2) =	vadd.scan.msk.f32 $0xffff, v5  }
0x2a8: {  	v5 =	vmul.f32 v10, v0;
	v4 =	vadd.f32 v22, v4;
	v19 =	vmul.f32 v19, v1;
	v12, _, _ =	vpop (xrf2)  }
0x2a9: {  	v8 =	vbroadcast v8, $0xF;
	v12 =	vbroadcast v12, $0xF  }
0x2aa: {  	v13 =	vbroadcast v13, $0xF;
	v15 =	vadd.f32 v17, v15;
	v5 =	vadd.f32 v19, v5;
	(xrf2) =	vadd.scan.msk.f32 $0xffff, v4  }
0x2ab: {  	v4 =	vsel vm0, v8, v12;
	v8 =	vbroadcast v18, $0xF;
	v10, _, _ =	vpop (xrf2)  }
0x2ac: {  	v4 =	vsel vm1, v4, v13;
	v10 =	vbroadcast v10, $0xF;
	v5 =	vadd.f32 v5, v15  }
0x2ad: {  	v4 =	vsel vm2, v4, v8;
	v8 =	vbroadcast v16, $0xF  }
0x2ae: {  	v13 =	vbroadcast v14, $0xF;
	v4 =	vsel vm3, v4, v10;
	v12, _, _ =	vpop (xrf2);
	(xrf2) =	vadd.scan.msk.f32 $0xffff, v5  }
0x2af: {  	v4 =	vsel vm4, v4, v8;
	v5 =	vbroadcast v12, $0xF  }
0x2b0: {  	v8 =	vbroadcast v21, $0xF;
	v4 =	vsel vm5, v4, v13  }
0x2b1: {  	v4 =	vsel vm6, v4, v5;
	v5 =	vbroadcast v11, $0xF;
	v10, _, _ =	vpop (xrf2)  }
0x2b2: {  	v4 =	vsel vm7, v4, v8;
	v10 =	vbroadcast v10, $0xF  }
0x2b3: {  	v4 =	vsel vm8, v4, v5;
	v5 =	vbroadcast v9, $0xF  }
0x2b4: {  	v7 =	vbroadcast v7, $0xF;
	v4 =	vsel vm9, v4, v10;
	v8, _, _ =	vpop (xrf2)  }
0x2b5: {  	v4 =	vsel vm10, v4, v5;
	v8 =	vbroadcast v8, $0xF  }
0x2b6: {  	v6 =	vbroadcast v6, $0xF;
	v4 =	vsel vm11, v4, v7  }
0x2b7: {  	v4 =	vsel vm12, v4, v8  }
0x2b8: {  	v4 =	vsel vm13, v4, v6;
	v5, _, _ =	vpop (xrf2)  }
0x2b9: {  	s17 =	sadd.s32 $0x10, s17;
	v4 =	vsel vm14, v4, v5  }
0x2ba: {  	s29 =	sshra.s32 s31, $0x2;
	[tilespmem:s17+$0x0] =	vst v4  }
0x2bb: {  	v6 =	vld [tilespmem:s29+$0xB780]  }
0x2bc: {  	v7 =	vld [tilespmem:s29+$0xB790]  }
0x2bd: {  	v9 =	vld [tilespmem:s29+$0xB7A0]  }
0x2be: {  	v10 =	vld [tilespmem:s29+$0xB7B0]  }
0x2bf: {  	v4 =	vld [tilespmem:s29+$0xB740]  }
0x2c0: {  	v11 =	vld [tilespmem:s29+$0xB700]  }
0x2c1: {  	v12 =	vld [tilespmem:s29+$0xB710]  }
0x2c2: {  	v13 =	vld [tilespmem:s29+$0xB720]  }
0x2c3: {  	v14 =	vld [tilespmem:s29+$0xB730]  }
0x2c4: {  	v15 =	vld [tilespmem:s29+$0xB6C0]  }
0x2c5: {  	v16 =	vld [tilespmem:s29+$0xB6D0]  }
0x2c6: {  	v17 =	vld [tilespmem:s29+$0xB6E0]  }
0x2c7: {  	v18 =	vld [tilespmem:s29+$0xB6F0]  }
0x2c8: {  	v5 =	vld [tilespmem:s29+$0xB680]  }
0x2c9: {  	v19 =	vld [tilespmem:s29+$0xB640]  }
0x2ca: {  	v20 =	vld [tilespmem:s29+$0xB650]  }
0x2cb: {  	v21 =	vld [tilespmem:s29+$0xB660]  }
0x2cc: {  	v22 =	vld [tilespmem:s29+$0xB670]  }
0x2cd: {  	v23 =	vld [tilespmem:s29+$0xB600]  }
0x2ce: {  	v24 =	vld [tilespmem:s29+$0xB610]  }
0x2cf: {  	v25 =	vld [tilespmem:s29+$0xB620]  }
0x2d0: {  	v6 =	vmul.f32 v6, v2;
	v7 =	vmul.f32 v7, v3;
	v26 =	vld [tilespmem:s29+$0xB630]  }
0x2d1: {  	v9 =	vmul.f32 v9, v0;
	v10 =	vmul.f32 v10, v1;
	v8 =	vld [tilespmem:s29+$0xB5C0]  }
0x2d2: {  	v6 =	vadd.f32 v7, v6;
	v27 =	vld [tilespmem:s29+$0xB580]  }
0x2d3: {  	v11 =	vmul.f32 v11, v2;
	v9 =	vadd.f32 v10, v9;
	v12 =	vmul.f32 v12, v3;
	v7 =	vld [tilespmem:s29+$0xB590]  }
0x2d4: {  	v10 =	vmul.f32 v13, v0;
	v13 =	vmul.f32 v14, v1;
	v28 =	vld [tilespmem:s29+$0xB5A0]  }
0x2d5: {  	v6 =	vadd.f32 v9, v6;
	v11 =	vadd.f32 v12, v11;
	v14 =	vld [tilespmem:s29+$0xB5B0]  }
0x2d6: {  	v12 =	vmul.f32 v15, v2;
	v15 =	vmul.f32 v16, v3;
	v10 =	vadd.f32 v13, v10;
	v9 =	vld [tilespmem:s29+$0xB540]  }
0x2d7: {  	v16 =	vmul.f32 v17, v0;
	v17 =	vmul.f32 v18, v1;
	v13 =	vld [tilespmem:s29+$0xB550];
	(xrf2) =	vadd.scan.msk.f32 $0xffff, v6  }
0x2d8: {  	v11 =	vadd.f32 v10, v11;
	v6 =	vadd.f32 v15, v12;
	v18 =	vld [tilespmem:s29+$0xB560]  }
0x2d9: {  	v16 =	vadd.f32 v17, v16;
	v12 =	vmul.f32 v19, v2;
	v19 =	vmul.f32 v20, v3;
	v15 =	vld [tilespmem:s29+$0xB570]  }
0x2da: {  	v17 =	vmul.f32 v21, v0;
	v20 =	vmul.f32 v22, v1;
	v10 =	vld [tilespmem:s29+$0xB500];
	(xrf2) =	vadd.scan.msk.f32 $0xffff, v11  }
0x2db: {  	v12 =	vadd.f32 v19, v12;
	v6 =	vadd.f32 v16, v6;
	v11 =	vld [tilespmem:s29+$0xB4C0]  }
0x2dc: {  	v21 =	vmul.f32 v24, v3;
	v19 =	vmul.f32 v23, v2;
	v17 =	vadd.f32 v20, v17;
	v16 =	vld [tilespmem:s29+$0xB4D0]  }
0x2dd: {  	v22 =	vmul.f32 v25, v0;
	v23 =	vmul.f32 v26, v1;
	v20 =	vld [tilespmem:s29+$0xB4E0];
	(xrf2) =	vadd.scan.msk.f32 $0xffff, v6  }
0x2de: {  	v26 =	vadd.f32 v21, v19;
	v12 =	vadd.f32 v17, v12;
	v24 =	vld [tilespmem:s29+$0xB4F0]  }
0x2df: {  	v7 =	vmul.f32 v7, v3;
	v17 =	vmul.f32 v27, v2;
	v21 =	vadd.f32 v23, v22;
	v19 =	vld [tilespmem:s29+$0xB480]  }
0x2e0: {  	v14 =	vmul.f32 v14, v1;
	v23 =	vmul.f32 v28, v0;
	v22 =	vld [tilespmem:s29+$0xB490];
	(xrf2) =	vadd.scan.msk.f32 $0xffff, v12  }
0x2e1: {  	v27 =	vadd.f32 v7, v17;
	v17 =	vadd.f32 v21, v26;
	v25 =	vld [tilespmem:s29+$0xB4A0];
	v6, _, _ =	vpop (xrf2)  }
0x2e2: {  	v9 =	vmul.f32 v9, v2;
	v21 =	vmul.f32 v13, v3;
	v14 =	vadd.f32 v14, v23;
	v26 =	vld [tilespmem:s29+$0xB4B0]  }
0x2e3: {  	v18 =	vmul.f32 v18, v0;
	v15 =	vmul.f32 v15, v1;
	v12 =	vld [tilespmem:s29+$0xB400];
	(xrf2) =	vadd.scan.msk.f32 $0xffff, v17  }
0x2e4: {  	v23 =	vadd.f32 v21, v9;
	v17 =	vadd.f32 v14, v27;
	v13 =	vld [tilespmem:s29+$0xB410];
	v7, _, _ =	vpop (xrf2)  }
.Ltmp4:
0x2e5: {  	v11 =	vmul.f32 v11, v2;
	v18 =	vadd.f32 v15, v18;
	v21 =	vmul.f32 v16, v3;
	v14 =	vld [tilespmem:s29+$0xB420];
	(pc) =	sbr.rel @p2 .LBB2_10-.Ltmp4, $4  }
0x2e6: {  	v20 =	vmul.f32 v20, v0;
	v24 =	vmul.f32 v24, v1;
	v16 =	vld [tilespmem:s29+$0xB430];
	(xrf2) =	vadd.scan.msk.f32 $0xffff, v17  }
0x2e7: {  	v11 =	vadd.f32 v21, v11;
	v27 =	vadd.f32 v18, v23;
	v15 =	vld [tilespmem:s29+$0xB440];
	v9, _, _ =	vpop (xrf2)  }
0x2e8: {  	v21 =	vmul.f32 v19, v2;
	v23 =	vmul.f32 v22, v3;
	v22 =	vadd.f32 v24, v20;
	v17 =	vld [tilespmem:s29+$0xB450]  }
0x2e9: {  	s31 =	sadd.s32 $0x1000, s31;
	v19 =	vmul.f32 v25, v0;
	v20 =	vmul.f32 v26, v1;
	v18 =	vld [tilespmem:s29+$0xB460];
	(xrf2) =	vadd.scan.msk.f32 $0xffff, v27  }
0x2ea: {  	v24 =	vld [tilespmem:s29+$0xB470]  }
0x2eb: {  	v25 =	vld [tilespmem:s29+$0xB510]  }
0x2ec: {  	v21 =	vadd.f32 v23, v21;
	v12 =	vmul.f32 v12, v2;
	v23 =	vld [tilespmem:s29+$0xB520]  }
0x2ed: {  	v13 =	vmul.f32 v13, v3;
	v11 =	vadd.f32 v22, v11;
	v14 =	vmul.f32 v14, v0;
	v22 =	vld [tilespmem:s29+$0xB530]  }
0x2ee: {  	v37 =	vld [tilespmem:s29+$0xB5E0];
	v10 =	vmul.f32 v10, v2;
	v16 =	vmul.f32 v16, v1;
	v19 =	vadd.f32 v20, v19  }
0x2ef: {  	v20 =	vld [tilespmem:s29+$0xB5D0];
	v15 =	vmul.f32 v15, v2;
	v12 =	vadd.f32 v13, v12;
	v17 =	vmul.f32 v17, v3  }
0x2f0: {  	v19 =	vadd.f32 v19, v21;
	v14 =	vadd.f32 v16, v14;
	v16 =	vld [tilespmem:s29+$0xB5F0];
	v13 =	vmul.f32 v18, v0  }
0x2f1: {  	(xrf2) =	vadd.scan.msk.f32 $0xffff, v11;
	v21 =	vld [tilespmem:s29+$0xB6A0];
	v18 =	vmul.f32 v24, v1;
	v15 =	vadd.f32 v17, v15;
	v17 =	vmul.f32 v25, v3  }
0x2f2: {  	v11 =	vadd.f32 v14, v12;
	v12 =	vmul.f32 v23, v0;
	v14 =	vmul.f32 v22, v1;
	(xrf2) =	vadd.scan.msk.f32 $0xffff, v19;
	v19 =	vld [tilespmem:s29+$0xB760]  }
0x2f3: {  	v13 =	vadd.f32 v18, v13;
	v18 =	vld [tilespmem:s29+$0xB690]  }
0x2f4: {  	(xrf2) =	vadd.scan.msk.f32 $0xffff, v11;
	v10 =	vadd.f32 v17, v10;
	v11 =	vadd.f32 v14, v12;
	v14 =	vld [tilespmem:s29+$0xB750]  }
0x2f5: {  	v17 =	vmul.f32 v37, v0;
	v13 =	vadd.f32 v13, v15;
	v15 =	vld [tilespmem:s29+$0xB6B0]  }
0x2f6: {  	v8 =	vmul.f32 v8, v2;
	v12 =	vmul.f32 v20, v3;
	v10 =	vadd.f32 v11, v10;
	v11 =	vld [tilespmem:s29+$0xB770]  }
0x2f7: {  	v16 =	vmul.f32 v16, v1  }
0x2f8: {  	v5 =	vmul.f32 v5, v2;
	v4 =	vmul.f32 v4, v2;
	v8 =	vadd.f32 v12, v8;
	(xrf2) =	vadd.scan.msk.f32 $0xffff, v13  }
0x2f9: {  	v12 =	vadd.f32 v16, v17;
	v19 =	vmul.f32 v19, v0;
	v17, _, _ =	vpop (xrf2);
	v13 =	vmul.f32 v18, v3;
	(xrf2) =	vadd.scan.msk.f32 $0xffff, v10  }
0x2fa: {  	v20 =	vld [tilespmem:s29+$0xB7D0];
	v18 =	vmul.f32 v21, v0;
	v15 =	vmul.f32 v15, v1  }
0x2fb: {  	v16 =	vld [tilespmem:s29+$0xB7C0];
	v8 =	vadd.f32 v12, v8;
	v14 =	vmul.f32 v14, v3;
	v11 =	vmul.f32 v11, v1  }
0x2fc: {  	v12 =	vld [tilespmem:s29+$0xB7E0];
	v10, _, _ =	vpop (xrf2);
	v5 =	vadd.f32 v13, v5;
	v13 =	vadd.f32 v15, v18  }
0x2fd: {  	v21, _, _ =	vpop (xrf2);
	v4 =	vadd.f32 v14, v4;
	v15 =	vld [tilespmem:s29+$0xB7F0];
	v11 =	vadd.f32 v11, v19  }
0x2fe: {  	v18, _, _ =	vpop (xrf2);
	(xrf2) =	vadd.scan.msk.f32 $0xffff, v8;
	v5 =	vadd.f32 v13, v5  }
0x2ff: {  	v8, _, _ =	vpop (xrf2);
	v4 =	vadd.f32 v11, v4  }
0x300: {  	v13, _, _ =	vpop (xrf2)  }
0x301: {  	v3 =	vmul.f32 v20, v3;
	v2 =	vmul.f32 v16, v2;
	(xrf2) =	vadd.scan.msk.f32 $0xffff, v5;
	v14, _, _ =	vpop (xrf2)  }
0x302: {  	v0 =	vmul.f32 v12, v0;
	v1 =	vmul.f32 v15, v1;
	v5, _, _ =	vpop (xrf2)  }
0x303: {  	v2 =	vadd.f32 v3, v2;
	(xrf2) =	vadd.scan.msk.f32 $0xffff, v4;
	v11 =	vbroadcast v14, $0xF;
	v5 =	vbroadcast v5, $0xF;
	v4, _, _ =	vpop (xrf2)  }
0x304: {  	v12 =	vbroadcast v13, $0xF;
	v0 =	vadd.f32 v1, v0;
	v4 =	vbroadcast v4, $0xF  }
0x305: {  	v3 =	vbroadcast v8, $0xF;
	v1 =	vsel vm0, v11, v5  }
0x306: {  	v0 =	vadd.f32 v0, v2;
	v1 =	vsel vm1, v1, v12  }
0x307: {  	v2 =	vbroadcast v18, $0xF;
	v1 =	vsel vm2, v1, v3;
	v3 =	vbroadcast v21, $0xF  }
0x308: {  	v1 =	vsel vm3, v1, v4;
	v4, _, _ =	vpop (xrf2)  }
0x309: {  	(xrf2) =	vadd.scan.msk.f32 $0xffff, v0;
	v0 =	vsel vm4, v1, v2;
	v1 =	vbroadcast v4, $0xF  }
0x30a: {  	v2 =	vbroadcast v10, $0xF;
	v0 =	vsel vm5, v0, v3  }
0x30b: {  	v0 =	vsel vm6, v0, v1;
	v1 =	vbroadcast v17, $0xF;
	v3, _, _ =	vpop (xrf2)  }
0x30c: {  	v0 =	vsel vm7, v0, v2;
	v2 =	vbroadcast v3, $0xF  }
0x30d: {  	v0 =	vsel vm8, v0, v1;
	v1 =	vbroadcast v9, $0xF  }
0x30e: {  	v3, _, _ =	vpop (xrf2);
	v0 =	vsel vm9, v0, v2  }
0x30f: {  	v2 =	vbroadcast v7, $0xF;
	v0 =	vsel vm10, v0, v1;
	v1 =	vbroadcast v3, $0xF;
	_ =	sdelay $0x1  }
0x310: {  	v0 =	vsel vm11, v0, v2;
	v2 =	vbroadcast v6, $0xF  }
0x311: {  	s0 =	sadd.s32 s3, s0;
	v0 =	vsel vm12, v0, v1  }
0x312: {  	s0 =	smul.u32 $0x1C, s0;
	v0 =	vsel vm13, v0, v2;
	v1, _, _ =	vpop (xrf2)  }
0x313: {  	s6 =	sadd.s32 $0x10, s17;
	v0 =	vsel vm14, v0, v1  }
0x314: {  	s0 =	sadd.s32 s8, s0;
	[tilespmem:s6+$0x0] =	vst v0  }
0x315: {  	[hbm4b:s0+s2] =	stream.linear.scatter [tilespmem:s13], [sflag:$0xB], $0xE0, $0x38;
	[tilespmem:$0x12780] =	vst v63  }
0x316: {  	_ =	swait.ge [sflag:s14], $0x1C00  }
0x317: {  	[sflag:s14] =	ssyncset.done $0x0  }
0x318: {  	[sflag:s14] =	ssyncadd.s32 $0xFFFFE400  }
0x319: {  	_ =	swait.ge [sflag:s14], $0x1C00  }
0x31a: {  	[sflag:s14] =	ssyncset.done $0x0  }
0x31b: {  	s0 =	simm.s32 @!p0 $0x7;
	[sflag:s14] =	ssyncadd.s32 $0xFFFFE400  }
0x31c: {  	_ =	swait.ge @!p0 [sflag:s0], $0x18  }
0x31d: {  	[sflag:s0] =	ssyncset.done @!p0 $0x0  }
0x31e: {  	[sflag:s0] =	ssyncadd.s32 @!p0 $0xFFFFFFE8  }
0x31f: {  	_ =	swait.ge @!p0 [sflag:s0], $0xC8  }
0x320: {  	s17 =	simm.s32 @!p0 $0xB400;
	[sflag:s0] =	ssyncset.done @!p0 $0x0  }
0x321: {  	s6 =	simm.s32 @!p0 $0x4240;
	[sflag:s0] =	ssyncadd.s32 @!p0 $0xFFFFFF38;
	s0 =	simm.s32 @!p0 $0x70  }
0x322: {  	[tilespmem:s17], [sflag:$0x3] =	stream.indirect.gather @!p0 [hbm4b:s7+s0], $0x40, s6, s0, $0xb8;
	[tilespmem:$0x12780] =	vst v63  }
0x323: {  	s6 =	sadd.s32 @!p0 s24, s21  }
0x324: {  	s29 =	smul.u32 @!p0 $0x3, s6  }
0x325: {  	s17 =	simm.s32 @!p0 $0x42B0;
	s24 =	simm.s32 @!p0 $0xD000;
	s6 =	smul.u32 @!p0 $0x19, s6  }
0x326: {  	[tilespmem:s24], [sflag:$0x3] =	stream.indirect.gather @!p0 [hbm4b:s7+s0], $0x40, s17, s0, $0xb8;
	[tilespmem:$0x12780] =	vst v63  }
0x327: {  	s17 =	simm.s32 @!p0 $0x0;
	s24 =	simm.s32 @!p0 $0x4320;
	s0 =	sadd.s32 @!p0 s4, s29  }
0x328: {  	[tilespmem:s24], [sflag:$0x8] =	stream.linear.gather @!p0 [hbm4b:s0+s17], $0x18, $0x38;
	[tilespmem:$0x12780] =	vst v63  }
0x329: {  	s0 =	sadd.s32 @!p0 s5, s6;
	s6 =	simm.s32 @!p0 $0x4338  }
0x32a: {  	[tilespmem:s6], [sflag:$0x8] =	stream.linear.gather @!p0 [hbm4b:s0+s17], $0xC8, $0x38;
	[tilespmem:$0x12780] =	vst v63  }
0x32b: {  	p0 =	por p0, !p1  }
0x32c: {  	_ =	swait.ge @p0 [sflag:s23], $0xE0  }
0x32d: {  	s29 =	sshll.u32 s28, $0x7;
	[sflag:s23] =	ssyncset.done @p0 $0x0  }
0x32e: {  	s0 =	sand.u32 $0x3FFFFF80, s29;
	[sflag:s23] =	ssyncadd.s32 @p0 $0xFFFFFF20  }
0x32f: {  	v2 =	vld [tilespmem:s0+$0x80]  }
0x330: {  	v3 =	vld [tilespmem:s0+$0x90]  }
0x331: {  	v0 =	vld [tilespmem:s0+$0xA0]  }
0x332: {  	s31 =	simm.s32 $0x0;
	v1 =	vld [tilespmem:s0+$0xB0]  }
0x333: {  	v6 =	vld [tilespmem:s31+$0xEF80]  }
0x334: {  	v7 =	vld [tilespmem:s31+$0xEF90]  }
0x335: {  	v8 =	vld [tilespmem:s31+$0xEFA0]  }
0x336: {  	v9 =	vld [tilespmem:s31+$0xEFB0]  }
0x337: {  	v10 =	vld [tilespmem:s31+$0xEF00]  }
0x338: {  	v11 =	vld [tilespmem:s31+$0xEF10]  }
0x339: {  	v12 =	vld [tilespmem:s31+$0xEF20]  }
0x33a: {  	v13 =	vld [tilespmem:s31+$0xEF30]  }
0x33b: {  	v14 =	vld [tilespmem:s31+$0xEEC0]  }
0x33c: {  	v15 =	vld [tilespmem:s31+$0xEED0]  }
0x33d: {  	v16 =	vld [tilespmem:s31+$0xEEE0]  }
0x33e: {  	v17 =	vld [tilespmem:s31+$0xEEF0]  }
0x33f: {  	v5 =	vld [tilespmem:s31+$0xEE80]  }
0x340: {  	v18 =	vld [tilespmem:s31+$0xEE40]  }
0x341: {  	v19 =	vld [tilespmem:s31+$0xEE50]  }
0x342: {  	v20 =	vld [tilespmem:s31+$0xEE60]  }
0x343: {  	v21 =	vld [tilespmem:s31+$0xEE70]  }
0x344: {  	v22 =	vld [tilespmem:s31+$0xEE00]  }
0x345: {  	v23 =	vld [tilespmem:s31+$0xEE10]  }
0x346: {  	v38 =	vld [tilespmem:s31+$0xEE20]  }
0x347: {  	v39 =	vld [tilespmem:s31+$0xEE30]  }
0x348: {  	v26 =	vld [tilespmem:s31+$0xEDC0]  }
0x349: {  	v28 =	vld [tilespmem:s31+$0xED90]  }
0x34a: {  	v30 =	vld [tilespmem:s31+$0xEDB0]  }
0x34b: {  	v32 =	vld [tilespmem:s31+$0xED50]  }
0x34c: {  	v33 =	vld [tilespmem:s31+$0xED60];
	v6 =	vmul.f32 v6, v2  }
0x34d: {  	v27 =	vld [tilespmem:s31+$0xED80];
	v7 =	vmul.f32 v7, v3;
	v8 =	vmul.f32 v8, v0  }
0x34e: {  	v29 =	vld [tilespmem:s31+$0xEDA0];
	v9 =	vmul.f32 v9, v1;
	v10 =	vmul.f32 v10, v2  }
0x34f: {  	v31 =	vld [tilespmem:s31+$0xED40];
	v11 =	vmul.f32 v11, v3;
	v40 =	vmul.f32 v28, v3  }
0x350: {  	v41 =	vld [tilespmem:s31+$0xECB0];
	v42 =	vmul.f32 v30, v1;
	v44 =	vmul.f32 v32, v3  }
0x351: {  	v43 =	vld [tilespmem:s31+$0xEC10];
	v46 =	vmul.f32 v33, v0;
	v6 =	vadd.f32 v7, v6;
	v7 =	vadd.f32 v9, v8  }
0x352: {  	v45 =	vld [tilespmem:s31+$0xEC20];
	v9 =	vmul.f32 v12, v0;
	v12 =	vmul.f32 v13, v1;
	v10 =	vadd.f32 v11, v10  }
0x353: {  	v47 =	vld [tilespmem:s31+$0xEC30];
	v13 =	vmul.f32 v15, v3;
	v6 =	vadd.f32 v7, v6;
	v7 =	vmul.f32 v14, v2  }
0x354: {  	v8 =	vld [tilespmem:s31+$0xED70];
	v15 =	vmul.f32 v17, v1;
	v9 =	vadd.f32 v12, v9;
	v12 =	vmul.f32 v16, v0  }
0x355: {  	v17 =	vmul.f32 v19, v3;
	v19 =	vmul.f32 v21, v1;
	v14 =	vld [tilespmem:s31+$0xECC0];
	v7 =	vadd.f32 v13, v7  }
0x356: {  	v16 =	vld [tilespmem:s31+$0xECD0];
	v13 =	vmul.f32 v18, v2;
	v9 =	vadd.f32 v9, v10;
	v10 =	vadd.f32 v15, v12  }
0x357: {  	v48 =	vld [tilespmem:s31+$0xEC40];
	v15 =	vmul.f32 v20, v0;
	v20 =	vmul.f32 v23, v3  }
0x358: {  	v18 =	vld [tilespmem:s31+$0xECE0];
	v13 =	vadd.f32 v17, v13;
	v7 =	vadd.f32 v10, v7;
	v10 =	vmul.f32 v22, v2  }
0x359: {  	v12 =	vld [tilespmem:s31+$0xECF0];
	v15 =	vadd.f32 v19, v15;
	v19 =	vmul.f32 v38, v0;
	v22 =	vmul.f32 v39, v1  }
0x35a: {  	v49 =	vld [tilespmem:s31+$0xED30];
	v8 =	vmul.f32 v8, v1;
	v14 =	vmul.f32 v14, v2;
	v10 =	vadd.f32 v20, v10  }
0x35b: {  	v21 =	vld [tilespmem:s31+$0xEC90];
	v16 =	vmul.f32 v16, v3;
	v13 =	vadd.f32 v15, v13;
	v15 =	vadd.f32 v22, v19  }
0x35c: {  	v17 =	vld [tilespmem:s31+$0xEC80];
	v8 =	vadd.f32 v8, v46;
	v20 =	vmul.f32 v27, v2;
	v22 =	vmul.f32 v29, v0  }
0x35d: {  	v23 =	vld [tilespmem:s31+$0xECA0];
	v18 =	vmul.f32 v18, v0;
	v10 =	vadd.f32 v15, v10;
	v15 =	vmul.f32 v31, v2  }
0x35e: {  	v19 =	vld [tilespmem:s31+$0xEC00];
	v12 =	vmul.f32 v12, v1;
	v20 =	vadd.f32 v40, v20;
	v22 =	vadd.f32 v42, v22  }
0x35f: {  	(xrf2) =	vadd.scan.msk.f32 $0xffff, v6;
	v14 =	vadd.f32 v16, v14;
	v16 =	vld [tilespmem:s31+$0xEC60];
	v15 =	vadd.f32 v44, v15  }
0x360: {  	(xrf2) =	vadd.scan.msk.f32 $0xffff, v9;
	v6 =	vadd.f32 v12, v18;
	v20 =	vadd.f32 v22, v20;
	v22 =	vld [tilespmem:s31+$0xEC50]  }
0x361: {  	(xrf2) =	vadd.scan.msk.f32 $0xffff, v7;
	v8 =	vadd.f32 v8, v15;
	v15 =	vmul.f32 v17, v2;
	v17 =	vmul.f32 v21, v3;
	v21 =	vld [tilespmem:s31+$0xEC70]  }
0x362: {  	v11 =	vld [tilespmem:s31+$0xED00];
	v7 =	vmul.f32 v45, v0;
	(xrf2) =	vadd.scan.msk.f32 $0xffff, v13;
	v13 =	vmul.f32 v48, v2  }
0x363: {  	v12 =	vmul.f32 v23, v0;
	v18 =	vmul.f32 v41, v1;
	v23 =	vld [tilespmem:s31+$0xED10];
	v6 =	vadd.f32 v6, v14  }
0x364: {  	v9 =	vadd.f32 v17, v15;
	v15 =	vmul.f32 v19, v2;
	v17 =	vmul.f32 v43, v3;
	v19 =	vld [tilespmem:s31+$0xED20]  }
0x365: {  	v14 =	vmul.f32 v47, v1;
	v12 =	vadd.f32 v18, v12;
	v18 =	vmul.f32 v22, v3;
	v22 =	vld [tilespmem:s31+$0xEDD0]  }
0x366: {  	(xrf2) =	vadd.scan.msk.f32 $0xffff, v10;
	v10 =	vadd.f32 v17, v15;
	v15 =	vmul.f32 v16, v0;
	v17 =	vld [tilespmem:s31+$0xEDE0];
	v16 =	vmul.f32 v21, v1  }
0x367: {  	v11 =	vmul.f32 v11, v2;
	(xrf2) =	vadd.scan.msk.f32 $0xffff, v20;
	v7 =	vadd.f32 v14, v7;
	v9 =	vadd.f32 v12, v9;
	v12 =	vld [tilespmem:s31+$0xEDF0]  }
0x368: {  	(xrf2) =	vadd.scan.msk.f32 $0xffff, v8;
	v14 =	vmul.f32 v23, v3;
	v8 =	vadd.f32 v18, v13;
	v13 =	vadd.f32 v16, v15;
	v15 =	vld [tilespmem:s31+$0xEE90]  }
0x369: {  	(xrf2) =	vadd.scan.msk.f32 $0xffff, v6;
	v6 =	vadd.f32 v7, v10;
	v10 =	vmul.f32 v49, v1;
	v7 =	vmul.f32 v19, v0;
	v16 =	vld [tilespmem:s31+$0xEEA0]  }
0x36a: {  	(xrf2) =	vadd.scan.msk.f32 $0xffff, v9;
	v9 =	vmul.f32 v26, v2;
	v8 =	vadd.f32 v13, v8;
	v13 =	vld [tilespmem:s31+$0xEEB0]  }
0x36b: {  	v4 =	vld [tilespmem:s31+$0xEF40];
	(xrf2) =	vadd.scan.msk.f32 $0xffff, v6;
	v6 =	vadd.f32 v14, v11;
	v7 =	vadd.f32 v10, v7;
	v10 =	vmul.f32 v22, v3  }
0x36c: {  	v18 =	vld [tilespmem:s31+$0xEF60];
	v17 =	vmul.f32 v17, v0;
	v12 =	vmul.f32 v12, v1  }
0x36d: {  	v5 =	vmul.f32 v5, v2;
	v11 =	vld [tilespmem:s31+$0xEF50];
	v14, _, _ =	vpop (xrf2);
	(xrf2) =	vadd.scan.msk.f32 $0xffff, v8;
	v6 =	vadd.f32 v7, v6  }
0x36e: {  	v7 =	vld [tilespmem:s31+$0xEF70];
	v9 =	vadd.f32 v10, v9;
	v10 =	vadd.f32 v12, v17;
	v12 =	vmul.f32 v15, v3;
	v8, _, _ =	vpop (xrf2)  }
0x36f: {  	v20 =	vld [tilespmem:s31+$0xEFD0];
	v16 =	vmul.f32 v16, v0;
	v19, _, _ =	vpop (xrf2);
	v13 =	vmul.f32 v13, v1  }
0x370: {  	v15 =	vld [tilespmem:s31+$0xEFC0];
	(xrf2) =	vadd.scan.msk.f32 $0xffff, v6;
	v9 =	vadd.f32 v10, v9;
	v17, _, _ =	vpop (xrf2)  }
0x371: {  	v10 =	vld [tilespmem:s31+$0xEFE0];
	v5 =	vadd.f32 v12, v5;
	v6, _, _ =	vpop (xrf2);
	v12 =	vadd.f32 v13, v16  }
0x372: {  	v4 =	vmul.f32 v4, v2;
	v11 =	vmul.f32 v11, v3;
	v13 =	vld [tilespmem:s31+$0xEFF0];
	v21, _, _ =	vpop (xrf2)  }
0x373: {  	v18 =	vmul.f32 v18, v0;
	(xrf2) =	vadd.scan.msk.f32 $0xffff, v9;
	v7 =	vmul.f32 v7, v1;
	v16, _, _ =	vpop (xrf2)  }
0x374: {  	v5 =	vadd.f32 v12, v5;
	v9, _, _ =	vpop (xrf2)  }
0x375: {  	v4 =	vadd.f32 v11, v4;
	v7 =	vadd.f32 v7, v18;
	v12, _, _ =	vpop (xrf2)  }
0x376: {  	v15 =	vmul.f32 v15, v2;
	v18 =	vmul.f32 v20, v3;
	(xrf2) =	vadd.scan.msk.f32 $0xffff, v5;
	v11, _, _ =	vpop (xrf2)  }
0x377: {  	v4 =	vadd.f32 v7, v4;
	v5 =	vmul.f32 v10, v0;
	v7 =	vmul.f32 v13, v1;
	v10, _, _ =	vpop (xrf2)  }
0x378: {  	v11 =	vbroadcast v11, $0xF;
	v10 =	vbroadcast v10, $0xF  }
0x379: {  	v12 =	vbroadcast v12, $0xF;
	v13 =	vadd.f32 v18, v15;
	(xrf2) =	vadd.scan.msk.f32 $0xffff, v4  }
0x37a: {  	v5 =	vadd.f32 v7, v5;
	v7 =	vbroadcast v9, $0xF;
	v9, _, _ =	vpop (xrf2);
	v4 =	vsel vm0, v11, v10  }
0x37b: {  	v9 =	vbroadcast v9, $0xF;
	v4 =	vsel vm1, v4, v12  }
0x37c: {  	v5 =	vadd.f32 v5, v13;
	v4 =	vsel vm2, v4, v7;
	v7 =	vbroadcast v16, $0xF  }
0x37d: {  	v10, _, _ =	vpop (xrf2);
	v4 =	vsel vm3, v4, v9;
	v9 =	vbroadcast v21, $0xF  }
0x37e: {  	(xrf2) =	vadd.scan.msk.f32 $0xffff, v5;
	v5 =	vbroadcast v10, $0xF;
	v4 =	vsel vm4, v4, v7  }
0x37f: {  	v6 =	vbroadcast v6, $0xF;
	v4 =	vsel vm5, v4, v9  }
0x380: {  	v4 =	vsel vm6, v4, v5;
	v5 =	vbroadcast v17, $0xF;
	v7, _, _ =	vpop (xrf2)  }
0x381: {  	v4 =	vsel vm7, v4, v6;
	v6 =	vbroadcast v7, $0xF  }
0x382: {  	v4 =	vsel vm8, v4, v5;
	v5 =	vbroadcast v19, $0xF  }
0x383: {  	v7, _, _ =	vpop (xrf2);
	v4 =	vsel vm9, v4, v6  }
0x384: {  	v6 =	vbroadcast v8, $0xF;
	v4 =	vsel vm10, v4, v5;
	v5 =	vbroadcast v7, $0xF;
	_ =	sdelay $0x1  }
0x385: {  	v4 =	vsel vm11, v4, v6;
	v6 =	vbroadcast v14, $0xF  }
0x386: {  	v4 =	vsel vm12, v4, v5  }
0x387: {  	v4 =	vsel vm13, v4, v6;
	v5, _, _ =	vpop (xrf2)  }
0x388: {  	s0 =	simm.s32 $0x126A0;
	v4 =	vsel vm14, v4, v5  }
0x389: {  	s17 =	simm.s32 $0x400;
	[tilespmem:s0+$0x0] =	vst v4  }
0x38a: {  	v6 =	vld [tilespmem:s17+$0xEF80]  }
0x38b: {  	v7 =	vld [tilespmem:s17+$0xEF90]  }
0x38c: {  	v9 =	vld [tilespmem:s17+$0xEFA0]  }
0x38d: {  	v10 =	vld [tilespmem:s17+$0xEFB0]  }
0x38e: {  	v4 =	vld [tilespmem:s17+$0xEF40]  }
0x38f: {  	v11 =	vld [tilespmem:s17+$0xEF00]  }
0x390: {  	v12 =	vld [tilespmem:s17+$0xEF10]  }
0x391: {  	v13 =	vld [tilespmem:s17+$0xEF20]  }
0x392: {  	v14 =	vld [tilespmem:s17+$0xEF30]  }
0x393: {  	v15 =	vld [tilespmem:s17+$0xEEC0]  }
0x394: {  	v16 =	vld [tilespmem:s17+$0xEED0]  }
0x395: {  	v17 =	vld [tilespmem:s17+$0xEEE0]  }
0x396: {  	v18 =	vld [tilespmem:s17+$0xEEF0]  }
0x397: {  	v5 =	vld [tilespmem:s17+$0xEE80]  }
0x398: {  	v19 =	vld [tilespmem:s17+$0xEE40]  }
0x399: {  	v20 =	vld [tilespmem:s17+$0xEE50]  }
0x39a: {  	v21 =	vld [tilespmem:s17+$0xEE60]  }
0x39b: {  	v22 =	vld [tilespmem:s17+$0xEE70]  }
0x39c: {  	v23 =	vld [tilespmem:s17+$0xEE00]  }
0x39d: {  	v50 =	vld [tilespmem:s17+$0xEE10]  }
0x39e: {  	v51 =	vld [tilespmem:s17+$0xEE20]  }
0x39f: {  	v52 =	vld [tilespmem:s17+$0xEE30]  }
0x3a0: {  	v8 =	vld [tilespmem:s17+$0xEDC0];
	v6 =	vmul.f32 v6, v2  }
0x3a1: {  	v53 =	vld [tilespmem:s17+$0xED80];
	v7 =	vmul.f32 v7, v3;
	v9 =	vmul.f32 v9, v0  }
0x3a2: {  	v54 =	vld [tilespmem:s17+$0xED90];
	v10 =	vmul.f32 v10, v1;
	v11 =	vmul.f32 v11, v2  }
0x3a3: {  	v55 =	vld [tilespmem:s17+$0xEDA0];
	v12 =	vmul.f32 v12, v3;
	v15 =	vmul.f32 v15, v2  }
0x3a4: {  	v56 =	vld [tilespmem:s17+$0xEDB0];
	v16 =	vmul.f32 v16, v3;
	v6 =	vadd.f32 v7, v6;
	v9 =	vadd.f32 v10, v9  }
0x3a5: {  	v57 =	vld [tilespmem:s17+$0xED40];
	v7 =	vmul.f32 v13, v0;
	v13 =	vmul.f32 v14, v1;
	v11 =	vadd.f32 v12, v11  }
0x3a6: {  	v58 =	vld [tilespmem:s17+$0xED60];
	v12 =	vmul.f32 v17, v0;
	v17 =	vmul.f32 v18, v1;
	v6 =	vadd.f32 v9, v6  }
0x3a7: {  	v59 =	vld [tilespmem:s17+$0xECA0];
	v7 =	vadd.f32 v13, v7;
	v9 =	vadd.f32 v16, v15  }
0x3a8: {  	v60 =	vld [tilespmem:s17+$0xECB0];
	v12 =	vadd.f32 v17, v12;
	v13 =	vmul.f32 v20, v3;
	v17 =	vmul.f32 v22, v1;
	(xrf2) =	vadd.scan.msk.f32 $0xffff, v6  }
0x3a9: {  	v14 =	vld [tilespmem:s17+$0xED50];
	v7 =	vadd.f32 v7, v11;
	v11 =	vmul.f32 v19, v2;
	v6 =	vmul.f32 v21, v0  }
0x3aa: {  	v18 =	vld [tilespmem:s17+$0xED70];
	v9 =	vadd.f32 v12, v9;
	v12 =	vmul.f32 v50, v3  }
0x3ab: {  	v10 =	vld [tilespmem:s17+$0xED00];
	(xrf2) =	vadd.scan.msk.f32 $0xffff, v7;
	v7 =	vadd.f32 v13, v11;
	v11 =	vmul.f32 v23, v2;
	v6 =	vadd.f32 v17, v6  }
0x3ac: {  	v15 =	vld [tilespmem:s17+$0xECC0];
	v13 =	vmul.f32 v51, v0;
	v17 =	vmul.f32 v52, v1  }
0x3ad: {  	v16 =	vld [tilespmem:s17+$0xECD0];
	v21 =	vmul.f32 v54, v3;
	v6 =	vadd.f32 v6, v7  }
0x3ae: {  	v20 =	vld [tilespmem:s17+$0xECF0];
	v23 =	vmul.f32 v56, v1;
	(xrf2) =	vadd.scan.msk.f32 $0xffff, v9;
	v11 =	vadd.f32 v12, v11;
	v13 =	vadd.f32 v17, v13  }
0x3af: {  	v22 =	vld [tilespmem:s17+$0xEC90];
	v12 =	vmul.f32 v53, v2;
	v7 =	vmul.f32 v55, v0;
	(xrf2) =	vadd.scan.msk.f32 $0xffff, v6  }
0x3b0: {  	v61 =	vmul.f32 v58, v0;
	v19 =	vld [tilespmem:s17+$0xECE0];
	v14 =	vmul.f32 v14, v3;
	v11 =	vadd.f32 v13, v11  }
0x3b1: {  	v18 =	vmul.f32 v18, v1;
	v9 =	vld [tilespmem:s17+$0xEC80];
	v21 =	vadd.f32 v21, v12;
	v7 =	vadd.f32 v23, v7  }
0x3b2: {  	v62 =	vmul.f32 v16, v3;
	v16 =	vld [tilespmem:s17+$0xEC30];
	v17 =	vmul.f32 v57, v2;
	v6, _, _ =	vpop (xrf2);
	(xrf2) =	vadd.scan.msk.f32 $0xffff, v11  }
0x3b3: {  	v12 =	vld [tilespmem:s17+$0xEC00];
	v21 =	vadd.f32 v7, v21  }
0x3b4: {  	v18 =	vadd.f32 v18, v61;
	v13 =	vld [tilespmem:s17+$0xEC10];
	v17 =	vadd.f32 v14, v17;
	v23 =	vmul.f32 v15, v2  }
0x3b5: {  	v20 =	vmul.f32 v20, v1;
	v19 =	vmul.f32 v19, v0;
	v14 =	vld [tilespmem:s17+$0xEC20];
	v7, _, _ =	vpop (xrf2);
	(xrf2) =	vadd.scan.msk.f32 $0xffff, v21  }
0x3b6: {  	v15 =	vld [tilespmem:s17+$0xEC40];
	v63 =	vadd.f32 v18, v17;
	v11 =	vadd.f32 v62, v23  }
0x3b7: {  	v17 =	vld [tilespmem:s17+$0xEC50];
	v23 =	vmul.f32 v22, v3;
	v22 =	vadd.f32 v20, v19;
	v21 =	vmul.f32 v9, v2  }
0x3b8: {  	s24 =	simm.s32 $0x2000;
	v18 =	vld [tilespmem:s17+$0xEC60];
	v19 =	vmul.f32 v59, v0;
	v20 =	vmul.f32 v60, v1;
	v9, _, _ =	vpop (xrf2);
	(xrf2) =	vadd.scan.msk.f32 $0xffff, v63  }
.LBB2_12:
0x3b9: {  	p0 =	sne.s32 s24, $0xD000;
	v24 =	vld [tilespmem:s17+$0xEC70];
	v25 =	vadd.f32 v23, v21;
	v22 =	vadd.f32 v22, v11;
	v11, _, _ =	vpop (xrf2)  }
0x3ba: {  	v12 =	vmul.f32 v12, v2;
	v13 =	vmul.f32 v13, v3;
	v19 =	vadd.f32 v20, v19;
	v20 =	vld [tilespmem:s17+$0xED10]  }
0x3bb: {  	v14 =	vmul.f32 v14, v0;
	v16 =	vmul.f32 v16, v1;
	v23 =	vld [tilespmem:s17+$0xED20];
	(xrf2) =	vadd.scan.msk.f32 $0xffff, v22  }
0x3bc: {  	v12 =	vadd.f32 v13, v12;
	v13 =	vadd.f32 v19, v25;
	v19 =	vld [tilespmem:s17+$0xED30];
	v21, _, _ =	vpop (xrf2)  }
0x3bd: {  	v15 =	vmul.f32 v15, v2;
	v25 =	vadd.f32 v16, v14;
	v16 =	vmul.f32 v17, v3;
	v17 =	vld [tilespmem:s17+$0xEDD0]  }
0x3be: {  	v18 =	vmul.f32 v18, v0;
	v22 =	vmul.f32 v24, v1;
	v24 =	vld [tilespmem:s17+$0xEDE0];
	(xrf2) =	vadd.scan.msk.f32 $0xffff, v13  }
0x3bf: {  	v10 =	vmul.f32 v10, v2;
	v12 =	vadd.f32 v25, v12;
	v13 =	vld [tilespmem:s17+$0xEDF0];
	v14, _, _ =	vpop (xrf2)  }
0x3c0: {  	v15 =	vadd.f32 v16, v15;
	v25 =	vadd.f32 v22, v18;
	v18 =	vmul.f32 v20, v3;
	v20 =	vld [tilespmem:s17+$0xEE90]  }
0x3c1: {  	v22 =	vmul.f32 v23, v0;
	v19 =	vmul.f32 v19, v1;
	v23 =	vld [tilespmem:s17+$0xEEA0];
	(xrf2) =	vadd.scan.msk.f32 $0xffff, v12  }
0x3c2: {  	v8 =	vmul.f32 v8, v2;
	v12 =	vadd.f32 v25, v15;
	v15 =	vld [tilespmem:s17+$0xEEB0];
	v16, _, _ =	vpop (xrf2)  }
0x3c3: {  	v10 =	vadd.f32 v18, v10;
	v17 =	vmul.f32 v17, v3;
	v25 =	vadd.f32 v19, v22;
	v19 =	vld [tilespmem:s17+$0xEF50]  }
0x3c4: {  	v22 =	vmul.f32 v24, v0;
	v13 =	vmul.f32 v13, v1;
	v24 =	vld [tilespmem:s17+$0xEF60];
	(xrf2) =	vadd.scan.msk.f32 $0xffff, v12  }
0x3c5: {  	v5 =	vmul.f32 v5, v2;
	v10 =	vadd.f32 v25, v10;
	v12 =	vld [tilespmem:s17+$0xEF70];
	v18, _, _ =	vpop (xrf2)  }
0x3c6: {  	v8 =	vadd.f32 v17, v8;
	v17 =	vmul.f32 v20, v3;
	v25 =	vadd.f32 v13, v22;
	v20 =	vld [tilespmem:s17+$0xEFC0]  }
0x3c7: {  	v22 =	vmul.f32 v23, v0;
	v15 =	vmul.f32 v15, v1;
	v23 =	vld [tilespmem:s17+$0xEFD0];
	(xrf2) =	vadd.scan.msk.f32 $0xffff, v10  }
0x3c8: {  	v4 =	vmul.f32 v4, v2;
	v25 =	vadd.f32 v25, v8;
	v10 =	vld [tilespmem:s17+$0xEFE0];
	v13, _, _ =	vpop (xrf2)  }
0x3c9: {  	v5 =	vadd.f32 v17, v5;
	v17 =	vmul.f32 v19, v3;
	v15 =	vadd.f32 v15, v22;
	v19 =	vld [tilespmem:s17+$0xEFF0]  }
0x3ca: {  	v22 =	vmul.f32 v24, v0;
	v12 =	vmul.f32 v12, v1;
	(xrf2) =	vadd.scan.msk.f32 $0xffff, v25  }
0x3cb: {  	v5 =	vadd.f32 v15, v5;
	v8, _, _ =	vpop (xrf2)  }
0x3cc: {  	v4 =	vadd.f32 v17, v4;
	v22 =	vadd.f32 v12, v22  }
0x3cd: {  	v15 =	vmul.f32 v20, v2;
	v17 =	vmul.f32 v23, v3;
	(xrf2) =	vadd.scan.msk.f32 $0xffff, v5  }
0x3ce: {  	v5 =	vmul.f32 v10, v0;
	v4 =	vadd.f32 v22, v4;
	v19 =	vmul.f32 v19, v1;
	v12, _, _ =	vpop (xrf2)  }
0x3cf: {  	v8 =	vbroadcast v8, $0xF;
	v12 =	vbroadcast v12, $0xF  }
0x3d0: {  	v13 =	vbroadcast v13, $0xF;
	v15 =	vadd.f32 v17, v15;
	v5 =	vadd.f32 v19, v5;
	(xrf2) =	vadd.scan.msk.f32 $0xffff, v4  }
0x3d1: {  	v4 =	vsel vm0, v8, v12;
	v8 =	vbroadcast v18, $0xF;
	v10, _, _ =	vpop (xrf2)  }
0x3d2: {  	v4 =	vsel vm1, v4, v13;
	v10 =	vbroadcast v10, $0xF;
	v5 =	vadd.f32 v5, v15  }
0x3d3: {  	v4 =	vsel vm2, v4, v8;
	v8 =	vbroadcast v16, $0xF  }
0x3d4: {  	v13 =	vbroadcast v14, $0xF;
	v4 =	vsel vm3, v4, v10;
	v12, _, _ =	vpop (xrf2);
	(xrf2) =	vadd.scan.msk.f32 $0xffff, v5  }
0x3d5: {  	v4 =	vsel vm4, v4, v8;
	v5 =	vbroadcast v12, $0xF  }
0x3d6: {  	v8 =	vbroadcast v21, $0xF;
	v4 =	vsel vm5, v4, v13  }
0x3d7: {  	v4 =	vsel vm6, v4, v5;
	v5 =	vbroadcast v11, $0xF;
	v10, _, _ =	vpop (xrf2)  }
0x3d8: {  	v4 =	vsel vm7, v4, v8;
	v10 =	vbroadcast v10, $0xF  }
0x3d9: {  	v4 =	vsel vm8, v4, v5;
	v5 =	vbroadcast v9, $0xF  }
0x3da: {  	v7 =	vbroadcast v7, $0xF;
	v4 =	vsel vm9, v4, v10;
	v8, _, _ =	vpop (xrf2)  }
0x3db: {  	v4 =	vsel vm10, v4, v5;
	v8 =	vbroadcast v8, $0xF  }
0x3dc: {  	v6 =	vbroadcast v6, $0xF;
	v4 =	vsel vm11, v4, v7  }
0x3dd: {  	v4 =	vsel vm12, v4, v8  }
0x3de: {  	v4 =	vsel vm13, v4, v6;
	v5, _, _ =	vpop (xrf2)  }
0x3df: {  	s0 =	sadd.s32 $0x10, s0;
	v4 =	vsel vm14, v4, v5  }
0x3e0: {  	s17 =	sshra.s32 s24, $0x2;
	[tilespmem:s0+$0x0] =	vst v4  }
0x3e1: {  	v6 =	vld [tilespmem:s17+$0xEF80]  }
0x3e2: {  	v7 =	vld [tilespmem:s17+$0xEF90]  }
0x3e3: {  	v9 =	vld [tilespmem:s17+$0xEFA0]  }
0x3e4: {  	v10 =	vld [tilespmem:s17+$0xEFB0]  }
0x3e5: {  	v4 =	vld [tilespmem:s17+$0xEF40]  }
0x3e6: {  	v11 =	vld [tilespmem:s17+$0xEF00]  }
0x3e7: {  	v12 =	vld [tilespmem:s17+$0xEF10]  }
0x3e8: {  	v13 =	vld [tilespmem:s17+$0xEF20]  }
0x3e9: {  	v14 =	vld [tilespmem:s17+$0xEF30]  }
0x3ea: {  	v15 =	vld [tilespmem:s17+$0xEEC0]  }
0x3eb: {  	v16 =	vld [tilespmem:s17+$0xEED0]  }
0x3ec: {  	v17 =	vld [tilespmem:s17+$0xEEE0]  }
0x3ed: {  	v18 =	vld [tilespmem:s17+$0xEEF0]  }
0x3ee: {  	v5 =	vld [tilespmem:s17+$0xEE80]  }
0x3ef: {  	v19 =	vld [tilespmem:s17+$0xEE40]  }
0x3f0: {  	v20 =	vld [tilespmem:s17+$0xEE50]  }
0x3f1: {  	v21 =	vld [tilespmem:s17+$0xEE60]  }
0x3f2: {  	v22 =	vld [tilespmem:s17+$0xEE70]  }
0x3f3: {  	v23 =	vld [tilespmem:s17+$0xEE00]  }
0x3f4: {  	v24 =	vld [tilespmem:s17+$0xEE10]  }
0x3f5: {  	v25 =	vld [tilespmem:s17+$0xEE20]  }
0x3f6: {  	v6 =	vmul.f32 v6, v2;
	v7 =	vmul.f32 v7, v3;
	v26 =	vld [tilespmem:s17+$0xEE30]  }
0x3f7: {  	v9 =	vmul.f32 v9, v0;
	v10 =	vmul.f32 v10, v1;
	v8 =	vld [tilespmem:s17+$0xEDC0]  }
0x3f8: {  	v6 =	vadd.f32 v7, v6;
	v27 =	vld [tilespmem:s17+$0xED80]  }
0x3f9: {  	v11 =	vmul.f32 v11, v2;
	v9 =	vadd.f32 v10, v9;
	v12 =	vmul.f32 v12, v3;
	v7 =	vld [tilespmem:s17+$0xED90]  }
0x3fa: {  	v10 =	vmul.f32 v13, v0;
	v13 =	vmul.f32 v14, v1;
	v28 =	vld [tilespmem:s17+$0xEDA0]  }
0x3fb: {  	v6 =	vadd.f32 v9, v6;
	v11 =	vadd.f32 v12, v11;
	v14 =	vld [tilespmem:s17+$0xEDB0]  }
0x3fc: {  	v12 =	vmul.f32 v15, v2;
	v15 =	vmul.f32 v16, v3;
	v10 =	vadd.f32 v13, v10;
	v9 =	vld [tilespmem:s17+$0xED40]  }
0x3fd: {  	v16 =	vmul.f32 v17, v0;
	v17 =	vmul.f32 v18, v1;
	v13 =	vld [tilespmem:s17+$0xED50];
	(xrf2) =	vadd.scan.msk.f32 $0xffff, v6  }
0x3fe: {  	v11 =	vadd.f32 v10, v11;
	v6 =	vadd.f32 v15, v12;
	v18 =	vld [tilespmem:s17+$0xED60]  }
0x3ff: {  	v16 =	vadd.f32 v17, v16;
	v12 =	vmul.f32 v19, v2;
	v19 =	vmul.f32 v20, v3;
	v15 =	vld [tilespmem:s17+$0xED70]  }
0x400: {  	v17 =	vmul.f32 v21, v0;
	v20 =	vmul.f32 v22, v1;
	v10 =	vld [tilespmem:s17+$0xED00];
	(xrf2) =	vadd.scan.msk.f32 $0xffff, v11  }
0x401: {  	v12 =	vadd.f32 v19, v12;
	v6 =	vadd.f32 v16, v6;
	v11 =	vld [tilespmem:s17+$0xECC0]  }
0x402: {  	v21 =	vmul.f32 v24, v3;
	v19 =	vmul.f32 v23, v2;
	v17 =	vadd.f32 v20, v17;
	v16 =	vld [tilespmem:s17+$0xECD0]  }
0x403: {  	v22 =	vmul.f32 v25, v0;
	v23 =	vmul.f32 v26, v1;
	v20 =	vld [tilespmem:s17+$0xECE0];
	(xrf2) =	vadd.scan.msk.f32 $0xffff, v6  }
0x404: {  	v26 =	vadd.f32 v21, v19;
	v12 =	vadd.f32 v17, v12;
	v24 =	vld [tilespmem:s17+$0xECF0]  }
0x405: {  	v7 =	vmul.f32 v7, v3;
	v17 =	vmul.f32 v27, v2;
	v21 =	vadd.f32 v23, v22;
	v19 =	vld [tilespmem:s17+$0xEC80]  }
0x406: {  	v14 =	vmul.f32 v14, v1;
	v23 =	vmul.f32 v28, v0;
	v22 =	vld [tilespmem:s17+$0xEC90];
	(xrf2) =	vadd.scan.msk.f32 $0xffff, v12  }
0x407: {  	v27 =	vadd.f32 v7, v17;
	v17 =	vadd.f32 v21, v26;
	v25 =	vld [tilespmem:s17+$0xECA0];
	v6, _, _ =	vpop (xrf2)  }
0x408: {  	v9 =	vmul.f32 v9, v2;
	v21 =	vmul.f32 v13, v3;
	v14 =	vadd.f32 v14, v23;
	v26 =	vld [tilespmem:s17+$0xECB0]  }
0x409: {  	v18 =	vmul.f32 v18, v0;
	v15 =	vmul.f32 v15, v1;
	v12 =	vld [tilespmem:s17+$0xEC00];
	(xrf2) =	vadd.scan.msk.f32 $0xffff, v17  }
0x40a: {  	v23 =	vadd.f32 v21, v9;
	v17 =	vadd.f32 v14, v27;
	v13 =	vld [tilespmem:s17+$0xEC10];
	v7, _, _ =	vpop (xrf2)  }
.Ltmp5:
0x40b: {  	v11 =	vmul.f32 v11, v2;
	v18 =	vadd.f32 v15, v18;
	v21 =	vmul.f32 v16, v3;
	v14 =	vld [tilespmem:s17+$0xEC20];
	(pc) =	sbr.rel @p0 .LBB2_12-.Ltmp5, $4  }
0x40c: {  	v20 =	vmul.f32 v20, v0;
	v24 =	vmul.f32 v24, v1;
	v16 =	vld [tilespmem:s17+$0xEC30];
	(xrf2) =	vadd.scan.msk.f32 $0xffff, v17  }
0x40d: {  	v11 =	vadd.f32 v21, v11;
	v27 =	vadd.f32 v18, v23;
	v15 =	vld [tilespmem:s17+$0xEC40];
	v9, _, _ =	vpop (xrf2)  }
0x40e: {  	v21 =	vmul.f32 v19, v2;
	v23 =	vmul.f32 v22, v3;
	v22 =	vadd.f32 v24, v20;
	v17 =	vld [tilespmem:s17+$0xEC50]  }
0x40f: {  	s24 =	sadd.s32 $0x1000, s24;
	v19 =	vmul.f32 v25, v0;
	v20 =	vmul.f32 v26, v1;
	v18 =	vld [tilespmem:s17+$0xEC60];
	(xrf2) =	vadd.scan.msk.f32 $0xffff, v27  }
0x410: {  	v24 =	vld [tilespmem:s17+$0xEC70]  }
0x411: {  	v25 =	vld [tilespmem:s17+$0xED10]  }
0x412: {  	v21 =	vadd.f32 v23, v21;
	v12 =	vmul.f32 v12, v2;
	v13 =	vmul.f32 v13, v3;
	v44 =	vld [tilespmem:s17+$0xED20]  }
0x413: {  	v11 =	vadd.f32 v22, v11;
	v14 =	vmul.f32 v14, v0;
	v45 =	vld [tilespmem:s17+$0xED30];
	v16 =	vmul.f32 v16, v1  }
0x414: {  	v46 =	vld [tilespmem:s17+$0xEDD0];
	v19 =	vadd.f32 v20, v19;
	v15 =	vmul.f32 v15, v2;
	v17 =	vmul.f32 v17, v3  }
0x415: {  	v49 =	vld [tilespmem:s17+$0xEDE0];
	v12 =	vadd.f32 v13, v12;
	v47 =	vmul.f32 v18, v0;
	v48 =	vmul.f32 v24, v1  }
0x416: {  	v10 =	vmul.f32 v10, v2;
	v50 =	vld [tilespmem:s17+$0xEDF0];
	v19 =	vadd.f32 v19, v21;
	v14 =	vadd.f32 v16, v14  }
0x417: {  	v52 =	vld [tilespmem:s17+$0xEE90];
	v15 =	vadd.f32 v17, v15;
	v51 =	vmul.f32 v25, v3;
	v13 =	vadd.f32 v48, v47  }
0x418: {  	v56 =	vld [tilespmem:s17+$0xEEA0];
	(xrf2) =	vadd.scan.msk.f32 $0xffff, v11;
	v53 =	vadd.f32 v14, v12;
	v54 =	vmul.f32 v44, v0;
	v55 =	vmul.f32 v45, v1  }
0x419: {  	v8 =	vmul.f32 v8, v2;
	v57 =	vld [tilespmem:s17+$0xEEB0];
	(xrf2) =	vadd.scan.msk.f32 $0xffff, v19;
	v13 =	vadd.f32 v13, v15  }
0x41a: {  	v60 =	vld [tilespmem:s17+$0xEF50];
	v59 =	vmul.f32 v46, v3;
	(xrf2) =	vadd.scan.msk.f32 $0xffff, v53;
	v10 =	vadd.f32 v51, v10;
	v58 =	vadd.f32 v55, v54  }
0x41b: {  	v62 =	vld [tilespmem:s17+$0xEF60];
	v61 =	vmul.f32 v49, v0;
	v16 =	vmul.f32 v50, v1;
	(xrf2) =	vadd.scan.msk.f32 $0xffff, v13  }
0x41c: {  	v5 =	vmul.f32 v5, v2;
	v63 =	vld [tilespmem:s17+$0xEF70];
	v10 =	vadd.f32 v58, v10  }
0x41d: {  	v26 =	vld [tilespmem:s17+$0xEFC0];
	v25 =	vmul.f32 v52, v3;
	v8 =	vadd.f32 v59, v8;
	v24 =	vadd.f32 v16, v61  }
0x41e: {  	v27, _, _ =	vpop (xrf2);
	v29 =	vld [tilespmem:s17+$0xEFD0];
	v28 =	vmul.f32 v56, v0;
	v15 =	vmul.f32 v57, v1;
	(xrf2) =	vadd.scan.msk.f32 $0xffff, v10  }
0x41f: {  	v4 =	vmul.f32 v4, v2;
	v31 =	vld [tilespmem:s17+$0xEFE0];
	v30, _, _ =	vpop (xrf2);
	v8 =	vadd.f32 v24, v8  }
0x420: {  	v34 =	vld [tilespmem:s17+$0xEFF0];
	v14 =	vmul.f32 v60, v3;
	v32, _, _ =	vpop (xrf2);
	v5 =	vadd.f32 v25, v5;
	v33 =	vadd.f32 v15, v28  }
0x421: {  	v19 =	vmul.f32 v62, v0;
	v11 =	vmul.f32 v63, v1;
	v35, _, _ =	vpop (xrf2);
	(xrf2) =	vadd.scan.msk.f32 $0xffff, v8  }
0x422: {  	v36, _, _ =	vpop (xrf2);
	v5 =	vadd.f32 v33, v5  }
0x423: {  	v4 =	vadd.f32 v14, v4;
	v11 =	vadd.f32 v11, v19;
	v37, _, _ =	vpop (xrf2)  }
0x424: {  	v39 =	vmul.f32 v26, v2;
	v40 =	vmul.f32 v29, v3;
	(xrf2) =	vadd.scan.msk.f32 $0xffff, v5;
	v38, _, _ =	vpop (xrf2)  }
0x425: {  	v41 =	vmul.f32 v31, v0;
	v42 =	vmul.f32 v34, v1;
	v4 =	vadd.f32 v11, v4;
	v43, _, _ =	vpop (xrf2)  }
0x426: {  	v44 =	vbroadcast v38, $0xF;
	v5 =	vbroadcast v43, $0xF  }
0x427: {  	v2 =	vadd.f32 v40, v39;
	v0 =	vadd.f32 v42, v41;
	v45 =	vbroadcast v37, $0xF;
	(xrf2) =	vadd.scan.msk.f32 $0xffff, v4  }
0x428: {  	v47 =	vbroadcast v36, $0xF;
	v48, _, _ =	vpop (xrf2);
	v46 =	vsel vm0, v44, v5  }
0x429: {  	v0 =	vadd.f32 v0, v2;
	v4 =	vbroadcast v48, $0xF;
	v1 =	vsel vm1, v46, v45  }
0x42a: {  	v49 =	vbroadcast v35, $0xF;
	v1 =	vsel vm2, v1, v47  }
0x42b: {  	v50 =	vbroadcast v32, $0xF;
	(xrf2) =	vadd.scan.msk.f32 $0xffff, v0;
	v51, _, _ =	vpop (xrf2);
	v1 =	vsel vm3, v1, v4  }
0x42c: {  	v53 =	vbroadcast v51, $0xF;
	v52 =	vsel vm4, v1, v49  }
0x42d: {  	v54 =	vbroadcast v30, $0xF;
	v0 =	vsel vm5, v52, v50  }
0x42e: {  	v55 =	vbroadcast v27, $0xF;
	v56, _, _ =	vpop (xrf2);
	v0 =	vsel vm6, v0, v53  }
0x42f: {  	v57 =	vbroadcast v56, $0xF;
	v0 =	vsel vm7, v0, v54  }
0x430: {  	v58 =	vbroadcast v9, $0xF;
	v0 =	vsel vm8, v0, v55  }
0x431: {  	v59 =	vbroadcast v7, $0xF;
	v60, _, _ =	vpop (xrf2);
	v0 =	vsel vm9, v0, v57  }
0x432: {  	s22 =	sadd.s32 $0x1, s22;
	v61 =	vbroadcast v60, $0xF;
	v0 =	vsel vm10, v0, v58  }
0x433: {  	p0 =	sne.s32 s22, $0x20;
	v62 =	vbroadcast v6, $0xF;
	v0 =	vsel vm11, v0, v59  }
.Ltmp6:
0x434: {  	s6 =	sadd.s32 s3, s28;
	v0 =	vsel vm12, v0, v61;
	(pc) =	sbr.rel @p0 .LBB2_2-.Ltmp6, $4  }
0x435: {  	s6 =	smul.u32 $0x1C, s6;
	v63, _, _ =	vpop (xrf2);
	v0 =	vsel vm13, v0, v62  }
0x436: {  	s0 =	sadd.s32 $0x10, s0;
	v0 =	vsel vm14, v0, v63  }
0x437: {  	s31 =	sadd.s32 s8, s6;
	[tilespmem:s0+$0x0] =	vst v0  }
0x438: {  	[hbm4b:s31+s2] =	stream.linear.scatter [tilespmem:s15], [sflag:$0xC], $0xE0, $0x38;
	[tilespmem:$0x12780] =	vst v63  }
0x439: {  	_ =	swait.ge [sflag:s16], $0xE0  }
0x43a: {  	[sflag:s16] =	ssyncset.done $0x0  }
0x43b: {  	s0 =	simm.s32 $0xA;
	[sflag:s16] =	ssyncadd.s32 $0xFFFFFF20  }
0x43c: {  	_ =	swait.ge [sflag:s0], $0xE0  }
0x43d: {  	[sflag:s0] =	ssyncset.done $0x0  }
0x43e: {  	s29 =	simm.s32 $0xB;
	[sflag:s0] =	ssyncadd.s32 $0xFFFFFF20  }
0x43f: {  	_ =	swait.ge [sflag:s29], $0xE0  }
0x440: {  	[sflag:s29] =	ssyncset.done $0x0  }
0x441: {  	[sflag:s29] =	ssyncadd.s32 $0xFFFFFF20  }
0x442: {  	_ =	swait.ge [sflag:s23], $0xE0  }
0x443: {  	s6 =	rddreg [dreg:$0xe]  }
0x444: {  	s31 =	rddreg [dreg:$0xd];
	s6 =	sadd.s32 $0x1, s6  }
0x445: {  	p0 =	sne.s32 s6, s31  }
.Ltmp7:
0x446: {  	_ = 	snop;
	(pc) =	sbr.rel @p0 .LBB2_1-.Ltmp7, $3  }
0x447: {  	_ =	sdelay $0x1  }
0x448: {  	[sflag:s23] =	ssyncset.done $0x0  }
0x449: {  	[sflag:s23] =	ssyncadd.s32 $0xFFFFFF20  }
0x44a: {  	_ =	sfence.sel $0x180000  }
0x44b: {  	[bflag:$0x0] =	sbarrier.arrive $0xFFFF  }
0x44c: {  	_ =	strace $0x90000047  }
0x44d: {  	s0 =	stileid.u32;
	[bflag:$0x2] =	sbarrier.arrive $0xFFFF  }
0x44e: {  	p0 =	sne.s32 s0, $0x0;
	s0 =	rddreg [dreg:$0x2]  }
0x44f: {  	s0 =	sadd.s32 @!p0 $0x100000, s0  }
0x450: {  	[sflag:s0] =	ssyncadd.tile.s32 @!p0 $0x1;
	_ =	shalt  }
.Lfunc_end2:
_tile_overlayer_lowered:
.L_overlay_start_2:
0x451: {  	(tag) =	ssettag $0x2  }
0x452: {  	s0 =	rddreg [dreg:$0x0];
	s2 =	stileid.u32  }
0x453: {  	s1 =	rddreg [dreg:$0x1];
	p0 =	sne.s32 s2, $0x0  }
0x454: {  	s3 =	rddreg [dreg:$0x2];
	[bflag:$0x3] =	sbarrier.arrive $0xFFFF;
	s2 =	simm.s32 @!p0 $0x1C0D  }
0x455: {  	[timem:s3], [sflag:s2] =	dma.local @!p0 [hbm:s0], s1  }
0x456: {  	s0 =	simm.s32 @!p0 $0xD  }
0x457: {  	_ =	swait.ge @!p0 [sflag:s0], s1  }
0x458: {  	s1 =	ssub.s32 @!p0 $0x0, s1;
	[sflag:s0] =	ssyncset.done @!p0 $0x0  }
0x459: {  	[sflag:s0] =	ssyncadd.s32 @!p0 s1  }
0x45a: {  	[bflag:$0x3] =	sbarrier.arrive $0xFFFF  }
0x45b: {  	_ =	shalt  }

</sc_bundles>
